<compile_context>
chip_gen: v7x
topology: tpu7x:2x2x1
jax: 0.10.2.dev20260603
libtpu: 0.0.44.dev20260713+nightly
codegen_flags: <defaults>
</compile_context>

<pallas_src>
import functools

import jax
import jax.numpy as jnp
from jax import lax
from jax.experimental import pallas as pl
from jax.experimental.pallas import tpu as pltpu
from jax.experimental.pallas import tpu_sc as plsc

N_CLS = 1000
N_CTX = 16
CTX_DIM = 512
SEQ_LEN = 77
N_EPISODE = 64
SUF_LEN = SEQ_LEN - 1 - N_CTX
TOK_PAD = 128

_CLS_B = 40


def _whole_body(ctx_ref, pre_ref, suf_ref, out_ref):
    out_ref[0:1] = jnp.transpose(pre_ref[...], (1, 0, 2))
    out_ref[1:1 + N_CTX] = jnp.broadcast_to(
        ctx_ref[...][:, None, :], (N_CTX, _CLS_B, CTX_DIM))
    out_ref[1 + N_CTX:SEQ_LEN] = suf_ref[...]


def _build_whole_t(ctx, prefix3d, suffix_t):
    return pl.pallas_call(
        _whole_body,
        grid=(N_CLS // _CLS_B,),
        in_specs=[
            pl.BlockSpec((N_CTX, CTX_DIM), lambda i: (0, 0)),
            pl.BlockSpec((_CLS_B, 1, CTX_DIM), lambda i: (i, 0, 0)),
            pl.BlockSpec((SUF_LEN, _CLS_B, CTX_DIM), lambda i: (0, i, 0)),
        ],
        out_specs=pl.BlockSpec((SEQ_LEN, _CLS_B, CTX_DIM), lambda i: (0, i, 0)),
        out_shape=jax.ShapeDtypeStruct((SEQ_LEN, N_CLS, CTX_DIM), jnp.float32),
        compiler_params=pltpu.CompilerParams(
            dimension_semantics=("arbitrary",)),
    )(ctx, prefix3d, suffix_t)


_NC = 2
_NS = 16
_NW = _NC * _NS
_SLABS_PER_W = 2


def _gather_body(cls_ref, ctx_ref, prefix3d_ref, suffix_t_ref, tok_pad_ref,
                 ep_t_ref, ep_tok_ref,
                 idx_v, buf_v, buf2_v, ctx_v, ctx_row_v, tok_v, sem, sem2):
    wid = lax.axis_index("s") * _NC + lax.axis_index("c")
    pltpu.sync_copy(cls_ref, idx_v)

    @pl.when(wid < 30)
    def _suf():
        k = wid * _SLABS_PER_W
        cp0 = pltpu.async_copy(suffix_t_ref.at[k].at[idx_v], buf_v, sem)
        cp1 = pltpu.async_copy(suffix_t_ref.at[k + 1].at[idx_v], buf2_v, sem2)
        cp0.wait()
        pltpu.sync_copy(buf_v, ep_t_ref.at[1 + N_CTX + k])
        cp1.wait()
        pltpu.sync_copy(buf2_v, ep_t_ref.at[2 + N_CTX + k])

    @pl.when(wid == 30)
    def _pre():
        cps = []
        for g in range(N_EPISODE // 16):
            ids_vec = idx_v[pl.ds(16 * g, 16)]
            for j in range(16):
                e = 16 * g + j
                cps.append(pltpu.async_copy(
                    prefix3d_ref.at[ids_vec[j]], buf_v.at[pl.ds(e, 1)], sem))
        for c in cps:
            c.wait()
        pltpu.sync_copy(buf_v, ep_t_ref.at[0])

    @pl.when(wid == 31)
    def _tok():
        cp = pltpu.async_copy(tok_pad_ref.at[idx_v], tok_v, sem)
        cp.wait()
        pltpu.sync_copy(tok_v, ep_tok_ref)

    @pl.when(wid < N_CTX)
    def _ctx():
        pltpu.sync_copy(ctx_ref.at[wid], ctx_row_v)
        regs = [ctx_row_v[pl.ds(16 * i, 16)] for i in range(CTX_DIM // 16)]

        def _fill(j, carry):
            for i in range(CTX_DIM // 16):
                ctx_v[j, pl.ds(16 * i, 16)] = regs[i]
            return carry

        lax.fori_loop(0, N_EPISODE, _fill, 0)
        pltpu.sync_copy(ctx_v, ep_t_ref.at[1 + wid])


def _gather_call(class_ids, ctx, prefix3d, suffix_t, tok_pad):
    mesh = plsc.VectorSubcoreMesh(core_axis_name="c", subcore_axis_name="s")
    f = functools.partial(
        pl.kernel,
        mesh=mesh,
        out_type=[
            jax.ShapeDtypeStruct((SEQ_LEN, N_EPISODE, CTX_DIM), jnp.float32),
            jax.ShapeDtypeStruct((N_EPISODE, TOK_PAD), jnp.int32),
        ],
        scratch_types=[
            pltpu.VMEM((N_EPISODE,), jnp.int32),
            pltpu.VMEM((N_EPISODE, CTX_DIM), jnp.float32),
            pltpu.VMEM((N_EPISODE, CTX_DIM), jnp.float32),
            pltpu.VMEM((N_EPISODE, CTX_DIM), jnp.float32),
            pltpu.VMEM((CTX_DIM,), jnp.float32),
            pltpu.VMEM((N_EPISODE, TOK_PAD), jnp.int32),
            pltpu.SemaphoreType.DMA,
            pltpu.SemaphoreType.DMA,
        ],
    )(_gather_body)
    return f(class_ids, ctx, prefix3d, suffix_t, tok_pad)


def kernel(ctx, token_prefix, token_suffix, tokenized_prompts, class_ids):
    class_ids = class_ids.astype(jnp.int32)
    suffix_t = jnp.transpose(token_suffix, (1, 0, 2))
    tok_pad = jnp.pad(tokenized_prompts.astype(jnp.int32),
                      ((0, 0), (0, TOK_PAD - SEQ_LEN)))

    whole_t = _build_whole_t(ctx, token_prefix, suffix_t)
    ep_t, ep_tok_pad = _gather_call(class_ids, ctx, token_prefix, suffix_t,
                                    tok_pad)

    whole = jnp.transpose(whole_t, (1, 0, 2))
    episode_prompts = jnp.transpose(ep_t, (1, 0, 2))
    episode_tokenized = ep_tok_pad[:, :SEQ_LEN].astype(tokenized_prompts.dtype)
    return (episode_prompts, episode_tokenized, whole, tokenized_prompts)

# --- scband reference (transcript-rebuilt; emitter-appended) ---
"""Pipeline reference for scband-prompt-learner-3968549781890 (READ-ONLY COPY).

The authoritative reference and input builder live on the scoring server;
editing this copy changes nothing except your own understanding.
"""

import jax, jax.numpy as jnp
import numpy as np

N_CLS = 1000
N_CTX = 16
CTX_DIM = 512
SEQ_LEN = 77
N_EPISODE = 64
VOCAB = 49408


def setup_inputs(seed: int = 0) -> dict:
    key = jax.random.key(seed)
    k1, k2, k3, k4, k5 = jax.random.split(key, 5)
    # learned generic context vectors (nn.Parameter, init std=0.02)
    ctx = jax.random.normal(k1, (N_CTX, CTX_DIM), dtype=jnp.float32) * 0.02
    # frozen CLIP token-embedding slices (registered buffers)
    token_prefix = jax.random.normal(k2, (N_CLS, 1, CTX_DIM), dtype=jnp.float32)
    token_suffix = jax.random.normal(k3, (N_CLS, SEQ_LEN - 1 - N_CTX, CTX_DIM), dtype=jnp.float32)
    tokenized_prompts = jax.random.randint(k4, (N_CLS, SEQ_LEN), 0, VOCAB, dtype=jnp.int64 if jax.config.jax_enable_x64 else jnp.int32)
    # text_ids dict of the torch forward modeled as the sorted list of class indices
    class_ids = jax.random.randint(k5, (N_EPISODE,), 0, N_CLS, dtype=jnp.int64 if jax.config.jax_enable_x64 else jnp.int32)
    return {
        "ctx": ctx,
        "token_prefix": token_prefix,
        "token_suffix": token_suffix,
        "tokenized_prompts": tokenized_prompts,
        "class_ids": class_ids,
    }


def reference(ctx, token_prefix, token_suffix, tokenized_prompts, class_ids):
    n_cls = token_prefix.shape[0]
    # ctx.dim() == 2 -> unsqueeze(0).expand(n_cls, -1, -1)
    ctx_e = jnp.broadcast_to(ctx[None, :, :], (n_cls, ctx.shape[0], ctx.shape[1]))
    # class_token_position == 'end': whole_prompts = cat([prefix, ctx, suffix], dim=1)
    whole_prompts = jnp.concatenate([token_prefix, ctx_e, token_suffix], axis=1)
    # episode_tokenized_prompts = cat([tokenized_prompts[i].view(1,-1) for i in class_ids])
    episode_tokenized_prompts = jnp.take(tokenized_prompts, class_ids, axis=0)
    # per-class loop: cat([prefix_i, ctx_i, class_i, suffix_i], dim=1) where
    # class_i = suffix[i, :name_len] and suffix_i = suffix[i, name_len:];
    # their concatenation reconstructs suffix[i] exactly, so the episode prompt
    # for class i equals whole_prompts[i] -> a row gather over class ids.
    episode_prompts = jnp.take(whole_prompts, class_ids, axis=0)
    return (episode_prompts, episode_tokenized_prompts, whole_prompts, tokenized_prompts)


if False:  # reference __main__ guard neutralized (emitter)
    out = reference(**setup_inputs())
    print([getattr(o, "shape", None) for o in out])

if __name__ == "__main__":
    import jax
    _d = setup_inputs()
    print(jax.jit(kernel)(*tuple(_d.values())))

</pallas_src>

<mosaic_0001>
#map = affine_map<(d0, d1) -> (0)>
#map1 = affine_map<(d0, d1) -> (0, 0)>
#map2 = affine_map<(d0, d1) -> (0, 0, 0)>
module attributes {stable_mosaic.version = 14 : i64} {
  func.func @_gather_body(%arg0: i32, %arg1: i32, %arg2: memref<64xi32, #tpu.memory_space<hbm>>, %arg3: memref<16x512xf32, #tpu.memory_space<hbm>>, %arg4: memref<1000x1x512xf32, #tpu.memory_space<hbm>>, %arg5: memref<60x1000x512xf32, #tpu.memory_space<hbm>>, %arg6: memref<1000x128xi32, #tpu.memory_space<hbm>>, %arg7: memref<77x64x512xf32, #tpu.memory_space<hbm>>, %arg8: memref<64x128xi32, #tpu.memory_space<hbm>>, %arg9: memref<64xi32, #tpu.memory_space<vmem>>, %arg10: memref<64x512xf32, #tpu.memory_space<vmem>>, %arg11: memref<64x512xf32, #tpu.memory_space<vmem>>, %arg12: memref<64x512xf32, #tpu.memory_space<vmem>>, %arg13: memref<512xf32, #tpu.memory_space<vmem>>, %arg14: memref<64x128xi32, #tpu.memory_space<vmem>>, %arg15: memref<!tpu.dma_semaphore, #tpu.memory_space<semaphore_mem>>, %arg16: memref<!tpu.dma_semaphore, #tpu.memory_space<semaphore_mem>>) attributes {dimension_semantics = [#tpu.dimension_semantics<core_parallel>, #tpu.dimension_semantics<subcore_parallel>], iteration_bounds = array<i64: 2, 16>, scalar_prefetch = 0 : i64, scratch_operands = 8 : i64, tpu.core_type = #tpu.core_type<sc_vector_subcore>, window_params = [{transform_indices = #map}, {transform_indices = #map1}, {transform_indices = #map2}, {transform_indices = #map2}, {transform_indices = #map1}, {transform_indices = #map2}, {transform_indices = #map1}]} {
    %mul3A = arith.constant 2 : i32
    %mul3A_0 = arith.muli %arg1, %mul3A : i32
    %add3A = arith.addi %mul3A_0, %arg0 : i32
    "tpu.region"() ({
      %run_scoped3A = tpu.sem_alloc : memref<!tpu.dma_semaphore, #tpu.memory_space<semaphore_mem>>
      tpu.enqueue_dma source(%arg2 : memref<64xi32, #tpu.memory_space<hbm>>) target(%arg9 : memref<64xi32, #tpu.memory_space<vmem>>) target_semaphore(%run_scoped3A : memref<!tpu.dma_semaphore, #tpu.memory_space<semaphore_mem>>)
      tpu.wait_dma2 semaphore(%run_scoped3A : memref<!tpu.dma_semaphore, #tpu.memory_space<semaphore_mem>>) src(%arg2 : memref<64xi32, #tpu.memory_space<hbm>>) dst(%arg9 : memref<64xi32, #tpu.memory_space<vmem>>)
      tpu.yield
    }) : () -> ()
    %lt3A = arith.constant 30 : i32
    %lt3A_1 = arith.cmpi slt, %add3A, %lt3A : i32
    %convert_element_type3A = arith.extui %lt3A_1 : i1 to i32
    %cond3A = arith.constant 0 : i32
    %cond3A_2 = arith.cmpi ne, %convert_element_type3A, %cond3A : i32
    scf.if %cond3A_2 {
      %mul3A_17 = arith.constant 2 : i32
      %mul3A_18 = arith.muli %add3A, %mul3A_17 : i32
      %dma_start3A = arith.constant 0 : i32
      %dma_start3A_19 = arith.constant 0 : i32
      %dma_start3A_20 = tpu.memref_slice %arg5[%mul3A_18, %dma_start3A, %dma_start3A_19] : memref<60x1000x512xf32, #tpu.memory_space<hbm>> -> memref<1x1000x512xf32, #tpu.memory_space<hbm>>
      %dma_start3A_21 = tpu.memref_squeeze %dma_start3A_20 : memref<1x1000x512xf32, #tpu.memory_space<hbm>> -> memref<1000x512xf32, #tpu.memory_space<hbm>>
      %dma_start3A_22 = arith.constant 0 : i32
      %dma_start3A_23 = arith.constant 0 : i32
      %dma_start3A_24 = tpu.memref_slice %dma_start3A_21[%dma_start3A_22, %dma_start3A_23] : memref<1000x512xf32, #tpu.memory_space<hbm>> -> memref<1000x512xf32, #tpu.memory_space<hbm>>
      tpu.enqueue_indirect_dma source(%dma_start3A_24 : memref<1000x512xf32, #tpu.memory_space<hbm>>) target(%arg10 : memref<64x512xf32, #tpu.memory_space<vmem>>) offsets(%arg9 : memref<64xi32, #tpu.memory_space<vmem>>) semaphore(%arg15 : memref<!tpu.dma_semaphore, #tpu.memory_space<semaphore_mem>>)
      %add3A_25 = arith.constant 1 : i32
      %add3A_26 = arith.addi %mul3A_18, %add3A_25 : i32
      %dma_start3A_27 = arith.constant 0 : i32
      %dma_start3A_28 = arith.constant 0 : i32
      %dma_start3A_29 = tpu.memref_slice %arg5[%add3A_26, %dma_start3A_27, %dma_start3A_28] : memref<60x1000x512xf32, #tpu.memory_space<hbm>> -> memref<1x1000x512xf32, #tpu.memory_space<hbm>>
      %dma_start3A_30 = tpu.memref_squeeze %dma_start3A_29 : memref<1x1000x512xf32, #tpu.memory_space<hbm>> -> memref<1000x512xf32, #tpu.memory_space<hbm>>
      %dma_start3A_31 = arith.constant 0 : i32
      %dma_start3A_32 = arith.constant 0 : i32
      %dma_start3A_33 = tpu.memref_slice %dma_start3A_30[%dma_start3A_31, %dma_start3A_32] : memref<1000x512xf32, #tpu.memory_space<hbm>> -> memref<1000x512xf32, #tpu.memory_space<hbm>>
      tpu.enqueue_indirect_dma source(%dma_start3A_33 : memref<1000x512xf32, #tpu.memory_space<hbm>>) target(%arg11 : memref<64x512xf32, #tpu.memory_space<vmem>>) offsets(%arg9 : memref<64xi32, #tpu.memory_space<vmem>>) semaphore(%arg16 : memref<!tpu.dma_semaphore, #tpu.memory_space<semaphore_mem>>)
      %dma_wait3A = arith.constant 0 : i32
      %dma_wait3A_34 = arith.constant 0 : i32
      %dma_wait3A_35 = tpu.memref_slice %arg5[%mul3A_18, %dma_wait3A, %dma_wait3A_34] : memref<60x1000x512xf32, #tpu.memory_space<hbm>> -> memref<1x1000x512xf32, #tpu.memory_space<hbm>>
      %dma_wait3A_36 = tpu.memref_squeeze %dma_wait3A_35 : memref<1x1000x512xf32, #tpu.memory_space<hbm>> -> memref<1000x512xf32, #tpu.memory_space<hbm>>
      %dma_wait3A_37 = arith.constant 0 : i32
      %dma_wait3A_38 = arith.constant 0 : i32
      %dma_wait3A_39 = tpu.memref_slice %dma_wait3A_36[%dma_wait3A_37, %dma_wait3A_38] : memref<1000x512xf32, #tpu.memory_space<hbm>> -> memref<1000x512xf32, #tpu.memory_space<hbm>>
      tpu.wait_indirect_dma semaphore(%arg15 : memref<!tpu.dma_semaphore, #tpu.memory_space<semaphore_mem>>) src(%dma_wait3A_39 : memref<1000x512xf32, #tpu.memory_space<hbm>>) dst(%arg10 : memref<64x512xf32, #tpu.memory_space<vmem>>)
      %add3A_40 = arith.constant 17 : i32
      %add3A_41 = arith.addi %add3A_40, %mul3A_18 : i32
      "tpu.region"() ({
        %run_scoped3A = tpu.sem_alloc : memref<!tpu.dma_semaphore, #tpu.memory_space<semaphore_mem>>
        %dma_start3A_51 = arith.constant 0 : i32
        %dma_start3A_52 = arith.constant 0 : i32
        %dma_start3A_53 = tpu.memref_slice %arg7[%add3A_41, %dma_start3A_51, %dma_start3A_52] : memref<77x64x512xf32, #tpu.memory_space<hbm>> -> memref<1x64x512xf32, #tpu.memory_space<hbm>>
        %dma_start3A_54 = tpu.memref_squeeze %dma_start3A_53 : memref<1x64x512xf32, #tpu.memory_space<hbm>> -> memref<64x512xf32, #tpu.memory_space<hbm>>
        %dma_start3A_55 = arith.constant 0 : i32
        %dma_start3A_56 = arith.constant 0 : i32
        %dma_start3A_57 = tpu.memref_slice %arg7[%add3A_41, %dma_start3A_55, %dma_start3A_56] : memref<77x64x512xf32, #tpu.memory_space<hbm>> -> memref<1x64x512xf32, #tpu.memory_space<hbm>>
        %dma_start3A_58 = tpu.memref_squeeze %dma_start3A_57 : memref<1x64x512xf32, #tpu.memory_space<hbm>> -> memref<64x512xf32, #tpu.memory_space<hbm>>
        tpu.enqueue_dma source(%arg10 : memref<64x512xf32, #tpu.memory_space<vmem>>) target(%dma_start3A_58 : memref<64x512xf32, #tpu.memory_space<hbm>>) target_semaphore(%run_scoped3A : memref<!tpu.dma_semaphore, #tpu.memory_space<semaphore_mem>>)
        %dma_wait3A_59 = arith.constant 0 : i32
        %dma_wait3A_60 = arith.constant 0 : i32
        %dma_wait3A_61 = tpu.memref_slice %arg7[%add3A_41, %dma_wait3A_59, %dma_wait3A_60] : memref<77x64x512xf32, #tpu.memory_space<hbm>> -> memref<1x64x512xf32, #tpu.memory_space<hbm>>
        %dma_wait3A_62 = tpu.memref_squeeze %dma_wait3A_61 : memref<1x64x512xf32, #tpu.memory_space<hbm>> -> memref<64x512xf32, #tpu.memory_space<hbm>>
        %dma_wait3A_63 = arith.constant 0 : i32
        %dma_wait3A_64 = arith.constant 0 : i32
        %dma_wait3A_65 = tpu.memref_slice %arg7[%add3A_41, %dma_wait3A_63, %dma_wait3A_64] : memref<77x64x512xf32, #tpu.memory_space<hbm>> -> memref<1x64x512xf32, #tpu.memory_space<hbm>>
        %dma_wait3A_66 = tpu.memref_squeeze %dma_wait3A_65 : memref<1x64x512xf32, #tpu.memory_space<hbm>> -> memref<64x512xf32, #tpu.memory_space<hbm>>
        tpu.wait_dma2 semaphore(%run_scoped3A : memref<!tpu.dma_semaphore, #tpu.memory_space<semaphore_mem>>) src(%arg10 : memref<64x512xf32, #tpu.memory_space<vmem>>) dst(%dma_wait3A_66 : memref<64x512xf32, #tpu.memory_space<hbm>>)
        tpu.yield
      }) : () -> ()
      %dma_wait3A_42 = arith.constant 0 : i32
      %dma_wait3A_43 = arith.constant 0 : i32
      %dma_wait3A_44 = tpu.memref_slice %arg5[%add3A_26, %dma_wait3A_42, %dma_wait3A_43] : memref<60x1000x512xf32, #tpu.memory_space<hbm>> -> memref<1x1000x512xf32, #tpu.memory_space<hbm>>
      %dma_wait3A_45 = tpu.memref_squeeze %dma_wait3A_44 : memref<1x1000x512xf32, #tpu.memory_space<hbm>> -> memref<1000x512xf32, #tpu.memory_space<hbm>>
      %dma_wait3A_46 = arith.constant 0 : i32
      %dma_wait3A_47 = arith.constant 0 : i32
      %dma_wait3A_48 = tpu.memref_slice %dma_wait3A_45[%dma_wait3A_46, %dma_wait3A_47] : memref<1000x512xf32, #tpu.memory_space<hbm>> -> memref<1000x512xf32, #tpu.memory_space<hbm>>
      tpu.wait_indirect_dma semaphore(%arg16 : memref<!tpu.dma_semaphore, #tpu.memory_space<semaphore_mem>>) src(%dma_wait3A_48 : memref<1000x512xf32, #tpu.memory_space<hbm>>) dst(%arg11 : memref<64x512xf32, #tpu.memory_space<vmem>>)
      %add3A_49 = arith.constant 18 : i32
      %add3A_50 = arith.addi %add3A_49, %mul3A_18 : i32
      "tpu.region"() ({
        %run_scoped3A = tpu.sem_alloc : memref<!tpu.dma_semaphore, #tpu.memory_space<semaphore_mem>>
        %dma_start3A_51 = arith.constant 0 : i32
        %dma_start3A_52 = arith.constant 0 : i32
        %dma_start3A_53 = tpu.memref_slice %arg7[%add3A_50, %dma_start3A_51, %dma_start3A_52] : memref<77x64x512xf32, #tpu.memory_space<hbm>> -> memref<1x64x512xf32, #tpu.memory_space<hbm>>
        %dma_start3A_54 = tpu.memref_squeeze %dma_start3A_53 : memref<1x64x512xf32, #tpu.memory_space<hbm>> -> memref<64x512xf32, #tpu.memory_space<hbm>>
        %dma_start3A_55 = arith.constant 0 : i32
        %dma_start3A_56 = arith.constant 0 : i32
        %dma_start3A_57 = tpu.memref_slice %arg7[%add3A_50, %dma_start3A_55, %dma_start3A_56] : memref<77x64x512xf32, #tpu.memory_space<hbm>> -> memref<1x64x512xf32, #tpu.memory_space<hbm>>
        %dma_start3A_58 = tpu.memref_squeeze %dma_start3A_57 : memref<1x64x512xf32, #tpu.memory_space<hbm>> -> memref<64x512xf32, #tpu.memory_space<hbm>>
        tpu.enqueue_dma source(%arg11 : memref<64x512xf32, #tpu.memory_space<vmem>>) target(%dma_start3A_58 : memref<64x512xf32, #tpu.memory_space<hbm>>) target_semaphore(%run_scoped3A : memref<!tpu.dma_semaphore, #tpu.memory_space<semaphore_mem>>)
        %dma_wait3A_59 = arith.constant 0 : i32
        %dma_wait3A_60 = arith.constant 0 : i32
        %dma_wait3A_61 = tpu.memref_slice %arg7[%add3A_50, %dma_wait3A_59, %dma_wait3A_60] : memref<77x64x512xf32, #tpu.memory_space<hbm>> -> memref<1x64x512xf32, #tpu.memory_space<hbm>>
        %dma_wait3A_62 = tpu.memref_squeeze %dma_wait3A_61 : memref<1x64x512xf32, #tpu.memory_space<hbm>> -> memref<64x512xf32, #tpu.memory_space<hbm>>
        %dma_wait3A_63 = arith.constant 0 : i32
        %dma_wait3A_64 = arith.constant 0 : i32
        %dma_wait3A_65 = tpu.memref_slice %arg7[%add3A_50, %dma_wait3A_63, %dma_wait3A_64] : memref<77x64x512xf32, #tpu.memory_space<hbm>> -> memref<1x64x512xf32, #tpu.memory_space<hbm>>
        %dma_wait3A_66 = tpu.memref_squeeze %dma_wait3A_65 : memref<1x64x512xf32, #tpu.memory_space<hbm>> -> memref<64x512xf32, #tpu.memory_space<hbm>>
        tpu.wait_dma2 semaphore(%run_scoped3A : memref<!tpu.dma_semaphore, #tpu.memory_space<semaphore_mem>>) src(%arg11 : memref<64x512xf32, #tpu.memory_space<vmem>>) dst(%dma_wait3A_66 : memref<64x512xf32, #tpu.memory_space<hbm>>)
        tpu.yield
      }) : () -> ()
    } else {
    }
    %eq3A = arith.constant 30 : i32
    %eq3A_3 = arith.cmpi eq, %add3A, %eq3A : i32
    %convert_element_type3A_4 = arith.extui %eq3A_3 : i1 to i32
    %cond3A_5 = arith.constant 0 : i32
    %cond3A_6 = arith.cmpi ne, %convert_element_type3A_4, %cond3A_5 : i32
    scf.if %cond3A_6 {
      %get3A = arith.constant 0 : index
      %get3A_17 = tpu.vector_load %arg9[%get3A] {strides = array<i32>} : memref<64xi32, #tpu.memory_space<vmem>>, vector<16xi32>,
      %get3A_18 = vector.shape_cast %get3A_17 : vector<16xi32> to vector<16xi32>
      %slice3A = vector.extract_strided_slice %get3A_18 {offsets = [0], sizes = [1], strides = [1]} : vector<16xi32> to vector<1xi32>
      %squeeze3A = vector.extract %slice3A[0] : i32 from vector<1xi32>
      %dma_start3A = arith.constant 0 : i32
      %dma_start3A_19 = arith.constant 0 : i32
      %dma_start3A_20 = tpu.memref_slice %arg10[%dma_start3A, %dma_start3A_19] : memref<64x512xf32, #tpu.memory_space<vmem>> -> memref<1x512xf32, #tpu.memory_space<vmem>>
      %dma_start3A_21 = arith.constant 0 : i32
      %dma_start3A_22 = arith.constant 0 : i32
      %dma_start3A_23 = tpu.memref_slice %arg4[%squeeze3A, %dma_start3A_21, %dma_start3A_22] : memref<1000x1x512xf32, #tpu.memory_space<hbm>> -> memref<1x1x512xf32, #tpu.memory_space<hbm>>
      %dma_start3A_24 = tpu.memref_squeeze %dma_start3A_23 : memref<1x1x512xf32, #tpu.memory_space<hbm>> -> memref<1x512xf32, #tpu.memory_space<hbm>>
      %dma_start3A_25 = arith.constant 0 : i32
      %dma_start3A_26 = arith.constant 0 : i32
      %dma_start3A_27 = tpu.memref_slice %arg10[%dma_start3A_25, %dma_start3A_26] : memref<64x512xf32, #tpu.memory_space<vmem>> -> memref<1x512xf32, #tpu.memory_space<vmem>>
      %dma_start3A_28 = arith.constant 0 : i32
      %dma_start3A_29 = arith.constant 0 : i32
      %dma_start3A_30 = tpu.memref_slice %arg4[%squeeze3A, %dma_start3A_28, %dma_start3A_29] : memref<1000x1x512xf32, #tpu.memory_space<hbm>> -> memref<1x1x512xf32, #tpu.memory_space<hbm>>
      %dma_start3A_31 = tpu.memref_squeeze %dma_start3A_30 : memref<1x1x512xf32, #tpu.memory_space<hbm>> -> memref<1x512xf32, #tpu.memory_space<hbm>>
      tpu.enqueue_dma source(%dma_start3A_31 : memref<1x512xf32, #tpu.memory_space<hbm>>) target(%dma_start3A_27 : memref<1x512xf32, #tpu.memory_space<vmem>>) target_semaphore(%arg15 : memref<!tpu.dma_semaphore, #tpu.memory_space<semaphore_mem>>)
      %slice3A_32 = vector.extract_strided_slice %get3A_18 {offsets = [1], sizes = [1], strides = [1]} : vector<16xi32> to vector<1xi32>
      %squeeze3A_33 = vector.extract %slice3A_32[0] : i32 from vector<1xi32>
      %dma_start3A_34 = arith.constant 1 : i32
      %dma_start3A_35 = arith.constant 0 : i32
      %dma_start3A_36 = tpu.memref_slice %arg10[%dma_start3A_34, %dma_start3A_35] : memref<64x512xf32, #tpu.memory_space<vmem>> -> memref<1x512xf32, #tpu.memory_space<vmem>>
      %dma_start3A_37 = arith.constant 0 : i32
      %dma_start3A_38 = arith.constant 0 : i32
      %dma_start3A_39 = tpu.memref_slice %arg4[%squeeze3A_33, %dma_start3A_37, %dma_start3A_38] : memref<1000x1x512xf32, #tpu.memory_space<hbm>> -> memref<1x1x512xf32, #tpu.memory_space<hbm>>
      %dma_start3A_40 = tpu.memref_squeeze %dma_start3A_39 : memref<1x1x512xf32, #tpu.memory_space<hbm>> -> memref<1x512xf32, #tpu.memory_space<hbm>>
      %dma_start3A_41 = arith.constant 1 : i32
      %dma_start3A_42 = arith.constant 0 : i32
      %dma_start3A_43 = tpu.memref_slice %arg10[%dma_start3A_41, %dma_start3A_42] : memref<64x512xf32, #tpu.memory_space<vmem>> -> memref<1x512xf32, #tpu.memory_space<vmem>>
      %dma_start3A_44 = arith.constant 0 : i32
      %dma_start3A_45 = arith.constant 0 : i32
      %dma_start3A_46 = tpu.memref_slice %arg4[%squeeze3A_33, %dma_start3A_44, %dma_start3A_45] : memref<1000x1x512xf32, #tpu.memory_space<hbm>> -> memref<1x1x512xf32, #tpu.memory_space<hbm>>
      %dma_start3A_47 = tpu.memref_squeeze %dma_start3A_46 : memref<1x1x512xf32, #tpu.memory_space<hbm>> -> memref<1x512xf32, #tpu.memory_space<hbm>>
      tpu.enqueue_dma source(%dma_start3A_47 : memref<1x512xf32, #tpu.memory_space<hbm>>) target(%dma_start3A_43 : memref<1x512xf32, #tpu.memory_space<vmem>>) target_semaphore(%arg15 : memref<!tpu.dma_semaphore, #tpu.memory_space<semaphore_mem>>)
      %slice3A_48 = vector.extract_strided_slice %get3A_18 {offsets = [2], sizes = [1], strides = [1]} : vector<16xi32> to vector<1xi32>
      %squeeze3A_49 = vector.extract %slice3A_48[0] : i32 from vector<1xi32>
      %dma_start3A_50 = arith.constant 2 : i32
      %dma_start3A_51 = arith.constant 0 : i32
      %dma_start3A_52 = tpu.memref_slice %arg10[%dma_start3A_50, %dma_start3A_51] : memref<64x512xf32, #tpu.memory_space<vmem>> -> memref<1x512xf32, #tpu.memory_space<vmem>>
      %dma_start3A_53 = arith.constant 0 : i32
      %dma_start3A_54 = arith.constant 0 : i32
      %dma_start3A_55 = tpu.memref_slice %arg4[%squeeze3A_49, %dma_start3A_53, %dma_start3A_54] : memref<1000x1x512xf32, #tpu.memory_space<hbm>> -> memref<1x1x512xf32, #tpu.memory_space<hbm>>
      %dma_start3A_56 = tpu.memref_squeeze %dma_start3A_55 : memref<1x1x512xf32, #tpu.memory_space<hbm>> -> memref<1x512xf32, #tpu.memory_space<hbm>>
      %dma_start3A_57 = arith.constant 2 : i32
      %dma_start3A_58 = arith.constant 0 : i32
      %dma_start3A_59 = tpu.memref_slice %arg10[%dma_start3A_57, %dma_start3A_58] : memref<64x512xf32, #tpu.memory_space<vmem>> -> memref<1x512xf32, #tpu.memory_space<vmem>>
      %dma_start3A_60 = arith.constant 0 : i32
      %dma_start3A_61 = arith.constant 0 : i32
      %dma_start3A_62 = tpu.memref_slice %arg4[%squeeze3A_49, %dma_start3A_60, %dma_start3A_61] : memref<1000x1x512xf32, #tpu.memory_space<hbm>> -> memref<1x1x512xf32, #tpu.memory_space<hbm>>
      %dma_start3A_63 = tpu.memref_squeeze %dma_start3A_62 : memref<1x1x512xf32, #tpu.memory_space<hbm>> -> memref<1x512xf32, #tpu.memory_space<hbm>>
      tpu.enqueue_dma source(%dma_start3A_63 : memref<1x512xf32, #tpu.memory_space<hbm>>) target(%dma_start3A_59 : memref<1x512xf32, #tpu.memory_space<vmem>>) target_semaphore(%arg15 : memref<!tpu.dma_semaphore, #tpu.memory_space<semaphore_mem>>)
      %slice3A_64 = vector.extract_strided_slice %get3A_18 {offsets = [3], sizes = [1], strides = [1]} : vector<16xi32> to vector<1xi32>
      %squeeze3A_65 = vector.extract %slice3A_64[0] : i32 from vector<1xi32>
      %dma_start3A_66 = arith.constant 3 : i32
      %dma_start3A_67 = arith.constant 0 : i32
      %dma_start3A_68 = tpu.memref_slice %arg10[%dma_start3A_66, %dma_start3A_67] : memref<64x512xf32, #tpu.memory_space<vmem>> -> memref<1x512xf32, #tpu.memory_space<vmem>>
      %dma_start3A_69 = arith.constant 0 : i32
      %dma_start3A_70 = arith.constant 0 : i32
      %dma_start3A_71 = tpu.memref_slice %arg4[%squeeze3A_65, %dma_start3A_69, %dma_start3A_70] : memref<1000x1x512xf32, #tpu.memory_space<hbm>> -> memref<1x1x512xf32, #tpu.memory_space<hbm>>
      %dma_start3A_72 = tpu.memref_squeeze %dma_start3A_71 : memref<1x1x512xf32, #tpu.memory_space<hbm>> -> memref<1x512xf32, #tpu.memory_space<hbm>>
      %dma_start3A_73 = arith.constant 3 : i32
      %dma_start3A_74 = arith.constant 0 : i32
      %dma_start3A_75 = tpu.memref_slice %arg10[%dma_start3A_73, %dma_start3A_74] : memref<64x512xf32, #tpu.memory_space<vmem>> -> memref<1x512xf32, #tpu.memory_space<vmem>>
      %dma_start3A_76 = arith.constant 0 : i32
      %dma_start3A_77 = arith.constant 0 : i32
      %dma_start3A_78 = tpu.memref_slice %arg4[%squeeze3A_65, %dma_start3A_76, %dma_start3A_77] : memref<1000x1x512xf32, #tpu.memory_space<hbm>> -> memref<1x1x512xf32, #tpu.memory_space<hbm>>
      %dma_start3A_79 = tpu.memref_squeeze %dma_start3A_78 : memref<1x1x512xf32, #tpu.memory_space<hbm>> -> memref<1x512xf32, #tpu.memory_space<hbm>>
      tpu.enqueue_dma source(%dma_start3A_79 : memref<1x512xf32, #tpu.memory_space<hbm>>) target(%dma_start3A_75 : memref<1x512xf32, #tpu.memory_space<vmem>>) target_semaphore(%arg15 : memref<!tpu.dma_semaphore, #tpu.memory_space<semaphore_mem>>)
      %slice3A_80 = vector.extract_strided_slice %get3A_18 {offsets = [4], sizes = [1], strides = [1]} : vector<16xi32> to vector<1xi32>
      %squeeze3A_81 = vector.extract %slice3A_80[0] : i32 from vector<1xi32>
      %dma_start3A_82 = arith.constant 4 : i32
      %dma_start3A_83 = arith.constant 0 : i32
      %dma_start3A_84 = tpu.memref_slice %arg10[%dma_start3A_82, %dma_start3A_83] : memref<64x512xf32, #tpu.memory_space<vmem>> -> memref<1x512xf32, #tpu.memory_space<vmem>>
      %dma_start3A_85 = arith.constant 0 : i32
      %dma_start3A_86 = arith.constant 0 : i32
      %dma_start3A_87 = tpu.memref_slice %arg4[%squeeze3A_81, %dma_start3A_85, %dma_start3A_86] : memref<1000x1x512xf32, #tpu.memory_space<hbm>> -> memref<1x1x512xf32, #tpu.memory_space<hbm>>
      %dma_start3A_88 = tpu.memref_squeeze %dma_start3A_87 : memref<1x1x512xf32, #tpu.memory_space<hbm>> -> memref<1x512xf32, #tpu.memory_space<hbm>>
      %dma_start3A_89 = arith.constant 4 : i32
      %dma_start3A_90 = arith.constant 0 : i32
      %dma_start3A_91 = tpu.memref_slice %arg10[%dma_start3A_89, %dma_start3A_90] : memref<64x512xf32, #tpu.memory_space<vmem>> -> memref<1x512xf32, #tpu.memory_space<vmem>>
      %dma_start3A_92 = arith.constant 0 : i32
      %dma_start3A_93 = arith.constant 0 : i32
      %dma_start3A_94 = tpu.memref_slice %arg4[%squeeze3A_81, %dma_start3A_92, %dma_start3A_93] : memref<1000x1x512xf32, #tpu.memory_space<hbm>> -> memref<1x1x512xf32, #tpu.memory_space<hbm>>
      %dma_start3A_95 = tpu.memref_squeeze %dma_start3A_94 : memref<1x1x512xf32, #tpu.memory_space<hbm>> -> memref<1x512xf32, #tpu.memory_space<hbm>>
      tpu.enqueue_dma source(%dma_start3A_95 : memref<1x512xf32, #tpu.memory_space<hbm>>) target(%dma_start3A_91 : memref<1x512xf32, #tpu.memory_space<vmem>>) target_semaphore(%arg15 : memref<!tpu.dma_semaphore, #tpu.memory_space<semaphore_mem>>)
      %slice3A_96 = vector.extract_strided_slice %get3A_18 {offsets = [5], sizes = [1], strides = [1]} : vector<16xi32> to vector<1xi32>
      %squeeze3A_97 = vector.extract %slice3A_96[0] : i32 from vector<1xi32>
      %dma_start3A_98 = arith.constant 5 : i32
      %dma_start3A_99 = arith.constant 0 : i32
      %dma_start3A_100 = tpu.memref_slice %arg10[%dma_start3A_98, %dma_start3A_99] : memref<64x512xf32, #tpu.memory_space<vmem>> -> memref<1x512xf32, #tpu.memory_space<vmem>>
      %dma_start3A_101 = arith.constant 0 : i32
      %dma_start3A_102 = arith.constant 0 : i32
      %dma_start3A_103 = tpu.memref_slice %arg4[%squeeze3A_97, %dma_start3A_101, %dma_start3A_102] : memref<1000x1x512xf32, #tpu.memory_space<hbm>> -> memref<1x1x512xf32, #tpu.memory_space<hbm>>
      %dma_start3A_104 = tpu.memref_squeeze %dma_start3A_103 : memref<1x1x512xf32, #tpu.memory_space<hbm>> -> memref<1x512xf32, #tpu.memory_space<hbm>>
      %dma_start3A_105 = arith.constant 5 : i32
      %dma_start3A_106 = arith.constant 0 : i32
      %dma_start3A_107 = tpu.memref_slice %arg10[%dma_start3A_105, %dma_start3A_106] : memref<64x512xf32, #tpu.memory_space<vmem>> -> memref<1x512xf32, #tpu.memory_space<vmem>>
      %dma_start3A_108 = arith.constant 0 : i32
      %dma_start3A_109 = arith.constant 0 : i32
      %dma_start3A_110 = tpu.memref_slice %arg4[%squeeze3A_97, %dma_start3A_108, %dma_start3A_109] : memref<1000x1x512xf32, #tpu.memory_space<hbm>> -> memref<1x1x512xf32, #tpu.memory_space<hbm>>
      %dma_start3A_111 = tpu.memref_squeeze %dma_start3A_110 : memref<1x1x512xf32, #tpu.memory_space<hbm>> -> memref<1x512xf32, #tpu.memory_space<hbm>>
      tpu.enqueue_dma source(%dma_start3A_111 : memref<1x512xf32, #tpu.memory_space<hbm>>) target(%dma_start3A_107 : memref<1x512xf32, #tpu.memory_space<vmem>>) target_semaphore(%arg15 : memref<!tpu.dma_semaphore, #tpu.memory_space<semaphore_mem>>)
      %slice3A_112 = vector.extract_strided_slice %get3A_18 {offsets = [6], sizes = [1], strides = [1]} : vector<16xi32> to vector<1xi32>
      %squeeze3A_113 = vector.extract %slice3A_112[0] : i32 from vector<1xi32>
      %dma_start3A_114 = arith.constant 6 : i32
      %dma_start3A_115 = arith.constant 0 : i32
      %dma_start3A_116 = tpu.memref_slice %arg10[%dma_start3A_114, %dma_start3A_115] : memref<64x512xf32, #tpu.memory_space<vmem>> -> memref<1x512xf32, #tpu.memory_space<vmem>>
      %dma_start3A_117 = arith.constant 0 : i32
      %dma_start3A_118 = arith.constant 0 : i32
      %dma_start3A_119 = tpu.memref_slice %arg4[%squeeze3A_113, %dma_start3A_117, %dma_start3A_118] : memref<1000x1x512xf32, #tpu.memory_space<hbm>> -> memref<1x1x512xf32, #tpu.memory_space<hbm>>
      %dma_start3A_120 = tpu.memref_squeeze %dma_start3A_119 : memref<1x1x512xf32, #tpu.memory_space<hbm>> -> memref<1x512xf32, #tpu.memory_space<hbm>>
      %dma_start3A_121 = arith.constant 6 : i32
      %dma_start3A_122 = arith.constant 0 : i32
      %dma_start3A_123 = tpu.memref_slice %arg10[%dma_start3A_121, %dma_start3A_122] : memref<64x512xf32, #tpu.memory_space<vmem>> -> memref<1x512xf32, #tpu.memory_space<vmem>>
      %dma_start3A_124 = arith.constant 0 : i32
      %dma_start3A_125 = arith.constant 0 : i32
      %dma_start3A_126 = tpu.memref_slice %arg4[%squeeze3A_113, %dma_start3A_124, %dma_start3A_125] : memref<1000x1x512xf32, #tpu.memory_space<hbm>> -> memref<1x1x512xf32, #tpu.memory_space<hbm>>
      %dma_start3A_127 = tpu.memref_squeeze %dma_start3A_126 : memref<1x1x512xf32, #tpu.memory_space<hbm>> -> memref<1x512xf32, #tpu.memory_space<hbm>>
      tpu.enqueue_dma source(%dma_start3A_127 : memref<1x512xf32, #tpu.memory_space<hbm>>) target(%dma_start3A_123 : memref<1x512xf32, #tpu.memory_space<vmem>>) target_semaphore(%arg15 : memref<!tpu.dma_semaphore, #tpu.memory_space<semaphore_mem>>)
      %slice3A_128 = vector.extract_strided_slice %get3A_18 {offsets = [7], sizes = [1], strides = [1]} : vector<16xi32> to vector<1xi32>
      %squeeze3A_129 = vector.extract %slice3A_128[0] : i32 from vector<1xi32>
      %dma_start3A_130 = arith.constant 7 : i32
      %dma_start3A_131 = arith.constant 0 : i32
      %dma_start3A_132 = tpu.memref_slice %arg10[%dma_start3A_130, %dma_start3A_131] : memref<64x512xf32, #tpu.memory_space<vmem>> -> memref<1x512xf32, #tpu.memory_space<vmem>>
      %dma_start3A_133 = arith.constant 0 : i32
      %dma_start3A_134 = arith.constant 0 : i32
      %dma_start3A_135 = tpu.memref_slice %arg4[%squeeze3A_129, %dma_start3A_133, %dma_start3A_134] : memref<1000x1x512xf32, #tpu.memory_space<hbm>> -> memref<1x1x512xf32, #tpu.memory_space<hbm>>
      %dma_start3A_136 = tpu.memref_squeeze %dma_start3A_135 : memref<1x1x512xf32, #tpu.memory_space<hbm>> -> memref<1x512xf32, #tpu.memory_space<hbm>>
      %dma_start3A_137 = arith.constant 7 : i32
      %dma_start3A_138 = arith.constant 0 : i32
      %dma_start3A_139 = tpu.memref_slice %arg10[%dma_start3A_137, %dma_start3A_138] : memref<64x512xf32, #tpu.memory_space<vmem>> -> memref<1x512xf32, #tpu.memory_space<vmem>>
      %dma_start3A_140 = arith.constant 0 : i32
      %dma_start3A_141 = arith.constant 0 : i32
      %dma_start3A_142 = tpu.memref_slice %arg4[%squeeze3A_129, %dma_start3A_140, %dma_start3A_141] : memref<1000x1x512xf32, #tpu.memory_space<hbm>> -> memref<1x1x512xf32, #tpu.memory_space<hbm>>
      %dma_start3A_143 = tpu.memref_squeeze %dma_start3A_142 : memref<1x1x512xf32, #tpu.memory_space<hbm>> -> memref<1x512xf32, #tpu.memory_space<hbm>>
      tpu.enqueue_dma source(%dma_start3A_143 : memref<1x512xf32, #tpu.memory_space<hbm>>) target(%dma_start3A_139 : memref<1x512xf32, #tpu.memory_space<vmem>>) target_semaphore(%arg15 : memref<!tpu.dma_semaphore, #tpu.memory_space<semaphore_mem>>)
      %slice3A_144 = vector.extract_strided_slice %get3A_18 {offsets = [8], sizes = [1], strides = [1]} : vector<16xi32> to vector<1xi32>
      %squeeze3A_145 = vector.extract %slice3A_144[0] : i32 from vector<1xi32>
      %dma_start3A_146 = arith.constant 8 : i32
      %dma_start3A_147 = arith.constant 0 : i32
      %dma_start3A_148 = tpu.memref_slice %arg10[%dma_start3A_146, %dma_start3A_147] : memref<64x512xf32, #tpu.memory_space<vmem>> -> memref<1x512xf32, #tpu.memory_space<vmem>>
      %dma_start3A_149 = arith.constant 0 : i32
      %dma_start3A_150 = arith.constant 0 : i32
      %dma_start3A_151 = tpu.memref_slice %arg4[%squeeze3A_145, %dma_start3A_149, %dma_start3A_150] : memref<1000x1x512xf32, #tpu.memory_space<hbm>> -> memref<1x1x512xf32, #tpu.memory_space<hbm>>
      %dma_start3A_152 = tpu.memref_squeeze %dma_start3A_151 : memref<1x1x512xf32, #tpu.memory_space<hbm>> -> memref<1x512xf32, #tpu.memory_space<hbm>>
      %dma_start3A_153 = arith.constant 8 : i32
      %dma_start3A_154 = arith.constant 0 : i32
      %dma_start3A_155 = tpu.memref_slice %arg10[%dma_start3A_153, %dma_start3A_154] : memref<64x512xf32, #tpu.memory_space<vmem>> -> memref<1x512xf32, #tpu.memory_space<vmem>>
      %dma_start3A_156 = arith.constant 0 : i32
      %dma_start3A_157 = arith.constant 0 : i32
      %dma_start3A_158 = tpu.memref_slice %arg4[%squeeze3A_145, %dma_start3A_156, %dma_start3A_157] : memref<1000x1x512xf32, #tpu.memory_space<hbm>> -> memref<1x1x512xf32, #tpu.memory_space<hbm>>
      %dma_start3A_159 = tpu.memref_squeeze %dma_start3A_158 : memref<1x1x512xf32, #tpu.memory_space<hbm>> -> memref<1x512xf32, #tpu.memory_space<hbm>>
      tpu.enqueue_dma source(%dma_start3A_159 : memref<1x512xf32, #tpu.memory_space<hbm>>) target(%dma_start3A_155 : memref<1x512xf32, #tpu.memory_space<vmem>>) target_semaphore(%arg15 : memref<!tpu.dma_semaphore, #tpu.memory_space<semaphore_mem>>)
      %slice3A_160 = vector.extract_strided_slice %get3A_18 {offsets = [9], sizes = [1], strides = [1]} : vector<16xi32> to vector<1xi32>
      %squeeze3A_161 = vector.extract %slice3A_160[0] : i32 from vector<1xi32>
      %dma_start3A_162 = arith.constant 9 : i32
      %dma_start3A_163 = arith.constant 0 : i32
      %dma_start3A_164 = tpu.memref_slice %arg10[%dma_start3A_162, %dma_start3A_163] : memref<64x512xf32, #tpu.memory_space<vmem>> -> memref<1x512xf32, #tpu.memory_space<vmem>>
      %dma_start3A_165 = arith.constant 0 : i32
      %dma_start3A_166 = arith.constant 0 : i32
      %dma_start3A_167 = tpu.memref_slice %arg4[%squeeze3A_161, %dma_start3A_165, %dma_start3A_166] : memref<1000x1x512xf32, #tpu.memory_space<hbm>> -> memref<1x1x512xf32, #tpu.memory_space<hbm>>
      %dma_start3A_168 = tpu.memref_squeeze %dma_start3A_167 : memref<1x1x512xf32, #tpu.memory_space<hbm>> -> memref<1x512xf32, #tpu.memory_space<hbm>>
      %dma_start3A_169 = arith.constant 9 : i32
      %dma_start3A_170 = arith.constant 0 : i32
      %dma_start3A_171 = tpu.memref_slice %arg10[%dma_start3A_169, %dma_start3A_170] : memref<64x512xf32, #tpu.memory_space<vmem>> -> memref<1x512xf32, #tpu.memory_space<vmem>>
      %dma_start3A_172 = arith.constant 0 : i32
      %dma_start3A_173 = arith.constant 0 : i32
      %dma_start3A_174 = tpu.memref_slice %arg4[%squeeze3A_161, %dma_start3A_172, %dma_start3A_173] : memref<1000x1x512xf32, #tpu.memory_space<hbm>> -> memref<1x1x512xf32, #tpu.memory_space<hbm>>
      %dma_start3A_175 = tpu.memref_squeeze %dma_start3A_174 : memref<1x1x512xf32, #tpu.memory_space<hbm>> -> memref<1x512xf32, #tpu.memory_space<hbm>>
      tpu.enqueue_dma source(%dma_start3A_175 : memref<1x512xf32, #tpu.memory_space<hbm>>) target(%dma_start3A_171 : memref<1x512xf32, #tpu.memory_space<vmem>>) target_semaphore(%arg15 : memref<!tpu.dma_semaphore, #tpu.memory_space<semaphore_mem>>)
      %slice3A_176 = vector.extract_strided_slice %get3A_18 {offsets = [10], sizes = [1], strides = [1]} : vector<16xi32> to vector<1xi32>
      %squeeze3A_177 = vector.extract %slice3A_176[0] : i32 from vector<1xi32>
      %dma_start3A_178 = arith.constant 10 : i32
      %dma_start3A_179 = arith.constant 0 : i32
      %dma_start3A_180 = tpu.memref_slice %arg10[%dma_start3A_178, %dma_start3A_179] : memref<64x512xf32, #tpu.memory_space<vmem>> -> memref<1x512xf32, #tpu.memory_space<vmem>>
      %dma_start3A_181 = arith.constant 0 : i32
      %dma_start3A_182 = arith.constant 0 : i32
      %dma_start3A_183 = tpu.memref_slice %arg4[%squeeze3A_177, %dma_start3A_181, %dma_start3A_182] : memref<1000x1x512xf32, #tpu.memory_space<hbm>> -> memref<1x1x512xf32, #tpu.memory_space<hbm>>
      %dma_start3A_184 = tpu.memref_squeeze %dma_start3A_183 : memref<1x1x512xf32, #tpu.memory_space<hbm>> -> memref<1x512xf32, #tpu.memory_space<hbm>>
      %dma_start3A_185 = arith.constant 10 : i32
      %dma_start3A_186 = arith.constant 0 : i32
      %dma_start3A_187 = tpu.memref_slice %arg10[%dma_start3A_185, %dma_start3A_186] : memref<64x512xf32, #tpu.memory_space<vmem>> -> memref<1x512xf32, #tpu.memory_space<vmem>>
      %dma_start3A_188 = arith.constant 0 : i32
      %dma_start3A_189 = arith.constant 0 : i32
      %dma_start3A_190 = tpu.memref_slice %arg4[%squeeze3A_177, %dma_start3A_188, %dma_start3A_189] : memref<1000x1x512xf32, #tpu.memory_space<hbm>> -> memref<1x1x512xf32, #tpu.memory_space<hbm>>
      %dma_start3A_191 = tpu.memref_squeeze %dma_start3A_190 : memref<1x1x512xf32, #tpu.memory_space<hbm>> -> memref<1x512xf32, #tpu.memory_space<hbm>>
      tpu.enqueue_dma source(%dma_start3A_191 : memref<1x512xf32, #tpu.memory_space<hbm>>) target(%dma_start3A_187 : memref<1x512xf32, #tpu.memory_space<vmem>>) target_semaphore(%arg15 : memref<!tpu.dma_semaphore, #tpu.memory_space<semaphore_mem>>)
      %slice3A_192 = vector.extract_strided_slice %get3A_18 {offsets = [11], sizes = [1], strides = [1]} : vector<16xi32> to vector<1xi32>
      %squeeze3A_193 = vector.extract %slice3A_192[0] : i32 from vector<1xi32>
      %dma_start3A_194 = arith.constant 11 : i32
      %dma_start3A_195 = arith.constant 0 : i32
      %dma_start3A_196 = tpu.memref_slice %arg10[%dma_start3A_194, %dma_start3A_195] : memref<64x512xf32, #tpu.memory_space<vmem>> -> memref<1x512xf32, #tpu.memory_space<vmem>>
      %dma_start3A_197 = arith.constant 0 : i32
      %dma_start3A_198 = arith.constant 0 : i32
      %dma_start3A_199 = tpu.memref_slice %arg4[%squeeze3A_193, %dma_start3A_197, %dma_start3A_198] : memref<1000x1x512xf32, #tpu.memory_space<hbm>> -> memref<1x1x512xf32, #tpu.memory_space<hbm>>
      %dma_start3A_200 = tpu.memref_squeeze %dma_start3A_199 : memref<1x1x512xf32, #tpu.memory_space<hbm>> -> memref<1x512xf32, #tpu.memory_space<hbm>>
      %dma_start3A_201 = arith.constant 11 : i32
      %dma_start3A_202 = arith.constant 0 : i32
      %dma_start3A_203 = tpu.memref_slice %arg10[%dma_start3A_201, %dma_start3A_202] : memref<64x512xf32, #tpu.memory_space<vmem>> -> memref<1x512xf32, #tpu.memory_space<vmem>>
      %dma_start3A_204 = arith.constant 0 : i32
      %dma_start3A_205 = arith.constant 0 : i32
      %dma_start3A_206 = tpu.memref_slice %arg4[%squeeze3A_193, %dma_start3A_204, %dma_start3A_205] : memref<1000x1x512xf32, #tpu.memory_space<hbm>> -> memref<1x1x512xf32, #tpu.memory_space<hbm>>
      %dma_start3A_207 = tpu.memref_squeeze %dma_start3A_206 : memref<1x1x512xf32, #tpu.memory_space<hbm>> -> memref<1x512xf32, #tpu.memory_space<hbm>>
      tpu.enqueue_dma source(%dma_start3A_207 : memref<1x512xf32, #tpu.memory_space<hbm>>) target(%dma_start3A_203 : memref<1x512xf32, #tpu.memory_space<vmem>>) target_semaphore(%arg15 : memref<!tpu.dma_semaphore, #tpu.memory_space<semaphore_mem>>)
      %slice3A_208 = vector.extract_strided_slice %get3A_18 {offsets = [12], sizes = [1], strides = [1]} : vector<16xi32> to vector<1xi32>
      %squeeze3A_209 = vector.extract %slice3A_208[0] : i32 from vector<1xi32>
      %dma_start3A_210 = arith.constant 12 : i32
      %dma_start3A_211 = arith.constant 0 : i32
      %dma_start3A_212 = tpu.memref_slice %arg10[%dma_start3A_210, %dma_start3A_211] : memref<64x512xf32, #tpu.memory_space<vmem>> -> memref<1x512xf32, #tpu.memory_space<vmem>>
      %dma_start3A_213 = arith.constant 0 : i32
      %dma_start3A_214 = arith.constant 0 : i32
      %dma_start3A_215 = tpu.memref_slice %arg4[%squeeze3A_209, %dma_start3A_213, %dma_start3A_214] : memref<1000x1x512xf32, #tpu.memory_space<hbm>> -> memref<1x1x512xf32, #tpu.memory_space<hbm>>
      %dma_start3A_216 = tpu.memref_squeeze %dma_start3A_215 : memref<1x1x512xf32, #tpu.memory_space<hbm>> -> memref<1x512xf32, #tpu.memory_space<hbm>>
      %dma_start3A_217 = arith.constant 12 : i32
      %dma_start3A_218 = arith.constant 0 : i32
      %dma_start3A_219 = tpu.memref_slice %arg10[%dma_start3A_217, %dma_start3A_218] : memref<64x512xf32, #tpu.memory_space<vmem>> -> memref<1x512xf32, #tpu.memory_space<vmem>>
      %dma_start3A_220 = arith.constant 0 : i32
      %dma_start3A_221 = arith.constant 0 : i32
      %dma_start3A_222 = tpu.memref_slice %arg4[%squeeze3A_209, %dma_start3A_220, %dma_start3A_221] : memref<1000x1x512xf32, #tpu.memory_space<hbm>> -> memref<1x1x512xf32, #tpu.memory_space<hbm>>
      %dma_start3A_223 = tpu.memref_squeeze %dma_start3A_222 : memref<1x1x512xf32, #tpu.memory_space<hbm>> -> memref<1x512xf32, #tpu.memory_space<hbm>>
      tpu.enqueue_dma source(%dma_start3A_223 : memref<1x512xf32, #tpu.memory_space<hbm>>) target(%dma_start3A_219 : memref<1x512xf32, #tpu.memory_space<vmem>>) target_semaphore(%arg15 : memref<!tpu.dma_semaphore, #tpu.memory_space<semaphore_mem>>)
      %slice3A_224 = vector.extract_strided_slice %get3A_18 {offsets = [13], sizes = [1], strides = [1]} : vector<16xi32> to vector<1xi32>
      %squeeze3A_225 = vector.extract %slice3A_224[0] : i32 from vector<1xi32>
      %dma_start3A_226 = arith.constant 13 : i32
      %dma_start3A_227 = arith.constant 0 : i32
      %dma_start3A_228 = tpu.memref_slice %arg10[%dma_start3A_226, %dma_start3A_227] : memref<64x512xf32, #tpu.memory_space<vmem>> -> memref<1x512xf32, #tpu.memory_space<vmem>>
      %dma_start3A_229 = arith.constant 0 : i32
      %dma_start3A_230 = arith.constant 0 : i32
      %dma_start3A_231 = tpu.memref_slice %arg4[%squeeze3A_225, %dma_start3A_229, %dma_start3A_230] : memref<1000x1x512xf32, #tpu.memory_space<hbm>> -> memref<1x1x512xf32, #tpu.memory_space<hbm>>
      %dma_start3A_232 = tpu.memref_squeeze %dma_start3A_231 : memref<1x1x512xf32, #tpu.memory_space<hbm>> -> memref<1x512xf32, #tpu.memory_space<hbm>>
      %dma_start3A_233 = arith.constant 13 : i32
      %dma_start3A_234 = arith.constant 0 : i32
      %dma_start3A_235 = tpu.memref_slice %arg10[%dma_start3A_233, %dma_start3A_234] : memref<64x512xf32, #tpu.memory_space<vmem>> -> memref<1x512xf32, #tpu.memory_space<vmem>>
      %dma_start3A_236 = arith.constant 0 : i32
      %dma_start3A_237 = arith.constant 0 : i32
      %dma_start3A_238 = tpu.memref_slice %arg4[%squeeze3A_225, %dma_start3A_236, %dma_start3A_237] : memref<1000x1x512xf32, #tpu.memory_space<hbm>> -> memref<1x1x512xf32, #tpu.memory_space<hbm>>
      %dma_start3A_239 = tpu.memref_squeeze %dma_start3A_238 : memref<1x1x512xf32, #tpu.memory_space<hbm>> -> memref<1x512xf32, #tpu.memory_space<hbm>>
      tpu.enqueue_dma source(%dma_start3A_239 : memref<1x512xf32, #tpu.memory_space<hbm>>) target(%dma_start3A_235 : memref<1x512xf32, #tpu.memory_space<vmem>>) target_semaphore(%arg15 : memref<!tpu.dma_semaphore, #tpu.memory_space<semaphore_mem>>)
      %slice3A_240 = vector.extract_strided_slice %get3A_18 {offsets = [14], sizes = [1], strides = [1]} : vector<16xi32> to vector<1xi32>
      %squeeze3A_241 = vector.extract %slice3A_240[0] : i32 from vector<1xi32>
      %dma_start3A_242 = arith.constant 14 : i32
      %dma_start3A_243 = arith.constant 0 : i32
      %dma_start3A_244 = tpu.memref_slice %arg10[%dma_start3A_242, %dma_start3A_243] : memref<64x512xf32, #tpu.memory_space<vmem>> -> memref<1x512xf32, #tpu.memory_space<vmem>>
      %dma_start3A_245 = arith.constant 0 : i32
      %dma_start3A_246 = arith.constant 0 : i32
      %dma_start3A_247 = tpu.memref_slice %arg4[%squeeze3A_241, %dma_start3A_245, %dma_start3A_246] : memref<1000x1x512xf32, #tpu.memory_space<hbm>> -> memref<1x1x512xf32, #tpu.memory_space<hbm>>
      %dma_start3A_248 = tpu.memref_squeeze %dma_start3A_247 : memref<1x1x512xf32, #tpu.memory_space<hbm>> -> memref<1x512xf32, #tpu.memory_space<hbm>>
      %dma_start3A_249 = arith.constant 14 : i32
      %dma_start3A_250 = arith.constant 0 : i32
      %dma_start3A_251 = tpu.memref_slice %arg10[%dma_start3A_249, %dma_start3A_250] : memref<64x512xf32, #tpu.memory_space<vmem>> -> memref<1x512xf32, #tpu.memory_space<vmem>>
      %dma_start3A_252 = arith.constant 0 : i32
      %dma_start3A_253 = arith.constant 0 : i32
      %dma_start3A_254 = tpu.memref_slice %arg4[%squeeze3A_241, %dma_start3A_252, %dma_start3A_253] : memref<1000x1x512xf32, #tpu.memory_space<hbm>> -> memref<1x1x512xf32, #tpu.memory_space<hbm>>
      %dma_start3A_255 = tpu.memref_squeeze %dma_start3A_254 : memref<1x1x512xf32, #tpu.memory_space<hbm>> -> memref<1x512xf32, #tpu.memory_space<hbm>>
      tpu.enqueue_dma source(%dma_start3A_255 : memref<1x512xf32, #tpu.memory_space<hbm>>) target(%dma_start3A_251 : memref<1x512xf32, #tpu.memory_space<vmem>>) target_semaphore(%arg15 : memref<!tpu.dma_semaphore, #tpu.memory_space<semaphore_mem>>)
      %slice3A_256 = vector.extract_strided_slice %get3A_18 {offsets = [15], sizes = [1], strides = [1]} : vector<16xi32> to vector<1xi32>
      %squeeze3A_257 = vector.extract %slice3A_256[0] : i32 from vector<1xi32>
      %dma_start3A_258 = arith.constant 15 : i32
      %dma_start3A_259 = arith.constant 0 : i32
      %dma_start3A_260 = tpu.memref_slice %arg10[%dma_start3A_258, %dma_start3A_259] : memref<64x512xf32, #tpu.memory_space<vmem>> -> memref<1x512xf32, #tpu.memory_space<vmem>>
      %dma_start3A_261 = arith.constant 0 : i32
      %dma_start3A_262 = arith.constant 0 : i32
      %dma_start3A_263 = tpu.memref_slice %arg4[%squeeze3A_257, %dma_start3A_261, %dma_start3A_262] : memref<1000x1x512xf32, #tpu.memory_space<hbm>> -> memref<1x1x512xf32, #tpu.memory_space<hbm>>
      %dma_start3A_264 = tpu.memref_squeeze %dma_start3A_263 : memref<1x1x512xf32, #tpu.memory_space<hbm>> -> memref<1x512xf32, #tpu.memory_space<hbm>>
      %dma_start3A_265 = arith.constant 15 : i32
      %dma_start3A_266 = arith.constant 0 : i32
      %dma_start3A_267 = tpu.memref_slice %arg10[%dma_start3A_265, %dma_start3A_266] : memref<64x512xf32, #tpu.memory_space<vmem>> -> memref<1x512xf32, #tpu.memory_space<vmem>>
      %dma_start3A_268 = arith.constant 0 : i32
      %dma_start3A_269 = arith.constant 0 : i32
      %dma_start3A_270 = tpu.memref_slice %arg4[%squeeze3A_257, %dma_start3A_268, %dma_start3A_269] : memref<1000x1x512xf32, #tpu.memory_space<hbm>> -> memref<1x1x512xf32, #tpu.memory_space<hbm>>
      %dma_start3A_271 = tpu.memref_squeeze %dma_start3A_270 : memref<1x1x512xf32, #tpu.memory_space<hbm>> -> memref<1x512xf32, #tpu.memory_space<hbm>>
      tpu.enqueue_dma source(%dma_start3A_271 : memref<1x512xf32, #tpu.memory_space<hbm>>) target(%dma_start3A_267 : memref<1x512xf32, #tpu.memory_space<vmem>>) target_semaphore(%arg15 : memref<!tpu.dma_semaphore, #tpu.memory_space<semaphore_mem>>)
      %get3A_272 = arith.constant 16 : index
      %get3A_273 = tpu.vector_load %arg9[%get3A_272] {strides = array<i32>} : memref<64xi32, #tpu.memory_space<vmem>>, vector<16xi32>,
      %get3A_274 = vector.shape_cast %get3A_273 : vector<16xi32> to vector<16xi32>
      %slice3A_275 = vector.extract_strided_slice %get3A_274 {offsets = [0], sizes = [1], strides = [1]} : vector<16xi32> to vector<1xi32>
      %squeeze3A_276 = vector.extract %slice3A_275[0] : i32 from vector<1xi32>
      %dma_start3A_277 = arith.constant 16 : i32
      %dma_start3A_278 = arith.constant 0 : i32
      %dma_start3A_279 = tpu.memref_slice %arg10[%dma_start3A_277, %dma_start3A_278] : memref<64x512xf32, #tpu.memory_space<vmem>> -> memref<1x512xf32, #tpu.memory_space<vmem>>
      %dma_start3A_280 = arith.constant 0 : i32
      %dma_start3A_281 = arith.constant 0 : i32
      %dma_start3A_282 = tpu.memref_slice %arg4[%squeeze3A_276, %dma_start3A_280, %dma_start3A_281] : memref<1000x1x512xf32, #tpu.memory_space<hbm>> -> memref<1x1x512xf32, #tpu.memory_space<hbm>>
      %dma_start3A_283 = tpu.memref_squeeze %dma_start3A_282 : memref<1x1x512xf32, #tpu.memory_space<hbm>> -> memref<1x512xf32, #tpu.memory_space<hbm>>
      %dma_start3A_284 = arith.constant 16 : i32
      %dma_start3A_285 = arith.constant 0 : i32
      %dma_start3A_286 = tpu.memref_slice %arg10[%dma_start3A_284, %dma_start3A_285] : memref<64x512xf32, #tpu.memory_space<vmem>> -> memref<1x512xf32, #tpu.memory_space<vmem>>
      %dma_start3A_287 = arith.constant 0 : i32
      %dma_start3A_288 = arith.constant 0 : i32
      %dma_start3A_289 = tpu.memref_slice %arg4[%squeeze3A_276, %dma_start3A_287, %dma_start3A_288] : memref<1000x1x512xf32, #tpu.memory_space<hbm>> -> memref<1x1x512xf32, #tpu.memory_space<hbm>>
      %dma_start3A_290 = tpu.memref_squeeze %dma_start3A_289 : memref<1x1x512xf32, #tpu.memory_space<hbm>> -> memref<1x512xf32, #tpu.memory_space<hbm>>
      tpu.enqueue_dma source(%dma_start3A_290 : memref<1x512xf32, #tpu.memory_space<hbm>>) target(%dma_start3A_286 : memref<1x512xf32, #tpu.memory_space<vmem>>) target_semaphore(%arg15 : memref<!tpu.dma_semaphore, #tpu.memory_space<semaphore_mem>>)
      %slice3A_291 = vector.extract_strided_slice %get3A_274 {offsets = [1], sizes = [1], strides = [1]} : vector<16xi32> to vector<1xi32>
      %squeeze3A_292 = vector.extract %slice3A_291[0] : i32 from vector<1xi32>
      %dma_start3A_293 = arith.constant 17 : i32
      %dma_start3A_294 = arith.constant 0 : i32
      %dma_start3A_295 = tpu.memref_slice %arg10[%dma_start3A_293, %dma_start3A_294] : memref<64x512xf32, #tpu.memory_space<vmem>> -> memref<1x512xf32, #tpu.memory_space<vmem>>
      %dma_start3A_296 = arith.constant 0 : i32
      %dma_start3A_297 = arith.constant 0 : i32
      %dma_start3A_298 = tpu.memref_slice %arg4[%squeeze3A_292, %dma_start3A_296, %dma_start3A_297] : memref<1000x1x512xf32, #tpu.memory_space<hbm>> -> memref<1x1x512xf32, #tpu.memory_space<hbm>>
      %dma_start3A_299 = tpu.memref_squeeze %dma_start3A_298 : memref<1x1x512xf32, #tpu.memory_space<hbm>> -> memref<1x512xf32, #tpu.memory_space<hbm>>
      %dma_start3A_300 = arith.constant 17 : i32
      %dma_start3A_301 = arith.constant 0 : i32
      %dma_start3A_302 = tpu.memref_slice %arg10[%dma_start3A_300, %dma_start3A_301] : memref<64x512xf32, #tpu.memory_space<vmem>> -> memref<1x512xf32, #tpu.memory_space<vmem>>
      %dma_start3A_303 = arith.constant 0 : i32
      %dma_start3A_304 = arith.constant 0 : i32
      %dma_start3A_305 = tpu.memref_slice %arg4[%squeeze3A_292, %dma_start3A_303, %dma_start3A_304] : memref<1000x1x512xf32, #tpu.memory_space<hbm>> -> memref<1x1x512xf32, #tpu.memory_space<hbm>>
      %dma_start3A_306 = tpu.memref_squeeze %dma_start3A_305 : memref<1x1x512xf32, #tpu.memory_space<hbm>> -> memref<1x512xf32, #tpu.memory_space<hbm>>
      tpu.enqueue_dma source(%dma_start3A_306 : memref<1x512xf32, #tpu.memory_space<hbm>>) target(%dma_start3A_302 : memref<1x512xf32, #tpu.memory_space<vmem>>) target_semaphore(%arg15 : memref<!tpu.dma_semaphore, #tpu.memory_space<semaphore_mem>>)
      %slice3A_307 = vector.extract_strided_slice %get3A_274 {offsets = [2], sizes = [1], strides = [1]} : vector<16xi32> to vector<1xi32>
      %squeeze3A_308 = vector.extract %slice3A_307[0] : i32 from vector<1xi32>
      %dma_start3A_309 = arith.constant 18 : i32
      %dma_start3A_310 = arith.constant 0 : i32
      %dma_start3A_311 = tpu.memref_slice %arg10[%dma_start3A_309, %dma_start3A_310] : memref<64x512xf32, #tpu.memory_space<vmem>> -> memref<1x512xf32, #tpu.memory_space<vmem>>
      %dma_start3A_312 = arith.constant 0 : i32
      %dma_start3A_313 = arith.constant 0 : i32
      %dma_start3A_314 = tpu.memref_slice %arg4[%squeeze3A_308, %dma_start3A_312, %dma_start3A_313] : memref<1000x1x512xf32, #tpu.memory_space<hbm>> -> memref<1x1x512xf32, #tpu.memory_space<hbm>>
      %dma_start3A_315 = tpu.memref_squeeze %dma_start3A_314 : memref<1x1x512xf32, #tpu.memory_space<hbm>> -> memref<1x512xf32, #tpu.memory_space<hbm>>
      %dma_start3A_316 = arith.constant 18 : i32
      %dma_start3A_317 = arith.constant 0 : i32
      %dma_start3A_318 = tpu.memref_slice %arg10[%dma_start3A_316, %dma_start3A_317] : memref<64x512xf32, #tpu.memory_space<vmem>> -> memref<1x512xf32, #tpu.memory_space<vmem>>
      %dma_start3A_319 = arith.constant 0 : i32
      %dma_start3A_320 = arith.constant 0 : i32
      %dma_start3A_321 = tpu.memref_slice %arg4[%squeeze3A_308, %dma_start3A_319, %dma_start3A_320] : memref<1000x1x512xf32, #tpu.memory_space<hbm>> -> memref<1x1x512xf32, #tpu.memory_space<hbm>>
      %dma_start3A_322 = tpu.memref_squeeze %dma_start3A_321 : memref<1x1x512xf32, #tpu.memory_space<hbm>> -> memref<1x512xf32, #tpu.memory_space<hbm>>
      tpu.enqueue_dma source(%dma_start3A_322 : memref<1x512xf32, #tpu.memory_space<hbm>>) target(%dma_start3A_318 : memref<1x512xf32, #tpu.memory_space<vmem>>) target_semaphore(%arg15 : memref<!tpu.dma_semaphore, #tpu.memory_space<semaphore_mem>>)
      %slice3A_323 = vector.extract_strided_slice %get3A_274 {offsets = [3], sizes = [1], strides = [1]} : vector<16xi32> to vector<1xi32>
      %squeeze3A_324 = vector.extract %slice3A_323[0] : i32 from vector<1xi32>
      %dma_start3A_325 = arith.constant 19 : i32
      %dma_start3A_326 = arith.constant 0 : i32
      %dma_start3A_327 = tpu.memref_slice %arg10[%dma_start3A_325, %dma_start3A_326] : memref<64x512xf32, #tpu.memory_space<vmem>> -> memref<1x512xf32, #tpu.memory_space<vmem>>
      %dma_start3A_328 = arith.constant 0 : i32
      %dma_start3A_329 = arith.constant 0 : i32
      %dma_start3A_330 = tpu.memref_slice %arg4[%squeeze3A_324, %dma_start3A_328, %dma_start3A_329] : memref<1000x1x512xf32, #tpu.memory_space<hbm>> -> memref<1x1x512xf32, #tpu.memory_space<hbm>>
      %dma_start3A_331 = tpu.memref_squeeze %dma_start3A_330 : memref<1x1x512xf32, #tpu.memory_space<hbm>> -> memref<1x512xf32, #tpu.memory_space<hbm>>
      %dma_start3A_332 = arith.constant 19 : i32
      %dma_start3A_333 = arith.constant 0 : i32
      %dma_start3A_334 = tpu.memref_slice %arg10[%dma_start3A_332, %dma_start3A_333] : memref<64x512xf32, #tpu.memory_space<vmem>> -> memref<1x512xf32, #tpu.memory_space<vmem>>
      %dma_start3A_335 = arith.constant 0 : i32
      %dma_start3A_336 = arith.constant 0 : i32
      %dma_start3A_337 = tpu.memref_slice %arg4[%squeeze3A_324, %dma_start3A_335, %dma_start3A_336] : memref<1000x1x512xf32, #tpu.memory_space<hbm>> -> memref<1x1x512xf32, #tpu.memory_space<hbm>>
      %dma_start3A_338 = tpu.memref_squeeze %dma_start3A_337 : memref<1x1x512xf32, #tpu.memory_space<hbm>> -> memref<1x512xf32, #tpu.memory_space<hbm>>
      tpu.enqueue_dma source(%dma_start3A_338 : memref<1x512xf32, #tpu.memory_space<hbm>>) target(%dma_start3A_334 : memref<1x512xf32, #tpu.memory_space<vmem>>) target_semaphore(%arg15 : memref<!tpu.dma_semaphore, #tpu.memory_space<semaphore_mem>>)
      %slice3A_339 = vector.extract_strided_slice %get3A_274 {offsets = [4], sizes = [1], strides = [1]} : vector<16xi32> to vector<1xi32>
      %squeeze3A_340 = vector.extract %slice3A_339[0] : i32 from vector<1xi32>
      %dma_start3A_341 = arith.constant 20 : i32
      %dma_start3A_342 = arith.constant 0 : i32
      %dma_start3A_343 = tpu.memref_slice %arg10[%dma_start3A_341, %dma_start3A_342] : memref<64x512xf32, #tpu.memory_space<vmem>> -> memref<1x512xf32, #tpu.memory_space<vmem>>
      %dma_start3A_344 = arith.constant 0 : i32
      %dma_start3A_345 = arith.constant 0 : i32
      %dma_start3A_346 = tpu.memref_slice %arg4[%squeeze3A_340, %dma_start3A_344, %dma_start3A_345] : memref<1000x1x512xf32, #tpu.memory_space<hbm>> -> memref<1x1x512xf32, #tpu.memory_space<hbm>>
      %dma_start3A_347 = tpu.memref_squeeze %dma_start3A_346 : memref<1x1x512xf32, #tpu.memory_space<hbm>> -> memref<1x512xf32, #tpu.memory_space<hbm>>
      %dma_start3A_348 = arith.constant 20 : i32
      %dma_start3A_349 = arith.constant 0 : i32
      %dma_start3A_350 = tpu.memref_slice %arg10[%dma_start3A_348, %dma_start3A_349] : memref<64x512xf32, #tpu.memory_space<vmem>> -> memref<1x512xf32, #tpu.memory_space<vmem>>
      %dma_start3A_351 = arith.constant 0 : i32
      %dma_start3A_352 = arith.constant 0 : i32
      %dma_start3A_353 = tpu.memref_slice %arg4[%squeeze3A_340, %dma_start3A_351, %dma_start3A_352] : memref<1000x1x512xf32, #tpu.memory_space<hbm>> -> memref<1x1x512xf32, #tpu.memory_space<hbm>>
      %dma_start3A_354 = tpu.memref_squeeze %dma_start3A_353 : memref<1x1x512xf32, #tpu.memory_space<hbm>> -> memref<1x512xf32, #tpu.memory_space<hbm>>
      tpu.enqueue_dma source(%dma_start3A_354 : memref<1x512xf32, #tpu.memory_space<hbm>>) target(%dma_start3A_350 : memref<1x512xf32, #tpu.memory_space<vmem>>) target_semaphore(%arg15 : memref<!tpu.dma_semaphore, #tpu.memory_space<semaphore_mem>>)
      %slice3A_355 = vector.extract_strided_slice %get3A_274 {offsets = [5], sizes = [1], strides = [1]} : vector<16xi32> to vector<1xi32>
      %squeeze3A_356 = vector.extract %slice3A_355[0] : i32 from vector<1xi32>
      %dma_start3A_357 = arith.constant 21 : i32
      %dma_start3A_358 = arith.constant 0 : i32
      %dma_start3A_359 = tpu.memref_slice %arg10[%dma_start3A_357, %dma_start3A_358] : memref<64x512xf32, #tpu.memory_space<vmem>> -> memref<1x512xf32, #tpu.memory_space<vmem>>
      %dma_start3A_360 = arith.constant 0 : i32
      %dma_start3A_361 = arith.constant 0 : i32
      %dma_start3A_362 = tpu.memref_slice %arg4[%squeeze3A_356, %dma_start3A_360, %dma_start3A_361] : memref<1000x1x512xf32, #tpu.memory_space<hbm>> -> memref<1x1x512xf32, #tpu.memory_space<hbm>>
      %dma_start3A_363 = tpu.memref_squeeze %dma_start3A_362 : memref<1x1x512xf32, #tpu.memory_space<hbm>> -> memref<1x512xf32, #tpu.memory_space<hbm>>
      %dma_start3A_364 = arith.constant 21 : i32
      %dma_start3A_365 = arith.constant 0 : i32
      %dma_start3A_366 = tpu.memref_slice %arg10[%dma_start3A_364, %dma_start3A_365] : memref<64x512xf32, #tpu.memory_space<vmem>> -> memref<1x512xf32, #tpu.memory_space<vmem>>
      %dma_start3A_367 = arith.constant 0 : i32
      %dma_start3A_368 = arith.constant 0 : i32
      %dma_start3A_369 = tpu.memref_slice %arg4[%squeeze3A_356, %dma_start3A_367, %dma_start3A_368] : memref<1000x1x512xf32, #tpu.memory_space<hbm>> -> memref<1x1x512xf32, #tpu.memory_space<hbm>>
      %dma_start3A_370 = tpu.memref_squeeze %dma_start3A_369 : memref<1x1x512xf32, #tpu.memory_space<hbm>> -> memref<1x512xf32, #tpu.memory_space<hbm>>
      tpu.enqueue_dma source(%dma_start3A_370 : memref<1x512xf32, #tpu.memory_space<hbm>>) target(%dma_start3A_366 : memref<1x512xf32, #tpu.memory_space<vmem>>) target_semaphore(%arg15 : memref<!tpu.dma_semaphore, #tpu.memory_space<semaphore_mem>>)
      %slice3A_371 = vector.extract_strided_slice %get3A_274 {offsets = [6], sizes = [1], strides = [1]} : vector<16xi32> to vector<1xi32>
      %squeeze3A_372 = vector.extract %slice3A_371[0] : i32 from vector<1xi32>
      %dma_start3A_373 = arith.constant 22 : i32
      %dma_start3A_374 = arith.constant 0 : i32
      %dma_start3A_375 = tpu.memref_slice %arg10[%dma_start3A_373, %dma_start3A_374] : memref<64x512xf32, #tpu.memory_space<vmem>> -> memref<1x512xf32, #tpu.memory_space<vmem>>
      %dma_start3A_376 = arith.constant 0 : i32
      %dma_start3A_377 = arith.constant 0 : i32
      %dma_start3A_378 = tpu.memref_slice %arg4[%squeeze3A_372, %dma_start3A_376, %dma_start3A_377] : memref<1000x1x512xf32, #tpu.memory_space<hbm>> -> memref<1x1x512xf32, #tpu.memory_space<hbm>>
      %dma_start3A_379 = tpu.memref_squeeze %dma_start3A_378 : memref<1x1x512xf32, #tpu.memory_space<hbm>> -> memref<1x512xf32, #tpu.memory_space<hbm>>
      %dma_start3A_380 = arith.constant 22 : i32
      %dma_start3A_381 = arith.constant 0 : i32
      %dma_start3A_382 = tpu.memref_slice %arg10[%dma_start3A_380, %dma_start3A_381] : memref<64x512xf32, #tpu.memory_space<vmem>> -> memref<1x512xf32, #tpu.memory_space<vmem>>
      %dma_start3A_383 = arith.constant 0 : i32
      %dma_start3A_384 = arith.constant 0 : i32
      %dma_start3A_385 = tpu.memref_slice %arg4[%squeeze3A_372, %dma_start3A_383, %dma_start3A_384] : memref<1000x1x512xf32, #tpu.memory_space<hbm>> -> memref<1x1x512xf32, #tpu.memory_space<hbm>>
      %dma_start3A_386 = tpu.memref_squeeze %dma_start3A_385 : memref<1x1x512xf32, #tpu.memory_space<hbm>> -> memref<1x512xf32, #tpu.memory_space<hbm>>
      tpu.enqueue_dma source(%dma_start3A_386 : memref<1x512xf32, #tpu.memory_space<hbm>>) target(%dma_start3A_382 : memref<1x512xf32, #tpu.memory_space<vmem>>) target_semaphore(%arg15 : memref<!tpu.dma_semaphore, #tpu.memory_space<semaphore_mem>>)
      %slice3A_387 = vector.extract_strided_slice %get3A_274 {offsets = [7], sizes = [1], strides = [1]} : vector<16xi32> to vector<1xi32>
      %squeeze3A_388 = vector.extract %slice3A_387[0] : i32 from vector<1xi32>
      %dma_start3A_389 = arith.constant 23 : i32
      %dma_start3A_390 = arith.constant 0 : i32
      %dma_start3A_391 = tpu.memref_slice %arg10[%dma_start3A_389, %dma_start3A_390] : memref<64x512xf32, #tpu.memory_space<vmem>> -> memref<1x512xf32, #tpu.memory_space<vmem>>
      %dma_start3A_392 = arith.constant 0 : i32
      %dma_start3A_393 = arith.constant 0 : i32
      %dma_start3A_394 = tpu.memref_slice %arg4[%squeeze3A_388, %dma_start3A_392, %dma_start3A_393] : memref<1000x1x512xf32, #tpu.memory_space<hbm>> -> memref<1x1x512xf32, #tpu.memory_space<hbm>>
      %dma_start3A_395 = tpu.memref_squeeze %dma_start3A_394 : memref<1x1x512xf32, #tpu.memory_space<hbm>> -> memref<1x512xf32, #tpu.memory_space<hbm>>
      %dma_start3A_396 = arith.constant 23 : i32
      %dma_start3A_397 = arith.constant 0 : i32
      %dma_start3A_398 = tpu.memref_slice %arg10[%dma_start3A_396, %dma_start3A_397] : memref<64x512xf32, #tpu.memory_space<vmem>> -> memref<1x512xf32, #tpu.memory_space<vmem>>
      %dma_start3A_399 = arith.constant 0 : i32
      %dma_start3A_400 = arith.constant 0 : i32
      %dma_start3A_401 = tpu.memref_slice %arg4[%squeeze3A_388, %dma_start3A_399, %dma_start3A_400] : memref<1000x1x512xf32, #tpu.memory_space<hbm>> -> memref<1x1x512xf32, #tpu.memory_space<hbm>>
      %dma_start3A_402 = tpu.memref_squeeze %dma_start3A_401 : memref<1x1x512xf32, #tpu.memory_space<hbm>> -> memref<1x512xf32, #tpu.memory_space<hbm>>
      tpu.enqueue_dma source(%dma_start3A_402 : memref<1x512xf32, #tpu.memory_space<hbm>>) target(%dma_start3A_398 : memref<1x512xf32, #tpu.memory_space<vmem>>) target_semaphore(%arg15 : memref<!tpu.dma_semaphore, #tpu.memory_space<semaphore_mem>>)
      %slice3A_403 = vector.extract_strided_slice %get3A_274 {offsets = [8], sizes = [1], strides = [1]} : vector<16xi32> to vector<1xi32>
      %squeeze3A_404 = vector.extract %slice3A_403[0] : i32 from vector<1xi32>
      %dma_start3A_405 = arith.constant 24 : i32
      %dma_start3A_406 = arith.constant 0 : i32
      %dma_start3A_407 = tpu.memref_slice %arg10[%dma_start3A_405, %dma_start3A_406] : memref<64x512xf32, #tpu.memory_space<vmem>> -> memref<1x512xf32, #tpu.memory_space<vmem>>
      %dma_start3A_408 = arith.constant 0 : i32
      %dma_start3A_409 = arith.constant 0 : i32
      %dma_start3A_410 = tpu.memref_slice %arg4[%squeeze3A_404, %dma_start3A_408, %dma_start3A_409] : memref<1000x1x512xf32, #tpu.memory_space<hbm>> -> memref<1x1x512xf32, #tpu.memory_space<hbm>>
      %dma_start3A_411 = tpu.memref_squeeze %dma_start3A_410 : memref<1x1x512xf32, #tpu.memory_space<hbm>> -> memref<1x512xf32, #tpu.memory_space<hbm>>
      %dma_start3A_412 = arith.constant 24 : i32
      %dma_start3A_413 = arith.constant 0 : i32
      %dma_start3A_414 = tpu.memref_slice %arg10[%dma_start3A_412, %dma_start3A_413] : memref<64x512xf32, #tpu.memory_space<vmem>> -> memref<1x512xf32, #tpu.memory_space<vmem>>
      %dma_start3A_415 = arith.constant 0 : i32
      %dma_start3A_416 = arith.constant 0 : i32
      %dma_start3A_417 = tpu.memref_slice %arg4[%squeeze3A_404, %dma_start3A_415, %dma_start3A_416] : memref<1000x1x512xf32, #tpu.memory_space<hbm>> -> memref<1x1x512xf32, #tpu.memory_space<hbm>>
      %dma_start3A_418 = tpu.memref_squeeze %dma_start3A_417 : memref<1x1x512xf32, #tpu.memory_space<hbm>> -> memref<1x512xf32, #tpu.memory_space<hbm>>
      tpu.enqueue_dma source(%dma_start3A_418 : memref<1x512xf32, #tpu.memory_space<hbm>>) target(%dma_start3A_414 : memref<1x512xf32, #tpu.memory_space<vmem>>) target_semaphore(%arg15 : memref<!tpu.dma_semaphore, #tpu.memory_space<semaphore_mem>>)
      %slice3A_419 = vector.extract_strided_slice %get3A_274 {offsets = [9], sizes = [1], strides = [1]} : vector<16xi32> to vector<1xi32>
      %squeeze3A_420 = vector.extract %slice3A_419[0] : i32 from vector<1xi32>
      %dma_start3A_421 = arith.constant 25 : i32
      %dma_start3A_422 = arith.constant 0 : i32
      %dma_start3A_423 = tpu.memref_slice %arg10[%dma_start3A_421, %dma_start3A_422] : memref<64x512xf32, #tpu.memory_space<vmem>> -> memref<1x512xf32, #tpu.memory_space<vmem>>
      %dma_start3A_424 = arith.constant 0 : i32
      %dma_start3A_425 = arith.constant 0 : i32
      %dma_start3A_426 = tpu.memref_slice %arg4[%squeeze3A_420, %dma_start3A_424, %dma_start3A_425] : memref<1000x1x512xf32, #tpu.memory_space<hbm>> -> memref<1x1x512xf32, #tpu.memory_space<hbm>>
      %dma_start3A_427 = tpu.memref_squeeze %dma_start3A_426 : memref<1x1x512xf32, #tpu.memory_space<hbm>> -> memref<1x512xf32, #tpu.memory_space<hbm>>
      %dma_start3A_428 = arith.constant 25 : i32
      %dma_start3A_429 = arith.constant 0 : i32
      %dma_start3A_430 = tpu.memref_slice %arg10[%dma_start3A_428, %dma_start3A_429] : memref<64x512xf32, #tpu.memory_space<vmem>> -> memref<1x512xf32, #tpu.memory_space<vmem>>
      %dma_start3A_431 = arith.constant 0 : i32
      %dma_start3A_432 = arith.constant 0 : i32
      %dma_start3A_433 = tpu.memref_slice %arg4[%squeeze3A_420, %dma_start3A_431, %dma_start3A_432] : memref<1000x1x512xf32, #tpu.memory_space<hbm>> -> memref<1x1x512xf32, #tpu.memory_space<hbm>>
      %dma_start3A_434 = tpu.memref_squeeze %dma_start3A_433 : memref<1x1x512xf32, #tpu.memory_space<hbm>> -> memref<1x512xf32, #tpu.memory_space<hbm>>
      tpu.enqueue_dma source(%dma_start3A_434 : memref<1x512xf32, #tpu.memory_space<hbm>>) target(%dma_start3A_430 : memref<1x512xf32, #tpu.memory_space<vmem>>) target_semaphore(%arg15 : memref<!tpu.dma_semaphore, #tpu.memory_space<semaphore_mem>>)
      %slice3A_435 = vector.extract_strided_slice %get3A_274 {offsets = [10], sizes = [1], strides = [1]} : vector<16xi32> to vector<1xi32>
      %squeeze3A_436 = vector.extract %slice3A_435[0] : i32 from vector<1xi32>
      %dma_start3A_437 = arith.constant 26 : i32
      %dma_start3A_438 = arith.constant 0 : i32
      %dma_start3A_439 = tpu.memref_slice %arg10[%dma_start3A_437, %dma_start3A_438] : memref<64x512xf32, #tpu.memory_space<vmem>> -> memref<1x512xf32, #tpu.memory_space<vmem>>
      %dma_start3A_440 = arith.constant 0 : i32
      %dma_start3A_441 = arith.constant 0 : i32
      %dma_start3A_442 = tpu.memref_slice %arg4[%squeeze3A_436, %dma_start3A_440, %dma_start3A_441] : memref<1000x1x512xf32, #tpu.memory_space<hbm>> -> memref<1x1x512xf32, #tpu.memory_space<hbm>>
      %dma_start3A_443 = tpu.memref_squeeze %dma_start3A_442 : memref<1x1x512xf32, #tpu.memory_space<hbm>> -> memref<1x512xf32, #tpu.memory_space<hbm>>
      %dma_start3A_444 = arith.constant 26 : i32
      %dma_start3A_445 = arith.constant 0 : i32
      %dma_start3A_446 = tpu.memref_slice %arg10[%dma_start3A_444, %dma_start3A_445] : memref<64x512xf32, #tpu.memory_space<vmem>> -> memref<1x512xf32, #tpu.memory_space<vmem>>
      %dma_start3A_447 = arith.constant 0 : i32
      %dma_start3A_448 = arith.constant 0 : i32
      %dma_start3A_449 = tpu.memref_slice %arg4[%squeeze3A_436, %dma_start3A_447, %dma_start3A_448] : memref<1000x1x512xf32, #tpu.memory_space<hbm>> -> memref<1x1x512xf32, #tpu.memory_space<hbm>>
      %dma_start3A_450 = tpu.memref_squeeze %dma_start3A_449 : memref<1x1x512xf32, #tpu.memory_space<hbm>> -> memref<1x512xf32, #tpu.memory_space<hbm>>
      tpu.enqueue_dma source(%dma_start3A_450 : memref<1x512xf32, #tpu.memory_space<hbm>>) target(%dma_start3A_446 : memref<1x512xf32, #tpu.memory_space<vmem>>) target_semaphore(%arg15 : memref<!tpu.dma_semaphore, #tpu.memory_space<semaphore_mem>>)
      %slice3A_451 = vector.extract_strided_slice %get3A_274 {offsets = [11], sizes = [1], strides = [1]} : vector<16xi32> to vector<1xi32>
      %squeeze3A_452 = vector.extract %slice3A_451[0] : i32 from vector<1xi32>
      %dma_start3A_453 = arith.constant 27 : i32
      %dma_start3A_454 = arith.constant 0 : i32
      %dma_start3A_455 = tpu.memref_slice %arg10[%dma_start3A_453, %dma_start3A_454] : memref<64x512xf32, #tpu.memory_space<vmem>> -> memref<1x512xf32, #tpu.memory_space<vmem>>
      %dma_start3A_456 = arith.constant 0 : i32
      %dma_start3A_457 = arith.constant 0 : i32
      %dma_start3A_458 = tpu.memref_slice %arg4[%squeeze3A_452, %dma_start3A_456, %dma_start3A_457] : memref<1000x1x512xf32, #tpu.memory_space<hbm>> -> memref<1x1x512xf32, #tpu.memory_space<hbm>>
      %dma_start3A_459 = tpu.memref_squeeze %dma_start3A_458 : memref<1x1x512xf32, #tpu.memory_space<hbm>> -> memref<1x512xf32, #tpu.memory_space<hbm>>
      %dma_start3A_460 = arith.constant 27 : i32
      %dma_start3A_461 = arith.constant 0 : i32
      %dma_start3A_462 = tpu.memref_slice %arg10[%dma_start3A_460, %dma_start3A_461] : memref<64x512xf32, #tpu.memory_space<vmem>> -> memref<1x512xf32, #tpu.memory_space<vmem>>
      %dma_start3A_463 = arith.constant 0 : i32
      %dma_start3A_464 = arith.constant 0 : i32
      %dma_start3A_465 = tpu.memref_slice %arg4[%squeeze3A_452, %dma_start3A_463, %dma_start3A_464] : memref<1000x1x512xf32, #tpu.memory_space<hbm>> -> memref<1x1x512xf32, #tpu.memory_space<hbm>>
      %dma_start3A_466 = tpu.memref_squeeze %dma_start3A_465 : memref<1x1x512xf32, #tpu.memory_space<hbm>> -> memref<1x512xf32, #tpu.memory_space<hbm>>
      tpu.enqueue_dma source(%dma_start3A_466 : memref<1x512xf32, #tpu.memory_space<hbm>>) target(%dma_start3A_462 : memref<1x512xf32, #tpu.memory_space<vmem>>) target_semaphore(%arg15 : memref<!tpu.dma_semaphore, #tpu.memory_space<semaphore_mem>>)
      %slice3A_467 = vector.extract_strided_slice %get3A_274 {offsets = [12], sizes = [1], strides = [1]} : vector<16xi32> to vector<1xi32>
      %squeeze3A_468 = vector.extract %slice3A_467[0] : i32 from vector<1xi32>
      %dma_start3A_469 = arith.constant 28 : i32
      %dma_start3A_470 = arith.constant 0 : i32
      %dma_start3A_471 = tpu.memref_slice %arg10[%dma_start3A_469, %dma_start3A_470] : memref<64x512xf32, #tpu.memory_space<vmem>> -> memref<1x512xf32, #tpu.memory_space<vmem>>
      %dma_start3A_472 = arith.constant 0 : i32
      %dma_start3A_473 = arith.constant 0 : i32
      %dma_start3A_474 = tpu.memref_slice %arg4[%squeeze3A_468, %dma_start3A_472, %dma_start3A_473] : memref<1000x1x512xf32, #tpu.memory_space<hbm>> -> memref<1x1x512xf32, #tpu.memory_space<hbm>>
      %dma_start3A_475 = tpu.memref_squeeze %dma_start3A_474 : memref<1x1x512xf32, #tpu.memory_space<hbm>> -> memref<1x512xf32, #tpu.memory_space<hbm>>
      %dma_start3A_476 = arith.constant 28 : i32
      %dma_start3A_477 = arith.constant 0 : i32
      %dma_start3A_478 = tpu.memref_slice %arg10[%dma_start3A_476, %dma_start3A_477] : memref<64x512xf32, #tpu.memory_space<vmem>> -> memref<1x512xf32, #tpu.memory_space<vmem>>
      %dma_start3A_479 = arith.constant 0 : i32
      %dma_start3A_480 = arith.constant 0 : i32
      %dma_start3A_481 = tpu.memref_slice %arg4[%squeeze3A_468, %dma_start3A_479, %dma_start3A_480] : memref<1000x1x512xf32, #tpu.memory_space<hbm>> -> memref<1x1x512xf32, #tpu.memory_space<hbm>>
      %dma_start3A_482 = tpu.memref_squeeze %dma_start3A_481 : memref<1x1x512xf32, #tpu.memory_space<hbm>> -> memref<1x512xf32, #tpu.memory_space<hbm>>
      tpu.enqueue_dma source(%dma_start3A_482 : memref<1x512xf32, #tpu.memory_space<hbm>>) target(%dma_start3A_478 : memref<1x512xf32, #tpu.memory_space<vmem>>) target_semaphore(%arg15 : memref<!tpu.dma_semaphore, #tpu.memory_space<semaphore_mem>>)
      %slice3A_483 = vector.extract_strided_slice %get3A_274 {offsets = [13], sizes = [1], strides = [1]} : vector<16xi32> to vector<1xi32>
      %squeeze3A_484 = vector.extract %slice3A_483[0] : i32 from vector<1xi32>
      %dma_start3A_485 = arith.constant 29 : i32
      %dma_start3A_486 = arith.constant 0 : i32
      %dma_start3A_487 = tpu.memref_slice %arg10[%dma_start3A_485, %dma_start3A_486] : memref<64x512xf32, #tpu.memory_space<vmem>> -> memref<1x512xf32, #tpu.memory_space<vmem>>
      %dma_start3A_488 = arith.constant 0 : i32
      %dma_start3A_489 = arith.constant 0 : i32
      %dma_start3A_490 = tpu.memref_slice %arg4[%squeeze3A_484, %dma_start3A_488, %dma_start3A_489] : memref<1000x1x512xf32, #tpu.memory_space<hbm>> -> memref<1x1x512xf32, #tpu.memory_space<hbm>>
      %dma_start3A_491 = tpu.memref_squeeze %dma_start3A_490 : memref<1x1x512xf32, #tpu.memory_space<hbm>> -> memref<1x512xf32, #tpu.memory_space<hbm>>
      %dma_start3A_492 = arith.constant 29 : i32
      %dma_start3A_493 = arith.constant 0 : i32
      %dma_start3A_494 = tpu.memref_slice %arg10[%dma_start3A_492, %dma_start3A_493] : memref<64x512xf32, #tpu.memory_space<vmem>> -> memref<1x512xf32, #tpu.memory_space<vmem>>
      %dma_start3A_495 = arith.constant 0 : i32
      %dma_start3A_496 = arith.constant 0 : i32
      %dma_start3A_497 = tpu.memref_slice %arg4[%squeeze3A_484, %dma_start3A_495, %dma_start3A_496] : memref<1000x1x512xf32, #tpu.memory_space<hbm>> -> memref<1x1x512xf32, #tpu.memory_space<hbm>>
      %dma_start3A_498 = tpu.memref_squeeze %dma_start3A_497 : memref<1x1x512xf32, #tpu.memory_space<hbm>> -> memref<1x512xf32, #tpu.memory_space<hbm>>
      tpu.enqueue_dma source(%dma_start3A_498 : memref<1x512xf32, #tpu.memory_space<hbm>>) target(%dma_start3A_494 : memref<1x512xf32, #tpu.memory_space<vmem>>) target_semaphore(%arg15 : memref<!tpu.dma_semaphore, #tpu.memory_space<semaphore_mem>>)
      %slice3A_499 = vector.extract_strided_slice %get3A_274 {offsets = [14], sizes = [1], strides = [1]} : vector<16xi32> to vector<1xi32>
      %squeeze3A_500 = vector.extract %slice3A_499[0] : i32 from vector<1xi32>
      %dma_start3A_501 = arith.constant 30 : i32
      %dma_start3A_502 = arith.constant 0 : i32
      %dma_start3A_503 = tpu.memref_slice %arg10[%dma_start3A_501, %dma_start3A_502] : memref<64x512xf32, #tpu.memory_space<vmem>> -> memref<1x512xf32, #tpu.memory_space<vmem>>
      %dma_start3A_504 = arith.constant 0 : i32
      %dma_start3A_505 = arith.constant 0 : i32
      %dma_start3A_506 = tpu.memref_slice %arg4[%squeeze3A_500, %dma_start3A_504, %dma_start3A_505] : memref<1000x1x512xf32, #tpu.memory_space<hbm>> -> memref<1x1x512xf32, #tpu.memory_space<hbm>>
      %dma_start3A_507 = tpu.memref_squeeze %dma_start3A_506 : memref<1x1x512xf32, #tpu.memory_space<hbm>> -> memref<1x512xf32, #tpu.memory_space<hbm>>
      %dma_start3A_508 = arith.constant 30 : i32
      %dma_start3A_509 = arith.constant 0 : i32
      %dma_start3A_510 = tpu.memref_slice %arg10[%dma_start3A_508, %dma_start3A_509] : memref<64x512xf32, #tpu.memory_space<vmem>> -> memref<1x512xf32, #tpu.memory_space<vmem>>
      %dma_start3A_511 = arith.constant 0 : i32
      %dma_start3A_512 = arith.constant 0 : i32
      %dma_start3A_513 = tpu.memref_slice %arg4[%squeeze3A_500, %dma_start3A_511, %dma_start3A_512] : memref<1000x1x512xf32, #tpu.memory_space<hbm>> -> memref<1x1x512xf32, #tpu.memory_space<hbm>>
      %dma_start3A_514 = tpu.memref_squeeze %dma_start3A_513 : memref<1x1x512xf32, #tpu.memory_space<hbm>> -> memref<1x512xf32, #tpu.memory_space<hbm>>
      tpu.enqueue_dma source(%dma_start3A_514 : memref<1x512xf32, #tpu.memory_space<hbm>>) target(%dma_start3A_510 : memref<1x512xf32, #tpu.memory_space<vmem>>) target_semaphore(%arg15 : memref<!tpu.dma_semaphore, #tpu.memory_space<semaphore_mem>>)
      %slice3A_515 = vector.extract_strided_slice %get3A_274 {offsets = [15], sizes = [1], strides = [1]} : vector<16xi32> to vector<1xi32>
      %squeeze3A_516 = vector.extract %slice3A_515[0] : i32 from vector<1xi32>
      %dma_start3A_517 = arith.constant 31 : i32
      %dma_start3A_518 = arith.constant 0 : i32
      %dma_start3A_519 = tpu.memref_slice %arg10[%dma_start3A_517, %dma_start3A_518] : memref<64x512xf32, #tpu.memory_space<vmem>> -> memref<1x512xf32, #tpu.memory_space<vmem>>
      %dma_start3A_520 = arith.constant 0 : i32
      %dma_start3A_521 = arith.constant 0 : i32
      %dma_start3A_522 = tpu.memref_slice %arg4[%squeeze3A_516, %dma_start3A_520, %dma_start3A_521] : memref<1000x1x512xf32, #tpu.memory_space<hbm>> -> memref<1x1x512xf32, #tpu.memory_space<hbm>>
      %dma_start3A_523 = tpu.memref_squeeze %dma_start3A_522 : memref<1x1x512xf32, #tpu.memory_space<hbm>> -> memref<1x512xf32, #tpu.memory_space<hbm>>
      %dma_start3A_524 = arith.constant 31 : i32
      %dma_start3A_525 = arith.constant 0 : i32
      %dma_start3A_526 = tpu.memref_slice %arg10[%dma_start3A_524, %dma_start3A_525] : memref<64x512xf32, #tpu.memory_space<vmem>> -> memref<1x512xf32, #tpu.memory_space<vmem>>
      %dma_start3A_527 = arith.constant 0 : i32
      %dma_start3A_528 = arith.constant 0 : i32
      %dma_start3A_529 = tpu.memref_slice %arg4[%squeeze3A_516, %dma_start3A_527, %dma_start3A_528] : memref<1000x1x512xf32, #tpu.memory_space<hbm>> -> memref<1x1x512xf32, #tpu.memory_space<hbm>>
      %dma_start3A_530 = tpu.memref_squeeze %dma_start3A_529 : memref<1x1x512xf32, #tpu.memory_space<hbm>> -> memref<1x512xf32, #tpu.memory_space<hbm>>
      tpu.enqueue_dma source(%dma_start3A_530 : memref<1x512xf32, #tpu.memory_space<hbm>>) target(%dma_start3A_526 : memref<1x512xf32, #tpu.memory_space<vmem>>) target_semaphore(%arg15 : memref<!tpu.dma_semaphore, #tpu.memory_space<semaphore_mem>>)
      %get3A_531 = arith.constant 32 : index
      %get3A_532 = tpu.vector_load %arg9[%get3A_531] {strides = array<i32>} : memref<64xi32, #tpu.memory_space<vmem>>, vector<16xi32>,
      %get3A_533 = vector.shape_cast %get3A_532 : vector<16xi32> to vector<16xi32>
      %slice3A_534 = vector.extract_strided_slice %get3A_533 {offsets = [0], sizes = [1], strides = [1]} : vector<16xi32> to vector<1xi32>
      %squeeze3A_535 = vector.extract %slice3A_534[0] : i32 from vector<1xi32>
      %dma_start3A_536 = arith.constant 32 : i32
      %dma_start3A_537 = arith.constant 0 : i32
      %dma_start3A_538 = tpu.memref_slice %arg10[%dma_start3A_536, %dma_start3A_537] : memref<64x512xf32, #tpu.memory_space<vmem>> -> memref<1x512xf32, #tpu.memory_space<vmem>>
      %dma_start3A_539 = arith.constant 0 : i32
      %dma_start3A_540 = arith.constant 0 : i32
      %dma_start3A_541 = tpu.memref_slice %arg4[%squeeze3A_535, %dma_start3A_539, %dma_start3A_540] : memref<1000x1x512xf32, #tpu.memory_space<hbm>> -> memref<1x1x512xf32, #tpu.memory_space<hbm>>
      %dma_start3A_542 = tpu.memref_squeeze %dma_start3A_541 : memref<1x1x512xf32, #tpu.memory_space<hbm>> -> memref<1x512xf32, #tpu.memory_space<hbm>>
      %dma_start3A_543 = arith.constant 32 : i32
      %dma_start3A_544 = arith.constant 0 : i32
      %dma_start3A_545 = tpu.memref_slice %arg10[%dma_start3A_543, %dma_start3A_544] : memref<64x512xf32, #tpu.memory_space<vmem>> -> memref<1x512xf32, #tpu.memory_space<vmem>>
      %dma_start3A_546 = arith.constant 0 : i32
      %dma_start3A_547 = arith.constant 0 : i32
      %dma_start3A_548 = tpu.memref_slice %arg4[%squeeze3A_535, %dma_start3A_546, %dma_start3A_547] : memref<1000x1x512xf32, #tpu.memory_space<hbm>> -> memref<1x1x512xf32, #tpu.memory_space<hbm>>
      %dma_start3A_549 = tpu.memref_squeeze %dma_start3A_548 : memref<1x1x512xf32, #tpu.memory_space<hbm>> -> memref<1x512xf32, #tpu.memory_space<hbm>>
      tpu.enqueue_dma source(%dma_start3A_549 : memref<1x512xf32, #tpu.memory_space<hbm>>) target(%dma_start3A_545 : memref<1x512xf32, #tpu.memory_space<vmem>>) target_semaphore(%arg15 : memref<!tpu.dma_semaphore, #tpu.memory_space<semaphore_mem>>)
      %slice3A_550 = vector.extract_strided_slice %get3A_533 {offsets = [1], sizes = [1], strides = [1]} : vector<16xi32> to vector<1xi32>
      %squeeze3A_551 = vector.extract %slice3A_550[0] : i32 from vector<1xi32>
      %dma_start3A_552 = arith.constant 33 : i32
      %dma_start3A_553 = arith.constant 0 : i32
      %dma_start3A_554 = tpu.memref_slice %arg10[%dma_start3A_552, %dma_start3A_553] : memref<64x512xf32, #tpu.memory_space<vmem>> -> memref<1x512xf32, #tpu.memory_space<vmem>>
      %dma_start3A_555 = arith.constant 0 : i32
      %dma_start3A_556 = arith.constant 0 : i32
      %dma_start3A_557 = tpu.memref_slice %arg4[%squeeze3A_551, %dma_start3A_555, %dma_start3A_556] : memref<1000x1x512xf32, #tpu.memory_space<hbm>> -> memref<1x1x512xf32, #tpu.memory_space<hbm>>
      %dma_start3A_558 = tpu.memref_squeeze %dma_start3A_557 : memref<1x1x512xf32, #tpu.memory_space<hbm>> -> memref<1x512xf32, #tpu.memory_space<hbm>>
      %dma_start3A_559 = arith.constant 33 : i32
      %dma_start3A_560 = arith.constant 0 : i32
      %dma_start3A_561 = tpu.memref_slice %arg10[%dma_start3A_559, %dma_start3A_560] : memref<64x512xf32, #tpu.memory_space<vmem>> -> memref<1x512xf32, #tpu.memory_space<vmem>>
      %dma_start3A_562 = arith.constant 0 : i32
      %dma_start3A_563 = arith.constant 0 : i32
      %dma_start3A_564 = tpu.memref_slice %arg4[%squeeze3A_551, %dma_start3A_562, %dma_start3A_563] : memref<1000x1x512xf32, #tpu.memory_space<hbm>> -> memref<1x1x512xf32, #tpu.memory_space<hbm>>
      %dma_start3A_565 = tpu.memref_squeeze %dma_start3A_564 : memref<1x1x512xf32, #tpu.memory_space<hbm>> -> memref<1x512xf32, #tpu.memory_space<hbm>>
      tpu.enqueue_dma source(%dma_start3A_565 : memref<1x512xf32, #tpu.memory_space<hbm>>) target(%dma_start3A_561 : memref<1x512xf32, #tpu.memory_space<vmem>>) target_semaphore(%arg15 : memref<!tpu.dma_semaphore, #tpu.memory_space<semaphore_mem>>)
      %slice3A_566 = vector.extract_strided_slice %get3A_533 {offsets = [2], sizes = [1], strides = [1]} : vector<16xi32> to vector<1xi32>
      %squeeze3A_567 = vector.extract %slice3A_566[0] : i32 from vector<1xi32>
      %dma_start3A_568 = arith.constant 34 : i32
      %dma_start3A_569 = arith.constant 0 : i32
      %dma_start3A_570 = tpu.memref_slice %arg10[%dma_start3A_568, %dma_start3A_569] : memref<64x512xf32, #tpu.memory_space<vmem>> -> memref<1x512xf32, #tpu.memory_space<vmem>>
      %dma_start3A_571 = arith.constant 0 : i32
      %dma_start3A_572 = arith.constant 0 : i32
      %dma_start3A_573 = tpu.memref_slice %arg4[%squeeze3A_567, %dma_start3A_571, %dma_start3A_572] : memref<1000x1x512xf32, #tpu.memory_space<hbm>> -> memref<1x1x512xf32, #tpu.memory_space<hbm>>
      %dma_start3A_574 = tpu.memref_squeeze %dma_start3A_573 : memref<1x1x512xf32, #tpu.memory_space<hbm>> -> memref<1x512xf32, #tpu.memory_space<hbm>>
      %dma_start3A_575 = arith.constant 34 : i32
      %dma_start3A_576 = arith.constant 0 : i32
      %dma_start3A_577 = tpu.memref_slice %arg10[%dma_start3A_575, %dma_start3A_576] : memref<64x512xf32, #tpu.memory_space<vmem>> -> memref<1x512xf32, #tpu.memory_space<vmem>>
      %dma_start3A_578 = arith.constant 0 : i32
      %dma_start3A_579 = arith.constant 0 : i32
      %dma_start3A_580 = tpu.memref_slice %arg4[%squeeze3A_567, %dma_start3A_578, %dma_start3A_579] : memref<1000x1x512xf32, #tpu.memory_space<hbm>> -> memref<1x1x512xf32, #tpu.memory_space<hbm>>
      %dma_start3A_581 = tpu.memref_squeeze %dma_start3A_580 : memref<1x1x512xf32, #tpu.memory_space<hbm>> -> memref<1x512xf32, #tpu.memory_space<hbm>>
      tpu.enqueue_dma source(%dma_start3A_581 : memref<1x512xf32, #tpu.memory_space<hbm>>) target(%dma_start3A_577 : memref<1x512xf32, #tpu.memory_space<vmem>>) target_semaphore(%arg15 : memref<!tpu.dma_semaphore, #tpu.memory_space<semaphore_mem>>)
      %slice3A_582 = vector.extract_strided_slice %get3A_533 {offsets = [3], sizes = [1], strides = [1]} : vector<16xi32> to vector<1xi32>
      %squeeze3A_583 = vector.extract %slice3A_582[0] : i32 from vector<1xi32>
      %dma_start3A_584 = arith.constant 35 : i32
      %dma_start3A_585 = arith.constant 0 : i32
      %dma_start3A_586 = tpu.memref_slice %arg10[%dma_start3A_584, %dma_start3A_585] : memref<64x512xf32, #tpu.memory_space<vmem>> -> memref<1x512xf32, #tpu.memory_space<vmem>>
      %dma_start3A_587 = arith.constant 0 : i32
      %dma_start3A_588 = arith.constant 0 : i32
      %dma_start3A_589 = tpu.memref_slice %arg4[%squeeze3A_583, %dma_start3A_587, %dma_start3A_588] : memref<1000x1x512xf32, #tpu.memory_space<hbm>> -> memref<1x1x512xf32, #tpu.memory_space<hbm>>
      %dma_start3A_590 = tpu.memref_squeeze %dma_start3A_589 : memref<1x1x512xf32, #tpu.memory_space<hbm>> -> memref<1x512xf32, #tpu.memory_space<hbm>>
      %dma_start3A_591 = arith.constant 35 : i32
      %dma_start3A_592 = arith.constant 0 : i32
      %dma_start3A_593 = tpu.memref_slice %arg10[%dma_start3A_591, %dma_start3A_592] : memref<64x512xf32, #tpu.memory_space<vmem>> -> memref<1x512xf32, #tpu.memory_space<vmem>>
      %dma_start3A_594 = arith.constant 0 : i32
      %dma_start3A_595 = arith.constant 0 : i32
      %dma_start3A_596 = tpu.memref_slice %arg4[%squeeze3A_583, %dma_start3A_594, %dma_start3A_595] : memref<1000x1x512xf32, #tpu.memory_space<hbm>> -> memref<1x1x512xf32, #tpu.memory_space<hbm>>
      %dma_start3A_597 = tpu.memref_squeeze %dma_start3A_596 : memref<1x1x512xf32, #tpu.memory_space<hbm>> -> memref<1x512xf32, #tpu.memory_space<hbm>>
      tpu.enqueue_dma source(%dma_start3A_597 : memref<1x512xf32, #tpu.memory_space<hbm>>) target(%dma_start3A_593 : memref<1x512xf32, #tpu.memory_space<vmem>>) target_semaphore(%arg15 : memref<!tpu.dma_semaphore, #tpu.memory_space<semaphore_mem>>)
      %slice3A_598 = vector.extract_strided_slice %get3A_533 {offsets = [4], sizes = [1], strides = [1]} : vector<16xi32> to vector<1xi32>
      %squeeze3A_599 = vector.extract %slice3A_598[0] : i32 from vector<1xi32>
      %dma_start3A_600 = arith.constant 36 : i32
      %dma_start3A_601 = arith.constant 0 : i32
      %dma_start3A_602 = tpu.memref_slice %arg10[%dma_start3A_600, %dma_start3A_601] : memref<64x512xf32, #tpu.memory_space<vmem>> -> memref<1x512xf32, #tpu.memory_space<vmem>>
      %dma_start3A_603 = arith.constant 0 : i32
      %dma_start3A_604 = arith.constant 0 : i32
      %dma_start3A_605 = tpu.memref_slice %arg4[%squeeze3A_599, %dma_start3A_603, %dma_start3A_604] : memref<1000x1x512xf32, #tpu.memory_space<hbm>> -> memref<1x1x512xf32, #tpu.memory_space<hbm>>
      %dma_start3A_606 = tpu.memref_squeeze %dma_start3A_605 : memref<1x1x512xf32, #tpu.memory_space<hbm>> -> memref<1x512xf32, #tpu.memory_space<hbm>>
      %dma_start3A_607 = arith.constant 36 : i32
      %dma_start3A_608 = arith.constant 0 : i32
      %dma_start3A_609 = tpu.memref_slice %arg10[%dma_start3A_607, %dma_start3A_608] : memref<64x512xf32, #tpu.memory_space<vmem>> -> memref<1x512xf32, #tpu.memory_space<vmem>>
      %dma_start3A_610 = arith.constant 0 : i32
      %dma_start3A_611 = arith.constant 0 : i32
      %dma_start3A_612 = tpu.memref_slice %arg4[%squeeze3A_599, %dma_start3A_610, %dma_start3A_611] : memref<1000x1x512xf32, #tpu.memory_space<hbm>> -> memref<1x1x512xf32, #tpu.memory_space<hbm>>
      %dma_start3A_613 = tpu.memref_squeeze %dma_start3A_612 : memref<1x1x512xf32, #tpu.memory_space<hbm>> -> memref<1x512xf32, #tpu.memory_space<hbm>>
      tpu.enqueue_dma source(%dma_start3A_613 : memref<1x512xf32, #tpu.memory_space<hbm>>) target(%dma_start3A_609 : memref<1x512xf32, #tpu.memory_space<vmem>>) target_semaphore(%arg15 : memref<!tpu.dma_semaphore, #tpu.memory_space<semaphore_mem>>)
      %slice3A_614 = vector.extract_strided_slice %get3A_533 {offsets = [5], sizes = [1], strides = [1]} : vector<16xi32> to vector<1xi32>
      %squeeze3A_615 = vector.extract %slice3A_614[0] : i32 from vector<1xi32>
      %dma_start3A_616 = arith.constant 37 : i32
      %dma_start3A_617 = arith.constant 0 : i32
      %dma_start3A_618 = tpu.memref_slice %arg10[%dma_start3A_616, %dma_start3A_617] : memref<64x512xf32, #tpu.memory_space<vmem>> -> memref<1x512xf32, #tpu.memory_space<vmem>>
      %dma_start3A_619 = arith.constant 0 : i32
      %dma_start3A_620 = arith.constant 0 : i32
      %dma_start3A_621 = tpu.memref_slice %arg4[%squeeze3A_615, %dma_start3A_619, %dma_start3A_620] : memref<1000x1x512xf32, #tpu.memory_space<hbm>> -> memref<1x1x512xf32, #tpu.memory_space<hbm>>
      %dma_start3A_622 = tpu.memref_squeeze %dma_start3A_621 : memref<1x1x512xf32, #tpu.memory_space<hbm>> -> memref<1x512xf32, #tpu.memory_space<hbm>>
      %dma_start3A_623 = arith.constant 37 : i32
      %dma_start3A_624 = arith.constant 0 : i32
      %dma_start3A_625 = tpu.memref_slice %arg10[%dma_start3A_623, %dma_start3A_624] : memref<64x512xf32, #tpu.memory_space<vmem>> -> memref<1x512xf32, #tpu.memory_space<vmem>>
      %dma_start3A_626 = arith.constant 0 : i32
      %dma_start3A_627 = arith.constant 0 : i32
      %dma_start3A_628 = tpu.memref_slice %arg4[%squeeze3A_615, %dma_start3A_626, %dma_start3A_627] : memref<1000x1x512xf32, #tpu.memory_space<hbm>> -> memref<1x1x512xf32, #tpu.memory_space<hbm>>
      %dma_start3A_629 = tpu.memref_squeeze %dma_start3A_628 : memref<1x1x512xf32, #tpu.memory_space<hbm>> -> memref<1x512xf32, #tpu.memory_space<hbm>>
      tpu.enqueue_dma source(%dma_start3A_629 : memref<1x512xf32, #tpu.memory_space<hbm>>) target(%dma_start3A_625 : memref<1x512xf32, #tpu.memory_space<vmem>>) target_semaphore(%arg15 : memref<!tpu.dma_semaphore, #tpu.memory_space<semaphore_mem>>)
      %slice3A_630 = vector.extract_strided_slice %get3A_533 {offsets = [6], sizes = [1], strides = [1]} : vector<16xi32> to vector<1xi32>
      %squeeze3A_631 = vector.extract %slice3A_630[0] : i32 from vector<1xi32>
      %dma_start3A_632 = arith.constant 38 : i32
      %dma_start3A_633 = arith.constant 0 : i32
      %dma_start3A_634 = tpu.memref_slice %arg10[%dma_start3A_632, %dma_start3A_633] : memref<64x512xf32, #tpu.memory_space<vmem>> -> memref<1x512xf32, #tpu.memory_space<vmem>>
      %dma_start3A_635 = arith.constant 0 : i32
      %dma_start3A_636 = arith.constant 0 : i32
      %dma_start3A_637 = tpu.memref_slice %arg4[%squeeze3A_631, %dma_start3A_635, %dma_start3A_636] : memref<1000x1x512xf32, #tpu.memory_space<hbm>> -> memref<1x1x512xf32, #tpu.memory_space<hbm>>
      %dma_start3A_638 = tpu.memref_squeeze %dma_start3A_637 : memref<1x1x512xf32, #tpu.memory_space<hbm>> -> memref<1x512xf32, #tpu.memory_space<hbm>>
      %dma_start3A_639 = arith.constant 38 : i32
      %dma_start3A_640 = arith.constant 0 : i32
      %dma_start3A_641 = tpu.memref_slice %arg10[%dma_start3A_639, %dma_start3A_640] : memref<64x512xf32, #tpu.memory_space<vmem>> -> memref<1x512xf32, #tpu.memory_space<vmem>>
      %dma_start3A_642 = arith.constant 0 : i32
      %dma_start3A_643 = arith.constant 0 : i32
      %dma_start3A_644 = tpu.memref_slice %arg4[%squeeze3A_631, %dma_start3A_642, %dma_start3A_643] : memref<1000x1x512xf32, #tpu.memory_space<hbm>> -> memref<1x1x512xf32, #tpu.memory_space<hbm>>
      %dma_start3A_645 = tpu.memref_squeeze %dma_start3A_644 : memref<1x1x512xf32, #tpu.memory_space<hbm>> -> memref<1x512xf32, #tpu.memory_space<hbm>>
      tpu.enqueue_dma source(%dma_start3A_645 : memref<1x512xf32, #tpu.memory_space<hbm>>) target(%dma_start3A_641 : memref<1x512xf32, #tpu.memory_space<vmem>>) target_semaphore(%arg15 : memref<!tpu.dma_semaphore, #tpu.memory_space<semaphore_mem>>)
      %slice3A_646 = vector.extract_strided_slice %get3A_533 {offsets = [7], sizes = [1], strides = [1]} : vector<16xi32> to vector<1xi32>
      %squeeze3A_647 = vector.extract %slice3A_646[0] : i32 from vector<1xi32>
      %dma_start3A_648 = arith.constant 39 : i32
      %dma_start3A_649 = arith.constant 0 : i32
      %dma_start3A_650 = tpu.memref_slice %arg10[%dma_start3A_648, %dma_start3A_649] : memref<64x512xf32, #tpu.memory_space<vmem>> -> memref<1x512xf32, #tpu.memory_space<vmem>>
      %dma_start3A_651 = arith.constant 0 : i32
      %dma_start3A_652 = arith.constant 0 : i32
      %dma_start3A_653 = tpu.memref_slice %arg4[%squeeze3A_647, %dma_start3A_651, %dma_start3A_652] : memref<1000x1x512xf32, #tpu.memory_space<hbm>> -> memref<1x1x512xf32, #tpu.memory_space<hbm>>
      %dma_start3A_654 = tpu.memref_squeeze %dma_start3A_653 : memref<1x1x512xf32, #tpu.memory_space<hbm>> -> memref<1x512xf32, #tpu.memory_space<hbm>>
      %dma_start3A_655 = arith.constant 39 : i32
      %dma_start3A_656 = arith.constant 0 : i32
      %dma_start3A_657 = tpu.memref_slice %arg10[%dma_start3A_655, %dma_start3A_656] : memref<64x512xf32, #tpu.memory_space<vmem>> -> memref<1x512xf32, #tpu.memory_space<vmem>>
      %dma_start3A_658 = arith.constant 0 : i32
      %dma_start3A_659 = arith.constant 0 : i32
      %dma_start3A_660 = tpu.memref_slice %arg4[%squeeze3A_647, %dma_start3A_658, %dma_start3A_659] : memref<1000x1x512xf32, #tpu.memory_space<hbm>> -> memref<1x1x512xf32, #tpu.memory_space<hbm>>
      %dma_start3A_661 = tpu.memref_squeeze %dma_start3A_660 : memref<1x1x512xf32, #tpu.memory_space<hbm>> -> memref<1x512xf32, #tpu.memory_space<hbm>>
      tpu.enqueue_dma source(%dma_start3A_661 : memref<1x512xf32, #tpu.memory_space<hbm>>) target(%dma_start3A_657 : memref<1x512xf32, #tpu.memory_space<vmem>>) target_semaphore(%arg15 : memref<!tpu.dma_semaphore, #tpu.memory_space<semaphore_mem>>)
      %slice3A_662 = vector.extract_strided_slice %get3A_533 {offsets = [8], sizes = [1], strides = [1]} : vector<16xi32> to vector<1xi32>
      %squeeze3A_663 = vector.extract %slice3A_662[0] : i32 from vector<1xi32>
      %dma_start3A_664 = arith.constant 40 : i32
      %dma_start3A_665 = arith.constant 0 : i32
      %dma_start3A_666 = tpu.memref_slice %arg10[%dma_start3A_664, %dma_start3A_665] : memref<64x512xf32, #tpu.memory_space<vmem>> -> memref<1x512xf32, #tpu.memory_space<vmem>>
      %dma_start3A_667 = arith.constant 0 : i32
      %dma_start3A_668 = arith.constant 0 : i32
      %dma_start3A_669 = tpu.memref_slice %arg4[%squeeze3A_663, %dma_start3A_667, %dma_start3A_668] : memref<1000x1x512xf32, #tpu.memory_space<hbm>> -> memref<1x1x512xf32, #tpu.memory_space<hbm>>
      %dma_start3A_670 = tpu.memref_squeeze %dma_start3A_669 : memref<1x1x512xf32, #tpu.memory_space<hbm>> -> memref<1x512xf32, #tpu.memory_space<hbm>>
      %dma_start3A_671 = arith.constant 40 : i32
      %dma_start3A_672 = arith.constant 0 : i32
      %dma_start3A_673 = tpu.memref_slice %arg10[%dma_start3A_671, %dma_start3A_672] : memref<64x512xf32, #tpu.memory_space<vmem>> -> memref<1x512xf32, #tpu.memory_space<vmem>>
      %dma_start3A_674 = arith.constant 0 : i32
      %dma_start3A_675 = arith.constant 0 : i32
      %dma_start3A_676 = tpu.memref_slice %arg4[%squeeze3A_663, %dma_start3A_674, %dma_start3A_675] : memref<1000x1x512xf32, #tpu.memory_space<hbm>> -> memref<1x1x512xf32, #tpu.memory_space<hbm>>
      %dma_start3A_677 = tpu.memref_squeeze %dma_start3A_676 : memref<1x1x512xf32, #tpu.memory_space<hbm>> -> memref<1x512xf32, #tpu.memory_space<hbm>>
      tpu.enqueue_dma source(%dma_start3A_677 : memref<1x512xf32, #tpu.memory_space<hbm>>) target(%dma_start3A_673 : memref<1x512xf32, #tpu.memory_space<vmem>>) target_semaphore(%arg15 : memref<!tpu.dma_semaphore, #tpu.memory_space<semaphore_mem>>)
      %slice3A_678 = vector.extract_strided_slice %get3A_533 {offsets = [9], sizes = [1], strides = [1]} : vector<16xi32> to vector<1xi32>
      %squeeze3A_679 = vector.extract %slice3A_678[0] : i32 from vector<1xi32>
      %dma_start3A_680 = arith.constant 41 : i32
      %dma_start3A_681 = arith.constant 0 : i32
      %dma_start3A_682 = tpu.memref_slice %arg10[%dma_start3A_680, %dma_start3A_681] : memref<64x512xf32, #tpu.memory_space<vmem>> -> memref<1x512xf32, #tpu.memory_space<vmem>>
      %dma_start3A_683 = arith.constant 0 : i32
      %dma_start3A_684 = arith.constant 0 : i32
      %dma_start3A_685 = tpu.memref_slice %arg4[%squeeze3A_679, %dma_start3A_683, %dma_start3A_684] : memref<1000x1x512xf32, #tpu.memory_space<hbm>> -> memref<1x1x512xf32, #tpu.memory_space<hbm>>
      %dma_start3A_686 = tpu.memref_squeeze %dma_start3A_685 : memref<1x1x512xf32, #tpu.memory_space<hbm>> -> memref<1x512xf32, #tpu.memory_space<hbm>>
      %dma_start3A_687 = arith.constant 41 : i32
      %dma_start3A_688 = arith.constant 0 : i32
      %dma_start3A_689 = tpu.memref_slice %arg10[%dma_start3A_687, %dma_start3A_688] : memref<64x512xf32, #tpu.memory_space<vmem>> -> memref<1x512xf32, #tpu.memory_space<vmem>>
      %dma_start3A_690 = arith.constant 0 : i32
      %dma_start3A_691 = arith.constant 0 : i32
      %dma_start3A_692 = tpu.memref_slice %arg4[%squeeze3A_679, %dma_start3A_690, %dma_start3A_691] : memref<1000x1x512xf32, #tpu.memory_space<hbm>> -> memref<1x1x512xf32, #tpu.memory_space<hbm>>
      %dma_start3A_693 = tpu.memref_squeeze %dma_start3A_692 : memref<1x1x512xf32, #tpu.memory_space<hbm>> -> memref<1x512xf32, #tpu.memory_space<hbm>>
      tpu.enqueue_dma source(%dma_start3A_693 : memref<1x512xf32, #tpu.memory_space<hbm>>) target(%dma_start3A_689 : memref<1x512xf32, #tpu.memory_space<vmem>>) target_semaphore(%arg15 : memref<!tpu.dma_semaphore, #tpu.memory_space<semaphore_mem>>)
      %slice3A_694 = vector.extract_strided_slice %get3A_533 {offsets = [10], sizes = [1], strides = [1]} : vector<16xi32> to vector<1xi32>
      %squeeze3A_695 = vector.extract %slice3A_694[0] : i32 from vector<1xi32>
      %dma_start3A_696 = arith.constant 42 : i32
      %dma_start3A_697 = arith.constant 0 : i32
      %dma_start3A_698 = tpu.memref_slice %arg10[%dma_start3A_696, %dma_start3A_697] : memref<64x512xf32, #tpu.memory_space<vmem>> -> memref<1x512xf32, #tpu.memory_space<vmem>>
      %dma_start3A_699 = arith.constant 0 : i32
      %dma_start3A_700 = arith.constant 0 : i32
      %dma_start3A_701 = tpu.memref_slice %arg4[%squeeze3A_695, %dma_start3A_699, %dma_start3A_700] : memref<1000x1x512xf32, #tpu.memory_space<hbm>> -> memref<1x1x512xf32, #tpu.memory_space<hbm>>
      %dma_start3A_702 = tpu.memref_squeeze %dma_start3A_701 : memref<1x1x512xf32, #tpu.memory_space<hbm>> -> memref<1x512xf32, #tpu.memory_space<hbm>>
      %dma_start3A_703 = arith.constant 42 : i32
      %dma_start3A_704 = arith.constant 0 : i32
      %dma_start3A_705 = tpu.memref_slice %arg10[%dma_start3A_703, %dma_start3A_704] : memref<64x512xf32, #tpu.memory_space<vmem>> -> memref<1x512xf32, #tpu.memory_space<vmem>>
      %dma_start3A_706 = arith.constant 0 : i32
      %dma_start3A_707 = arith.constant 0 : i32
      %dma_start3A_708 = tpu.memref_slice %arg4[%squeeze3A_695, %dma_start3A_706, %dma_start3A_707] : memref<1000x1x512xf32, #tpu.memory_space<hbm>> -> memref<1x1x512xf32, #tpu.memory_space<hbm>>
      %dma_start3A_709 = tpu.memref_squeeze %dma_start3A_708 : memref<1x1x512xf32, #tpu.memory_space<hbm>> -> memref<1x512xf32, #tpu.memory_space<hbm>>
      tpu.enqueue_dma source(%dma_start3A_709 : memref<1x512xf32, #tpu.memory_space<hbm>>) target(%dma_start3A_705 : memref<1x512xf32, #tpu.memory_space<vmem>>) target_semaphore(%arg15 : memref<!tpu.dma_semaphore, #tpu.memory_space<semaphore_mem>>)
      %slice3A_710 = vector.extract_strided_slice %get3A_533 {offsets = [11], sizes = [1], strides = [1]} : vector<16xi32> to vector<1xi32>
      %squeeze3A_711 = vector.extract %slice3A_710[0] : i32 from vector<1xi32>
      %dma_start3A_712 = arith.constant 43 : i32
      %dma_start3A_713 = arith.constant 0 : i32
      %dma_start3A_714 = tpu.memref_slice %arg10[%dma_start3A_712, %dma_start3A_713] : memref<64x512xf32, #tpu.memory_space<vmem>> -> memref<1x512xf32, #tpu.memory_space<vmem>>
      %dma_start3A_715 = arith.constant 0 : i32
      %dma_start3A_716 = arith.constant 0 : i32
      %dma_start3A_717 = tpu.memref_slice %arg4[%squeeze3A_711, %dma_start3A_715, %dma_start3A_716] : memref<1000x1x512xf32, #tpu.memory_space<hbm>> -> memref<1x1x512xf32, #tpu.memory_space<hbm>>
      %dma_start3A_718 = tpu.memref_squeeze %dma_start3A_717 : memref<1x1x512xf32, #tpu.memory_space<hbm>> -> memref<1x512xf32, #tpu.memory_space<hbm>>
      %dma_start3A_719 = arith.constant 43 : i32
      %dma_start3A_720 = arith.constant 0 : i32
      %dma_start3A_721 = tpu.memref_slice %arg10[%dma_start3A_719, %dma_start3A_720] : memref<64x512xf32, #tpu.memory_space<vmem>> -> memref<1x512xf32, #tpu.memory_space<vmem>>
      %dma_start3A_722 = arith.constant 0 : i32
      %dma_start3A_723 = arith.constant 0 : i32
      %dma_start3A_724 = tpu.memref_slice %arg4[%squeeze3A_711, %dma_start3A_722, %dma_start3A_723] : memref<1000x1x512xf32, #tpu.memory_space<hbm>> -> memref<1x1x512xf32, #tpu.memory_space<hbm>>
      %dma_start3A_725 = tpu.memref_squeeze %dma_start3A_724 : memref<1x1x512xf32, #tpu.memory_space<hbm>> -> memref<1x512xf32, #tpu.memory_space<hbm>>
      tpu.enqueue_dma source(%dma_start3A_725 : memref<1x512xf32, #tpu.memory_space<hbm>>) target(%dma_start3A_721 : memref<1x512xf32, #tpu.memory_space<vmem>>) target_semaphore(%arg15 : memref<!tpu.dma_semaphore, #tpu.memory_space<semaphore_mem>>)
      %slice3A_726 = vector.extract_strided_slice %get3A_533 {offsets = [12], sizes = [1], strides = [1]} : vector<16xi32> to vector<1xi32>
      %squeeze3A_727 = vector.extract %slice3A_726[0] : i32 from vector<1xi32>
      %dma_start3A_728 = arith.constant 44 : i32
      %dma_start3A_729 = arith.constant 0 : i32
      %dma_start3A_730 = tpu.memref_slice %arg10[%dma_start3A_728, %dma_start3A_729] : memref<64x512xf32, #tpu.memory_space<vmem>> -> memref<1x512xf32, #tpu.memory_space<vmem>>
      %dma_start3A_731 = arith.constant 0 : i32
      %dma_start3A_732 = arith.constant 0 : i32
      %dma_start3A_733 = tpu.memref_slice %arg4[%squeeze3A_727, %dma_start3A_731, %dma_start3A_732] : memref<1000x1x512xf32, #tpu.memory_space<hbm>> -> memref<1x1x512xf32, #tpu.memory_space<hbm>>
      %dma_start3A_734 = tpu.memref_squeeze %dma_start3A_733 : memref<1x1x512xf32, #tpu.memory_space<hbm>> -> memref<1x512xf32, #tpu.memory_space<hbm>>
      %dma_start3A_735 = arith.constant 44 : i32
      %dma_start3A_736 = arith.constant 0 : i32
      %dma_start3A_737 = tpu.memref_slice %arg10[%dma_start3A_735, %dma_start3A_736] : memref<64x512xf32, #tpu.memory_space<vmem>> -> memref<1x512xf32, #tpu.memory_space<vmem>>
      %dma_start3A_738 = arith.constant 0 : i32
      %dma_start3A_739 = arith.constant 0 : i32
      %dma_start3A_740 = tpu.memref_slice %arg4[%squeeze3A_727, %dma_start3A_738, %dma_start3A_739] : memref<1000x1x512xf32, #tpu.memory_space<hbm>> -> memref<1x1x512xf32, #tpu.memory_space<hbm>>
      %dma_start3A_741 = tpu.memref_squeeze %dma_start3A_740 : memref<1x1x512xf32, #tpu.memory_space<hbm>> -> memref<1x512xf32, #tpu.memory_space<hbm>>
      tpu.enqueue_dma source(%dma_start3A_741 : memref<1x512xf32, #tpu.memory_space<hbm>>) target(%dma_start3A_737 : memref<1x512xf32, #tpu.memory_space<vmem>>) target_semaphore(%arg15 : memref<!tpu.dma_semaphore, #tpu.memory_space<semaphore_mem>>)
      %slice3A_742 = vector.extract_strided_slice %get3A_533 {offsets = [13], sizes = [1], strides = [1]} : vector<16xi32> to vector<1xi32>
      %squeeze3A_743 = vector.extract %slice3A_742[0] : i32 from vector<1xi32>
      %dma_start3A_744 = arith.constant 45 : i32
      %dma_start3A_745 = arith.constant 0 : i32
      %dma_start3A_746 = tpu.memref_slice %arg10[%dma_start3A_744, %dma_start3A_745] : memref<64x512xf32, #tpu.memory_space<vmem>> -> memref<1x512xf32, #tpu.memory_space<vmem>>
      %dma_start3A_747 = arith.constant 0 : i32
      %dma_start3A_748 = arith.constant 0 : i32
      %dma_start3A_749 = tpu.memref_slice %arg4[%squeeze3A_743, %dma_start3A_747, %dma_start3A_748] : memref<1000x1x512xf32, #tpu.memory_space<hbm>> -> memref<1x1x512xf32, #tpu.memory_space<hbm>>
      %dma_start3A_750 = tpu.memref_squeeze %dma_start3A_749 : memref<1x1x512xf32, #tpu.memory_space<hbm>> -> memref<1x512xf32, #tpu.memory_space<hbm>>
      %dma_start3A_751 = arith.constant 45 : i32
      %dma_start3A_752 = arith.constant 0 : i32
      %dma_start3A_753 = tpu.memref_slice %arg10[%dma_start3A_751, %dma_start3A_752] : memref<64x512xf32, #tpu.memory_space<vmem>> -> memref<1x512xf32, #tpu.memory_space<vmem>>
      %dma_start3A_754 = arith.constant 0 : i32
      %dma_start3A_755 = arith.constant 0 : i32
      %dma_start3A_756 = tpu.memref_slice %arg4[%squeeze3A_743, %dma_start3A_754, %dma_start3A_755] : memref<1000x1x512xf32, #tpu.memory_space<hbm>> -> memref<1x1x512xf32, #tpu.memory_space<hbm>>
      %dma_start3A_757 = tpu.memref_squeeze %dma_start3A_756 : memref<1x1x512xf32, #tpu.memory_space<hbm>> -> memref<1x512xf32, #tpu.memory_space<hbm>>
      tpu.enqueue_dma source(%dma_start3A_757 : memref<1x512xf32, #tpu.memory_space<hbm>>) target(%dma_start3A_753 : memref<1x512xf32, #tpu.memory_space<vmem>>) target_semaphore(%arg15 : memref<!tpu.dma_semaphore, #tpu.memory_space<semaphore_mem>>)
      %slice3A_758 = vector.extract_strided_slice %get3A_533 {offsets = [14], sizes = [1], strides = [1]} : vector<16xi32> to vector<1xi32>
      %squeeze3A_759 = vector.extract %slice3A_758[0] : i32 from vector<1xi32>
      %dma_start3A_760 = arith.constant 46 : i32
      %dma_start3A_761 = arith.constant 0 : i32
      %dma_start3A_762 = tpu.memref_slice %arg10[%dma_start3A_760, %dma_start3A_761] : memref<64x512xf32, #tpu.memory_space<vmem>> -> memref<1x512xf32, #tpu.memory_space<vmem>>
      %dma_start3A_763 = arith.constant 0 : i32
      %dma_start3A_764 = arith.constant 0 : i32
      %dma_start3A_765 = tpu.memref_slice %arg4[%squeeze3A_759, %dma_start3A_763, %dma_start3A_764] : memref<1000x1x512xf32, #tpu.memory_space<hbm>> -> memref<1x1x512xf32, #tpu.memory_space<hbm>>
      %dma_start3A_766 = tpu.memref_squeeze %dma_start3A_765 : memref<1x1x512xf32, #tpu.memory_space<hbm>> -> memref<1x512xf32, #tpu.memory_space<hbm>>
      %dma_start3A_767 = arith.constant 46 : i32
      %dma_start3A_768 = arith.constant 0 : i32
      %dma_start3A_769 = tpu.memref_slice %arg10[%dma_start3A_767, %dma_start3A_768] : memref<64x512xf32, #tpu.memory_space<vmem>> -> memref<1x512xf32, #tpu.memory_space<vmem>>
      %dma_start3A_770 = arith.constant 0 : i32
      %dma_start3A_771 = arith.constant 0 : i32
      %dma_start3A_772 = tpu.memref_slice %arg4[%squeeze3A_759, %dma_start3A_770, %dma_start3A_771] : memref<1000x1x512xf32, #tpu.memory_space<hbm>> -> memref<1x1x512xf32, #tpu.memory_space<hbm>>
      %dma_start3A_773 = tpu.memref_squeeze %dma_start3A_772 : memref<1x1x512xf32, #tpu.memory_space<hbm>> -> memref<1x512xf32, #tpu.memory_space<hbm>>
      tpu.enqueue_dma source(%dma_start3A_773 : memref<1x512xf32, #tpu.memory_space<hbm>>) target(%dma_start3A_769 : memref<1x512xf32, #tpu.memory_space<vmem>>) target_semaphore(%arg15 : memref<!tpu.dma_semaphore, #tpu.memory_space<semaphore_mem>>)
      %slice3A_774 = vector.extract_strided_slice %get3A_533 {offsets = [15], sizes = [1], strides = [1]} : vector<16xi32> to vector<1xi32>
      %squeeze3A_775 = vector.extract %slice3A_774[0] : i32 from vector<1xi32>
      %dma_start3A_776 = arith.constant 47 : i32
      %dma_start3A_777 = arith.constant 0 : i32
      %dma_start3A_778 = tpu.memref_slice %arg10[%dma_start3A_776, %dma_start3A_777] : memref<64x512xf32, #tpu.memory_space<vmem>> -> memref<1x512xf32, #tpu.memory_space<vmem>>
      %dma_start3A_779 = arith.constant 0 : i32
      %dma_start3A_780 = arith.constant 0 : i32
      %dma_start3A_781 = tpu.memref_slice %arg4[%squeeze3A_775, %dma_start3A_779, %dma_start3A_780] : memref<1000x1x512xf32, #tpu.memory_space<hbm>> -> memref<1x1x512xf32, #tpu.memory_space<hbm>>
      %dma_start3A_782 = tpu.memref_squeeze %dma_start3A_781 : memref<1x1x512xf32, #tpu.memory_space<hbm>> -> memref<1x512xf32, #tpu.memory_space<hbm>>
      %dma_start3A_783 = arith.constant 47 : i32
      %dma_start3A_784 = arith.constant 0 : i32
      %dma_start3A_785 = tpu.memref_slice %arg10[%dma_start3A_783, %dma_start3A_784] : memref<64x512xf32, #tpu.memory_space<vmem>> -> memref<1x512xf32, #tpu.memory_space<vmem>>
      %dma_start3A_786 = arith.constant 0 : i32
      %dma_start3A_787 = arith.constant 0 : i32
      %dma_start3A_788 = tpu.memref_slice %arg4[%squeeze3A_775, %dma_start3A_786, %dma_start3A_787] : memref<1000x1x512xf32, #tpu.memory_space<hbm>> -> memref<1x1x512xf32, #tpu.memory_space<hbm>>
      %dma_start3A_789 = tpu.memref_squeeze %dma_start3A_788 : memref<1x1x512xf32, #tpu.memory_space<hbm>> -> memref<1x512xf32, #tpu.memory_space<hbm>>
      tpu.enqueue_dma source(%dma_start3A_789 : memref<1x512xf32, #tpu.memory_space<hbm>>) target(%dma_start3A_785 : memref<1x512xf32, #tpu.memory_space<vmem>>) target_semaphore(%arg15 : memref<!tpu.dma_semaphore, #tpu.memory_space<semaphore_mem>>)
      %get3A_790 = arith.constant 48 : index
      %get3A_791 = tpu.vector_load %arg9[%get3A_790] {strides = array<i32>} : memref<64xi32, #tpu.memory_space<vmem>>, vector<16xi32>,
      %get3A_792 = vector.shape_cast %get3A_791 : vector<16xi32> to vector<16xi32>
      %slice3A_793 = vector.extract_strided_slice %get3A_792 {offsets = [0], sizes = [1], strides = [1]} : vector<16xi32> to vector<1xi32>
      %squeeze3A_794 = vector.extract %slice3A_793[0] : i32 from vector<1xi32>
      %dma_start3A_795 = arith.constant 48 : i32
      %dma_start3A_796 = arith.constant 0 : i32
      %dma_start3A_797 = tpu.memref_slice %arg10[%dma_start3A_795, %dma_start3A_796] : memref<64x512xf32, #tpu.memory_space<vmem>> -> memref<1x512xf32, #tpu.memory_space<vmem>>
      %dma_start3A_798 = arith.constant 0 : i32
      %dma_start3A_799 = arith.constant 0 : i32
      %dma_start3A_800 = tpu.memref_slice %arg4[%squeeze3A_794, %dma_start3A_798, %dma_start3A_799] : memref<1000x1x512xf32, #tpu.memory_space<hbm>> -> memref<1x1x512xf32, #tpu.memory_space<hbm>>
      %dma_start3A_801 = tpu.memref_squeeze %dma_start3A_800 : memref<1x1x512xf32, #tpu.memory_space<hbm>> -> memref<1x512xf32, #tpu.memory_space<hbm>>
      %dma_start3A_802 = arith.constant 48 : i32
      %dma_start3A_803 = arith.constant 0 : i32
      %dma_start3A_804 = tpu.memref_slice %arg10[%dma_start3A_802, %dma_start3A_803] : memref<64x512xf32, #tpu.memory_space<vmem>> -> memref<1x512xf32, #tpu.memory_space<vmem>>
      %dma_start3A_805 = arith.constant 0 : i32
      %dma_start3A_806 = arith.constant 0 : i32
      %dma_start3A_807 = tpu.memref_slice %arg4[%squeeze3A_794, %dma_start3A_805, %dma_start3A_806] : memref<1000x1x512xf32, #tpu.memory_space<hbm>> -> memref<1x1x512xf32, #tpu.memory_space<hbm>>
      %dma_start3A_808 = tpu.memref_squeeze %dma_start3A_807 : memref<1x1x512xf32, #tpu.memory_space<hbm>> -> memref<1x512xf32, #tpu.memory_space<hbm>>
      tpu.enqueue_dma source(%dma_start3A_808 : memref<1x512xf32, #tpu.memory_space<hbm>>) target(%dma_start3A_804 : memref<1x512xf32, #tpu.memory_space<vmem>>) target_semaphore(%arg15 : memref<!tpu.dma_semaphore, #tpu.memory_space<semaphore_mem>>)
      %slice3A_809 = vector.extract_strided_slice %get3A_792 {offsets = [1], sizes = [1], strides = [1]} : vector<16xi32> to vector<1xi32>
      %squeeze3A_810 = vector.extract %slice3A_809[0] : i32 from vector<1xi32>
      %dma_start3A_811 = arith.constant 49 : i32
      %dma_start3A_812 = arith.constant 0 : i32
      %dma_start3A_813 = tpu.memref_slice %arg10[%dma_start3A_811, %dma_start3A_812] : memref<64x512xf32, #tpu.memory_space<vmem>> -> memref<1x512xf32, #tpu.memory_space<vmem>>
      %dma_start3A_814 = arith.constant 0 : i32
      %dma_start3A_815 = arith.constant 0 : i32
      %dma_start3A_816 = tpu.memref_slice %arg4[%squeeze3A_810, %dma_start3A_814, %dma_start3A_815] : memref<1000x1x512xf32, #tpu.memory_space<hbm>> -> memref<1x1x512xf32, #tpu.memory_space<hbm>>
      %dma_start3A_817 = tpu.memref_squeeze %dma_start3A_816 : memref<1x1x512xf32, #tpu.memory_space<hbm>> -> memref<1x512xf32, #tpu.memory_space<hbm>>
      %dma_start3A_818 = arith.constant 49 : i32
      %dma_start3A_819 = arith.constant 0 : i32
      %dma_start3A_820 = tpu.memref_slice %arg10[%dma_start3A_818, %dma_start3A_819] : memref<64x512xf32, #tpu.memory_space<vmem>> -> memref<1x512xf32, #tpu.memory_space<vmem>>
      %dma_start3A_821 = arith.constant 0 : i32
      %dma_start3A_822 = arith.constant 0 : i32
      %dma_start3A_823 = tpu.memref_slice %arg4[%squeeze3A_810, %dma_start3A_821, %dma_start3A_822] : memref<1000x1x512xf32, #tpu.memory_space<hbm>> -> memref<1x1x512xf32, #tpu.memory_space<hbm>>
      %dma_start3A_824 = tpu.memref_squeeze %dma_start3A_823 : memref<1x1x512xf32, #tpu.memory_space<hbm>> -> memref<1x512xf32, #tpu.memory_space<hbm>>
      tpu.enqueue_dma source(%dma_start3A_824 : memref<1x512xf32, #tpu.memory_space<hbm>>) target(%dma_start3A_820 : memref<1x512xf32, #tpu.memory_space<vmem>>) target_semaphore(%arg15 : memref<!tpu.dma_semaphore, #tpu.memory_space<semaphore_mem>>)
      %slice3A_825 = vector.extract_strided_slice %get3A_792 {offsets = [2], sizes = [1], strides = [1]} : vector<16xi32> to vector<1xi32>
      %squeeze3A_826 = vector.extract %slice3A_825[0] : i32 from vector<1xi32>
      %dma_start3A_827 = arith.constant 50 : i32
      %dma_start3A_828 = arith.constant 0 : i32
      %dma_start3A_829 = tpu.memref_slice %arg10[%dma_start3A_827, %dma_start3A_828] : memref<64x512xf32, #tpu.memory_space<vmem>> -> memref<1x512xf32, #tpu.memory_space<vmem>>
      %dma_start3A_830 = arith.constant 0 : i32
      %dma_start3A_831 = arith.constant 0 : i32
      %dma_start3A_832 = tpu.memref_slice %arg4[%squeeze3A_826, %dma_start3A_830, %dma_start3A_831] : memref<1000x1x512xf32, #tpu.memory_space<hbm>> -> memref<1x1x512xf32, #tpu.memory_space<hbm>>
      %dma_start3A_833 = tpu.memref_squeeze %dma_start3A_832 : memref<1x1x512xf32, #tpu.memory_space<hbm>> -> memref<1x512xf32, #tpu.memory_space<hbm>>
      %dma_start3A_834 = arith.constant 50 : i32
      %dma_start3A_835 = arith.constant 0 : i32
      %dma_start3A_836 = tpu.memref_slice %arg10[%dma_start3A_834, %dma_start3A_835] : memref<64x512xf32, #tpu.memory_space<vmem>> -> memref<1x512xf32, #tpu.memory_space<vmem>>
      %dma_start3A_837 = arith.constant 0 : i32
      %dma_start3A_838 = arith.constant 0 : i32
      %dma_start3A_839 = tpu.memref_slice %arg4[%squeeze3A_826, %dma_start3A_837, %dma_start3A_838] : memref<1000x1x512xf32, #tpu.memory_space<hbm>> -> memref<1x1x512xf32, #tpu.memory_space<hbm>>
      %dma_start3A_840 = tpu.memref_squeeze %dma_start3A_839 : memref<1x1x512xf32, #tpu.memory_space<hbm>> -> memref<1x512xf32, #tpu.memory_space<hbm>>
      tpu.enqueue_dma source(%dma_start3A_840 : memref<1x512xf32, #tpu.memory_space<hbm>>) target(%dma_start3A_836 : memref<1x512xf32, #tpu.memory_space<vmem>>) target_semaphore(%arg15 : memref<!tpu.dma_semaphore, #tpu.memory_space<semaphore_mem>>)
      %slice3A_841 = vector.extract_strided_slice %get3A_792 {offsets = [3], sizes = [1], strides = [1]} : vector<16xi32> to vector<1xi32>
      %squeeze3A_842 = vector.extract %slice3A_841[0] : i32 from vector<1xi32>
      %dma_start3A_843 = arith.constant 51 : i32
      %dma_start3A_844 = arith.constant 0 : i32
      %dma_start3A_845 = tpu.memref_slice %arg10[%dma_start3A_843, %dma_start3A_844] : memref<64x512xf32, #tpu.memory_space<vmem>> -> memref<1x512xf32, #tpu.memory_space<vmem>>
      %dma_start3A_846 = arith.constant 0 : i32
      %dma_start3A_847 = arith.constant 0 : i32
      %dma_start3A_848 = tpu.memref_slice %arg4[%squeeze3A_842, %dma_start3A_846, %dma_start3A_847] : memref<1000x1x512xf32, #tpu.memory_space<hbm>> -> memref<1x1x512xf32, #tpu.memory_space<hbm>>
      %dma_start3A_849 = tpu.memref_squeeze %dma_start3A_848 : memref<1x1x512xf32, #tpu.memory_space<hbm>> -> memref<1x512xf32, #tpu.memory_space<hbm>>
      %dma_start3A_850 = arith.constant 51 : i32
      %dma_start3A_851 = arith.constant 0 : i32
      %dma_start3A_852 = tpu.memref_slice %arg10[%dma_start3A_850, %dma_start3A_851] : memref<64x512xf32, #tpu.memory_space<vmem>> -> memref<1x512xf32, #tpu.memory_space<vmem>>
      %dma_start3A_853 = arith.constant 0 : i32
      %dma_start3A_854 = arith.constant 0 : i32
      %dma_start3A_855 = tpu.memref_slice %arg4[%squeeze3A_842, %dma_start3A_853, %dma_start3A_854] : memref<1000x1x512xf32, #tpu.memory_space<hbm>> -> memref<1x1x512xf32, #tpu.memory_space<hbm>>
      %dma_start3A_856 = tpu.memref_squeeze %dma_start3A_855 : memref<1x1x512xf32, #tpu.memory_space<hbm>> -> memref<1x512xf32, #tpu.memory_space<hbm>>
      tpu.enqueue_dma source(%dma_start3A_856 : memref<1x512xf32, #tpu.memory_space<hbm>>) target(%dma_start3A_852 : memref<1x512xf32, #tpu.memory_space<vmem>>) target_semaphore(%arg15 : memref<!tpu.dma_semaphore, #tpu.memory_space<semaphore_mem>>)
      %slice3A_857 = vector.extract_strided_slice %get3A_792 {offsets = [4], sizes = [1], strides = [1]} : vector<16xi32> to vector<1xi32>
      %squeeze3A_858 = vector.extract %slice3A_857[0] : i32 from vector<1xi32>
      %dma_start3A_859 = arith.constant 52 : i32
      %dma_start3A_860 = arith.constant 0 : i32
      %dma_start3A_861 = tpu.memref_slice %arg10[%dma_start3A_859, %dma_start3A_860] : memref<64x512xf32, #tpu.memory_space<vmem>> -> memref<1x512xf32, #tpu.memory_space<vmem>>
      %dma_start3A_862 = arith.constant 0 : i32
      %dma_start3A_863 = arith.constant 0 : i32
      %dma_start3A_864 = tpu.memref_slice %arg4[%squeeze3A_858, %dma_start3A_862, %dma_start3A_863] : memref<1000x1x512xf32, #tpu.memory_space<hbm>> -> memref<1x1x512xf32, #tpu.memory_space<hbm>>
      %dma_start3A_865 = tpu.memref_squeeze %dma_start3A_864 : memref<1x1x512xf32, #tpu.memory_space<hbm>> -> memref<1x512xf32, #tpu.memory_space<hbm>>
      %dma_start3A_866 = arith.constant 52 : i32
      %dma_start3A_867 = arith.constant 0 : i32
      %dma_start3A_868 = tpu.memref_slice %arg10[%dma_start3A_866, %dma_start3A_867] : memref<64x512xf32, #tpu.memory_space<vmem>> -> memref<1x512xf32, #tpu.memory_space<vmem>>
      %dma_start3A_869 = arith.constant 0 : i32
      %dma_start3A_870 = arith.constant 0 : i32
      %dma_start3A_871 = tpu.memref_slice %arg4[%squeeze3A_858, %dma_start3A_869, %dma_start3A_870] : memref<1000x1x512xf32, #tpu.memory_space<hbm>> -> memref<1x1x512xf32, #tpu.memory_space<hbm>>
      %dma_start3A_872 = tpu.memref_squeeze %dma_start3A_871 : memref<1x1x512xf32, #tpu.memory_space<hbm>> -> memref<1x512xf32, #tpu.memory_space<hbm>>
      tpu.enqueue_dma source(%dma_start3A_872 : memref<1x512xf32, #tpu.memory_space<hbm>>) target(%dma_start3A_868 : memref<1x512xf32, #tpu.memory_space<vmem>>) target_semaphore(%arg15 : memref<!tpu.dma_semaphore, #tpu.memory_space<semaphore_mem>>)
      %slice3A_873 = vector.extract_strided_slice %get3A_792 {offsets = [5], sizes = [1], strides = [1]} : vector<16xi32> to vector<1xi32>
      %squeeze3A_874 = vector.extract %slice3A_873[0] : i32 from vector<1xi32>
      %dma_start3A_875 = arith.constant 53 : i32
      %dma_start3A_876 = arith.constant 0 : i32
      %dma_start3A_877 = tpu.memref_slice %arg10[%dma_start3A_875, %dma_start3A_876] : memref<64x512xf32, #tpu.memory_space<vmem>> -> memref<1x512xf32, #tpu.memory_space<vmem>>
      %dma_start3A_878 = arith.constant 0 : i32
      %dma_start3A_879 = arith.constant 0 : i32
      %dma_start3A_880 = tpu.memref_slice %arg4[%squeeze3A_874, %dma_start3A_878, %dma_start3A_879] : memref<1000x1x512xf32, #tpu.memory_space<hbm>> -> memref<1x1x512xf32, #tpu.memory_space<hbm>>
      %dma_start3A_881 = tpu.memref_squeeze %dma_start3A_880 : memref<1x1x512xf32, #tpu.memory_space<hbm>> -> memref<1x512xf32, #tpu.memory_space<hbm>>
      %dma_start3A_882 = arith.constant 53 : i32
      %dma_start3A_883 = arith.constant 0 : i32
      %dma_start3A_884 = tpu.memref_slice %arg10[%dma_start3A_882, %dma_start3A_883] : memref<64x512xf32, #tpu.memory_space<vmem>> -> memref<1x512xf32, #tpu.memory_space<vmem>>
      %dma_start3A_885 = arith.constant 0 : i32
      %dma_start3A_886 = arith.constant 0 : i32
      %dma_start3A_887 = tpu.memref_slice %arg4[%squeeze3A_874, %dma_start3A_885, %dma_start3A_886] : memref<1000x1x512xf32, #tpu.memory_space<hbm>> -> memref<1x1x512xf32, #tpu.memory_space<hbm>>
      %dma_start3A_888 = tpu.memref_squeeze %dma_start3A_887 : memref<1x1x512xf32, #tpu.memory_space<hbm>> -> memref<1x512xf32, #tpu.memory_space<hbm>>
      tpu.enqueue_dma source(%dma_start3A_888 : memref<1x512xf32, #tpu.memory_space<hbm>>) target(%dma_start3A_884 : memref<1x512xf32, #tpu.memory_space<vmem>>) target_semaphore(%arg15 : memref<!tpu.dma_semaphore, #tpu.memory_space<semaphore_mem>>)
      %slice3A_889 = vector.extract_strided_slice %get3A_792 {offsets = [6], sizes = [1], strides = [1]} : vector<16xi32> to vector<1xi32>
      %squeeze3A_890 = vector.extract %slice3A_889[0] : i32 from vector<1xi32>
      %dma_start3A_891 = arith.constant 54 : i32
      %dma_start3A_892 = arith.constant 0 : i32
      %dma_start3A_893 = tpu.memref_slice %arg10[%dma_start3A_891, %dma_start3A_892] : memref<64x512xf32, #tpu.memory_space<vmem>> -> memref<1x512xf32, #tpu.memory_space<vmem>>
      %dma_start3A_894 = arith.constant 0 : i32
      %dma_start3A_895 = arith.constant 0 : i32
      %dma_start3A_896 = tpu.memref_slice %arg4[%squeeze3A_890, %dma_start3A_894, %dma_start3A_895] : memref<1000x1x512xf32, #tpu.memory_space<hbm>> -> memref<1x1x512xf32, #tpu.memory_space<hbm>>
      %dma_start3A_897 = tpu.memref_squeeze %dma_start3A_896 : memref<1x1x512xf32, #tpu.memory_space<hbm>> -> memref<1x512xf32, #tpu.memory_space<hbm>>
      %dma_start3A_898 = arith.constant 54 : i32
      %dma_start3A_899 = arith.constant 0 : i32
      %dma_start3A_900 = tpu.memref_slice %arg10[%dma_start3A_898, %dma_start3A_899] : memref<64x512xf32, #tpu.memory_space<vmem>> -> memref<1x512xf32, #tpu.memory_space<vmem>>
      %dma_start3A_901 = arith.constant 0 : i32
      %dma_start3A_902 = arith.constant 0 : i32
      %dma_start3A_903 = tpu.memref_slice %arg4[%squeeze3A_890, %dma_start3A_901, %dma_start3A_902] : memref<1000x1x512xf32, #tpu.memory_space<hbm>> -> memref<1x1x512xf32, #tpu.memory_space<hbm>>
      %dma_start3A_904 = tpu.memref_squeeze %dma_start3A_903 : memref<1x1x512xf32, #tpu.memory_space<hbm>> -> memref<1x512xf32, #tpu.memory_space<hbm>>
      tpu.enqueue_dma source(%dma_start3A_904 : memref<1x512xf32, #tpu.memory_space<hbm>>) target(%dma_start3A_900 : memref<1x512xf32, #tpu.memory_space<vmem>>) target_semaphore(%arg15 : memref<!tpu.dma_semaphore, #tpu.memory_space<semaphore_mem>>)
      %slice3A_905 = vector.extract_strided_slice %get3A_792 {offsets = [7], sizes = [1], strides = [1]} : vector<16xi32> to vector<1xi32>
      %squeeze3A_906 = vector.extract %slice3A_905[0] : i32 from vector<1xi32>
      %dma_start3A_907 = arith.constant 55 : i32
      %dma_start3A_908 = arith.constant 0 : i32
      %dma_start3A_909 = tpu.memref_slice %arg10[%dma_start3A_907, %dma_start3A_908] : memref<64x512xf32, #tpu.memory_space<vmem>> -> memref<1x512xf32, #tpu.memory_space<vmem>>
      %dma_start3A_910 = arith.constant 0 : i32
      %dma_start3A_911 = arith.constant 0 : i32
      %dma_start3A_912 = tpu.memref_slice %arg4[%squeeze3A_906, %dma_start3A_910, %dma_start3A_911] : memref<1000x1x512xf32, #tpu.memory_space<hbm>> -> memref<1x1x512xf32, #tpu.memory_space<hbm>>
      %dma_start3A_913 = tpu.memref_squeeze %dma_start3A_912 : memref<1x1x512xf32, #tpu.memory_space<hbm>> -> memref<1x512xf32, #tpu.memory_space<hbm>>
      %dma_start3A_914 = arith.constant 55 : i32
      %dma_start3A_915 = arith.constant 0 : i32
      %dma_start3A_916 = tpu.memref_slice %arg10[%dma_start3A_914, %dma_start3A_915] : memref<64x512xf32, #tpu.memory_space<vmem>> -> memref<1x512xf32, #tpu.memory_space<vmem>>
      %dma_start3A_917 = arith.constant 0 : i32
      %dma_start3A_918 = arith.constant 0 : i32
      %dma_start3A_919 = tpu.memref_slice %arg4[%squeeze3A_906, %dma_start3A_917, %dma_start3A_918] : memref<1000x1x512xf32, #tpu.memory_space<hbm>> -> memref<1x1x512xf32, #tpu.memory_space<hbm>>
      %dma_start3A_920 = tpu.memref_squeeze %dma_start3A_919 : memref<1x1x512xf32, #tpu.memory_space<hbm>> -> memref<1x512xf32, #tpu.memory_space<hbm>>
      tpu.enqueue_dma source(%dma_start3A_920 : memref<1x512xf32, #tpu.memory_space<hbm>>) target(%dma_start3A_916 : memref<1x512xf32, #tpu.memory_space<vmem>>) target_semaphore(%arg15 : memref<!tpu.dma_semaphore, #tpu.memory_space<semaphore_mem>>)
      %slice3A_921 = vector.extract_strided_slice %get3A_792 {offsets = [8], sizes = [1], strides = [1]} : vector<16xi32> to vector<1xi32>
      %squeeze3A_922 = vector.extract %slice3A_921[0] : i32 from vector<1xi32>
      %dma_start3A_923 = arith.constant 56 : i32
      %dma_start3A_924 = arith.constant 0 : i32
      %dma_start3A_925 = tpu.memref_slice %arg10[%dma_start3A_923, %dma_start3A_924] : memref<64x512xf32, #tpu.memory_space<vmem>> -> memref<1x512xf32, #tpu.memory_space<vmem>>
      %dma_start3A_926 = arith.constant 0 : i32
      %dma_start3A_927 = arith.constant 0 : i32
      %dma_start3A_928 = tpu.memref_slice %arg4[%squeeze3A_922, %dma_start3A_926, %dma_start3A_927] : memref<1000x1x512xf32, #tpu.memory_space<hbm>> -> memref<1x1x512xf32, #tpu.memory_space<hbm>>
      %dma_start3A_929 = tpu.memref_squeeze %dma_start3A_928 : memref<1x1x512xf32, #tpu.memory_space<hbm>> -> memref<1x512xf32, #tpu.memory_space<hbm>>
      %dma_start3A_930 = arith.constant 56 : i32
      %dma_start3A_931 = arith.constant 0 : i32
      %dma_start3A_932 = tpu.memref_slice %arg10[%dma_start3A_930, %dma_start3A_931] : memref<64x512xf32, #tpu.memory_space<vmem>> -> memref<1x512xf32, #tpu.memory_space<vmem>>
      %dma_start3A_933 = arith.constant 0 : i32
      %dma_start3A_934 = arith.constant 0 : i32
      %dma_start3A_935 = tpu.memref_slice %arg4[%squeeze3A_922, %dma_start3A_933, %dma_start3A_934] : memref<1000x1x512xf32, #tpu.memory_space<hbm>> -> memref<1x1x512xf32, #tpu.memory_space<hbm>>
      %dma_start3A_936 = tpu.memref_squeeze %dma_start3A_935 : memref<1x1x512xf32, #tpu.memory_space<hbm>> -> memref<1x512xf32, #tpu.memory_space<hbm>>
      tpu.enqueue_dma source(%dma_start3A_936 : memref<1x512xf32, #tpu.memory_space<hbm>>) target(%dma_start3A_932 : memref<1x512xf32, #tpu.memory_space<vmem>>) target_semaphore(%arg15 : memref<!tpu.dma_semaphore, #tpu.memory_space<semaphore_mem>>)
      %slice3A_937 = vector.extract_strided_slice %get3A_792 {offsets = [9], sizes = [1], strides = [1]} : vector<16xi32> to vector<1xi32>
      %squeeze3A_938 = vector.extract %slice3A_937[0] : i32 from vector<1xi32>
      %dma_start3A_939 = arith.constant 57 : i32
      %dma_start3A_940 = arith.constant 0 : i32
      %dma_start3A_941 = tpu.memref_slice %arg10[%dma_start3A_939, %dma_start3A_940] : memref<64x512xf32, #tpu.memory_space<vmem>> -> memref<1x512xf32, #tpu.memory_space<vmem>>
      %dma_start3A_942 = arith.constant 0 : i32
      %dma_start3A_943 = arith.constant 0 : i32
      %dma_start3A_944 = tpu.memref_slice %arg4[%squeeze3A_938, %dma_start3A_942, %dma_start3A_943] : memref<1000x1x512xf32, #tpu.memory_space<hbm>> -> memref<1x1x512xf32, #tpu.memory_space<hbm>>
      %dma_start3A_945 = tpu.memref_squeeze %dma_start3A_944 : memref<1x1x512xf32, #tpu.memory_space<hbm>> -> memref<1x512xf32, #tpu.memory_space<hbm>>
      %dma_start3A_946 = arith.constant 57 : i32
      %dma_start3A_947 = arith.constant 0 : i32
      %dma_start3A_948 = tpu.memref_slice %arg10[%dma_start3A_946, %dma_start3A_947] : memref<64x512xf32, #tpu.memory_space<vmem>> -> memref<1x512xf32, #tpu.memory_space<vmem>>
      %dma_start3A_949 = arith.constant 0 : i32
      %dma_start3A_950 = arith.constant 0 : i32
      %dma_start3A_951 = tpu.memref_slice %arg4[%squeeze3A_938, %dma_start3A_949, %dma_start3A_950] : memref<1000x1x512xf32, #tpu.memory_space<hbm>> -> memref<1x1x512xf32, #tpu.memory_space<hbm>>
      %dma_start3A_952 = tpu.memref_squeeze %dma_start3A_951 : memref<1x1x512xf32, #tpu.memory_space<hbm>> -> memref<1x512xf32, #tpu.memory_space<hbm>>
      tpu.enqueue_dma source(%dma_start3A_952 : memref<1x512xf32, #tpu.memory_space<hbm>>) target(%dma_start3A_948 : memref<1x512xf32, #tpu.memory_space<vmem>>) target_semaphore(%arg15 : memref<!tpu.dma_semaphore, #tpu.memory_space<semaphore_mem>>)
      %slice3A_953 = vector.extract_strided_slice %get3A_792 {offsets = [10], sizes = [1], strides = [1]} : vector<16xi32> to vector<1xi32>
      %squeeze3A_954 = vector.extract %slice3A_953[0] : i32 from vector<1xi32>
      %dma_start3A_955 = arith.constant 58 : i32
      %dma_start3A_956 = arith.constant 0 : i32
      %dma_start3A_957 = tpu.memref_slice %arg10[%dma_start3A_955, %dma_start3A_956] : memref<64x512xf32, #tpu.memory_space<vmem>> -> memref<1x512xf32, #tpu.memory_space<vmem>>
      %dma_start3A_958 = arith.constant 0 : i32
      %dma_start3A_959 = arith.constant 0 : i32
      %dma_start3A_960 = tpu.memref_slice %arg4[%squeeze3A_954, %dma_start3A_958, %dma_start3A_959] : memref<1000x1x512xf32, #tpu.memory_space<hbm>> -> memref<1x1x512xf32, #tpu.memory_space<hbm>>
      %dma_start3A_961 = tpu.memref_squeeze %dma_start3A_960 : memref<1x1x512xf32, #tpu.memory_space<hbm>> -> memref<1x512xf32, #tpu.memory_space<hbm>>
      %dma_start3A_962 = arith.constant 58 : i32
      %dma_start3A_963 = arith.constant 0 : i32
      %dma_start3A_964 = tpu.memref_slice %arg10[%dma_start3A_962, %dma_start3A_963] : memref<64x512xf32, #tpu.memory_space<vmem>> -> memref<1x512xf32, #tpu.memory_space<vmem>>
      %dma_start3A_965 = arith.constant 0 : i32
      %dma_start3A_966 = arith.constant 0 : i32
      %dma_start3A_967 = tpu.memref_slice %arg4[%squeeze3A_954, %dma_start3A_965, %dma_start3A_966] : memref<1000x1x512xf32, #tpu.memory_space<hbm>> -> memref<1x1x512xf32, #tpu.memory_space<hbm>>
      %dma_start3A_968 = tpu.memref_squeeze %dma_start3A_967 : memref<1x1x512xf32, #tpu.memory_space<hbm>> -> memref<1x512xf32, #tpu.memory_space<hbm>>
      tpu.enqueue_dma source(%dma_start3A_968 : memref<1x512xf32, #tpu.memory_space<hbm>>) target(%dma_start3A_964 : memref<1x512xf32, #tpu.memory_space<vmem>>) target_semaphore(%arg15 : memref<!tpu.dma_semaphore, #tpu.memory_space<semaphore_mem>>)
      %slice3A_969 = vector.extract_strided_slice %get3A_792 {offsets = [11], sizes = [1], strides = [1]} : vector<16xi32> to vector<1xi32>
      %squeeze3A_970 = vector.extract %slice3A_969[0] : i32 from vector<1xi32>
      %dma_start3A_971 = arith.constant 59 : i32
      %dma_start3A_972 = arith.constant 0 : i32
      %dma_start3A_973 = tpu.memref_slice %arg10[%dma_start3A_971, %dma_start3A_972] : memref<64x512xf32, #tpu.memory_space<vmem>> -> memref<1x512xf32, #tpu.memory_space<vmem>>
      %dma_start3A_974 = arith.constant 0 : i32
      %dma_start3A_975 = arith.constant 0 : i32
      %dma_start3A_976 = tpu.memref_slice %arg4[%squeeze3A_970, %dma_start3A_974, %dma_start3A_975] : memref<1000x1x512xf32, #tpu.memory_space<hbm>> -> memref<1x1x512xf32, #tpu.memory_space<hbm>>
      %dma_start3A_977 = tpu.memref_squeeze %dma_start3A_976 : memref<1x1x512xf32, #tpu.memory_space<hbm>> -> memref<1x512xf32, #tpu.memory_space<hbm>>
      %dma_start3A_978 = arith.constant 59 : i32
      %dma_start3A_979 = arith.constant 0 : i32
      %dma_start3A_980 = tpu.memref_slice %arg10[%dma_start3A_978, %dma_start3A_979] : memref<64x512xf32, #tpu.memory_space<vmem>> -> memref<1x512xf32, #tpu.memory_space<vmem>>
      %dma_start3A_981 = arith.constant 0 : i32
      %dma_start3A_982 = arith.constant 0 : i32
      %dma_start3A_983 = tpu.memref_slice %arg4[%squeeze3A_970, %dma_start3A_981, %dma_start3A_982] : memref<1000x1x512xf32, #tpu.memory_space<hbm>> -> memref<1x1x512xf32, #tpu.memory_space<hbm>>
      %dma_start3A_984 = tpu.memref_squeeze %dma_start3A_983 : memref<1x1x512xf32, #tpu.memory_space<hbm>> -> memref<1x512xf32, #tpu.memory_space<hbm>>
      tpu.enqueue_dma source(%dma_start3A_984 : memref<1x512xf32, #tpu.memory_space<hbm>>) target(%dma_start3A_980 : memref<1x512xf32, #tpu.memory_space<vmem>>) target_semaphore(%arg15 : memref<!tpu.dma_semaphore, #tpu.memory_space<semaphore_mem>>)
      %slice3A_985 = vector.extract_strided_slice %get3A_792 {offsets = [12], sizes = [1], strides = [1]} : vector<16xi32> to vector<1xi32>
      %squeeze3A_986 = vector.extract %slice3A_985[0] : i32 from vector<1xi32>
      %dma_start3A_987 = arith.constant 60 : i32
      %dma_start3A_988 = arith.constant 0 : i32
      %dma_start3A_989 = tpu.memref_slice %arg10[%dma_start3A_987, %dma_start3A_988] : memref<64x512xf32, #tpu.memory_space<vmem>> -> memref<1x512xf32, #tpu.memory_space<vmem>>
      %dma_start3A_990 = arith.constant 0 : i32
      %dma_start3A_991 = arith.constant 0 : i32
      %dma_start3A_992 = tpu.memref_slice %arg4[%squeeze3A_986, %dma_start3A_990, %dma_start3A_991] : memref<1000x1x512xf32, #tpu.memory_space<hbm>> -> memref<1x1x512xf32, #tpu.memory_space<hbm>>
      %dma_start3A_993 = tpu.memref_squeeze %dma_start3A_992 : memref<1x1x512xf32, #tpu.memory_space<hbm>> -> memref<1x512xf32, #tpu.memory_space<hbm>>
      %dma_start3A_994 = arith.constant 60 : i32
      %dma_start3A_995 = arith.constant 0 : i32
      %dma_start3A_996 = tpu.memref_slice %arg10[%dma_start3A_994, %dma_start3A_995] : memref<64x512xf32, #tpu.memory_space<vmem>> -> memref<1x512xf32, #tpu.memory_space<vmem>>
      %dma_start3A_997 = arith.constant 0 : i32
      %dma_start3A_998 = arith.constant 0 : i32
      %dma_start3A_999 = tpu.memref_slice %arg4[%squeeze3A_986, %dma_start3A_997, %dma_start3A_998] : memref<1000x1x512xf32, #tpu.memory_space<hbm>> -> memref<1x1x512xf32, #tpu.memory_space<hbm>>
      %dma_start3A_1000 = tpu.memref_squeeze %dma_start3A_999 : memref<1x1x512xf32, #tpu.memory_space<hbm>> -> memref<1x512xf32, #tpu.memory_space<hbm>>
      tpu.enqueue_dma source(%dma_start3A_1000 : memref<1x512xf32, #tpu.memory_space<hbm>>) target(%dma_start3A_996 : memref<1x512xf32, #tpu.memory_space<vmem>>) target_semaphore(%arg15 : memref<!tpu.dma_semaphore, #tpu.memory_space<semaphore_mem>>)
      %slice3A_1001 = vector.extract_strided_slice %get3A_792 {offsets = [13], sizes = [1], strides = [1]} : vector<16xi32> to vector<1xi32>
      %squeeze3A_1002 = vector.extract %slice3A_1001[0] : i32 from vector<1xi32>
      %dma_start3A_1003 = arith.constant 61 : i32
      %dma_start3A_1004 = arith.constant 0 : i32
      %dma_start3A_1005 = tpu.memref_slice %arg10[%dma_start3A_1003, %dma_start3A_1004] : memref<64x512xf32, #tpu.memory_space<vmem>> -> memref<1x512xf32, #tpu.memory_space<vmem>>
      %dma_start3A_1006 = arith.constant 0 : i32
      %dma_start3A_1007 = arith.constant 0 : i32
      %dma_start3A_1008 = tpu.memref_slice %arg4[%squeeze3A_1002, %dma_start3A_1006, %dma_start3A_1007] : memref<1000x1x512xf32, #tpu.memory_space<hbm>> -> memref<1x1x512xf32, #tpu.memory_space<hbm>>
      %dma_start3A_1009 = tpu.memref_squeeze %dma_start3A_1008 : memref<1x1x512xf32, #tpu.memory_space<hbm>> -> memref<1x512xf32, #tpu.memory_space<hbm>>
      %dma_start3A_1010 = arith.constant 61 : i32
      %dma_start3A_1011 = arith.constant 0 : i32
      %dma_start3A_1012 = tpu.memref_slice %arg10[%dma_start3A_1010, %dma_start3A_1011] : memref<64x512xf32, #tpu.memory_space<vmem>> -> memref<1x512xf32, #tpu.memory_space<vmem>>
      %dma_start3A_1013 = arith.constant 0 : i32
      %dma_start3A_1014 = arith.constant 0 : i32
      %dma_start3A_1015 = tpu.memref_slice %arg4[%squeeze3A_1002, %dma_start3A_1013, %dma_start3A_1014] : memref<1000x1x512xf32, #tpu.memory_space<hbm>> -> memref<1x1x512xf32, #tpu.memory_space<hbm>>
      %dma_start3A_1016 = tpu.memref_squeeze %dma_start3A_1015 : memref<1x1x512xf32, #tpu.memory_space<hbm>> -> memref<1x512xf32, #tpu.memory_space<hbm>>
      tpu.enqueue_dma source(%dma_start3A_1016 : memref<1x512xf32, #tpu.memory_space<hbm>>) target(%dma_start3A_1012 : memref<1x512xf32, #tpu.memory_space<vmem>>) target_semaphore(%arg15 : memref<!tpu.dma_semaphore, #tpu.memory_space<semaphore_mem>>)
      %slice3A_1017 = vector.extract_strided_slice %get3A_792 {offsets = [14], sizes = [1], strides = [1]} : vector<16xi32> to vector<1xi32>
      %squeeze3A_1018 = vector.extract %slice3A_1017[0] : i32 from vector<1xi32>
      %dma_start3A_1019 = arith.constant 62 : i32
      %dma_start3A_1020 = arith.constant 0 : i32
      %dma_start3A_1021 = tpu.memref_slice %arg10[%dma_start3A_1019, %dma_start3A_1020] : memref<64x512xf32, #tpu.memory_space<vmem>> -> memref<1x512xf32, #tpu.memory_space<vmem>>
      %dma_start3A_1022 = arith.constant 0 : i32
      %dma_start3A_1023 = arith.constant 0 : i32
      %dma_start3A_1024 = tpu.memref_slice %arg4[%squeeze3A_1018, %dma_start3A_1022, %dma_start3A_1023] : memref<1000x1x512xf32, #tpu.memory_space<hbm>> -> memref<1x1x512xf32, #tpu.memory_space<hbm>>
      %dma_start3A_1025 = tpu.memref_squeeze %dma_start3A_1024 : memref<1x1x512xf32, #tpu.memory_space<hbm>> -> memref<1x512xf32, #tpu.memory_space<hbm>>
      %dma_start3A_1026 = arith.constant 62 : i32
      %dma_start3A_1027 = arith.constant 0 : i32
      %dma_start3A_1028 = tpu.memref_slice %arg10[%dma_start3A_1026, %dma_start3A_1027] : memref<64x512xf32, #tpu.memory_space<vmem>> -> memref<1x512xf32, #tpu.memory_space<vmem>>
      %dma_start3A_1029 = arith.constant 0 : i32
      %dma_start3A_1030 = arith.constant 0 : i32
      %dma_start3A_1031 = tpu.memref_slice %arg4[%squeeze3A_1018, %dma_start3A_1029, %dma_start3A_1030] : memref<1000x1x512xf32, #tpu.memory_space<hbm>> -> memref<1x1x512xf32, #tpu.memory_space<hbm>>
      %dma_start3A_1032 = tpu.memref_squeeze %dma_start3A_1031 : memref<1x1x512xf32, #tpu.memory_space<hbm>> -> memref<1x512xf32, #tpu.memory_space<hbm>>
      tpu.enqueue_dma source(%dma_start3A_1032 : memref<1x512xf32, #tpu.memory_space<hbm>>) target(%dma_start3A_1028 : memref<1x512xf32, #tpu.memory_space<vmem>>) target_semaphore(%arg15 : memref<!tpu.dma_semaphore, #tpu.memory_space<semaphore_mem>>)
      %slice3A_1033 = vector.extract_strided_slice %get3A_792 {offsets = [15], sizes = [1], strides = [1]} : vector<16xi32> to vector<1xi32>
      %squeeze3A_1034 = vector.extract %slice3A_1033[0] : i32 from vector<1xi32>
      %dma_start3A_1035 = arith.constant 63 : i32
      %dma_start3A_1036 = arith.constant 0 : i32
      %dma_start3A_1037 = tpu.memref_slice %arg10[%dma_start3A_1035, %dma_start3A_1036] : memref<64x512xf32, #tpu.memory_space<vmem>> -> memref<1x512xf32, #tpu.memory_space<vmem>>
      %dma_start3A_1038 = arith.constant 0 : i32
      %dma_start3A_1039 = arith.constant 0 : i32
      %dma_start3A_1040 = tpu.memref_slice %arg4[%squeeze3A_1034, %dma_start3A_1038, %dma_start3A_1039] : memref<1000x1x512xf32, #tpu.memory_space<hbm>> -> memref<1x1x512xf32, #tpu.memory_space<hbm>>
      %dma_start3A_1041 = tpu.memref_squeeze %dma_start3A_1040 : memref<1x1x512xf32, #tpu.memory_space<hbm>> -> memref<1x512xf32, #tpu.memory_space<hbm>>
      %dma_start3A_1042 = arith.constant 63 : i32
      %dma_start3A_1043 = arith.constant 0 : i32
      %dma_start3A_1044 = tpu.memref_slice %arg10[%dma_start3A_1042, %dma_start3A_1043] : memref<64x512xf32, #tpu.memory_space<vmem>> -> memref<1x512xf32, #tpu.memory_space<vmem>>
      %dma_start3A_1045 = arith.constant 0 : i32
      %dma_start3A_1046 = arith.constant 0 : i32
      %dma_start3A_1047 = tpu.memref_slice %arg4[%squeeze3A_1034, %dma_start3A_1045, %dma_start3A_1046] : memref<1000x1x512xf32, #tpu.memory_space<hbm>> -> memref<1x1x512xf32, #tpu.memory_space<hbm>>
      %dma_start3A_1048 = tpu.memref_squeeze %dma_start3A_1047 : memref<1x1x512xf32, #tpu.memory_space<hbm>> -> memref<1x512xf32, #tpu.memory_space<hbm>>
      tpu.enqueue_dma source(%dma_start3A_1048 : memref<1x512xf32, #tpu.memory_space<hbm>>) target(%dma_start3A_1044 : memref<1x512xf32, #tpu.memory_space<vmem>>) target_semaphore(%arg15 : memref<!tpu.dma_semaphore, #tpu.memory_space<semaphore_mem>>)
      %dma_wait3A = arith.constant 0 : i32
      %dma_wait3A_1049 = arith.constant 0 : i32
      %dma_wait3A_1050 = tpu.memref_slice %arg10[%dma_wait3A, %dma_wait3A_1049] : memref<64x512xf32, #tpu.memory_space<vmem>> -> memref<1x512xf32, #tpu.memory_space<vmem>>
      %dma_wait3A_1051 = arith.constant 0 : i32
      %dma_wait3A_1052 = arith.constant 0 : i32
      %dma_wait3A_1053 = tpu.memref_slice %arg4[%squeeze3A, %dma_wait3A_1051, %dma_wait3A_1052] : memref<1000x1x512xf32, #tpu.memory_space<hbm>> -> memref<1x1x512xf32, #tpu.memory_space<hbm>>
      %dma_wait3A_1054 = tpu.memref_squeeze %dma_wait3A_1053 : memref<1x1x512xf32, #tpu.memory_space<hbm>> -> memref<1x512xf32, #tpu.memory_space<hbm>>
      %dma_wait3A_1055 = arith.constant 0 : i32
      %dma_wait3A_1056 = arith.constant 0 : i32
      %dma_wait3A_1057 = tpu.memref_slice %arg10[%dma_wait3A_1055, %dma_wait3A_1056] : memref<64x512xf32, #tpu.memory_space<vmem>> -> memref<1x512xf32, #tpu.memory_space<vmem>>
      %dma_wait3A_1058 = arith.constant 0 : i32
      %dma_wait3A_1059 = arith.constant 0 : i32
      %dma_wait3A_1060 = tpu.memref_slice %arg4[%squeeze3A, %dma_wait3A_1058, %dma_wait3A_1059] : memref<1000x1x512xf32, #tpu.memory_space<hbm>> -> memref<1x1x512xf32, #tpu.memory_space<hbm>>
      %dma_wait3A_1061 = tpu.memref_squeeze %dma_wait3A_1060 : memref<1x1x512xf32, #tpu.memory_space<hbm>> -> memref<1x512xf32, #tpu.memory_space<hbm>>
      tpu.wait_dma2 semaphore(%arg15 : memref<!tpu.dma_semaphore, #tpu.memory_space<semaphore_mem>>) src(%dma_wait3A_1061 : memref<1x512xf32, #tpu.memory_space<hbm>>) dst(%dma_wait3A_1057 : memref<1x512xf32, #tpu.memory_space<vmem>>)
      %dma_wait3A_1062 = arith.constant 1 : i32
      %dma_wait3A_1063 = arith.constant 0 : i32
      %dma_wait3A_1064 = tpu.memref_slice %arg10[%dma_wait3A_1062, %dma_wait3A_1063] : memref<64x512xf32, #tpu.memory_space<vmem>> -> memref<1x512xf32, #tpu.memory_space<vmem>>
      %dma_wait3A_1065 = arith.constant 0 : i32
      %dma_wait3A_1066 = arith.constant 0 : i32
      %dma_wait3A_1067 = tpu.memref_slice %arg4[%squeeze3A_33, %dma_wait3A_1065, %dma_wait3A_1066] : memref<1000x1x512xf32, #tpu.memory_space<hbm>> -> memref<1x1x512xf32, #tpu.memory_space<hbm>>
      %dma_wait3A_1068 = tpu.memref_squeeze %dma_wait3A_1067 : memref<1x1x512xf32, #tpu.memory_space<hbm>> -> memref<1x512xf32, #tpu.memory_space<hbm>>
      %dma_wait3A_1069 = arith.constant 1 : i32
      %dma_wait3A_1070 = arith.constant 0 : i32
      %dma_wait3A_1071 = tpu.memref_slice %arg10[%dma_wait3A_1069, %dma_wait3A_1070] : memref<64x512xf32, #tpu.memory_space<vmem>> -> memref<1x512xf32, #tpu.memory_space<vmem>>
      %dma_wait3A_1072 = arith.constant 0 : i32
      %dma_wait3A_1073 = arith.constant 0 : i32
      %dma_wait3A_1074 = tpu.memref_slice %arg4[%squeeze3A_33, %dma_wait3A_1072, %dma_wait3A_1073] : memref<1000x1x512xf32, #tpu.memory_space<hbm>> -> memref<1x1x512xf32, #tpu.memory_space<hbm>>
      %dma_wait3A_1075 = tpu.memref_squeeze %dma_wait3A_1074 : memref<1x1x512xf32, #tpu.memory_space<hbm>> -> memref<1x512xf32, #tpu.memory_space<hbm>>
      tpu.wait_dma2 semaphore(%arg15 : memref<!tpu.dma_semaphore, #tpu.memory_space<semaphore_mem>>) src(%dma_wait3A_1075 : memref<1x512xf32, #tpu.memory_space<hbm>>) dst(%dma_wait3A_1071 : memref<1x512xf32, #tpu.memory_space<vmem>>)
      %dma_wait3A_1076 = arith.constant 2 : i32
      %dma_wait3A_1077 = arith.constant 0 : i32
      %dma_wait3A_1078 = tpu.memref_slice %arg10[%dma_wait3A_1076, %dma_wait3A_1077] : memref<64x512xf32, #tpu.memory_space<vmem>> -> memref<1x512xf32, #tpu.memory_space<vmem>>
      %dma_wait3A_1079 = arith.constant 0 : i32
      %dma_wait3A_1080 = arith.constant 0 : i32
      %dma_wait3A_1081 = tpu.memref_slice %arg4[%squeeze3A_49, %dma_wait3A_1079, %dma_wait3A_1080] : memref<1000x1x512xf32, #tpu.memory_space<hbm>> -> memref<1x1x512xf32, #tpu.memory_space<hbm>>
      %dma_wait3A_1082 = tpu.memref_squeeze %dma_wait3A_1081 : memref<1x1x512xf32, #tpu.memory_space<hbm>> -> memref<1x512xf32, #tpu.memory_space<hbm>>
      %dma_wait3A_1083 = arith.constant 2 : i32
      %dma_wait3A_1084 = arith.constant 0 : i32
      %dma_wait3A_1085 = tpu.memref_slice %arg10[%dma_wait3A_1083, %dma_wait3A_1084] : memref<64x512xf32, #tpu.memory_space<vmem>> -> memref<1x512xf32, #tpu.memory_space<vmem>>
      %dma_wait3A_1086 = arith.constant 0 : i32
      %dma_wait3A_1087 = arith.constant 0 : i32
      %dma_wait3A_1088 = tpu.memref_slice %arg4[%squeeze3A_49, %dma_wait3A_1086, %dma_wait3A_1087] : memref<1000x1x512xf32, #tpu.memory_space<hbm>> -> memref<1x1x512xf32, #tpu.memory_space<hbm>>
      %dma_wait3A_1089 = tpu.memref_squeeze %dma_wait3A_1088 : memref<1x1x512xf32, #tpu.memory_space<hbm>> -> memref<1x512xf32, #tpu.memory_space<hbm>>
      tpu.wait_dma2 semaphore(%arg15 : memref<!tpu.dma_semaphore, #tpu.memory_space<semaphore_mem>>) src(%dma_wait3A_1089 : memref<1x512xf32, #tpu.memory_space<hbm>>) dst(%dma_wait3A_1085 : memref<1x512xf32, #tpu.memory_space<vmem>>)
      %dma_wait3A_1090 = arith.constant 3 : i32
      %dma_wait3A_1091 = arith.constant 0 : i32
      %dma_wait3A_1092 = tpu.memref_slice %arg10[%dma_wait3A_1090, %dma_wait3A_1091] : memref<64x512xf32, #tpu.memory_space<vmem>> -> memref<1x512xf32, #tpu.memory_space<vmem>>
      %dma_wait3A_1093 = arith.constant 0 : i32
      %dma_wait3A_1094 = arith.constant 0 : i32
      %dma_wait3A_1095 = tpu.memref_slice %arg4[%squeeze3A_65, %dma_wait3A_1093, %dma_wait3A_1094] : memref<1000x1x512xf32, #tpu.memory_space<hbm>> -> memref<1x1x512xf32, #tpu.memory_space<hbm>>
      %dma_wait3A_1096 = tpu.memref_squeeze %dma_wait3A_1095 : memref<1x1x512xf32, #tpu.memory_space<hbm>> -> memref<1x512xf32, #tpu.memory_space<hbm>>
      %dma_wait3A_1097 = arith.constant 3 : i32
      %dma_wait3A_1098 = arith.constant 0 : i32
      %dma_wait3A_1099 = tpu.memref_slice %arg10[%dma_wait3A_1097, %dma_wait3A_1098] : memref<64x512xf32, #tpu.memory_space<vmem>> -> memref<1x512xf32, #tpu.memory_space<vmem>>
      %dma_wait3A_1100 = arith.constant 0 : i32
      %dma_wait3A_1101 = arith.constant 0 : i32
      %dma_wait3A_1102 = tpu.memref_slice %arg4[%squeeze3A_65, %dma_wait3A_1100, %dma_wait3A_1101] : memref<1000x1x512xf32, #tpu.memory_space<hbm>> -> memref<1x1x512xf32, #tpu.memory_space<hbm>>
      %dma_wait3A_1103 = tpu.memref_squeeze %dma_wait3A_1102 : memref<1x1x512xf32, #tpu.memory_space<hbm>> -> memref<1x512xf32, #tpu.memory_space<hbm>>
      tpu.wait_dma2 semaphore(%arg15 : memref<!tpu.dma_semaphore, #tpu.memory_space<semaphore_mem>>) src(%dma_wait3A_1103 : memref<1x512xf32, #tpu.memory_space<hbm>>) dst(%dma_wait3A_1099 : memref<1x512xf32, #tpu.memory_space<vmem>>)
      %dma_wait3A_1104 = arith.constant 4 : i32
      %dma_wait3A_1105 = arith.constant 0 : i32
      %dma_wait3A_1106 = tpu.memref_slice %arg10[%dma_wait3A_1104, %dma_wait3A_1105] : memref<64x512xf32, #tpu.memory_space<vmem>> -> memref<1x512xf32, #tpu.memory_space<vmem>>
      %dma_wait3A_1107 = arith.constant 0 : i32
      %dma_wait3A_1108 = arith.constant 0 : i32
      %dma_wait3A_1109 = tpu.memref_slice %arg4[%squeeze3A_81, %dma_wait3A_1107, %dma_wait3A_1108] : memref<1000x1x512xf32, #tpu.memory_space<hbm>> -> memref<1x1x512xf32, #tpu.memory_space<hbm>>
      %dma_wait3A_1110 = tpu.memref_squeeze %dma_wait3A_1109 : memref<1x1x512xf32, #tpu.memory_space<hbm>> -> memref<1x512xf32, #tpu.memory_space<hbm>>
      %dma_wait3A_1111 = arith.constant 4 : i32
      %dma_wait3A_1112 = arith.constant 0 : i32
      %dma_wait3A_1113 = tpu.memref_slice %arg10[%dma_wait3A_1111, %dma_wait3A_1112] : memref<64x512xf32, #tpu.memory_space<vmem>> -> memref<1x512xf32, #tpu.memory_space<vmem>>
      %dma_wait3A_1114 = arith.constant 0 : i32
      %dma_wait3A_1115 = arith.constant 0 : i32
      %dma_wait3A_1116 = tpu.memref_slice %arg4[%squeeze3A_81, %dma_wait3A_1114, %dma_wait3A_1115] : memref<1000x1x512xf32, #tpu.memory_space<hbm>> -> memref<1x1x512xf32, #tpu.memory_space<hbm>>
      %dma_wait3A_1117 = tpu.memref_squeeze %dma_wait3A_1116 : memref<1x1x512xf32, #tpu.memory_space<hbm>> -> memref<1x512xf32, #tpu.memory_space<hbm>>
      tpu.wait_dma2 semaphore(%arg15 : memref<!tpu.dma_semaphore, #tpu.memory_space<semaphore_mem>>) src(%dma_wait3A_1117 : memref<1x512xf32, #tpu.memory_space<hbm>>) dst(%dma_wait3A_1113 : memref<1x512xf32, #tpu.memory_space<vmem>>)
      %dma_wait3A_1118 = arith.constant 5 : i32
      %dma_wait3A_1119 = arith.constant 0 : i32
      %dma_wait3A_1120 = tpu.memref_slice %arg10[%dma_wait3A_1118, %dma_wait3A_1119] : memref<64x512xf32, #tpu.memory_space<vmem>> -> memref<1x512xf32, #tpu.memory_space<vmem>>
      %dma_wait3A_1121 = arith.constant 0 : i32
      %dma_wait3A_1122 = arith.constant 0 : i32
      %dma_wait3A_1123 = tpu.memref_slice %arg4[%squeeze3A_97, %dma_wait3A_1121, %dma_wait3A_1122] : memref<1000x1x512xf32, #tpu.memory_space<hbm>> -> memref<1x1x512xf32, #tpu.memory_space<hbm>>
      %dma_wait3A_1124 = tpu.memref_squeeze %dma_wait3A_1123 : memref<1x1x512xf32, #tpu.memory_space<hbm>> -> memref<1x512xf32, #tpu.memory_space<hbm>>
      %dma_wait3A_1125 = arith.constant 5 : i32
      %dma_wait3A_1126 = arith.constant 0 : i32
      %dma_wait3A_1127 = tpu.memref_slice %arg10[%dma_wait3A_1125, %dma_wait3A_1126] : memref<64x512xf32, #tpu.memory_space<vmem>> -> memref<1x512xf32, #tpu.memory_space<vmem>>
      %dma_wait3A_1128 = arith.constant 0 : i32
      %dma_wait3A_1129 = arith.constant 0 : i32
      %dma_wait3A_1130 = tpu.memref_slice %arg4[%squeeze3A_97, %dma_wait3A_1128, %dma_wait3A_1129] : memref<1000x1x512xf32, #tpu.memory_space<hbm>> -> memref<1x1x512xf32, #tpu.memory_space<hbm>>
      %dma_wait3A_1131 = tpu.memref_squeeze %dma_wait3A_1130 : memref<1x1x512xf32, #tpu.memory_space<hbm>> -> memref<1x512xf32, #tpu.memory_space<hbm>>
      tpu.wait_dma2 semaphore(%arg15 : memref<!tpu.dma_semaphore, #tpu.memory_space<semaphore_mem>>) src(%dma_wait3A_1131 : memref<1x512xf32, #tpu.memory_space<hbm>>) dst(%dma_wait3A_1127 : memref<1x512xf32, #tpu.memory_space<vmem>>)
      %dma_wait3A_1132 = arith.constant 6 : i32
      %dma_wait3A_1133 = arith.constant 0 : i32
      %dma_wait3A_1134 = tpu.memref_slice %arg10[%dma_wait3A_1132, %dma_wait3A_1133] : memref<64x512xf32, #tpu.memory_space<vmem>> -> memref<1x512xf32, #tpu.memory_space<vmem>>
      %dma_wait3A_1135 = arith.constant 0 : i32
      %dma_wait3A_1136 = arith.constant 0 : i32
      %dma_wait3A_1137 = tpu.memref_slice %arg4[%squeeze3A_113, %dma_wait3A_1135, %dma_wait3A_1136] : memref<1000x1x512xf32, #tpu.memory_space<hbm>> -> memref<1x1x512xf32, #tpu.memory_space<hbm>>
      %dma_wait3A_1138 = tpu.memref_squeeze %dma_wait3A_1137 : memref<1x1x512xf32, #tpu.memory_space<hbm>> -> memref<1x512xf32, #tpu.memory_space<hbm>>
      %dma_wait3A_1139 = arith.constant 6 : i32
      %dma_wait3A_1140 = arith.constant 0 : i32
      %dma_wait3A_1141 = tpu.memref_slice %arg10[%dma_wait3A_1139, %dma_wait3A_1140] : memref<64x512xf32, #tpu.memory_space<vmem>> -> memref<1x512xf32, #tpu.memory_space<vmem>>
      %dma_wait3A_1142 = arith.constant 0 : i32
      %dma_wait3A_1143 = arith.constant 0 : i32
      %dma_wait3A_1144 = tpu.memref_slice %arg4[%squeeze3A_113, %dma_wait3A_1142, %dma_wait3A_1143] : memref<1000x1x512xf32, #tpu.memory_space<hbm>> -> memref<1x1x512xf32, #tpu.memory_space<hbm>>
      %dma_wait3A_1145 = tpu.memref_squeeze %dma_wait3A_1144 : memref<1x1x512xf32, #tpu.memory_space<hbm>> -> memref<1x512xf32, #tpu.memory_space<hbm>>
      tpu.wait_dma2 semaphore(%arg15 : memref<!tpu.dma_semaphore, #tpu.memory_space<semaphore_mem>>) src(%dma_wait3A_1145 : memref<1x512xf32, #tpu.memory_space<hbm>>) dst(%dma_wait3A_1141 : memref<1x512xf32, #tpu.memory_space<vmem>>)
      %dma_wait3A_1146 = arith.constant 7 : i32
      %dma_wait3A_1147 = arith.constant 0 : i32
      %dma_wait3A_1148 = tpu.memref_slice %arg10[%dma_wait3A_1146, %dma_wait3A_1147] : memref<64x512xf32, #tpu.memory_space<vmem>> -> memref<1x512xf32, #tpu.memory_space<vmem>>
      %dma_wait3A_1149 = arith.constant 0 : i32
      %dma_wait3A_1150 = arith.constant 0 : i32
      %dma_wait3A_1151 = tpu.memref_slice %arg4[%squeeze3A_129, %dma_wait3A_1149, %dma_wait3A_1150] : memref<1000x1x512xf32, #tpu.memory_space<hbm>> -> memref<1x1x512xf32, #tpu.memory_space<hbm>>
      %dma_wait3A_1152 = tpu.memref_squeeze %dma_wait3A_1151 : memref<1x1x512xf32, #tpu.memory_space<hbm>> -> memref<1x512xf32, #tpu.memory_space<hbm>>
      %dma_wait3A_1153 = arith.constant 7 : i32
      %dma_wait3A_1154 = arith.constant 0 : i32
      %dma_wait3A_1155 = tpu.memref_slice %arg10[%dma_wait3A_1153, %dma_wait3A_1154] : memref<64x512xf32, #tpu.memory_space<vmem>> -> memref<1x512xf32, #tpu.memory_space<vmem>>
      %dma_wait3A_1156 = arith.constant 0 : i32
      %dma_wait3A_1157 = arith.constant 0 : i32
      %dma_wait3A_1158 = tpu.memref_slice %arg4[%squeeze3A_129, %dma_wait3A_1156, %dma_wait3A_1157] : memref<1000x1x512xf32, #tpu.memory_space<hbm>> -> memref<1x1x512xf32, #tpu.memory_space<hbm>>
      %dma_wait3A_1159 = tpu.memref_squeeze %dma_wait3A_1158 : memref<1x1x512xf32, #tpu.memory_space<hbm>> -> memref<1x512xf32, #tpu.memory_space<hbm>>
      tpu.wait_dma2 semaphore(%arg15 : memref<!tpu.dma_semaphore, #tpu.memory_space<semaphore_mem>>) src(%dma_wait3A_1159 : memref<1x512xf32, #tpu.memory_space<hbm>>) dst(%dma_wait3A_1155 : memref<1x512xf32, #tpu.memory_space<vmem>>)
      %dma_wait3A_1160 = arith.constant 8 : i32
      %dma_wait3A_1161 = arith.constant 0 : i32
      %dma_wait3A_1162 = tpu.memref_slice %arg10[%dma_wait3A_1160, %dma_wait3A_1161] : memref<64x512xf32, #tpu.memory_space<vmem>> -> memref<1x512xf32, #tpu.memory_space<vmem>>
      %dma_wait3A_1163 = arith.constant 0 : i32
      %dma_wait3A_1164 = arith.constant 0 : i32
      %dma_wait3A_1165 = tpu.memref_slice %arg4[%squeeze3A_145, %dma_wait3A_1163, %dma_wait3A_1164] : memref<1000x1x512xf32, #tpu.memory_space<hbm>> -> memref<1x1x512xf32, #tpu.memory_space<hbm>>
      %dma_wait3A_1166 = tpu.memref_squeeze %dma_wait3A_1165 : memref<1x1x512xf32, #tpu.memory_space<hbm>> -> memref<1x512xf32, #tpu.memory_space<hbm>>
      %dma_wait3A_1167 = arith.constant 8 : i32
      %dma_wait3A_1168 = arith.constant 0 : i32
      %dma_wait3A_1169 = tpu.memref_slice %arg10[%dma_wait3A_1167, %dma_wait3A_1168] : memref<64x512xf32, #tpu.memory_space<vmem>> -> memref<1x512xf32, #tpu.memory_space<vmem>>
      %dma_wait3A_1170 = arith.constant 0 : i32
      %dma_wait3A_1171 = arith.constant 0 : i32
      %dma_wait3A_1172 = tpu.memref_slice %arg4[%squeeze3A_145, %dma_wait3A_1170, %dma_wait3A_1171] : memref<1000x1x512xf32, #tpu.memory_space<hbm>> -> memref<1x1x512xf32, #tpu.memory_space<hbm>>
      %dma_wait3A_1173 = tpu.memref_squeeze %dma_wait3A_1172 : memref<1x1x512xf32, #tpu.memory_space<hbm>> -> memref<1x512xf32, #tpu.memory_space<hbm>>
      tpu.wait_dma2 semaphore(%arg15 : memref<!tpu.dma_semaphore, #tpu.memory_space<semaphore_mem>>) src(%dma_wait3A_1173 : memref<1x512xf32, #tpu.memory_space<hbm>>) dst(%dma_wait3A_1169 : memref<1x512xf32, #tpu.memory_space<vmem>>)
      %dma_wait3A_1174 = arith.constant 9 : i32
      %dma_wait3A_1175 = arith.constant 0 : i32
      %dma_wait3A_1176 = tpu.memref_slice %arg10[%dma_wait3A_1174, %dma_wait3A_1175] : memref<64x512xf32, #tpu.memory_space<vmem>> -> memref<1x512xf32, #tpu.memory_space<vmem>>
      %dma_wait3A_1177 = arith.constant 0 : i32
      %dma_wait3A_1178 = arith.constant 0 : i32
      %dma_wait3A_1179 = tpu.memref_slice %arg4[%squeeze3A_161, %dma_wait3A_1177, %dma_wait3A_1178] : memref<1000x1x512xf32, #tpu.memory_space<hbm>> -> memref<1x1x512xf32, #tpu.memory_space<hbm>>
      %dma_wait3A_1180 = tpu.memref_squeeze %dma_wait3A_1179 : memref<1x1x512xf32, #tpu.memory_space<hbm>> -> memref<1x512xf32, #tpu.memory_space<hbm>>
      %dma_wait3A_1181 = arith.constant 9 : i32
      %dma_wait3A_1182 = arith.constant 0 : i32
      %dma_wait3A_1183 = tpu.memref_slice %arg10[%dma_wait3A_1181, %dma_wait3A_1182] : memref<64x512xf32, #tpu.memory_space<vmem>> -> memref<1x512xf32, #tpu.memory_space<vmem>>
      %dma_wait3A_1184 = arith.constant 0 : i32
      %dma_wait3A_1185 = arith.constant 0 : i32
      %dma_wait3A_1186 = tpu.memref_slice %arg4[%squeeze3A_161, %dma_wait3A_1184, %dma_wait3A_1185] : memref<1000x1x512xf32, #tpu.memory_space<hbm>> -> memref<1x1x512xf32, #tpu.memory_space<hbm>>
      %dma_wait3A_1187 = tpu.memref_squeeze %dma_wait3A_1186 : memref<1x1x512xf32, #tpu.memory_space<hbm>> -> memref<1x512xf32, #tpu.memory_space<hbm>>
      tpu.wait_dma2 semaphore(%arg15 : memref<!tpu.dma_semaphore, #tpu.memory_space<semaphore_mem>>) src(%dma_wait3A_1187 : memref<1x512xf32, #tpu.memory_space<hbm>>) dst(%dma_wait3A_1183 : memref<1x512xf32, #tpu.memory_space<vmem>>)
      %dma_wait3A_1188 = arith.constant 10 : i32
      %dma_wait3A_1189 = arith.constant 0 : i32
      %dma_wait3A_1190 = tpu.memref_slice %arg10[%dma_wait3A_1188, %dma_wait3A_1189] : memref<64x512xf32, #tpu.memory_space<vmem>> -> memref<1x512xf32, #tpu.memory_space<vmem>>
      %dma_wait3A_1191 = arith.constant 0 : i32
      %dma_wait3A_1192 = arith.constant 0 : i32
      %dma_wait3A_1193 = tpu.memref_slice %arg4[%squeeze3A_177, %dma_wait3A_1191, %dma_wait3A_1192] : memref<1000x1x512xf32, #tpu.memory_space<hbm>> -> memref<1x1x512xf32, #tpu.memory_space<hbm>>
      %dma_wait3A_1194 = tpu.memref_squeeze %dma_wait3A_1193 : memref<1x1x512xf32, #tpu.memory_space<hbm>> -> memref<1x512xf32, #tpu.memory_space<hbm>>
      %dma_wait3A_1195 = arith.constant 10 : i32
      %dma_wait3A_1196 = arith.constant 0 : i32
      %dma_wait3A_1197 = tpu.memref_slice %arg10[%dma_wait3A_1195, %dma_wait3A_1196] : memref<64x512xf32, #tpu.memory_space<vmem>> -> memref<1x512xf32, #tpu.memory_space<vmem>>
      %dma_wait3A_1198 = arith.constant 0 : i32
      %dma_wait3A_1199 = arith.constant 0 : i32
      %dma_wait3A_1200 = tpu.memref_slice %arg4[%squeeze3A_177, %dma_wait3A_1198, %dma_wait3A_1199] : memref<1000x1x512xf32, #tpu.memory_space<hbm>> -> memref<1x1x512xf32, #tpu.memory_space<hbm>>
      %dma_wait3A_1201 = tpu.memref_squeeze %dma_wait3A_1200 : memref<1x1x512xf32, #tpu.memory_space<hbm>> -> memref<1x512xf32, #tpu.memory_space<hbm>>
      tpu.wait_dma2 semaphore(%arg15 : memref<!tpu.dma_semaphore, #tpu.memory_space<semaphore_mem>>) src(%dma_wait3A_1201 : memref<1x512xf32, #tpu.memory_space<hbm>>) dst(%dma_wait3A_1197 : memref<1x512xf32, #tpu.memory_space<vmem>>)
      %dma_wait3A_1202 = arith.constant 11 : i32
      %dma_wait3A_1203 = arith.constant 0 : i32
      %dma_wait3A_1204 = tpu.memref_slice %arg10[%dma_wait3A_1202, %dma_wait3A_1203] : memref<64x512xf32, #tpu.memory_space<vmem>> -> memref<1x512xf32, #tpu.memory_space<vmem>>
      %dma_wait3A_1205 = arith.constant 0 : i32
      %dma_wait3A_1206 = arith.constant 0 : i32
      %dma_wait3A_1207 = tpu.memref_slice %arg4[%squeeze3A_193, %dma_wait3A_1205, %dma_wait3A_1206] : memref<1000x1x512xf32, #tpu.memory_space<hbm>> -> memref<1x1x512xf32, #tpu.memory_space<hbm>>
      %dma_wait3A_1208 = tpu.memref_squeeze %dma_wait3A_1207 : memref<1x1x512xf32, #tpu.memory_space<hbm>> -> memref<1x512xf32, #tpu.memory_space<hbm>>
      %dma_wait3A_1209 = arith.constant 11 : i32
      %dma_wait3A_1210 = arith.constant 0 : i32
      %dma_wait3A_1211 = tpu.memref_slice %arg10[%dma_wait3A_1209, %dma_wait3A_1210] : memref<64x512xf32, #tpu.memory_space<vmem>> -> memref<1x512xf32, #tpu.memory_space<vmem>>
      %dma_wait3A_1212 = arith.constant 0 : i32
      %dma_wait3A_1213 = arith.constant 0 : i32
      %dma_wait3A_1214 = tpu.memref_slice %arg4[%squeeze3A_193, %dma_wait3A_1212, %dma_wait3A_1213] : memref<1000x1x512xf32, #tpu.memory_space<hbm>> -> memref<1x1x512xf32, #tpu.memory_space<hbm>>
      %dma_wait3A_1215 = tpu.memref_squeeze %dma_wait3A_1214 : memref<1x1x512xf32, #tpu.memory_space<hbm>> -> memref<1x512xf32, #tpu.memory_space<hbm>>
      tpu.wait_dma2 semaphore(%arg15 : memref<!tpu.dma_semaphore, #tpu.memory_space<semaphore_mem>>) src(%dma_wait3A_1215 : memref<1x512xf32, #tpu.memory_space<hbm>>) dst(%dma_wait3A_1211 : memref<1x512xf32, #tpu.memory_space<vmem>>)
      %dma_wait3A_1216 = arith.constant 12 : i32
      %dma_wait3A_1217 = arith.constant 0 : i32
      %dma_wait3A_1218 = tpu.memref_slice %arg10[%dma_wait3A_1216, %dma_wait3A_1217] : memref<64x512xf32, #tpu.memory_space<vmem>> -> memref<1x512xf32, #tpu.memory_space<vmem>>
      %dma_wait3A_1219 = arith.constant 0 : i32
      %dma_wait3A_1220 = arith.constant 0 : i32
      %dma_wait3A_1221 = tpu.memref_slice %arg4[%squeeze3A_209, %dma_wait3A_1219, %dma_wait3A_1220] : memref<1000x1x512xf32, #tpu.memory_space<hbm>> -> memref<1x1x512xf32, #tpu.memory_space<hbm>>
      %dma_wait3A_1222 = tpu.memref_squeeze %dma_wait3A_1221 : memref<1x1x512xf32, #tpu.memory_space<hbm>> -> memref<1x512xf32, #tpu.memory_space<hbm>>
      %dma_wait3A_1223 = arith.constant 12 : i32
      %dma_wait3A_1224 = arith.constant 0 : i32
      %dma_wait3A_1225 = tpu.memref_slice %arg10[%dma_wait3A_1223, %dma_wait3A_1224] : memref<64x512xf32, #tpu.memory_space<vmem>> -> memref<1x512xf32, #tpu.memory_space<vmem>>
      %dma_wait3A_1226 = arith.constant 0 : i32
      %dma_wait3A_1227 = arith.constant 0 : i32
      %dma_wait3A_1228 = tpu.memref_slice %arg4[%squeeze3A_209, %dma_wait3A_1226, %dma_wait3A_1227] : memref<1000x1x512xf32, #tpu.memory_space<hbm>> -> memref<1x1x512xf32, #tpu.memory_space<hbm>>
      %dma_wait3A_1229 = tpu.memref_squeeze %dma_wait3A_1228 : memref<1x1x512xf32, #tpu.memory_space<hbm>> -> memref<1x512xf32, #tpu.memory_space<hbm>>
      tpu.wait_dma2 semaphore(%arg15 : memref<!tpu.dma_semaphore, #tpu.memory_space<semaphore_mem>>) src(%dma_wait3A_1229 : memref<1x512xf32, #tpu.memory_space<hbm>>) dst(%dma_wait3A_1225 : memref<1x512xf32, #tpu.memory_space<vmem>>)
      %dma_wait3A_1230 = arith.constant 13 : i32
      %dma_wait3A_1231 = arith.constant 0 : i32
      %dma_wait3A_1232 = tpu.memref_slice %arg10[%dma_wait3A_1230, %dma_wait3A_1231] : memref<64x512xf32, #tpu.memory_space<vmem>> -> memref<1x512xf32, #tpu.memory_space<vmem>>
      %dma_wait3A_1233 = arith.constant 0 : i32
      %dma_wait3A_1234 = arith.constant 0 : i32
      %dma_wait3A_1235 = tpu.memref_slice %arg4[%squeeze3A_225, %dma_wait3A_1233, %dma_wait3A_1234] : memref<1000x1x512xf32, #tpu.memory_space<hbm>> -> memref<1x1x512xf32, #tpu.memory_space<hbm>>
      %dma_wait3A_1236 = tpu.memref_squeeze %dma_wait3A_1235 : memref<1x1x512xf32, #tpu.memory_space<hbm>> -> memref<1x512xf32, #tpu.memory_space<hbm>>
      %dma_wait3A_1237 = arith.constant 13 : i32
      %dma_wait3A_1238 = arith.constant 0 : i32
      %dma_wait3A_1239 = tpu.memref_slice %arg10[%dma_wait3A_1237, %dma_wait3A_1238] : memref<64x512xf32, #tpu.memory_space<vmem>> -> memref<1x512xf32, #tpu.memory_space<vmem>>
      %dma_wait3A_1240 = arith.constant 0 : i32
      %dma_wait3A_1241 = arith.constant 0 : i32
      %dma_wait3A_1242 = tpu.memref_slice %arg4[%squeeze3A_225, %dma_wait3A_1240, %dma_wait3A_1241] : memref<1000x1x512xf32, #tpu.memory_space<hbm>> -> memref<1x1x512xf32, #tpu.memory_space<hbm>>
      %dma_wait3A_1243 = tpu.memref_squeeze %dma_wait3A_1242 : memref<1x1x512xf32, #tpu.memory_space<hbm>> -> memref<1x512xf32, #tpu.memory_space<hbm>>
      tpu.wait_dma2 semaphore(%arg15 : memref<!tpu.dma_semaphore, #tpu.memory_space<semaphore_mem>>) src(%dma_wait3A_1243 : memref<1x512xf32, #tpu.memory_space<hbm>>) dst(%dma_wait3A_1239 : memref<1x512xf32, #tpu.memory_space<vmem>>)
      %dma_wait3A_1244 = arith.constant 14 : i32
      %dma_wait3A_1245 = arith.constant 0 : i32
      %dma_wait3A_1246 = tpu.memref_slice %arg10[%dma_wait3A_1244, %dma_wait3A_1245] : memref<64x512xf32, #tpu.memory_space<vmem>> -> memref<1x512xf32, #tpu.memory_space<vmem>>
      %dma_wait3A_1247 = arith.constant 0 : i32
      %dma_wait3A_1248 = arith.constant 0 : i32
      %dma_wait3A_1249 = tpu.memref_slice %arg4[%squeeze3A_241, %dma_wait3A_1247, %dma_wait3A_1248] : memref<1000x1x512xf32, #tpu.memory_space<hbm>> -> memref<1x1x512xf32, #tpu.memory_space<hbm>>
      %dma_wait3A_1250 = tpu.memref_squeeze %dma_wait3A_1249 : memref<1x1x512xf32, #tpu.memory_space<hbm>> -> memref<1x512xf32, #tpu.memory_space<hbm>>
      %dma_wait3A_1251 = arith.constant 14 : i32
      %dma_wait3A_1252 = arith.constant 0 : i32
      %dma_wait3A_1253 = tpu.memref_slice %arg10[%dma_wait3A_1251, %dma_wait3A_1252] : memref<64x512xf32, #tpu.memory_space<vmem>> -> memref<1x512xf32, #tpu.memory_space<vmem>>
      %dma_wait3A_1254 = arith.constant 0 : i32
      %dma_wait3A_1255 = arith.constant 0 : i32
      %dma_wait3A_1256 = tpu.memref_slice %arg4[%squeeze3A_241, %dma_wait3A_1254, %dma_wait3A_1255] : memref<1000x1x512xf32, #tpu.memory_space<hbm>> -> memref<1x1x512xf32, #tpu.memory_space<hbm>>
      %dma_wait3A_1257 = tpu.memref_squeeze %dma_wait3A_1256 : memref<1x1x512xf32, #tpu.memory_space<hbm>> -> memref<1x512xf32, #tpu.memory_space<hbm>>
      tpu.wait_dma2 semaphore(%arg15 : memref<!tpu.dma_semaphore, #tpu.memory_space<semaphore_mem>>) src(%dma_wait3A_1257 : memref<1x512xf32, #tpu.memory_space<hbm>>) dst(%dma_wait3A_1253 : memref<1x512xf32, #tpu.memory_space<vmem>>)
      %dma_wait3A_1258 = arith.constant 15 : i32
      %dma_wait3A_1259 = arith.constant 0 : i32
      %dma_wait3A_1260 = tpu.memref_slice %arg10[%dma_wait3A_1258, %dma_wait3A_1259] : memref<64x512xf32, #tpu.memory_space<vmem>> -> memref<1x512xf32, #tpu.memory_space<vmem>>
      %dma_wait3A_1261 = arith.constant 0 : i32
      %dma_wait3A_1262 = arith.constant 0 : i32
      %dma_wait3A_1263 = tpu.memref_slice %arg4[%squeeze3A_257, %dma_wait3A_1261, %dma_wait3A_1262] : memref<1000x1x512xf32, #tpu.memory_space<hbm>> -> memref<1x1x512xf32, #tpu.memory_space<hbm>>
      %dma_wait3A_1264 = tpu.memref_squeeze %dma_wait3A_1263 : memref<1x1x512xf32, #tpu.memory_space<hbm>> -> memref<1x512xf32, #tpu.memory_space<hbm>>
      %dma_wait3A_1265 = arith.constant 15 : i32
      %dma_wait3A_1266 = arith.constant 0 : i32
      %dma_wait3A_1267 = tpu.memref_slice %arg10[%dma_wait3A_1265, %dma_wait3A_1266] : memref<64x512xf32, #tpu.memory_space<vmem>> -> memref<1x512xf32, #tpu.memory_space<vmem>>
      %dma_wait3A_1268 = arith.constant 0 : i32
      %dma_wait3A_1269 = arith.constant 0 : i32
      %dma_wait3A_1270 = tpu.memref_slice %arg4[%squeeze3A_257, %dma_wait3A_1268, %dma_wait3A_1269] : memref<1000x1x512xf32, #tpu.memory_space<hbm>> -> memref<1x1x512xf32, #tpu.memory_space<hbm>>
      %dma_wait3A_1271 = tpu.memref_squeeze %dma_wait3A_1270 : memref<1x1x512xf32, #tpu.memory_space<hbm>> -> memref<1x512xf32, #tpu.memory_space<hbm>>
      tpu.wait_dma2 semaphore(%arg15 : memref<!tpu.dma_semaphore, #tpu.memory_space<semaphore_mem>>) src(%dma_wait3A_1271 : memref<1x512xf32, #tpu.memory_space<hbm>>) dst(%dma_wait3A_1267 : memref<1x512xf32, #tpu.memory_space<vmem>>)
      %dma_wait3A_1272 = arith.constant 16 : i32
      %dma_wait3A_1273 = arith.constant 0 : i32
      %dma_wait3A_1274 = tpu.memref_slice %arg10[%dma_wait3A_1272, %dma_wait3A_1273] : memref<64x512xf32, #tpu.memory_space<vmem>> -> memref<1x512xf32, #tpu.memory_space<vmem>>
      %dma_wait3A_1275 = arith.constant 0 : i32
      %dma_wait3A_1276 = arith.constant 0 : i32
      %dma_wait3A_1277 = tpu.memref_slice %arg4[%squeeze3A_276, %dma_wait3A_1275, %dma_wait3A_1276] : memref<1000x1x512xf32, #tpu.memory_space<hbm>> -> memref<1x1x512xf32, #tpu.memory_space<hbm>>
      %dma_wait3A_1278 = tpu.memref_squeeze %dma_wait3A_1277 : memref<1x1x512xf32, #tpu.memory_space<hbm>> -> memref<1x512xf32, #tpu.memory_space<hbm>>
      %dma_wait3A_1279 = arith.constant 16 : i32
      %dma_wait3A_1280 = arith.constant 0 : i32
      %dma_wait3A_1281 = tpu.memref_slice %arg10[%dma_wait3A_1279, %dma_wait3A_1280] : memref<64x512xf32, #tpu.memory_space<vmem>> -> memref<1x512xf32, #tpu.memory_space<vmem>>
      %dma_wait3A_1282 = arith.constant 0 : i32
      %dma_wait3A_1283 = arith.constant 0 : i32
      %dma_wait3A_1284 = tpu.memref_slice %arg4[%squeeze3A_276, %dma_wait3A_1282, %dma_wait3A_1283] : memref<1000x1x512xf32, #tpu.memory_space<hbm>> -> memref<1x1x512xf32, #tpu.memory_space<hbm>>
      %dma_wait3A_1285 = tpu.memref_squeeze %dma_wait3A_1284 : memref<1x1x512xf32, #tpu.memory_space<hbm>> -> memref<1x512xf32, #tpu.memory_space<hbm>>
      tpu.wait_dma2 semaphore(%arg15 : memref<!tpu.dma_semaphore, #tpu.memory_space<semaphore_mem>>) src(%dma_wait3A_1285 : memref<1x512xf32, #tpu.memory_space<hbm>>) dst(%dma_wait3A_1281 : memref<1x512xf32, #tpu.memory_space<vmem>>)
      %dma_wait3A_1286 = arith.constant 17 : i32
      %dma_wait3A_1287 = arith.constant 0 : i32
      %dma_wait3A_1288 = tpu.memref_slice %arg10[%dma_wait3A_1286, %dma_wait3A_1287] : memref<64x512xf32, #tpu.memory_space<vmem>> -> memref<1x512xf32, #tpu.memory_space<vmem>>
      %dma_wait3A_1289 = arith.constant 0 : i32
      %dma_wait3A_1290 = arith.constant 0 : i32
      %dma_wait3A_1291 = tpu.memref_slice %arg4[%squeeze3A_292, %dma_wait3A_1289, %dma_wait3A_1290] : memref<1000x1x512xf32, #tpu.memory_space<hbm>> -> memref<1x1x512xf32, #tpu.memory_space<hbm>>
      %dma_wait3A_1292 = tpu.memref_squeeze %dma_wait3A_1291 : memref<1x1x512xf32, #tpu.memory_space<hbm>> -> memref<1x512xf32, #tpu.memory_space<hbm>>
      %dma_wait3A_1293 = arith.constant 17 : i32
      %dma_wait3A_1294 = arith.constant 0 : i32
      %dma_wait3A_1295 = tpu.memref_slice %arg10[%dma_wait3A_1293, %dma_wait3A_1294] : memref<64x512xf32, #tpu.memory_space<vmem>> -> memref<1x512xf32, #tpu.memory_space<vmem>>
      %dma_wait3A_1296 = arith.constant 0 : i32
      %dma_wait3A_1297 = arith.constant 0 : i32
      %dma_wait3A_1298 = tpu.memref_slice %arg4[%squeeze3A_292, %dma_wait3A_1296, %dma_wait3A_1297] : memref<1000x1x512xf32, #tpu.memory_space<hbm>> -> memref<1x1x512xf32, #tpu.memory_space<hbm>>
      %dma_wait3A_1299 = tpu.memref_squeeze %dma_wait3A_1298 : memref<1x1x512xf32, #tpu.memory_space<hbm>> -> memref<1x512xf32, #tpu.memory_space<hbm>>
      tpu.wait_dma2 semaphore(%arg15 : memref<!tpu.dma_semaphore, #tpu.memory_space<semaphore_mem>>) src(%dma_wait3A_1299 : memref<1x512xf32, #tpu.memory_space<hbm>>) dst(%dma_wait3A_1295 : memref<1x512xf32, #tpu.memory_space<vmem>>)
      %dma_wait3A_1300 = arith.constant 18 : i32
      %dma_wait3A_1301 = arith.constant 0 : i32
      %dma_wait3A_1302 = tpu.memref_slice %arg10[%dma_wait3A_1300, %dma_wait3A_1301] : memref<64x512xf32, #tpu.memory_space<vmem>> -> memref<1x512xf32, #tpu.memory_space<vmem>>
      %dma_wait3A_1303 = arith.constant 0 : i32
      %dma_wait3A_1304 = arith.constant 0 : i32
      %dma_wait3A_1305 = tpu.memref_slice %arg4[%squeeze3A_308, %dma_wait3A_1303, %dma_wait3A_1304] : memref<1000x1x512xf32, #tpu.memory_space<hbm>> -> memref<1x1x512xf32, #tpu.memory_space<hbm>>
      %dma_wait3A_1306 = tpu.memref_squeeze %dma_wait3A_1305 : memref<1x1x512xf32, #tpu.memory_space<hbm>> -> memref<1x512xf32, #tpu.memory_space<hbm>>
      %dma_wait3A_1307 = arith.constant 18 : i32
      %dma_wait3A_1308 = arith.constant 0 : i32
      %dma_wait3A_1309 = tpu.memref_slice %arg10[%dma_wait3A_1307, %dma_wait3A_1308] : memref<64x512xf32, #tpu.memory_space<vmem>> -> memref<1x512xf32, #tpu.memory_space<vmem>>
      %dma_wait3A_1310 = arith.constant 0 : i32
      %dma_wait3A_1311 = arith.constant 0 : i32
      %dma_wait3A_1312 = tpu.memref_slice %arg4[%squeeze3A_308, %dma_wait3A_1310, %dma_wait3A_1311] : memref<1000x1x512xf32, #tpu.memory_space<hbm>> -> memref<1x1x512xf32, #tpu.memory_space<hbm>>
      %dma_wait3A_1313 = tpu.memref_squeeze %dma_wait3A_1312 : memref<1x1x512xf32, #tpu.memory_space<hbm>> -> memref<1x512xf32, #tpu.memory_space<hbm>>
      tpu.wait_dma2 semaphore(%arg15 : memref<!tpu.dma_semaphore, #tpu.memory_space<semaphore_mem>>) src(%dma_wait3A_1313 : memref<1x512xf32, #tpu.memory_space<hbm>>) dst(%dma_wait3A_1309 : memref<1x512xf32, #tpu.memory_space<vmem>>)
      %dma_wait3A_1314 = arith.constant 19 : i32
      %dma_wait3A_1315 = arith.constant 0 : i32
      %dma_wait3A_1316 = tpu.memref_slice %arg10[%dma_wait3A_1314, %dma_wait3A_1315] : memref<64x512xf32, #tpu.memory_space<vmem>> -> memref<1x512xf32, #tpu.memory_space<vmem>>
      %dma_wait3A_1317 = arith.constant 0 : i32
      %dma_wait3A_1318 = arith.constant 0 : i32
      %dma_wait3A_1319 = tpu.memref_slice %arg4[%squeeze3A_324, %dma_wait3A_1317, %dma_wait3A_1318] : memref<1000x1x512xf32, #tpu.memory_space<hbm>> -> memref<1x1x512xf32, #tpu.memory_space<hbm>>
      %dma_wait3A_1320 = tpu.memref_squeeze %dma_wait3A_1319 : memref<1x1x512xf32, #tpu.memory_space<hbm>> -> memref<1x512xf32, #tpu.memory_space<hbm>>
      %dma_wait3A_1321 = arith.constant 19 : i32
      %dma_wait3A_1322 = arith.constant 0 : i32
      %dma_wait3A_1323 = tpu.memref_slice %arg10[%dma_wait3A_1321, %dma_wait3A_1322] : memref<64x512xf32, #tpu.memory_space<vmem>> -> memref<1x512xf32, #tpu.memory_space<vmem>>
      %dma_wait3A_1324 = arith.constant 0 : i32
      %dma_wait3A_1325 = arith.constant 0 : i32
      %dma_wait3A_1326 = tpu.memref_slice %arg4[%squeeze3A_324, %dma_wait3A_1324, %dma_wait3A_1325] : memref<1000x1x512xf32, #tpu.memory_space<hbm>> -> memref<1x1x512xf32, #tpu.memory_space<hbm>>
      %dma_wait3A_1327 = tpu.memref_squeeze %dma_wait3A_1326 : memref<1x1x512xf32, #tpu.memory_space<hbm>> -> memref<1x512xf32, #tpu.memory_space<hbm>>
      tpu.wait_dma2 semaphore(%arg15 : memref<!tpu.dma_semaphore, #tpu.memory_space<semaphore_mem>>) src(%dma_wait3A_1327 : memref<1x512xf32, #tpu.memory_space<hbm>>) dst(%dma_wait3A_1323 : memref<1x512xf32, #tpu.memory_space<vmem>>)
      %dma_wait3A_1328 = arith.constant 20 : i32
      %dma_wait3A_1329 = arith.constant 0 : i32
      %dma_wait3A_1330 = tpu.memref_slice %arg10[%dma_wait3A_1328, %dma_wait3A_1329] : memref<64x512xf32, #tpu.memory_space<vmem>> -> memref<1x512xf32, #tpu.memory_space<vmem>>
      %dma_wait3A_1331 = arith.constant 0 : i32
      %dma_wait3A_1332 = arith.constant 0 : i32
      %dma_wait3A_1333 = tpu.memref_slice %arg4[%squeeze3A_340, %dma_wait3A_1331, %dma_wait3A_1332] : memref<1000x1x512xf32, #tpu.memory_space<hbm>> -> memref<1x1x512xf32, #tpu.memory_space<hbm>>
      %dma_wait3A_1334 = tpu.memref_squeeze %dma_wait3A_1333 : memref<1x1x512xf32, #tpu.memory_space<hbm>> -> memref<1x512xf32, #tpu.memory_space<hbm>>
      %dma_wait3A_1335 = arith.constant 20 : i32
      %dma_wait3A_1336 = arith.constant 0 : i32
      %dma_wait3A_1337 = tpu.memref_slice %arg10[%dma_wait3A_1335, %dma_wait3A_1336] : memref<64x512xf32, #tpu.memory_space<vmem>> -> memref<1x512xf32, #tpu.memory_space<vmem>>
      %dma_wait3A_1338 = arith.constant 0 : i32
      %dma_wait3A_1339 = arith.constant 0 : i32
      %dma_wait3A_1340 = tpu.memref_slice %arg4[%squeeze3A_340, %dma_wait3A_1338, %dma_wait3A_1339] : memref<1000x1x512xf32, #tpu.memory_space<hbm>> -> memref<1x1x512xf32, #tpu.memory_space<hbm>>
      %dma_wait3A_1341 = tpu.memref_squeeze %dma_wait3A_1340 : memref<1x1x512xf32, #tpu.memory_space<hbm>> -> memref<1x512xf32, #tpu.memory_space<hbm>>
      tpu.wait_dma2 semaphore(%arg15 : memref<!tpu.dma_semaphore, #tpu.memory_space<semaphore_mem>>) src(%dma_wait3A_1341 : memref<1x512xf32, #tpu.memory_space<hbm>>) dst(%dma_wait3A_1337 : memref<1x512xf32, #tpu.memory_space<vmem>>)
      %dma_wait3A_1342 = arith.constant 21 : i32
      %dma_wait3A_1343 = arith.constant 0 : i32
      %dma_wait3A_1344 = tpu.memref_slice %arg10[%dma_wait3A_1342, %dma_wait3A_1343] : memref<64x512xf32, #tpu.memory_space<vmem>> -> memref<1x512xf32, #tpu.memory_space<vmem>>
      %dma_wait3A_1345 = arith.constant 0 : i32
      %dma_wait3A_1346 = arith.constant 0 : i32
      %dma_wait3A_1347 = tpu.memref_slice %arg4[%squeeze3A_356, %dma_wait3A_1345, %dma_wait3A_1346] : memref<1000x1x512xf32, #tpu.memory_space<hbm>> -> memref<1x1x512xf32, #tpu.memory_space<hbm>>
      %dma_wait3A_1348 = tpu.memref_squeeze %dma_wait3A_1347 : memref<1x1x512xf32, #tpu.memory_space<hbm>> -> memref<1x512xf32, #tpu.memory_space<hbm>>
      %dma_wait3A_1349 = arith.constant 21 : i32
      %dma_wait3A_1350 = arith.constant 0 : i32
      %dma_wait3A_1351 = tpu.memref_slice %arg10[%dma_wait3A_1349, %dma_wait3A_1350] : memref<64x512xf32, #tpu.memory_space<vmem>> -> memref<1x512xf32, #tpu.memory_space<vmem>>
      %dma_wait3A_1352 = arith.constant 0 : i32
      %dma_wait3A_1353 = arith.constant 0 : i32
      %dma_wait3A_1354 = tpu.memref_slice %arg4[%squeeze3A_356, %dma_wait3A_1352, %dma_wait3A_1353] : memref<1000x1x512xf32, #tpu.memory_space<hbm>> -> memref<1x1x512xf32, #tpu.memory_space<hbm>>
      %dma_wait3A_1355 = tpu.memref_squeeze %dma_wait3A_1354 : memref<1x1x512xf32, #tpu.memory_space<hbm>> -> memref<1x512xf32, #tpu.memory_space<hbm>>
      tpu.wait_dma2 semaphore(%arg15 : memref<!tpu.dma_semaphore, #tpu.memory_space<semaphore_mem>>) src(%dma_wait3A_1355 : memref<1x512xf32, #tpu.memory_space<hbm>>) dst(%dma_wait3A_1351 : memref<1x512xf32, #tpu.memory_space<vmem>>)
      %dma_wait3A_1356 = arith.constant 22 : i32
      %dma_wait3A_1357 = arith.constant 0 : i32
      %dma_wait3A_1358 = tpu.memref_slice %arg10[%dma_wait3A_1356, %dma_wait3A_1357] : memref<64x512xf32, #tpu.memory_space<vmem>> -> memref<1x512xf32, #tpu.memory_space<vmem>>
      %dma_wait3A_1359 = arith.constant 0 : i32
      %dma_wait3A_1360 = arith.constant 0 : i32
      %dma_wait3A_1361 = tpu.memref_slice %arg4[%squeeze3A_372, %dma_wait3A_1359, %dma_wait3A_1360] : memref<1000x1x512xf32, #tpu.memory_space<hbm>> -> memref<1x1x512xf32, #tpu.memory_space<hbm>>
      %dma_wait3A_1362 = tpu.memref_squeeze %dma_wait3A_1361 : memref<1x1x512xf32, #tpu.memory_space<hbm>> -> memref<1x512xf32, #tpu.memory_space<hbm>>
      %dma_wait3A_1363 = arith.constant 22 : i32
      %dma_wait3A_1364 = arith.constant 0 : i32
      %dma_wait3A_1365 = tpu.memref_slice %arg10[%dma_wait3A_1363, %dma_wait3A_1364] : memref<64x512xf32, #tpu.memory_space<vmem>> -> memref<1x512xf32, #tpu.memory_space<vmem>>
      %dma_wait3A_1366 = arith.constant 0 : i32
      %dma_wait3A_1367 = arith.constant 0 : i32
      %dma_wait3A_1368 = tpu.memref_slice %arg4[%squeeze3A_372, %dma_wait3A_1366, %dma_wait3A_1367] : memref<1000x1x512xf32, #tpu.memory_space<hbm>> -> memref<1x1x512xf32, #tpu.memory_space<hbm>>
      %dma_wait3A_1369 = tpu.memref_squeeze %dma_wait3A_1368 : memref<1x1x512xf32, #tpu.memory_space<hbm>> -> memref<1x512xf32, #tpu.memory_space<hbm>>
      tpu.wait_dma2 semaphore(%arg15 : memref<!tpu.dma_semaphore, #tpu.memory_space<semaphore_mem>>) src(%dma_wait3A_1369 : memref<1x512xf32, #tpu.memory_space<hbm>>) dst(%dma_wait3A_1365 : memref<1x512xf32, #tpu.memory_space<vmem>>)
      %dma_wait3A_1370 = arith.constant 23 : i32
      %dma_wait3A_1371 = arith.constant 0 : i32
      %dma_wait3A_1372 = tpu.memref_slice %arg10[%dma_wait3A_1370, %dma_wait3A_1371] : memref<64x512xf32, #tpu.memory_space<vmem>> -> memref<1x512xf32, #tpu.memory_space<vmem>>
      %dma_wait3A_1373 = arith.constant 0 : i32
      %dma_wait3A_1374 = arith.constant 0 : i32
      %dma_wait3A_1375 = tpu.memref_slice %arg4[%squeeze3A_388, %dma_wait3A_1373, %dma_wait3A_1374] : memref<1000x1x512xf32, #tpu.memory_space<hbm>> -> memref<1x1x512xf32, #tpu.memory_space<hbm>>
      %dma_wait3A_1376 = tpu.memref_squeeze %dma_wait3A_1375 : memref<1x1x512xf32, #tpu.memory_space<hbm>> -> memref<1x512xf32, #tpu.memory_space<hbm>>
      %dma_wait3A_1377 = arith.constant 23 : i32
      %dma_wait3A_1378 = arith.constant 0 : i32
      %dma_wait3A_1379 = tpu.memref_slice %arg10[%dma_wait3A_1377, %dma_wait3A_1378] : memref<64x512xf32, #tpu.memory_space<vmem>> -> memref<1x512xf32, #tpu.memory_space<vmem>>
      %dma_wait3A_1380 = arith.constant 0 : i32
      %dma_wait3A_1381 = arith.constant 0 : i32
      %dma_wait3A_1382 = tpu.memref_slice %arg4[%squeeze3A_388, %dma_wait3A_1380, %dma_wait3A_1381] : memref<1000x1x512xf32, #tpu.memory_space<hbm>> -> memref<1x1x512xf32, #tpu.memory_space<hbm>>
      %dma_wait3A_1383 = tpu.memref_squeeze %dma_wait3A_1382 : memref<1x1x512xf32, #tpu.memory_space<hbm>> -> memref<1x512xf32, #tpu.memory_space<hbm>>
      tpu.wait_dma2 semaphore(%arg15 : memref<!tpu.dma_semaphore, #tpu.memory_space<semaphore_mem>>) src(%dma_wait3A_1383 : memref<1x512xf32, #tpu.memory_space<hbm>>) dst(%dma_wait3A_1379 : memref<1x512xf32, #tpu.memory_space<vmem>>)
      %dma_wait3A_1384 = arith.constant 24 : i32
      %dma_wait3A_1385 = arith.constant 0 : i32
      %dma_wait3A_1386 = tpu.memref_slice %arg10[%dma_wait3A_1384, %dma_wait3A_1385] : memref<64x512xf32, #tpu.memory_space<vmem>> -> memref<1x512xf32, #tpu.memory_space<vmem>>
      %dma_wait3A_1387 = arith.constant 0 : i32
      %dma_wait3A_1388 = arith.constant 0 : i32
      %dma_wait3A_1389 = tpu.memref_slice %arg4[%squeeze3A_404, %dma_wait3A_1387, %dma_wait3A_1388] : memref<1000x1x512xf32, #tpu.memory_space<hbm>> -> memref<1x1x512xf32, #tpu.memory_space<hbm>>
      %dma_wait3A_1390 = tpu.memref_squeeze %dma_wait3A_1389 : memref<1x1x512xf32, #tpu.memory_space<hbm>> -> memref<1x512xf32, #tpu.memory_space<hbm>>
      %dma_wait3A_1391 = arith.constant 24 : i32
      %dma_wait3A_1392 = arith.constant 0 : i32
      %dma_wait3A_1393 = tpu.memref_slice %arg10[%dma_wait3A_1391, %dma_wait3A_1392] : memref<64x512xf32, #tpu.memory_space<vmem>> -> memref<1x512xf32, #tpu.memory_space<vmem>>
      %dma_wait3A_1394 = arith.constant 0 : i32
      %dma_wait3A_1395 = arith.constant 0 : i32
      %dma_wait3A_1396 = tpu.memref_slice %arg4[%squeeze3A_404, %dma_wait3A_1394, %dma_wait3A_1395] : memref<1000x1x512xf32, #tpu.memory_space<hbm>> -> memref<1x1x512xf32, #tpu.memory_space<hbm>>
      %dma_wait3A_1397 = tpu.memref_squeeze %dma_wait3A_1396 : memref<1x1x512xf32, #tpu.memory_space<hbm>> -> memref<1x512xf32, #tpu.memory_space<hbm>>
      tpu.wait_dma2 semaphore(%arg15 : memref<!tpu.dma_semaphore, #tpu.memory_space<semaphore_mem>>) src(%dma_wait3A_1397 : memref<1x512xf32, #tpu.memory_space<hbm>>) dst(%dma_wait3A_1393 : memref<1x512xf32, #tpu.memory_space<vmem>>)
      %dma_wait3A_1398 = arith.constant 25 : i32
      %dma_wait3A_1399 = arith.constant 0 : i32
      %dma_wait3A_1400 = tpu.memref_slice %arg10[%dma_wait3A_1398, %dma_wait3A_1399] : memref<64x512xf32, #tpu.memory_space<vmem>> -> memref<1x512xf32, #tpu.memory_space<vmem>>
      %dma_wait3A_1401 = arith.constant 0 : i32
      %dma_wait3A_1402 = arith.constant 0 : i32
      %dma_wait3A_1403 = tpu.memref_slice %arg4[%squeeze3A_420, %dma_wait3A_1401, %dma_wait3A_1402] : memref<1000x1x512xf32, #tpu.memory_space<hbm>> -> memref<1x1x512xf32, #tpu.memory_space<hbm>>
      %dma_wait3A_1404 = tpu.memref_squeeze %dma_wait3A_1403 : memref<1x1x512xf32, #tpu.memory_space<hbm>> -> memref<1x512xf32, #tpu.memory_space<hbm>>
      %dma_wait3A_1405 = arith.constant 25 : i32
      %dma_wait3A_1406 = arith.constant 0 : i32
      %dma_wait3A_1407 = tpu.memref_slice %arg10[%dma_wait3A_1405, %dma_wait3A_1406] : memref<64x512xf32, #tpu.memory_space<vmem>> -> memref<1x512xf32, #tpu.memory_space<vmem>>
      %dma_wait3A_1408 = arith.constant 0 : i32
      %dma_wait3A_1409 = arith.constant 0 : i32
      %dma_wait3A_1410 = tpu.memref_slice %arg4[%squeeze3A_420, %dma_wait3A_1408, %dma_wait3A_1409] : memref<1000x1x512xf32, #tpu.memory_space<hbm>> -> memref<1x1x512xf32, #tpu.memory_space<hbm>>
      %dma_wait3A_1411 = tpu.memref_squeeze %dma_wait3A_1410 : memref<1x1x512xf32, #tpu.memory_space<hbm>> -> memref<1x512xf32, #tpu.memory_space<hbm>>
      tpu.wait_dma2 semaphore(%arg15 : memref<!tpu.dma_semaphore, #tpu.memory_space<semaphore_mem>>) src(%dma_wait3A_1411 : memref<1x512xf32, #tpu.memory_space<hbm>>) dst(%dma_wait3A_1407 : memref<1x512xf32, #tpu.memory_space<vmem>>)
      %dma_wait3A_1412 = arith.constant 26 : i32
      %dma_wait3A_1413 = arith.constant 0 : i32
      %dma_wait3A_1414 = tpu.memref_slice %arg10[%dma_wait3A_1412, %dma_wait3A_1413] : memref<64x512xf32, #tpu.memory_space<vmem>> -> memref<1x512xf32, #tpu.memory_space<vmem>>
      %dma_wait3A_1415 = arith.constant 0 : i32
      %dma_wait3A_1416 = arith.constant 0 : i32
      %dma_wait3A_1417 = tpu.memref_slice %arg4[%squeeze3A_436, %dma_wait3A_1415, %dma_wait3A_1416] : memref<1000x1x512xf32, #tpu.memory_space<hbm>> -> memref<1x1x512xf32, #tpu.memory_space<hbm>>
      %dma_wait3A_1418 = tpu.memref_squeeze %dma_wait3A_1417 : memref<1x1x512xf32, #tpu.memory_space<hbm>> -> memref<1x512xf32, #tpu.memory_space<hbm>>
      %dma_wait3A_1419 = arith.constant 26 : i32
      %dma_wait3A_1420 = arith.constant 0 : i32
      %dma_wait3A_1421 = tpu.memref_slice %arg10[%dma_wait3A_1419, %dma_wait3A_1420] : memref<64x512xf32, #tpu.memory_space<vmem>> -> memref<1x512xf32, #tpu.memory_space<vmem>>
      %dma_wait3A_1422 = arith.constant 0 : i32
      %dma_wait3A_1423 = arith.constant 0 : i32
      %dma_wait3A_1424 = tpu.memref_slice %arg4[%squeeze3A_436, %dma_wait3A_1422, %dma_wait3A_1423] : memref<1000x1x512xf32, #tpu.memory_space<hbm>> -> memref<1x1x512xf32, #tpu.memory_space<hbm>>
      %dma_wait3A_1425 = tpu.memref_squeeze %dma_wait3A_1424 : memref<1x1x512xf32, #tpu.memory_space<hbm>> -> memref<1x512xf32, #tpu.memory_space<hbm>>
      tpu.wait_dma2 semaphore(%arg15 : memref<!tpu.dma_semaphore, #tpu.memory_space<semaphore_mem>>) src(%dma_wait3A_1425 : memref<1x512xf32, #tpu.memory_space<hbm>>) dst(%dma_wait3A_1421 : memref<1x512xf32, #tpu.memory_space<vmem>>)
      %dma_wait3A_1426 = arith.constant 27 : i32
      %dma_wait3A_1427 = arith.constant 0 : i32
      %dma_wait3A_1428 = tpu.memref_slice %arg10[%dma_wait3A_1426, %dma_wait3A_1427] : memref<64x512xf32, #tpu.memory_space<vmem>> -> memref<1x512xf32, #tpu.memory_space<vmem>>
      %dma_wait3A_1429 = arith.constant 0 : i32
      %dma_wait3A_1430 = arith.constant 0 : i32
      %dma_wait3A_1431 = tpu.memref_slice %arg4[%squeeze3A_452, %dma_wait3A_1429, %dma_wait3A_1430] : memref<1000x1x512xf32, #tpu.memory_space<hbm>> -> memref<1x1x512xf32, #tpu.memory_space<hbm>>
      %dma_wait3A_1432 = tpu.memref_squeeze %dma_wait3A_1431 : memref<1x1x512xf32, #tpu.memory_space<hbm>> -> memref<1x512xf32, #tpu.memory_space<hbm>>
      %dma_wait3A_1433 = arith.constant 27 : i32
      %dma_wait3A_1434 = arith.constant 0 : i32
      %dma_wait3A_1435 = tpu.memref_slice %arg10[%dma_wait3A_1433, %dma_wait3A_1434] : memref<64x512xf32, #tpu.memory_space<vmem>> -> memref<1x512xf32, #tpu.memory_space<vmem>>
      %dma_wait3A_1436 = arith.constant 0 : i32
      %dma_wait3A_1437 = arith.constant 0 : i32
      %dma_wait3A_1438 = tpu.memref_slice %arg4[%squeeze3A_452, %dma_wait3A_1436, %dma_wait3A_1437] : memref<1000x1x512xf32, #tpu.memory_space<hbm>> -> memref<1x1x512xf32, #tpu.memory_space<hbm>>
      %dma_wait3A_1439 = tpu.memref_squeeze %dma_wait3A_1438 : memref<1x1x512xf32, #tpu.memory_space<hbm>> -> memref<1x512xf32, #tpu.memory_space<hbm>>
      tpu.wait_dma2 semaphore(%arg15 : memref<!tpu.dma_semaphore, #tpu.memory_space<semaphore_mem>>) src(%dma_wait3A_1439 : memref<1x512xf32, #tpu.memory_space<hbm>>) dst(%dma_wait3A_1435 : memref<1x512xf32, #tpu.memory_space<vmem>>)
      %dma_wait3A_1440 = arith.constant 28 : i32
      %dma_wait3A_1441 = arith.constant 0 : i32
      %dma_wait3A_1442 = tpu.memref_slice %arg10[%dma_wait3A_1440, %dma_wait3A_1441] : memref<64x512xf32, #tpu.memory_space<vmem>> -> memref<1x512xf32, #tpu.memory_space<vmem>>
      %dma_wait3A_1443 = arith.constant 0 : i32
      %dma_wait3A_1444 = arith.constant 0 : i32
      %dma_wait3A_1445 = tpu.memref_slice %arg4[%squeeze3A_468, %dma_wait3A_1443, %dma_wait3A_1444] : memref<1000x1x512xf32, #tpu.memory_space<hbm>> -> memref<1x1x512xf32, #tpu.memory_space<hbm>>
      %dma_wait3A_1446 = tpu.memref_squeeze %dma_wait3A_1445 : memref<1x1x512xf32, #tpu.memory_space<hbm>> -> memref<1x512xf32, #tpu.memory_space<hbm>>
      %dma_wait3A_1447 = arith.constant 28 : i32
      %dma_wait3A_1448 = arith.constant 0 : i32
      %dma_wait3A_1449 = tpu.memref_slice %arg10[%dma_wait3A_1447, %dma_wait3A_1448] : memref<64x512xf32, #tpu.memory_space<vmem>> -> memref<1x512xf32, #tpu.memory_space<vmem>>
      %dma_wait3A_1450 = arith.constant 0 : i32
      %dma_wait3A_1451 = arith.constant 0 : i32
      %dma_wait3A_1452 = tpu.memref_slice %arg4[%squeeze3A_468, %dma_wait3A_1450, %dma_wait3A_1451] : memref<1000x1x512xf32, #tpu.memory_space<hbm>> -> memref<1x1x512xf32, #tpu.memory_space<hbm>>
      %dma_wait3A_1453 = tpu.memref_squeeze %dma_wait3A_1452 : memref<1x1x512xf32, #tpu.memory_space<hbm>> -> memref<1x512xf32, #tpu.memory_space<hbm>>
      tpu.wait_dma2 semaphore(%arg15 : memref<!tpu.dma_semaphore, #tpu.memory_space<semaphore_mem>>) src(%dma_wait3A_1453 : memref<1x512xf32, #tpu.memory_space<hbm>>) dst(%dma_wait3A_1449 : memref<1x512xf32, #tpu.memory_space<vmem>>)
      %dma_wait3A_1454 = arith.constant 29 : i32
      %dma_wait3A_1455 = arith.constant 0 : i32
      %dma_wait3A_1456 = tpu.memref_slice %arg10[%dma_wait3A_1454, %dma_wait3A_1455] : memref<64x512xf32, #tpu.memory_space<vmem>> -> memref<1x512xf32, #tpu.memory_space<vmem>>
      %dma_wait3A_1457 = arith.constant 0 : i32
      %dma_wait3A_1458 = arith.constant 0 : i32
      %dma_wait3A_1459 = tpu.memref_slice %arg4[%squeeze3A_484, %dma_wait3A_1457, %dma_wait3A_1458] : memref<1000x1x512xf32, #tpu.memory_space<hbm>> -> memref<1x1x512xf32, #tpu.memory_space<hbm>>
      %dma_wait3A_1460 = tpu.memref_squeeze %dma_wait3A_1459 : memref<1x1x512xf32, #tpu.memory_space<hbm>> -> memref<1x512xf32, #tpu.memory_space<hbm>>
      %dma_wait3A_1461 = arith.constant 29 : i32
      %dma_wait3A_1462 = arith.constant 0 : i32
      %dma_wait3A_1463 = tpu.memref_slice %arg10[%dma_wait3A_1461, %dma_wait3A_1462] : memref<64x512xf32, #tpu.memory_space<vmem>> -> memref<1x512xf32, #tpu.memory_space<vmem>>
      %dma_wait3A_1464 = arith.constant 0 : i32
      %dma_wait3A_1465 = arith.constant 0 : i32
      %dma_wait3A_1466 = tpu.memref_slice %arg4[%squeeze3A_484, %dma_wait3A_1464, %dma_wait3A_1465] : memref<1000x1x512xf32, #tpu.memory_space<hbm>> -> memref<1x1x512xf32, #tpu.memory_space<hbm>>
      %dma_wait3A_1467 = tpu.memref_squeeze %dma_wait3A_1466 : memref<1x1x512xf32, #tpu.memory_space<hbm>> -> memref<1x512xf32, #tpu.memory_space<hbm>>
      tpu.wait_dma2 semaphore(%arg15 : memref<!tpu.dma_semaphore, #tpu.memory_space<semaphore_mem>>) src(%dma_wait3A_1467 : memref<1x512xf32, #tpu.memory_space<hbm>>) dst(%dma_wait3A_1463 : memref<1x512xf32, #tpu.memory_space<vmem>>)
      %dma_wait3A_1468 = arith.constant 30 : i32
      %dma_wait3A_1469 = arith.constant 0 : i32
      %dma_wait3A_1470 = tpu.memref_slice %arg10[%dma_wait3A_1468, %dma_wait3A_1469] : memref<64x512xf32, #tpu.memory_space<vmem>> -> memref<1x512xf32, #tpu.memory_space<vmem>>
      %dma_wait3A_1471 = arith.constant 0 : i32
      %dma_wait3A_1472 = arith.constant 0 : i32
      %dma_wait3A_1473 = tpu.memref_slice %arg4[%squeeze3A_500, %dma_wait3A_1471, %dma_wait3A_1472] : memref<1000x1x512xf32, #tpu.memory_space<hbm>> -> memref<1x1x512xf32, #tpu.memory_space<hbm>>
      %dma_wait3A_1474 = tpu.memref_squeeze %dma_wait3A_1473 : memref<1x1x512xf32, #tpu.memory_space<hbm>> -> memref<1x512xf32, #tpu.memory_space<hbm>>
      %dma_wait3A_1475 = arith.constant 30 : i32
      %dma_wait3A_1476 = arith.constant 0 : i32
      %dma_wait3A_1477 = tpu.memref_slice %arg10[%dma_wait3A_1475, %dma_wait3A_1476] : memref<64x512xf32, #tpu.memory_space<vmem>> -> memref<1x512xf32, #tpu.memory_space<vmem>>
      %dma_wait3A_1478 = arith.constant 0 : i32
      %dma_wait3A_1479 = arith.constant 0 : i32
      %dma_wait3A_1480 = tpu.memref_slice %arg4[%squeeze3A_500, %dma_wait3A_1478, %dma_wait3A_1479] : memref<1000x1x512xf32, #tpu.memory_space<hbm>> -> memref<1x1x512xf32, #tpu.memory_space<hbm>>
      %dma_wait3A_1481 = tpu.memref_squeeze %dma_wait3A_1480 : memref<1x1x512xf32, #tpu.memory_space<hbm>> -> memref<1x512xf32, #tpu.memory_space<hbm>>
      tpu.wait_dma2 semaphore(%arg15 : memref<!tpu.dma_semaphore, #tpu.memory_space<semaphore_mem>>) src(%dma_wait3A_1481 : memref<1x512xf32, #tpu.memory_space<hbm>>) dst(%dma_wait3A_1477 : memref<1x512xf32, #tpu.memory_space<vmem>>)
      %dma_wait3A_1482 = arith.constant 31 : i32
      %dma_wait3A_1483 = arith.constant 0 : i32
      %dma_wait3A_1484 = tpu.memref_slice %arg10[%dma_wait3A_1482, %dma_wait3A_1483] : memref<64x512xf32, #tpu.memory_space<vmem>> -> memref<1x512xf32, #tpu.memory_space<vmem>>
      %dma_wait3A_1485 = arith.constant 0 : i32
      %dma_wait3A_1486 = arith.constant 0 : i32
      %dma_wait3A_1487 = tpu.memref_slice %arg4[%squeeze3A_516, %dma_wait3A_1485, %dma_wait3A_1486] : memref<1000x1x512xf32, #tpu.memory_space<hbm>> -> memref<1x1x512xf32, #tpu.memory_space<hbm>>
      %dma_wait3A_1488 = tpu.memref_squeeze %dma_wait3A_1487 : memref<1x1x512xf32, #tpu.memory_space<hbm>> -> memref<1x512xf32, #tpu.memory_space<hbm>>
      %dma_wait3A_1489 = arith.constant 31 : i32
      %dma_wait3A_1490 = arith.constant 0 : i32
      %dma_wait3A_1491 = tpu.memref_slice %arg10[%dma_wait3A_1489, %dma_wait3A_1490] : memref<64x512xf32, #tpu.memory_space<vmem>> -> memref<1x512xf32, #tpu.memory_space<vmem>>
      %dma_wait3A_1492 = arith.constant 0 : i32
      %dma_wait3A_1493 = arith.constant 0 : i32
      %dma_wait3A_1494 = tpu.memref_slice %arg4[%squeeze3A_516, %dma_wait3A_1492, %dma_wait3A_1493] : memref<1000x1x512xf32, #tpu.memory_space<hbm>> -> memref<1x1x512xf32, #tpu.memory_space<hbm>>
      %dma_wait3A_1495 = tpu.memref_squeeze %dma_wait3A_1494 : memref<1x1x512xf32, #tpu.memory_space<hbm>> -> memref<1x512xf32, #tpu.memory_space<hbm>>
      tpu.wait_dma2 semaphore(%arg15 : memref<!tpu.dma_semaphore, #tpu.memory_space<semaphore_mem>>) src(%dma_wait3A_1495 : memref<1x512xf32, #tpu.memory_space<hbm>>) dst(%dma_wait3A_1491 : memref<1x512xf32, #tpu.memory_space<vmem>>)
      %dma_wait3A_1496 = arith.constant 32 : i32
      %dma_wait3A_1497 = arith.constant 0 : i32
      %dma_wait3A_1498 = tpu.memref_slice %arg10[%dma_wait3A_1496, %dma_wait3A_1497] : memref<64x512xf32, #tpu.memory_space<vmem>> -> memref<1x512xf32, #tpu.memory_space<vmem>>
      %dma_wait3A_1499 = arith.constant 0 : i32
      %dma_wait3A_1500 = arith.constant 0 : i32
      %dma_wait3A_1501 = tpu.memref_slice %arg4[%squeeze3A_535, %dma_wait3A_1499, %dma_wait3A_1500] : memref<1000x1x512xf32, #tpu.memory_space<hbm>> -> memref<1x1x512xf32, #tpu.memory_space<hbm>>
      %dma_wait3A_1502 = tpu.memref_squeeze %dma_wait3A_1501 : memref<1x1x512xf32, #tpu.memory_space<hbm>> -> memref<1x512xf32, #tpu.memory_space<hbm>>
      %dma_wait3A_1503 = arith.constant 32 : i32
      %dma_wait3A_1504 = arith.constant 0 : i32
      %dma_wait3A_1505 = tpu.memref_slice %arg10[%dma_wait3A_1503, %dma_wait3A_1504] : memref<64x512xf32, #tpu.memory_space<vmem>> -> memref<1x512xf32, #tpu.memory_space<vmem>>
      %dma_wait3A_1506 = arith.constant 0 : i32
      %dma_wait3A_1507 = arith.constant 0 : i32
      %dma_wait3A_1508 = tpu.memref_slice %arg4[%squeeze3A_535, %dma_wait3A_1506, %dma_wait3A_1507] : memref<1000x1x512xf32, #tpu.memory_space<hbm>> -> memref<1x1x512xf32, #tpu.memory_space<hbm>>
      %dma_wait3A_1509 = tpu.memref_squeeze %dma_wait3A_1508 : memref<1x1x512xf32, #tpu.memory_space<hbm>> -> memref<1x512xf32, #tpu.memory_space<hbm>>
      tpu.wait_dma2 semaphore(%arg15 : memref<!tpu.dma_semaphore, #tpu.memory_space<semaphore_mem>>) src(%dma_wait3A_1509 : memref<1x512xf32, #tpu.memory_space<hbm>>) dst(%dma_wait3A_1505 : memref<1x512xf32, #tpu.memory_space<vmem>>)
      %dma_wait3A_1510 = arith.constant 33 : i32
      %dma_wait3A_1511 = arith.constant 0 : i32
      %dma_wait3A_1512 = tpu.memref_slice %arg10[%dma_wait3A_1510, %dma_wait3A_1511] : memref<64x512xf32, #tpu.memory_space<vmem>> -> memref<1x512xf32, #tpu.memory_space<vmem>>
      %dma_wait3A_1513 = arith.constant 0 : i32
      %dma_wait3A_1514 = arith.constant 0 : i32
      %dma_wait3A_1515 = tpu.memref_slice %arg4[%squeeze3A_551, %dma_wait3A_1513, %dma_wait3A_1514] : memref<1000x1x512xf32, #tpu.memory_space<hbm>> -> memref<1x1x512xf32, #tpu.memory_space<hbm>>
      %dma_wait3A_1516 = tpu.memref_squeeze %dma_wait3A_1515 : memref<1x1x512xf32, #tpu.memory_space<hbm>> -> memref<1x512xf32, #tpu.memory_space<hbm>>
      %dma_wait3A_1517 = arith.constant 33 : i32
      %dma_wait3A_1518 = arith.constant 0 : i32
      %dma_wait3A_1519 = tpu.memref_slice %arg10[%dma_wait3A_1517, %dma_wait3A_1518] : memref<64x512xf32, #tpu.memory_space<vmem>> -> memref<1x512xf32, #tpu.memory_space<vmem>>
      %dma_wait3A_1520 = arith.constant 0 : i32
      %dma_wait3A_1521 = arith.constant 0 : i32
      %dma_wait3A_1522 = tpu.memref_slice %arg4[%squeeze3A_551, %dma_wait3A_1520, %dma_wait3A_1521] : memref<1000x1x512xf32, #tpu.memory_space<hbm>> -> memref<1x1x512xf32, #tpu.memory_space<hbm>>
      %dma_wait3A_1523 = tpu.memref_squeeze %dma_wait3A_1522 : memref<1x1x512xf32, #tpu.memory_space<hbm>> -> memref<1x512xf32, #tpu.memory_space<hbm>>
      tpu.wait_dma2 semaphore(%arg15 : memref<!tpu.dma_semaphore, #tpu.memory_space<semaphore_mem>>) src(%dma_wait3A_1523 : memref<1x512xf32, #tpu.memory_space<hbm>>) dst(%dma_wait3A_1519 : memref<1x512xf32, #tpu.memory_space<vmem>>)
      %dma_wait3A_1524 = arith.constant 34 : i32
      %dma_wait3A_1525 = arith.constant 0 : i32
      %dma_wait3A_1526 = tpu.memref_slice %arg10[%dma_wait3A_1524, %dma_wait3A_1525] : memref<64x512xf32, #tpu.memory_space<vmem>> -> memref<1x512xf32, #tpu.memory_space<vmem>>
      %dma_wait3A_1527 = arith.constant 0 : i32
      %dma_wait3A_1528 = arith.constant 0 : i32
      %dma_wait3A_1529 = tpu.memref_slice %arg4[%squeeze3A_567, %dma_wait3A_1527, %dma_wait3A_1528] : memref<1000x1x512xf32, #tpu.memory_space<hbm>> -> memref<1x1x512xf32, #tpu.memory_space<hbm>>
      %dma_wait3A_1530 = tpu.memref_squeeze %dma_wait3A_1529 : memref<1x1x512xf32, #tpu.memory_space<hbm>> -> memref<1x512xf32, #tpu.memory_space<hbm>>
      %dma_wait3A_1531 = arith.constant 34 : i32
      %dma_wait3A_1532 = arith.constant 0 : i32
      %dma_wait3A_1533 = tpu.memref_slice %arg10[%dma_wait3A_1531, %dma_wait3A_1532] : memref<64x512xf32, #tpu.memory_space<vmem>> -> memref<1x512xf32, #tpu.memory_space<vmem>>
      %dma_wait3A_1534 = arith.constant 0 : i32
      %dma_wait3A_1535 = arith.constant 0 : i32
      %dma_wait3A_1536 = tpu.memref_slice %arg4[%squeeze3A_567, %dma_wait3A_1534, %dma_wait3A_1535] : memref<1000x1x512xf32, #tpu.memory_space<hbm>> -> memref<1x1x512xf32, #tpu.memory_space<hbm>>
      %dma_wait3A_1537 = tpu.memref_squeeze %dma_wait3A_1536 : memref<1x1x512xf32, #tpu.memory_space<hbm>> -> memref<1x512xf32, #tpu.memory_space<hbm>>
      tpu.wait_dma2 semaphore(%arg15 : memref<!tpu.dma_semaphore, #tpu.memory_space<semaphore_mem>>) src(%dma_wait3A_1537 : memref<1x512xf32, #tpu.memory_space<hbm>>) dst(%dma_wait3A_1533 : memref<1x512xf32, #tpu.memory_space<vmem>>)
      %dma_wait3A_1538 = arith.constant 35 : i32
      %dma_wait3A_1539 = arith.constant 0 : i32
      %dma_wait3A_1540 = tpu.memref_slice %arg10[%dma_wait3A_1538, %dma_wait3A_1539] : memref<64x512xf32, #tpu.memory_space<vmem>> -> memref<1x512xf32, #tpu.memory_space<vmem>>
      %dma_wait3A_1541 = arith.constant 0 : i32
      %dma_wait3A_1542 = arith.constant 0 : i32
      %dma_wait3A_1543 = tpu.memref_slice %arg4[%squeeze3A_583, %dma_wait3A_1541, %dma_wait3A_1542] : memref<1000x1x512xf32, #tpu.memory_space<hbm>> -> memref<1x1x512xf32, #tpu.memory_space<hbm>>
      %dma_wait3A_1544 = tpu.memref_squeeze %dma_wait3A_1543 : memref<1x1x512xf32, #tpu.memory_space<hbm>> -> memref<1x512xf32, #tpu.memory_space<hbm>>
      %dma_wait3A_1545 = arith.constant 35 : i32
      %dma_wait3A_1546 = arith.constant 0 : i32
      %dma_wait3A_1547 = tpu.memref_slice %arg10[%dma_wait3A_1545, %dma_wait3A_1546] : memref<64x512xf32, #tpu.memory_space<vmem>> -> memref<1x512xf32, #tpu.memory_space<vmem>>
      %dma_wait3A_1548 = arith.constant 0 : i32
      %dma_wait3A_1549 = arith.constant 0 : i32
      %dma_wait3A_1550 = tpu.memref_slice %arg4[%squeeze3A_583, %dma_wait3A_1548, %dma_wait3A_1549] : memref<1000x1x512xf32, #tpu.memory_space<hbm>> -> memref<1x1x512xf32, #tpu.memory_space<hbm>>
      %dma_wait3A_1551 = tpu.memref_squeeze %dma_wait3A_1550 : memref<1x1x512xf32, #tpu.memory_space<hbm>> -> memref<1x512xf32, #tpu.memory_space<hbm>>
      tpu.wait_dma2 semaphore(%arg15 : memref<!tpu.dma_semaphore, #tpu.memory_space<semaphore_mem>>) src(%dma_wait3A_1551 : memref<1x512xf32, #tpu.memory_space<hbm>>) dst(%dma_wait3A_1547 : memref<1x512xf32, #tpu.memory_space<vmem>>)
      %dma_wait3A_1552 = arith.constant 36 : i32
      %dma_wait3A_1553 = arith.constant 0 : i32
      %dma_wait3A_1554 = tpu.memref_slice %arg10[%dma_wait3A_1552, %dma_wait3A_1553] : memref<64x512xf32, #tpu.memory_space<vmem>> -> memref<1x512xf32, #tpu.memory_space<vmem>>
      %dma_wait3A_1555 = arith.constant 0 : i32
      %dma_wait3A_1556 = arith.constant 0 : i32
      %dma_wait3A_1557 = tpu.memref_slice %arg4[%squeeze3A_599, %dma_wait3A_1555, %dma_wait3A_1556] : memref<1000x1x512xf32, #tpu.memory_space<hbm>> -> memref<1x1x512xf32, #tpu.memory_space<hbm>>
      %dma_wait3A_1558 = tpu.memref_squeeze %dma_wait3A_1557 : memref<1x1x512xf32, #tpu.memory_space<hbm>> -> memref<1x512xf32, #tpu.memory_space<hbm>>
      %dma_wait3A_1559 = arith.constant 36 : i32
      %dma_wait3A_1560 = arith.constant 0 : i32
      %dma_wait3A_1561 = tpu.memref_slice %arg10[%dma_wait3A_1559, %dma_wait3A_1560] : memref<64x512xf32, #tpu.memory_space<vmem>> -> memref<1x512xf32, #tpu.memory_space<vmem>>
      %dma_wait3A_1562 = arith.constant 0 : i32
      %dma_wait3A_1563 = arith.constant 0 : i32
      %dma_wait3A_1564 = tpu.memref_slice %arg4[%squeeze3A_599, %dma_wait3A_1562, %dma_wait3A_1563] : memref<1000x1x512xf32, #tpu.memory_space<hbm>> -> memref<1x1x512xf32, #tpu.memory_space<hbm>>
      %dma_wait3A_1565 = tpu.memref_squeeze %dma_wait3A_1564 : memref<1x1x512xf32, #tpu.memory_space<hbm>> -> memref<1x512xf32, #tpu.memory_space<hbm>>
      tpu.wait_dma2 semaphore(%arg15 : memref<!tpu.dma_semaphore, #tpu.memory_space<semaphore_mem>>) src(%dma_wait3A_1565 : memref<1x512xf32, #tpu.memory_space<hbm>>) dst(%dma_wait3A_1561 : memref<1x512xf32, #tpu.memory_space<vmem>>)
      %dma_wait3A_1566 = arith.constant 37 : i32
      %dma_wait3A_1567 = arith.constant 0 : i32
      %dma_wait3A_1568 = tpu.memref_slice %arg10[%dma_wait3A_1566, %dma_wait3A_1567] : memref<64x512xf32, #tpu.memory_space<vmem>> -> memref<1x512xf32, #tpu.memory_space<vmem>>
      %dma_wait3A_1569 = arith.constant 0 : i32
      %dma_wait3A_1570 = arith.constant 0 : i32
      %dma_wait3A_1571 = tpu.memref_slice %arg4[%squeeze3A_615, %dma_wait3A_1569, %dma_wait3A_1570] : memref<1000x1x512xf32, #tpu.memory_space<hbm>> -> memref<1x1x512xf32, #tpu.memory_space<hbm>>
      %dma_wait3A_1572 = tpu.memref_squeeze %dma_wait3A_1571 : memref<1x1x512xf32, #tpu.memory_space<hbm>> -> memref<1x512xf32, #tpu.memory_space<hbm>>
      %dma_wait3A_1573 = arith.constant 37 : i32
      %dma_wait3A_1574 = arith.constant 0 : i32
      %dma_wait3A_1575 = tpu.memref_slice %arg10[%dma_wait3A_1573, %dma_wait3A_1574] : memref<64x512xf32, #tpu.memory_space<vmem>> -> memref<1x512xf32, #tpu.memory_space<vmem>>
      %dma_wait3A_1576 = arith.constant 0 : i32
      %dma_wait3A_1577 = arith.constant 0 : i32
      %dma_wait3A_1578 = tpu.memref_slice %arg4[%squeeze3A_615, %dma_wait3A_1576, %dma_wait3A_1577] : memref<1000x1x512xf32, #tpu.memory_space<hbm>> -> memref<1x1x512xf32, #tpu.memory_space<hbm>>
      %dma_wait3A_1579 = tpu.memref_squeeze %dma_wait3A_1578 : memref<1x1x512xf32, #tpu.memory_space<hbm>> -> memref<1x512xf32, #tpu.memory_space<hbm>>
      tpu.wait_dma2 semaphore(%arg15 : memref<!tpu.dma_semaphore, #tpu.memory_space<semaphore_mem>>) src(%dma_wait3A_1579 : memref<1x512xf32, #tpu.memory_space<hbm>>) dst(%dma_wait3A_1575 : memref<1x512xf32, #tpu.memory_space<vmem>>)
      %dma_wait3A_1580 = arith.constant 38 : i32
      %dma_wait3A_1581 = arith.constant 0 : i32
      %dma_wait3A_1582 = tpu.memref_slice %arg10[%dma_wait3A_1580, %dma_wait3A_1581] : memref<64x512xf32, #tpu.memory_space<vmem>> -> memref<1x512xf32, #tpu.memory_space<vmem>>
      %dma_wait3A_1583 = arith.constant 0 : i32
      %dma_wait3A_1584 = arith.constant 0 : i32
      %dma_wait3A_1585 = tpu.memref_slice %arg4[%squeeze3A_631, %dma_wait3A_1583, %dma_wait3A_1584] : memref<1000x1x512xf32, #tpu.memory_space<hbm>> -> memref<1x1x512xf32, #tpu.memory_space<hbm>>
      %dma_wait3A_1586 = tpu.memref_squeeze %dma_wait3A_1585 : memref<1x1x512xf32, #tpu.memory_space<hbm>> -> memref<1x512xf32, #tpu.memory_space<hbm>>
      %dma_wait3A_1587 = arith.constant 38 : i32
      %dma_wait3A_1588 = arith.constant 0 : i32
      %dma_wait3A_1589 = tpu.memref_slice %arg10[%dma_wait3A_1587, %dma_wait3A_1588] : memref<64x512xf32, #tpu.memory_space<vmem>> -> memref<1x512xf32, #tpu.memory_space<vmem>>
      %dma_wait3A_1590 = arith.constant 0 : i32
      %dma_wait3A_1591 = arith.constant 0 : i32
      %dma_wait3A_1592 = tpu.memref_slice %arg4[%squeeze3A_631, %dma_wait3A_1590, %dma_wait3A_1591] : memref<1000x1x512xf32, #tpu.memory_space<hbm>> -> memref<1x1x512xf32, #tpu.memory_space<hbm>>
      %dma_wait3A_1593 = tpu.memref_squeeze %dma_wait3A_1592 : memref<1x1x512xf32, #tpu.memory_space<hbm>> -> memref<1x512xf32, #tpu.memory_space<hbm>>
      tpu.wait_dma2 semaphore(%arg15 : memref<!tpu.dma_semaphore, #tpu.memory_space<semaphore_mem>>) src(%dma_wait3A_1593 : memref<1x512xf32, #tpu.memory_space<hbm>>) dst(%dma_wait3A_1589 : memref<1x512xf32, #tpu.memory_space<vmem>>)
      %dma_wait3A_1594 = arith.constant 39 : i32
      %dma_wait3A_1595 = arith.constant 0 : i32
      %dma_wait3A_1596 = tpu.memref_slice %arg10[%dma_wait3A_1594, %dma_wait3A_1595] : memref<64x512xf32, #tpu.memory_space<vmem>> -> memref<1x512xf32, #tpu.memory_space<vmem>>
      %dma_wait3A_1597 = arith.constant 0 : i32
      %dma_wait3A_1598 = arith.constant 0 : i32
      %dma_wait3A_1599 = tpu.memref_slice %arg4[%squeeze3A_647, %dma_wait3A_1597, %dma_wait3A_1598] : memref<1000x1x512xf32, #tpu.memory_space<hbm>> -> memref<1x1x512xf32, #tpu.memory_space<hbm>>
      %dma_wait3A_1600 = tpu.memref_squeeze %dma_wait3A_1599 : memref<1x1x512xf32, #tpu.memory_space<hbm>> -> memref<1x512xf32, #tpu.memory_space<hbm>>
      %dma_wait3A_1601 = arith.constant 39 : i32
      %dma_wait3A_1602 = arith.constant 0 : i32
      %dma_wait3A_1603 = tpu.memref_slice %arg10[%dma_wait3A_1601, %dma_wait3A_1602] : memref<64x512xf32, #tpu.memory_space<vmem>> -> memref<1x512xf32, #tpu.memory_space<vmem>>
      %dma_wait3A_1604 = arith.constant 0 : i32
      %dma_wait3A_1605 = arith.constant 0 : i32
      %dma_wait3A_1606 = tpu.memref_slice %arg4[%squeeze3A_647, %dma_wait3A_1604, %dma_wait3A_1605] : memref<1000x1x512xf32, #tpu.memory_space<hbm>> -> memref<1x1x512xf32, #tpu.memory_space<hbm>>
      %dma_wait3A_1607 = tpu.memref_squeeze %dma_wait3A_1606 : memref<1x1x512xf32, #tpu.memory_space<hbm>> -> memref<1x512xf32, #tpu.memory_space<hbm>>
      tpu.wait_dma2 semaphore(%arg15 : memref<!tpu.dma_semaphore, #tpu.memory_space<semaphore_mem>>) src(%dma_wait3A_1607 : memref<1x512xf32, #tpu.memory_space<hbm>>) dst(%dma_wait3A_1603 : memref<1x512xf32, #tpu.memory_space<vmem>>)
      %dma_wait3A_1608 = arith.constant 40 : i32
      %dma_wait3A_1609 = arith.constant 0 : i32
      %dma_wait3A_1610 = tpu.memref_slice %arg10[%dma_wait3A_1608, %dma_wait3A_1609] : memref<64x512xf32, #tpu.memory_space<vmem>> -> memref<1x512xf32, #tpu.memory_space<vmem>>
      %dma_wait3A_1611 = arith.constant 0 : i32
      %dma_wait3A_1612 = arith.constant 0 : i32
      %dma_wait3A_1613 = tpu.memref_slice %arg4[%squeeze3A_663, %dma_wait3A_1611, %dma_wait3A_1612] : memref<1000x1x512xf32, #tpu.memory_space<hbm>> -> memref<1x1x512xf32, #tpu.memory_space<hbm>>
      %dma_wait3A_1614 = tpu.memref_squeeze %dma_wait3A_1613 : memref<1x1x512xf32, #tpu.memory_space<hbm>> -> memref<1x512xf32, #tpu.memory_space<hbm>>
      %dma_wait3A_1615 = arith.constant 40 : i32
      %dma_wait3A_1616 = arith.constant 0 : i32
      %dma_wait3A_1617 = tpu.memref_slice %arg10[%dma_wait3A_1615, %dma_wait3A_1616] : memref<64x512xf32, #tpu.memory_space<vmem>> -> memref<1x512xf32, #tpu.memory_space<vmem>>
      %dma_wait3A_1618 = arith.constant 0 : i32
      %dma_wait3A_1619 = arith.constant 0 : i32
      %dma_wait3A_1620 = tpu.memref_slice %arg4[%squeeze3A_663, %dma_wait3A_1618, %dma_wait3A_1619] : memref<1000x1x512xf32, #tpu.memory_space<hbm>> -> memref<1x1x512xf32, #tpu.memory_space<hbm>>
      %dma_wait3A_1621 = tpu.memref_squeeze %dma_wait3A_1620 : memref<1x1x512xf32, #tpu.memory_space<hbm>> -> memref<1x512xf32, #tpu.memory_space<hbm>>
      tpu.wait_dma2 semaphore(%arg15 : memref<!tpu.dma_semaphore, #tpu.memory_space<semaphore_mem>>) src(%dma_wait3A_1621 : memref<1x512xf32, #tpu.memory_space<hbm>>) dst(%dma_wait3A_1617 : memref<1x512xf32, #tpu.memory_space<vmem>>)
      %dma_wait3A_1622 = arith.constant 41 : i32
      %dma_wait3A_1623 = arith.constant 0 : i32
      %dma_wait3A_1624 = tpu.memref_slice %arg10[%dma_wait3A_1622, %dma_wait3A_1623] : memref<64x512xf32, #tpu.memory_space<vmem>> -> memref<1x512xf32, #tpu.memory_space<vmem>>
      %dma_wait3A_1625 = arith.constant 0 : i32
      %dma_wait3A_1626 = arith.constant 0 : i32
      %dma_wait3A_1627 = tpu.memref_slice %arg4[%squeeze3A_679, %dma_wait3A_1625, %dma_wait3A_1626] : memref<1000x1x512xf32, #tpu.memory_space<hbm>> -> memref<1x1x512xf32, #tpu.memory_space<hbm>>
      %dma_wait3A_1628 = tpu.memref_squeeze %dma_wait3A_1627 : memref<1x1x512xf32, #tpu.memory_space<hbm>> -> memref<1x512xf32, #tpu.memory_space<hbm>>
      %dma_wait3A_1629 = arith.constant 41 : i32
      %dma_wait3A_1630 = arith.constant 0 : i32
      %dma_wait3A_1631 = tpu.memref_slice %arg10[%dma_wait3A_1629, %dma_wait3A_1630] : memref<64x512xf32, #tpu.memory_space<vmem>> -> memref<1x512xf32, #tpu.memory_space<vmem>>
      %dma_wait3A_1632 = arith.constant 0 : i32
      %dma_wait3A_1633 = arith.constant 0 : i32
      %dma_wait3A_1634 = tpu.memref_slice %arg4[%squeeze3A_679, %dma_wait3A_1632, %dma_wait3A_1633] : memref<1000x1x512xf32, #tpu.memory_space<hbm>> -> memref<1x1x512xf32, #tpu.memory_space<hbm>>
      %dma_wait3A_1635 = tpu.memref_squeeze %dma_wait3A_1634 : memref<1x1x512xf32, #tpu.memory_space<hbm>> -> memref<1x512xf32, #tpu.memory_space<hbm>>
      tpu.wait_dma2 semaphore(%arg15 : memref<!tpu.dma_semaphore, #tpu.memory_space<semaphore_mem>>) src(%dma_wait3A_1635 : memref<1x512xf32, #tpu.memory_space<hbm>>) dst(%dma_wait3A_1631 : memref<1x512xf32, #tpu.memory_space<vmem>>)
      %dma_wait3A_1636 = arith.constant 42 : i32
      %dma_wait3A_1637 = arith.constant 0 : i32
      %dma_wait3A_1638 = tpu.memref_slice %arg10[%dma_wait3A_1636, %dma_wait3A_1637] : memref<64x512xf32, #tpu.memory_space<vmem>> -> memref<1x512xf32, #tpu.memory_space<vmem>>
      %dma_wait3A_1639 = arith.constant 0 : i32
      %dma_wait3A_1640 = arith.constant 0 : i32
      %dma_wait3A_1641 = tpu.memref_slice %arg4[%squeeze3A_695, %dma_wait3A_1639, %dma_wait3A_1640] : memref<1000x1x512xf32, #tpu.memory_space<hbm>> -> memref<1x1x512xf32, #tpu.memory_space<hbm>>
      %dma_wait3A_1642 = tpu.memref_squeeze %dma_wait3A_1641 : memref<1x1x512xf32, #tpu.memory_space<hbm>> -> memref<1x512xf32, #tpu.memory_space<hbm>>
      %dma_wait3A_1643 = arith.constant 42 : i32
      %dma_wait3A_1644 = arith.constant 0 : i32
      %dma_wait3A_1645 = tpu.memref_slice %arg10[%dma_wait3A_1643, %dma_wait3A_1644] : memref<64x512xf32, #tpu.memory_space<vmem>> -> memref<1x512xf32, #tpu.memory_space<vmem>>
      %dma_wait3A_1646 = arith.constant 0 : i32
      %dma_wait3A_1647 = arith.constant 0 : i32
      %dma_wait3A_1648 = tpu.memref_slice %arg4[%squeeze3A_695, %dma_wait3A_1646, %dma_wait3A_1647] : memref<1000x1x512xf32, #tpu.memory_space<hbm>> -> memref<1x1x512xf32, #tpu.memory_space<hbm>>
      %dma_wait3A_1649 = tpu.memref_squeeze %dma_wait3A_1648 : memref<1x1x512xf32, #tpu.memory_space<hbm>> -> memref<1x512xf32, #tpu.memory_space<hbm>>
      tpu.wait_dma2 semaphore(%arg15 : memref<!tpu.dma_semaphore, #tpu.memory_space<semaphore_mem>>) src(%dma_wait3A_1649 : memref<1x512xf32, #tpu.memory_space<hbm>>) dst(%dma_wait3A_1645 : memref<1x512xf32, #tpu.memory_space<vmem>>)
      %dma_wait3A_1650 = arith.constant 43 : i32
      %dma_wait3A_1651 = arith.constant 0 : i32
      %dma_wait3A_1652 = tpu.memref_slice %arg10[%dma_wait3A_1650, %dma_wait3A_1651] : memref<64x512xf32, #tpu.memory_space<vmem>> -> memref<1x512xf32, #tpu.memory_space<vmem>>
      %dma_wait3A_1653 = arith.constant 0 : i32
      %dma_wait3A_1654 = arith.constant 0 : i32
      %dma_wait3A_1655 = tpu.memref_slice %arg4[%squeeze3A_711, %dma_wait3A_1653, %dma_wait3A_1654] : memref<1000x1x512xf32, #tpu.memory_space<hbm>> -> memref<1x1x512xf32, #tpu.memory_space<hbm>>
      %dma_wait3A_1656 = tpu.memref_squeeze %dma_wait3A_1655 : memref<1x1x512xf32, #tpu.memory_space<hbm>> -> memref<1x512xf32, #tpu.memory_space<hbm>>
      %dma_wait3A_1657 = arith.constant 43 : i32
      %dma_wait3A_1658 = arith.constant 0 : i32
      %dma_wait3A_1659 = tpu.memref_slice %arg10[%dma_wait3A_1657, %dma_wait3A_1658] : memref<64x512xf32, #tpu.memory_space<vmem>> -> memref<1x512xf32, #tpu.memory_space<vmem>>
      %dma_wait3A_1660 = arith.constant 0 : i32
      %dma_wait3A_1661 = arith.constant 0 : i32
      %dma_wait3A_1662 = tpu.memref_slice %arg4[%squeeze3A_711, %dma_wait3A_1660, %dma_wait3A_1661] : memref<1000x1x512xf32, #tpu.memory_space<hbm>> -> memref<1x1x512xf32, #tpu.memory_space<hbm>>
      %dma_wait3A_1663 = tpu.memref_squeeze %dma_wait3A_1662 : memref<1x1x512xf32, #tpu.memory_space<hbm>> -> memref<1x512xf32, #tpu.memory_space<hbm>>
      tpu.wait_dma2 semaphore(%arg15 : memref<!tpu.dma_semaphore, #tpu.memory_space<semaphore_mem>>) src(%dma_wait3A_1663 : memref<1x512xf32, #tpu.memory_space<hbm>>) dst(%dma_wait3A_1659 : memref<1x512xf32, #tpu.memory_space<vmem>>)
      %dma_wait3A_1664 = arith.constant 44 : i32
      %dma_wait3A_1665 = arith.constant 0 : i32
      %dma_wait3A_1666 = tpu.memref_slice %arg10[%dma_wait3A_1664, %dma_wait3A_1665] : memref<64x512xf32, #tpu.memory_space<vmem>> -> memref<1x512xf32, #tpu.memory_space<vmem>>
      %dma_wait3A_1667 = arith.constant 0 : i32
      %dma_wait3A_1668 = arith.constant 0 : i32
      %dma_wait3A_1669 = tpu.memref_slice %arg4[%squeeze3A_727, %dma_wait3A_1667, %dma_wait3A_1668] : memref<1000x1x512xf32, #tpu.memory_space<hbm>> -> memref<1x1x512xf32, #tpu.memory_space<hbm>>
      %dma_wait3A_1670 = tpu.memref_squeeze %dma_wait3A_1669 : memref<1x1x512xf32, #tpu.memory_space<hbm>> -> memref<1x512xf32, #tpu.memory_space<hbm>>
      %dma_wait3A_1671 = arith.constant 44 : i32
      %dma_wait3A_1672 = arith.constant 0 : i32
      %dma_wait3A_1673 = tpu.memref_slice %arg10[%dma_wait3A_1671, %dma_wait3A_1672] : memref<64x512xf32, #tpu.memory_space<vmem>> -> memref<1x512xf32, #tpu.memory_space<vmem>>
      %dma_wait3A_1674 = arith.constant 0 : i32
      %dma_wait3A_1675 = arith.constant 0 : i32
      %dma_wait3A_1676 = tpu.memref_slice %arg4[%squeeze3A_727, %dma_wait3A_1674, %dma_wait3A_1675] : memref<1000x1x512xf32, #tpu.memory_space<hbm>> -> memref<1x1x512xf32, #tpu.memory_space<hbm>>
      %dma_wait3A_1677 = tpu.memref_squeeze %dma_wait3A_1676 : memref<1x1x512xf32, #tpu.memory_space<hbm>> -> memref<1x512xf32, #tpu.memory_space<hbm>>
      tpu.wait_dma2 semaphore(%arg15 : memref<!tpu.dma_semaphore, #tpu.memory_space<semaphore_mem>>) src(%dma_wait3A_1677 : memref<1x512xf32, #tpu.memory_space<hbm>>) dst(%dma_wait3A_1673 : memref<1x512xf32, #tpu.memory_space<vmem>>)
      %dma_wait3A_1678 = arith.constant 45 : i32
      %dma_wait3A_1679 = arith.constant 0 : i32
      %dma_wait3A_1680 = tpu.memref_slice %arg10[%dma_wait3A_1678, %dma_wait3A_1679] : memref<64x512xf32, #tpu.memory_space<vmem>> -> memref<1x512xf32, #tpu.memory_space<vmem>>
      %dma_wait3A_1681 = arith.constant 0 : i32
      %dma_wait3A_1682 = arith.constant 0 : i32
      %dma_wait3A_1683 = tpu.memref_slice %arg4[%squeeze3A_743, %dma_wait3A_1681, %dma_wait3A_1682] : memref<1000x1x512xf32, #tpu.memory_space<hbm>> -> memref<1x1x512xf32, #tpu.memory_space<hbm>>
      %dma_wait3A_1684 = tpu.memref_squeeze %dma_wait3A_1683 : memref<1x1x512xf32, #tpu.memory_space<hbm>> -> memref<1x512xf32, #tpu.memory_space<hbm>>
      %dma_wait3A_1685 = arith.constant 45 : i32
      %dma_wait3A_1686 = arith.constant 0 : i32
      %dma_wait3A_1687 = tpu.memref_slice %arg10[%dma_wait3A_1685, %dma_wait3A_1686] : memref<64x512xf32, #tpu.memory_space<vmem>> -> memref<1x512xf32, #tpu.memory_space<vmem>>
      %dma_wait3A_1688 = arith.constant 0 : i32
      %dma_wait3A_1689 = arith.constant 0 : i32
      %dma_wait3A_1690 = tpu.memref_slice %arg4[%squeeze3A_743, %dma_wait3A_1688, %dma_wait3A_1689] : memref<1000x1x512xf32, #tpu.memory_space<hbm>> -> memref<1x1x512xf32, #tpu.memory_space<hbm>>
      %dma_wait3A_1691 = tpu.memref_squeeze %dma_wait3A_1690 : memref<1x1x512xf32, #tpu.memory_space<hbm>> -> memref<1x512xf32, #tpu.memory_space<hbm>>
      tpu.wait_dma2 semaphore(%arg15 : memref<!tpu.dma_semaphore, #tpu.memory_space<semaphore_mem>>) src(%dma_wait3A_1691 : memref<1x512xf32, #tpu.memory_space<hbm>>) dst(%dma_wait3A_1687 : memref<1x512xf32, #tpu.memory_space<vmem>>)
      %dma_wait3A_1692 = arith.constant 46 : i32
      %dma_wait3A_1693 = arith.constant 0 : i32
      %dma_wait3A_1694 = tpu.memref_slice %arg10[%dma_wait3A_1692, %dma_wait3A_1693] : memref<64x512xf32, #tpu.memory_space<vmem>> -> memref<1x512xf32, #tpu.memory_space<vmem>>
      %dma_wait3A_1695 = arith.constant 0 : i32
      %dma_wait3A_1696 = arith.constant 0 : i32
      %dma_wait3A_1697 = tpu.memref_slice %arg4[%squeeze3A_759, %dma_wait3A_1695, %dma_wait3A_1696] : memref<1000x1x512xf32, #tpu.memory_space<hbm>> -> memref<1x1x512xf32, #tpu.memory_space<hbm>>
      %dma_wait3A_1698 = tpu.memref_squeeze %dma_wait3A_1697 : memref<1x1x512xf32, #tpu.memory_space<hbm>> -> memref<1x512xf32, #tpu.memory_space<hbm>>
      %dma_wait3A_1699 = arith.constant 46 : i32
      %dma_wait3A_1700 = arith.constant 0 : i32
      %dma_wait3A_1701 = tpu.memref_slice %arg10[%dma_wait3A_1699, %dma_wait3A_1700] : memref<64x512xf32, #tpu.memory_space<vmem>> -> memref<1x512xf32, #tpu.memory_space<vmem>>
      %dma_wait3A_1702 = arith.constant 0 : i32
      %dma_wait3A_1703 = arith.constant 0 : i32
      %dma_wait3A_1704 = tpu.memref_slice %arg4[%squeeze3A_759, %dma_wait3A_1702, %dma_wait3A_1703] : memref<1000x1x512xf32, #tpu.memory_space<hbm>> -> memref<1x1x512xf32, #tpu.memory_space<hbm>>
      %dma_wait3A_1705 = tpu.memref_squeeze %dma_wait3A_1704 : memref<1x1x512xf32, #tpu.memory_space<hbm>> -> memref<1x512xf32, #tpu.memory_space<hbm>>
      tpu.wait_dma2 semaphore(%arg15 : memref<!tpu.dma_semaphore, #tpu.memory_space<semaphore_mem>>) src(%dma_wait3A_1705 : memref<1x512xf32, #tpu.memory_space<hbm>>) dst(%dma_wait3A_1701 : memref<1x512xf32, #tpu.memory_space<vmem>>)
      %dma_wait3A_1706 = arith.constant 47 : i32
      %dma_wait3A_1707 = arith.constant 0 : i32
      %dma_wait3A_1708 = tpu.memref_slice %arg10[%dma_wait3A_1706, %dma_wait3A_1707] : memref<64x512xf32, #tpu.memory_space<vmem>> -> memref<1x512xf32, #tpu.memory_space<vmem>>
      %dma_wait3A_1709 = arith.constant 0 : i32
      %dma_wait3A_1710 = arith.constant 0 : i32
      %dma_wait3A_1711 = tpu.memref_slice %arg4[%squeeze3A_775, %dma_wait3A_1709, %dma_wait3A_1710] : memref<1000x1x512xf32, #tpu.memory_space<hbm>> -> memref<1x1x512xf32, #tpu.memory_space<hbm>>
      %dma_wait3A_1712 = tpu.memref_squeeze %dma_wait3A_1711 : memref<1x1x512xf32, #tpu.memory_space<hbm>> -> memref<1x512xf32, #tpu.memory_space<hbm>>
      %dma_wait3A_1713 = arith.constant 47 : i32
      %dma_wait3A_1714 = arith.constant 0 : i32
      %dma_wait3A_1715 = tpu.memref_slice %arg10[%dma_wait3A_1713, %dma_wait3A_1714] : memref<64x512xf32, #tpu.memory_space<vmem>> -> memref<1x512xf32, #tpu.memory_space<vmem>>
      %dma_wait3A_1716 = arith.constant 0 : i32
      %dma_wait3A_1717 = arith.constant 0 : i32
      %dma_wait3A_1718 = tpu.memref_slice %arg4[%squeeze3A_775, %dma_wait3A_1716, %dma_wait3A_1717] : memref<1000x1x512xf32, #tpu.memory_space<hbm>> -> memref<1x1x512xf32, #tpu.memory_space<hbm>>
      %dma_wait3A_1719 = tpu.memref_squeeze %dma_wait3A_1718 : memref<1x1x512xf32, #tpu.memory_space<hbm>> -> memref<1x512xf32, #tpu.memory_space<hbm>>
      tpu.wait_dma2 semaphore(%arg15 : memref<!tpu.dma_semaphore, #tpu.memory_space<semaphore_mem>>) src(%dma_wait3A_1719 : memref<1x512xf32, #tpu.memory_space<hbm>>) dst(%dma_wait3A_1715 : memref<1x512xf32, #tpu.memory_space<vmem>>)
      %dma_wait3A_1720 = arith.constant 48 : i32
      %dma_wait3A_1721 = arith.constant 0 : i32
      %dma_wait3A_1722 = tpu.memref_slice %arg10[%dma_wait3A_1720, %dma_wait3A_1721] : memref<64x512xf32, #tpu.memory_space<vmem>> -> memref<1x512xf32, #tpu.memory_space<vmem>>
      %dma_wait3A_1723 = arith.constant 0 : i32
      %dma_wait3A_1724 = arith.constant 0 : i32
      %dma_wait3A_1725 = tpu.memref_slice %arg4[%squeeze3A_794, %dma_wait3A_1723, %dma_wait3A_1724] : memref<1000x1x512xf32, #tpu.memory_space<hbm>> -> memref<1x1x512xf32, #tpu.memory_space<hbm>>
      %dma_wait3A_1726 = tpu.memref_squeeze %dma_wait3A_1725 : memref<1x1x512xf32, #tpu.memory_space<hbm>> -> memref<1x512xf32, #tpu.memory_space<hbm>>
      %dma_wait3A_1727 = arith.constant 48 : i32
      %dma_wait3A_1728 = arith.constant 0 : i32
      %dma_wait3A_1729 = tpu.memref_slice %arg10[%dma_wait3A_1727, %dma_wait3A_1728] : memref<64x512xf32, #tpu.memory_space<vmem>> -> memref<1x512xf32, #tpu.memory_space<vmem>>
      %dma_wait3A_1730 = arith.constant 0 : i32
      %dma_wait3A_1731 = arith.constant 0 : i32
      %dma_wait3A_1732 = tpu.memref_slice %arg4[%squeeze3A_794, %dma_wait3A_1730, %dma_wait3A_1731] : memref<1000x1x512xf32, #tpu.memory_space<hbm>> -> memref<1x1x512xf32, #tpu.memory_space<hbm>>
      %dma_wait3A_1733 = tpu.memref_squeeze %dma_wait3A_1732 : memref<1x1x512xf32, #tpu.memory_space<hbm>> -> memref<1x512xf32, #tpu.memory_space<hbm>>
      tpu.wait_dma2 semaphore(%arg15 : memref<!tpu.dma_semaphore, #tpu.memory_space<semaphore_mem>>) src(%dma_wait3A_1733 : memref<1x512xf32, #tpu.memory_space<hbm>>) dst(%dma_wait3A_1729 : memref<1x512xf32, #tpu.memory_space<vmem>>)
      %dma_wait3A_1734 = arith.constant 49 : i32
      %dma_wait3A_1735 = arith.constant 0 : i32
      %dma_wait3A_1736 = tpu.memref_slice %arg10[%dma_wait3A_1734, %dma_wait3A_1735] : memref<64x512xf32, #tpu.memory_space<vmem>> -> memref<1x512xf32, #tpu.memory_space<vmem>>
      %dma_wait3A_1737 = arith.constant 0 : i32
      %dma_wait3A_1738 = arith.constant 0 : i32
      %dma_wait3A_1739 = tpu.memref_slice %arg4[%squeeze3A_810, %dma_wait3A_1737, %dma_wait3A_1738] : memref<1000x1x512xf32, #tpu.memory_space<hbm>> -> memref<1x1x512xf32, #tpu.memory_space<hbm>>
      %dma_wait3A_1740 = tpu.memref_squeeze %dma_wait3A_1739 : memref<1x1x512xf32, #tpu.memory_space<hbm>> -> memref<1x512xf32, #tpu.memory_space<hbm>>
      %dma_wait3A_1741 = arith.constant 49 : i32
      %dma_wait3A_1742 = arith.constant 0 : i32
      %dma_wait3A_1743 = tpu.memref_slice %arg10[%dma_wait3A_1741, %dma_wait3A_1742] : memref<64x512xf32, #tpu.memory_space<vmem>> -> memref<1x512xf32, #tpu.memory_space<vmem>>
      %dma_wait3A_1744 = arith.constant 0 : i32
      %dma_wait3A_1745 = arith.constant 0 : i32
      %dma_wait3A_1746 = tpu.memref_slice %arg4[%squeeze3A_810, %dma_wait3A_1744, %dma_wait3A_1745] : memref<1000x1x512xf32, #tpu.memory_space<hbm>> -> memref<1x1x512xf32, #tpu.memory_space<hbm>>
      %dma_wait3A_1747 = tpu.memref_squeeze %dma_wait3A_1746 : memref<1x1x512xf32, #tpu.memory_space<hbm>> -> memref<1x512xf32, #tpu.memory_space<hbm>>
      tpu.wait_dma2 semaphore(%arg15 : memref<!tpu.dma_semaphore, #tpu.memory_space<semaphore_mem>>) src(%dma_wait3A_1747 : memref<1x512xf32, #tpu.memory_space<hbm>>) dst(%dma_wait3A_1743 : memref<1x512xf32, #tpu.memory_space<vmem>>)
      %dma_wait3A_1748 = arith.constant 50 : i32
      %dma_wait3A_1749 = arith.constant 0 : i32
      %dma_wait3A_1750 = tpu.memref_slice %arg10[%dma_wait3A_1748, %dma_wait3A_1749] : memref<64x512xf32, #tpu.memory_space<vmem>> -> memref<1x512xf32, #tpu.memory_space<vmem>>
      %dma_wait3A_1751 = arith.constant 0 : i32
      %dma_wait3A_1752 = arith.constant 0 : i32
      %dma_wait3A_1753 = tpu.memref_slice %arg4[%squeeze3A_826, %dma_wait3A_1751, %dma_wait3A_1752] : memref<1000x1x512xf32, #tpu.memory_space<hbm>> -> memref<1x1x512xf32, #tpu.memory_space<hbm>>
      %dma_wait3A_1754 = tpu.memref_squeeze %dma_wait3A_1753 : memref<1x1x512xf32, #tpu.memory_space<hbm>> -> memref<1x512xf32, #tpu.memory_space<hbm>>
      %dma_wait3A_1755 = arith.constant 50 : i32
      %dma_wait3A_1756 = arith.constant 0 : i32
      %dma_wait3A_1757 = tpu.memref_slice %arg10[%dma_wait3A_1755, %dma_wait3A_1756] : memref<64x512xf32, #tpu.memory_space<vmem>> -> memref<1x512xf32, #tpu.memory_space<vmem>>
      %dma_wait3A_1758 = arith.constant 0 : i32
      %dma_wait3A_1759 = arith.constant 0 : i32
      %dma_wait3A_1760 = tpu.memref_slice %arg4[%squeeze3A_826, %dma_wait3A_1758, %dma_wait3A_1759] : memref<1000x1x512xf32, #tpu.memory_space<hbm>> -> memref<1x1x512xf32, #tpu.memory_space<hbm>>
      %dma_wait3A_1761 = tpu.memref_squeeze %dma_wait3A_1760 : memref<1x1x512xf32, #tpu.memory_space<hbm>> -> memref<1x512xf32, #tpu.memory_space<hbm>>
      tpu.wait_dma2 semaphore(%arg15 : memref<!tpu.dma_semaphore, #tpu.memory_space<semaphore_mem>>) src(%dma_wait3A_1761 : memref<1x512xf32, #tpu.memory_space<hbm>>) dst(%dma_wait3A_1757 : memref<1x512xf32, #tpu.memory_space<vmem>>)
      %dma_wait3A_1762 = arith.constant 51 : i32
      %dma_wait3A_1763 = arith.constant 0 : i32
      %dma_wait3A_1764 = tpu.memref_slice %arg10[%dma_wait3A_1762, %dma_wait3A_1763] : memref<64x512xf32, #tpu.memory_space<vmem>> -> memref<1x512xf32, #tpu.memory_space<vmem>>
      %dma_wait3A_1765 = arith.constant 0 : i32
      %dma_wait3A_1766 = arith.constant 0 : i32
      %dma_wait3A_1767 = tpu.memref_slice %arg4[%squeeze3A_842, %dma_wait3A_1765, %dma_wait3A_1766] : memref<1000x1x512xf32, #tpu.memory_space<hbm>> -> memref<1x1x512xf32, #tpu.memory_space<hbm>>
      %dma_wait3A_1768 = tpu.memref_squeeze %dma_wait3A_1767 : memref<1x1x512xf32, #tpu.memory_space<hbm>> -> memref<1x512xf32, #tpu.memory_space<hbm>>
      %dma_wait3A_1769 = arith.constant 51 : i32
      %dma_wait3A_1770 = arith.constant 0 : i32
      %dma_wait3A_1771 = tpu.memref_slice %arg10[%dma_wait3A_1769, %dma_wait3A_1770] : memref<64x512xf32, #tpu.memory_space<vmem>> -> memref<1x512xf32, #tpu.memory_space<vmem>>
      %dma_wait3A_1772 = arith.constant 0 : i32
      %dma_wait3A_1773 = arith.constant 0 : i32
      %dma_wait3A_1774 = tpu.memref_slice %arg4[%squeeze3A_842, %dma_wait3A_1772, %dma_wait3A_1773] : memref<1000x1x512xf32, #tpu.memory_space<hbm>> -> memref<1x1x512xf32, #tpu.memory_space<hbm>>
      %dma_wait3A_1775 = tpu.memref_squeeze %dma_wait3A_1774 : memref<1x1x512xf32, #tpu.memory_space<hbm>> -> memref<1x512xf32, #tpu.memory_space<hbm>>
      tpu.wait_dma2 semaphore(%arg15 : memref<!tpu.dma_semaphore, #tpu.memory_space<semaphore_mem>>) src(%dma_wait3A_1775 : memref<1x512xf32, #tpu.memory_space<hbm>>) dst(%dma_wait3A_1771 : memref<1x512xf32, #tpu.memory_space<vmem>>)
      %dma_wait3A_1776 = arith.constant 52 : i32
      %dma_wait3A_1777 = arith.constant 0 : i32
      %dma_wait3A_1778 = tpu.memref_slice %arg10[%dma_wait3A_1776, %dma_wait3A_1777] : memref<64x512xf32, #tpu.memory_space<vmem>> -> memref<1x512xf32, #tpu.memory_space<vmem>>
      %dma_wait3A_1779 = arith.constant 0 : i32
      %dma_wait3A_1780 = arith.constant 0 : i32
      %dma_wait3A_1781 = tpu.memref_slice %arg4[%squeeze3A_858, %dma_wait3A_1779, %dma_wait3A_1780] : memref<1000x1x512xf32, #tpu.memory_space<hbm>> -> memref<1x1x512xf32, #tpu.memory_space<hbm>>
      %dma_wait3A_1782 = tpu.memref_squeeze %dma_wait3A_1781 : memref<1x1x512xf32, #tpu.memory_space<hbm>> -> memref<1x512xf32, #tpu.memory_space<hbm>>
      %dma_wait3A_1783 = arith.constant 52 : i32
      %dma_wait3A_1784 = arith.constant 0 : i32
      %dma_wait3A_1785 = tpu.memref_slice %arg10[%dma_wait3A_1783, %dma_wait3A_1784] : memref<64x512xf32, #tpu.memory_space<vmem>> -> memref<1x512xf32, #tpu.memory_space<vmem>>
      %dma_wait3A_1786 = arith.constant 0 : i32
      %dma_wait3A_1787 = arith.constant 0 : i32
      %dma_wait3A_1788 = tpu.memref_slice %arg4[%squeeze3A_858, %dma_wait3A_1786, %dma_wait3A_1787] : memref<1000x1x512xf32, #tpu.memory_space<hbm>> -> memref<1x1x512xf32, #tpu.memory_space<hbm>>
      %dma_wait3A_1789 = tpu.memref_squeeze %dma_wait3A_1788 : memref<1x1x512xf32, #tpu.memory_space<hbm>> -> memref<1x512xf32, #tpu.memory_space<hbm>>
      tpu.wait_dma2 semaphore(%arg15 : memref<!tpu.dma_semaphore, #tpu.memory_space<semaphore_mem>>) src(%dma_wait3A_1789 : memref<1x512xf32, #tpu.memory_space<hbm>>) dst(%dma_wait3A_1785 : memref<1x512xf32, #tpu.memory_space<vmem>>)
      %dma_wait3A_1790 = arith.constant 53 : i32
      %dma_wait3A_1791 = arith.constant 0 : i32
      %dma_wait3A_1792 = tpu.memref_slice %arg10[%dma_wait3A_1790, %dma_wait3A_1791] : memref<64x512xf32, #tpu.memory_space<vmem>> -> memref<1x512xf32, #tpu.memory_space<vmem>>
      %dma_wait3A_1793 = arith.constant 0 : i32
      %dma_wait3A_1794 = arith.constant 0 : i32
      %dma_wait3A_1795 = tpu.memref_slice %arg4[%squeeze3A_874, %dma_wait3A_1793, %dma_wait3A_1794] : memref<1000x1x512xf32, #tpu.memory_space<hbm>> -> memref<1x1x512xf32, #tpu.memory_space<hbm>>
      %dma_wait3A_1796 = tpu.memref_squeeze %dma_wait3A_1795 : memref<1x1x512xf32, #tpu.memory_space<hbm>> -> memref<1x512xf32, #tpu.memory_space<hbm>>
      %dma_wait3A_1797 = arith.constant 53 : i32
      %dma_wait3A_1798 = arith.constant 0 : i32
      %dma_wait3A_1799 = tpu.memref_slice %arg10[%dma_wait3A_1797, %dma_wait3A_1798] : memref<64x512xf32, #tpu.memory_space<vmem>> -> memref<1x512xf32, #tpu.memory_space<vmem>>
      %dma_wait3A_1800 = arith.constant 0 : i32
      %dma_wait3A_1801 = arith.constant 0 : i32
      %dma_wait3A_1802 = tpu.memref_slice %arg4[%squeeze3A_874, %dma_wait3A_1800, %dma_wait3A_1801] : memref<1000x1x512xf32, #tpu.memory_space<hbm>> -> memref<1x1x512xf32, #tpu.memory_space<hbm>>
      %dma_wait3A_1803 = tpu.memref_squeeze %dma_wait3A_1802 : memref<1x1x512xf32, #tpu.memory_space<hbm>> -> memref<1x512xf32, #tpu.memory_space<hbm>>
      tpu.wait_dma2 semaphore(%arg15 : memref<!tpu.dma_semaphore, #tpu.memory_space<semaphore_mem>>) src(%dma_wait3A_1803 : memref<1x512xf32, #tpu.memory_space<hbm>>) dst(%dma_wait3A_1799 : memref<1x512xf32, #tpu.memory_space<vmem>>)
      %dma_wait3A_1804 = arith.constant 54 : i32
      %dma_wait3A_1805 = arith.constant 0 : i32
      %dma_wait3A_1806 = tpu.memref_slice %arg10[%dma_wait3A_1804, %dma_wait3A_1805] : memref<64x512xf32, #tpu.memory_space<vmem>> -> memref<1x512xf32, #tpu.memory_space<vmem>>
      %dma_wait3A_1807 = arith.constant 0 : i32
      %dma_wait3A_1808 = arith.constant 0 : i32
      %dma_wait3A_1809 = tpu.memref_slice %arg4[%squeeze3A_890, %dma_wait3A_1807, %dma_wait3A_1808] : memref<1000x1x512xf32, #tpu.memory_space<hbm>> -> memref<1x1x512xf32, #tpu.memory_space<hbm>>
      %dma_wait3A_1810 = tpu.memref_squeeze %dma_wait3A_1809 : memref<1x1x512xf32, #tpu.memory_space<hbm>> -> memref<1x512xf32, #tpu.memory_space<hbm>>
      %dma_wait3A_1811 = arith.constant 54 : i32
      %dma_wait3A_1812 = arith.constant 0 : i32
      %dma_wait3A_1813 = tpu.memref_slice %arg10[%dma_wait3A_1811, %dma_wait3A_1812] : memref<64x512xf32, #tpu.memory_space<vmem>> -> memref<1x512xf32, #tpu.memory_space<vmem>>
      %dma_wait3A_1814 = arith.constant 0 : i32
      %dma_wait3A_1815 = arith.constant 0 : i32
      %dma_wait3A_1816 = tpu.memref_slice %arg4[%squeeze3A_890, %dma_wait3A_1814, %dma_wait3A_1815] : memref<1000x1x512xf32, #tpu.memory_space<hbm>> -> memref<1x1x512xf32, #tpu.memory_space<hbm>>
      %dma_wait3A_1817 = tpu.memref_squeeze %dma_wait3A_1816 : memref<1x1x512xf32, #tpu.memory_space<hbm>> -> memref<1x512xf32, #tpu.memory_space<hbm>>
      tpu.wait_dma2 semaphore(%arg15 : memref<!tpu.dma_semaphore, #tpu.memory_space<semaphore_mem>>) src(%dma_wait3A_1817 : memref<1x512xf32, #tpu.memory_space<hbm>>) dst(%dma_wait3A_1813 : memref<1x512xf32, #tpu.memory_space<vmem>>)
      %dma_wait3A_1818 = arith.constant 55 : i32
      %dma_wait3A_1819 = arith.constant 0 : i32
      %dma_wait3A_1820 = tpu.memref_slice %arg10[%dma_wait3A_1818, %dma_wait3A_1819] : memref<64x512xf32, #tpu.memory_space<vmem>> -> memref<1x512xf32, #tpu.memory_space<vmem>>
      %dma_wait3A_1821 = arith.constant 0 : i32
      %dma_wait3A_1822 = arith.constant 0 : i32
      %dma_wait3A_1823 = tpu.memref_slice %arg4[%squeeze3A_906, %dma_wait3A_1821, %dma_wait3A_1822] : memref<1000x1x512xf32, #tpu.memory_space<hbm>> -> memref<1x1x512xf32, #tpu.memory_space<hbm>>
      %dma_wait3A_1824 = tpu.memref_squeeze %dma_wait3A_1823 : memref<1x1x512xf32, #tpu.memory_space<hbm>> -> memref<1x512xf32, #tpu.memory_space<hbm>>
      %dma_wait3A_1825 = arith.constant 55 : i32
      %dma_wait3A_1826 = arith.constant 0 : i32
      %dma_wait3A_1827 = tpu.memref_slice %arg10[%dma_wait3A_1825, %dma_wait3A_1826] : memref<64x512xf32, #tpu.memory_space<vmem>> -> memref<1x512xf32, #tpu.memory_space<vmem>>
      %dma_wait3A_1828 = arith.constant 0 : i32
      %dma_wait3A_1829 = arith.constant 0 : i32
      %dma_wait3A_1830 = tpu.memref_slice %arg4[%squeeze3A_906, %dma_wait3A_1828, %dma_wait3A_1829] : memref<1000x1x512xf32, #tpu.memory_space<hbm>> -> memref<1x1x512xf32, #tpu.memory_space<hbm>>
      %dma_wait3A_1831 = tpu.memref_squeeze %dma_wait3A_1830 : memref<1x1x512xf32, #tpu.memory_space<hbm>> -> memref<1x512xf32, #tpu.memory_space<hbm>>
      tpu.wait_dma2 semaphore(%arg15 : memref<!tpu.dma_semaphore, #tpu.memory_space<semaphore_mem>>) src(%dma_wait3A_1831 : memref<1x512xf32, #tpu.memory_space<hbm>>) dst(%dma_wait3A_1827 : memref<1x512xf32, #tpu.memory_space<vmem>>)
      %dma_wait3A_1832 = arith.constant 56 : i32
      %dma_wait3A_1833 = arith.constant 0 : i32
      %dma_wait3A_1834 = tpu.memref_slice %arg10[%dma_wait3A_1832, %dma_wait3A_1833] : memref<64x512xf32, #tpu.memory_space<vmem>> -> memref<1x512xf32, #tpu.memory_space<vmem>>
      %dma_wait3A_1835 = arith.constant 0 : i32
      %dma_wait3A_1836 = arith.constant 0 : i32
      %dma_wait3A_1837 = tpu.memref_slice %arg4[%squeeze3A_922, %dma_wait3A_1835, %dma_wait3A_1836] : memref<1000x1x512xf32, #tpu.memory_space<hbm>> -> memref<1x1x512xf32, #tpu.memory_space<hbm>>
      %dma_wait3A_1838 = tpu.memref_squeeze %dma_wait3A_1837 : memref<1x1x512xf32, #tpu.memory_space<hbm>> -> memref<1x512xf32, #tpu.memory_space<hbm>>
      %dma_wait3A_1839 = arith.constant 56 : i32
      %dma_wait3A_1840 = arith.constant 0 : i32
      %dma_wait3A_1841 = tpu.memref_slice %arg10[%dma_wait3A_1839, %dma_wait3A_1840] : memref<64x512xf32, #tpu.memory_space<vmem>> -> memref<1x512xf32, #tpu.memory_space<vmem>>
      %dma_wait3A_1842 = arith.constant 0 : i32
      %dma_wait3A_1843 = arith.constant 0 : i32
      %dma_wait3A_1844 = tpu.memref_slice %arg4[%squeeze3A_922, %dma_wait3A_1842, %dma_wait3A_1843] : memref<1000x1x512xf32, #tpu.memory_space<hbm>> -> memref<1x1x512xf32, #tpu.memory_space<hbm>>
      %dma_wait3A_1845 = tpu.memref_squeeze %dma_wait3A_1844 : memref<1x1x512xf32, #tpu.memory_space<hbm>> -> memref<1x512xf32, #tpu.memory_space<hbm>>
      tpu.wait_dma2 semaphore(%arg15 : memref<!tpu.dma_semaphore, #tpu.memory_space<semaphore_mem>>) src(%dma_wait3A_1845 : memref<1x512xf32, #tpu.memory_space<hbm>>) dst(%dma_wait3A_1841 : memref<1x512xf32, #tpu.memory_space<vmem>>)
      %dma_wait3A_1846 = arith.constant 57 : i32
      %dma_wait3A_1847 = arith.constant 0 : i32
      %dma_wait3A_1848 = tpu.memref_slice %arg10[%dma_wait3A_1846, %dma_wait3A_1847] : memref<64x512xf32, #tpu.memory_space<vmem>> -> memref<1x512xf32, #tpu.memory_space<vmem>>
      %dma_wait3A_1849 = arith.constant 0 : i32
      %dma_wait3A_1850 = arith.constant 0 : i32
      %dma_wait3A_1851 = tpu.memref_slice %arg4[%squeeze3A_938, %dma_wait3A_1849, %dma_wait3A_1850] : memref<1000x1x512xf32, #tpu.memory_space<hbm>> -> memref<1x1x512xf32, #tpu.memory_space<hbm>>
      %dma_wait3A_1852 = tpu.memref_squeeze %dma_wait3A_1851 : memref<1x1x512xf32, #tpu.memory_space<hbm>> -> memref<1x512xf32, #tpu.memory_space<hbm>>
      %dma_wait3A_1853 = arith.constant 57 : i32
      %dma_wait3A_1854 = arith.constant 0 : i32
      %dma_wait3A_1855 = tpu.memref_slice %arg10[%dma_wait3A_1853, %dma_wait3A_1854] : memref<64x512xf32, #tpu.memory_space<vmem>> -> memref<1x512xf32, #tpu.memory_space<vmem>>
      %dma_wait3A_1856 = arith.constant 0 : i32
      %dma_wait3A_1857 = arith.constant 0 : i32
      %dma_wait3A_1858 = tpu.memref_slice %arg4[%squeeze3A_938, %dma_wait3A_1856, %dma_wait3A_1857] : memref<1000x1x512xf32, #tpu.memory_space<hbm>> -> memref<1x1x512xf32, #tpu.memory_space<hbm>>
      %dma_wait3A_1859 = tpu.memref_squeeze %dma_wait3A_1858 : memref<1x1x512xf32, #tpu.memory_space<hbm>> -> memref<1x512xf32, #tpu.memory_space<hbm>>
      tpu.wait_dma2 semaphore(%arg15 : memref<!tpu.dma_semaphore, #tpu.memory_space<semaphore_mem>>) src(%dma_wait3A_1859 : memref<1x512xf32, #tpu.memory_space<hbm>>) dst(%dma_wait3A_1855 : memref<1x512xf32, #tpu.memory_space<vmem>>)
      %dma_wait3A_1860 = arith.constant 58 : i32
      %dma_wait3A_1861 = arith.constant 0 : i32
      %dma_wait3A_1862 = tpu.memref_slice %arg10[%dma_wait3A_1860, %dma_wait3A_1861] : memref<64x512xf32, #tpu.memory_space<vmem>> -> memref<1x512xf32, #tpu.memory_space<vmem>>
      %dma_wait3A_1863 = arith.constant 0 : i32
      %dma_wait3A_1864 = arith.constant 0 : i32
      %dma_wait3A_1865 = tpu.memref_slice %arg4[%squeeze3A_954, %dma_wait3A_1863, %dma_wait3A_1864] : memref<1000x1x512xf32, #tpu.memory_space<hbm>> -> memref<1x1x512xf32, #tpu.memory_space<hbm>>
      %dma_wait3A_1866 = tpu.memref_squeeze %dma_wait3A_1865 : memref<1x1x512xf32, #tpu.memory_space<hbm>> -> memref<1x512xf32, #tpu.memory_space<hbm>>
      %dma_wait3A_1867 = arith.constant 58 : i32
      %dma_wait3A_1868 = arith.constant 0 : i32
      %dma_wait3A_1869 = tpu.memref_slice %arg10[%dma_wait3A_1867, %dma_wait3A_1868] : memref<64x512xf32, #tpu.memory_space<vmem>> -> memref<1x512xf32, #tpu.memory_space<vmem>>
      %dma_wait3A_1870 = arith.constant 0 : i32
      %dma_wait3A_1871 = arith.constant 0 : i32
      %dma_wait3A_1872 = tpu.memref_slice %arg4[%squeeze3A_954, %dma_wait3A_1870, %dma_wait3A_1871] : memref<1000x1x512xf32, #tpu.memory_space<hbm>> -> memref<1x1x512xf32, #tpu.memory_space<hbm>>
      %dma_wait3A_1873 = tpu.memref_squeeze %dma_wait3A_1872 : memref<1x1x512xf32, #tpu.memory_space<hbm>> -> memref<1x512xf32, #tpu.memory_space<hbm>>
      tpu.wait_dma2 semaphore(%arg15 : memref<!tpu.dma_semaphore, #tpu.memory_space<semaphore_mem>>) src(%dma_wait3A_1873 : memref<1x512xf32, #tpu.memory_space<hbm>>) dst(%dma_wait3A_1869 : memref<1x512xf32, #tpu.memory_space<vmem>>)
      %dma_wait3A_1874 = arith.constant 59 : i32
      %dma_wait3A_1875 = arith.constant 0 : i32
      %dma_wait3A_1876 = tpu.memref_slice %arg10[%dma_wait3A_1874, %dma_wait3A_1875] : memref<64x512xf32, #tpu.memory_space<vmem>> -> memref<1x512xf32, #tpu.memory_space<vmem>>
      %dma_wait3A_1877 = arith.constant 0 : i32
      %dma_wait3A_1878 = arith.constant 0 : i32
      %dma_wait3A_1879 = tpu.memref_slice %arg4[%squeeze3A_970, %dma_wait3A_1877, %dma_wait3A_1878] : memref<1000x1x512xf32, #tpu.memory_space<hbm>> -> memref<1x1x512xf32, #tpu.memory_space<hbm>>
      %dma_wait3A_1880 = tpu.memref_squeeze %dma_wait3A_1879 : memref<1x1x512xf32, #tpu.memory_space<hbm>> -> memref<1x512xf32, #tpu.memory_space<hbm>>
      %dma_wait3A_1881 = arith.constant 59 : i32
      %dma_wait3A_1882 = arith.constant 0 : i32
      %dma_wait3A_1883 = tpu.memref_slice %arg10[%dma_wait3A_1881, %dma_wait3A_1882] : memref<64x512xf32, #tpu.memory_space<vmem>> -> memref<1x512xf32, #tpu.memory_space<vmem>>
      %dma_wait3A_1884 = arith.constant 0 : i32
      %dma_wait3A_1885 = arith.constant 0 : i32
      %dma_wait3A_1886 = tpu.memref_slice %arg4[%squeeze3A_970, %dma_wait3A_1884, %dma_wait3A_1885] : memref<1000x1x512xf32, #tpu.memory_space<hbm>> -> memref<1x1x512xf32, #tpu.memory_space<hbm>>
      %dma_wait3A_1887 = tpu.memref_squeeze %dma_wait3A_1886 : memref<1x1x512xf32, #tpu.memory_space<hbm>> -> memref<1x512xf32, #tpu.memory_space<hbm>>
      tpu.wait_dma2 semaphore(%arg15 : memref<!tpu.dma_semaphore, #tpu.memory_space<semaphore_mem>>) src(%dma_wait3A_1887 : memref<1x512xf32, #tpu.memory_space<hbm>>) dst(%dma_wait3A_1883 : memref<1x512xf32, #tpu.memory_space<vmem>>)
      %dma_wait3A_1888 = arith.constant 60 : i32
      %dma_wait3A_1889 = arith.constant 0 : i32
      %dma_wait3A_1890 = tpu.memref_slice %arg10[%dma_wait3A_1888, %dma_wait3A_1889] : memref<64x512xf32, #tpu.memory_space<vmem>> -> memref<1x512xf32, #tpu.memory_space<vmem>>
      %dma_wait3A_1891 = arith.constant 0 : i32
      %dma_wait3A_1892 = arith.constant 0 : i32
      %dma_wait3A_1893 = tpu.memref_slice %arg4[%squeeze3A_986, %dma_wait3A_1891, %dma_wait3A_1892] : memref<1000x1x512xf32, #tpu.memory_space<hbm>> -> memref<1x1x512xf32, #tpu.memory_space<hbm>>
      %dma_wait3A_1894 = tpu.memref_squeeze %dma_wait3A_1893 : memref<1x1x512xf32, #tpu.memory_space<hbm>> -> memref<1x512xf32, #tpu.memory_space<hbm>>
      %dma_wait3A_1895 = arith.constant 60 : i32
      %dma_wait3A_1896 = arith.constant 0 : i32
      %dma_wait3A_1897 = tpu.memref_slice %arg10[%dma_wait3A_1895, %dma_wait3A_1896] : memref<64x512xf32, #tpu.memory_space<vmem>> -> memref<1x512xf32, #tpu.memory_space<vmem>>
      %dma_wait3A_1898 = arith.constant 0 : i32
      %dma_wait3A_1899 = arith.constant 0 : i32
      %dma_wait3A_1900 = tpu.memref_slice %arg4[%squeeze3A_986, %dma_wait3A_1898, %dma_wait3A_1899] : memref<1000x1x512xf32, #tpu.memory_space<hbm>> -> memref<1x1x512xf32, #tpu.memory_space<hbm>>
      %dma_wait3A_1901 = tpu.memref_squeeze %dma_wait3A_1900 : memref<1x1x512xf32, #tpu.memory_space<hbm>> -> memref<1x512xf32, #tpu.memory_space<hbm>>
      tpu.wait_dma2 semaphore(%arg15 : memref<!tpu.dma_semaphore, #tpu.memory_space<semaphore_mem>>) src(%dma_wait3A_1901 : memref<1x512xf32, #tpu.memory_space<hbm>>) dst(%dma_wait3A_1897 : memref<1x512xf32, #tpu.memory_space<vmem>>)
      %dma_wait3A_1902 = arith.constant 61 : i32
      %dma_wait3A_1903 = arith.constant 0 : i32
      %dma_wait3A_1904 = tpu.memref_slice %arg10[%dma_wait3A_1902, %dma_wait3A_1903] : memref<64x512xf32, #tpu.memory_space<vmem>> -> memref<1x512xf32, #tpu.memory_space<vmem>>
      %dma_wait3A_1905 = arith.constant 0 : i32
      %dma_wait3A_1906 = arith.constant 0 : i32
      %dma_wait3A_1907 = tpu.memref_slice %arg4[%squeeze3A_1002, %dma_wait3A_1905, %dma_wait3A_1906] : memref<1000x1x512xf32, #tpu.memory_space<hbm>> -> memref<1x1x512xf32, #tpu.memory_space<hbm>>
      %dma_wait3A_1908 = tpu.memref_squeeze %dma_wait3A_1907 : memref<1x1x512xf32, #tpu.memory_space<hbm>> -> memref<1x512xf32, #tpu.memory_space<hbm>>
      %dma_wait3A_1909 = arith.constant 61 : i32
      %dma_wait3A_1910 = arith.constant 0 : i32
      %dma_wait3A_1911 = tpu.memref_slice %arg10[%dma_wait3A_1909, %dma_wait3A_1910] : memref<64x512xf32, #tpu.memory_space<vmem>> -> memref<1x512xf32, #tpu.memory_space<vmem>>
      %dma_wait3A_1912 = arith.constant 0 : i32
      %dma_wait3A_1913 = arith.constant 0 : i32
      %dma_wait3A_1914 = tpu.memref_slice %arg4[%squeeze3A_1002, %dma_wait3A_1912, %dma_wait3A_1913] : memref<1000x1x512xf32, #tpu.memory_space<hbm>> -> memref<1x1x512xf32, #tpu.memory_space<hbm>>
      %dma_wait3A_1915 = tpu.memref_squeeze %dma_wait3A_1914 : memref<1x1x512xf32, #tpu.memory_space<hbm>> -> memref<1x512xf32, #tpu.memory_space<hbm>>
      tpu.wait_dma2 semaphore(%arg15 : memref<!tpu.dma_semaphore, #tpu.memory_space<semaphore_mem>>) src(%dma_wait3A_1915 : memref<1x512xf32, #tpu.memory_space<hbm>>) dst(%dma_wait3A_1911 : memref<1x512xf32, #tpu.memory_space<vmem>>)
      %dma_wait3A_1916 = arith.constant 62 : i32
      %dma_wait3A_1917 = arith.constant 0 : i32
      %dma_wait3A_1918 = tpu.memref_slice %arg10[%dma_wait3A_1916, %dma_wait3A_1917] : memref<64x512xf32, #tpu.memory_space<vmem>> -> memref<1x512xf32, #tpu.memory_space<vmem>>
      %dma_wait3A_1919 = arith.constant 0 : i32
      %dma_wait3A_1920 = arith.constant 0 : i32
      %dma_wait3A_1921 = tpu.memref_slice %arg4[%squeeze3A_1018, %dma_wait3A_1919, %dma_wait3A_1920] : memref<1000x1x512xf32, #tpu.memory_space<hbm>> -> memref<1x1x512xf32, #tpu.memory_space<hbm>>
      %dma_wait3A_1922 = tpu.memref_squeeze %dma_wait3A_1921 : memref<1x1x512xf32, #tpu.memory_space<hbm>> -> memref<1x512xf32, #tpu.memory_space<hbm>>
      %dma_wait3A_1923 = arith.constant 62 : i32
      %dma_wait3A_1924 = arith.constant 0 : i32
      %dma_wait3A_1925 = tpu.memref_slice %arg10[%dma_wait3A_1923, %dma_wait3A_1924] : memref<64x512xf32, #tpu.memory_space<vmem>> -> memref<1x512xf32, #tpu.memory_space<vmem>>
      %dma_wait3A_1926 = arith.constant 0 : i32
      %dma_wait3A_1927 = arith.constant 0 : i32
      %dma_wait3A_1928 = tpu.memref_slice %arg4[%squeeze3A_1018, %dma_wait3A_1926, %dma_wait3A_1927] : memref<1000x1x512xf32, #tpu.memory_space<hbm>> -> memref<1x1x512xf32, #tpu.memory_space<hbm>>
      %dma_wait3A_1929 = tpu.memref_squeeze %dma_wait3A_1928 : memref<1x1x512xf32, #tpu.memory_space<hbm>> -> memref<1x512xf32, #tpu.memory_space<hbm>>
      tpu.wait_dma2 semaphore(%arg15 : memref<!tpu.dma_semaphore, #tpu.memory_space<semaphore_mem>>) src(%dma_wait3A_1929 : memref<1x512xf32, #tpu.memory_space<hbm>>) dst(%dma_wait3A_1925 : memref<1x512xf32, #tpu.memory_space<vmem>>)
      %dma_wait3A_1930 = arith.constant 63 : i32
      %dma_wait3A_1931 = arith.constant 0 : i32
      %dma_wait3A_1932 = tpu.memref_slice %arg10[%dma_wait3A_1930, %dma_wait3A_1931] : memref<64x512xf32, #tpu.memory_space<vmem>> -> memref<1x512xf32, #tpu.memory_space<vmem>>
      %dma_wait3A_1933 = arith.constant 0 : i32
      %dma_wait3A_1934 = arith.constant 0 : i32
      %dma_wait3A_1935 = tpu.memref_slice %arg4[%squeeze3A_1034, %dma_wait3A_1933, %dma_wait3A_1934] : memref<1000x1x512xf32, #tpu.memory_space<hbm>> -> memref<1x1x512xf32, #tpu.memory_space<hbm>>
      %dma_wait3A_1936 = tpu.memref_squeeze %dma_wait3A_1935 : memref<1x1x512xf32, #tpu.memory_space<hbm>> -> memref<1x512xf32, #tpu.memory_space<hbm>>
      %dma_wait3A_1937 = arith.constant 63 : i32
      %dma_wait3A_1938 = arith.constant 0 : i32
      %dma_wait3A_1939 = tpu.memref_slice %arg10[%dma_wait3A_1937, %dma_wait3A_1938] : memref<64x512xf32, #tpu.memory_space<vmem>> -> memref<1x512xf32, #tpu.memory_space<vmem>>
      %dma_wait3A_1940 = arith.constant 0 : i32
      %dma_wait3A_1941 = arith.constant 0 : i32
      %dma_wait3A_1942 = tpu.memref_slice %arg4[%squeeze3A_1034, %dma_wait3A_1940, %dma_wait3A_1941] : memref<1000x1x512xf32, #tpu.memory_space<hbm>> -> memref<1x1x512xf32, #tpu.memory_space<hbm>>
      %dma_wait3A_1943 = tpu.memref_squeeze %dma_wait3A_1942 : memref<1x1x512xf32, #tpu.memory_space<hbm>> -> memref<1x512xf32, #tpu.memory_space<hbm>>
      tpu.wait_dma2 semaphore(%arg15 : memref<!tpu.dma_semaphore, #tpu.memory_space<semaphore_mem>>) src(%dma_wait3A_1943 : memref<1x512xf32, #tpu.memory_space<hbm>>) dst(%dma_wait3A_1939 : memref<1x512xf32, #tpu.memory_space<vmem>>)
      %run_scoped3A = arith.constant 0 : i32
      "tpu.region"() ({
        %run_scoped3A_1944 = tpu.sem_alloc : memref<!tpu.dma_semaphore, #tpu.memory_space<semaphore_mem>>
        %dma_start3A_1945 = arith.constant 0 : i32
        %dma_start3A_1946 = arith.constant 0 : i32
        %dma_start3A_1947 = tpu.memref_slice %arg7[%run_scoped3A, %dma_start3A_1945, %dma_start3A_1946] : memref<77x64x512xf32, #tpu.memory_space<hbm>> -> memref<1x64x512xf32, #tpu.memory_space<hbm>>
        %dma_start3A_1948 = tpu.memref_squeeze %dma_start3A_1947 : memref<1x64x512xf32, #tpu.memory_space<hbm>> -> memref<64x512xf32, #tpu.memory_space<hbm>>
        %dma_start3A_1949 = arith.constant 0 : i32
        %dma_start3A_1950 = arith.constant 0 : i32
        %dma_start3A_1951 = tpu.memref_slice %arg7[%run_scoped3A, %dma_start3A_1949, %dma_start3A_1950] : memref<77x64x512xf32, #tpu.memory_space<hbm>> -> memref<1x64x512xf32, #tpu.memory_space<hbm>>
        %dma_start3A_1952 = tpu.memref_squeeze %dma_start3A_1951 : memref<1x64x512xf32, #tpu.memory_space<hbm>> -> memref<64x512xf32, #tpu.memory_space<hbm>>
        tpu.enqueue_dma source(%arg10 : memref<64x512xf32, #tpu.memory_space<vmem>>) target(%dma_start3A_1952 : memref<64x512xf32, #tpu.memory_space<hbm>>) target_semaphore(%run_scoped3A_1944 : memref<!tpu.dma_semaphore, #tpu.memory_space<semaphore_mem>>)
        %dma_wait3A_1953 = arith.constant 0 : i32
        %dma_wait3A_1954 = arith.constant 0 : i32
        %dma_wait3A_1955 = tpu.memref_slice %arg7[%run_scoped3A, %dma_wait3A_1953, %dma_wait3A_1954] : memref<77x64x512xf32, #tpu.memory_space<hbm>> -> memref<1x64x512xf32, #tpu.memory_space<hbm>>
        %dma_wait3A_1956 = tpu.memref_squeeze %dma_wait3A_1955 : memref<1x64x512xf32, #tpu.memory_space<hbm>> -> memref<64x512xf32, #tpu.memory_space<hbm>>
        %dma_wait3A_1957 = arith.constant 0 : i32
        %dma_wait3A_1958 = arith.constant 0 : i32
        %dma_wait3A_1959 = tpu.memref_slice %arg7[%run_scoped3A, %dma_wait3A_1957, %dma_wait3A_1958] : memref<77x64x512xf32, #tpu.memory_space<hbm>> -> memref<1x64x512xf32, #tpu.memory_space<hbm>>
        %dma_wait3A_1960 = tpu.memref_squeeze %dma_wait3A_1959 : memref<1x64x512xf32, #tpu.memory_space<hbm>> -> memref<64x512xf32, #tpu.memory_space<hbm>>
        tpu.wait_dma2 semaphore(%run_scoped3A_1944 : memref<!tpu.dma_semaphore, #tpu.memory_space<semaphore_mem>>) src(%arg10 : memref<64x512xf32, #tpu.memory_space<vmem>>) dst(%dma_wait3A_1960 : memref<64x512xf32, #tpu.memory_space<hbm>>)
        tpu.yield
      }) : () -> ()
    } else {
    }
    %eq3A_7 = arith.constant 31 : i32
    %eq3A_8 = arith.cmpi eq, %add3A, %eq3A_7 : i32
    %convert_element_type3A_9 = arith.extui %eq3A_8 : i1 to i32
    %cond3A_10 = arith.constant 0 : i32
    %cond3A_11 = arith.cmpi ne, %convert_element_type3A_9, %cond3A_10 : i32
    scf.if %cond3A_11 {
      %dma_start3A = arith.constant 0 : i32
      %dma_start3A_17 = arith.constant 0 : i32
      %dma_start3A_18 = tpu.memref_slice %arg6[%dma_start3A, %dma_start3A_17] : memref<1000x128xi32, #tpu.memory_space<hbm>> -> memref<1000x128xi32, #tpu.memory_space<hbm>>
      tpu.enqueue_indirect_dma source(%dma_start3A_18 : memref<1000x128xi32, #tpu.memory_space<hbm>>) target(%arg14 : memref<64x128xi32, #tpu.memory_space<vmem>>) offsets(%arg9 : memref<64xi32, #tpu.memory_space<vmem>>) semaphore(%arg15 : memref<!tpu.dma_semaphore, #tpu.memory_space<semaphore_mem>>)
      %dma_wait3A = arith.constant 0 : i32
      %dma_wait3A_19 = arith.constant 0 : i32
      %dma_wait3A_20 = tpu.memref_slice %arg6[%dma_wait3A, %dma_wait3A_19] : memref<1000x128xi32, #tpu.memory_space<hbm>> -> memref<1000x128xi32, #tpu.memory_space<hbm>>
      tpu.wait_indirect_dma semaphore(%arg15 : memref<!tpu.dma_semaphore, #tpu.memory_space<semaphore_mem>>) src(%dma_wait3A_20 : memref<1000x128xi32, #tpu.memory_space<hbm>>) dst(%arg14 : memref<64x128xi32, #tpu.memory_space<vmem>>)
      "tpu.region"() ({
        %run_scoped3A = tpu.sem_alloc : memref<!tpu.dma_semaphore, #tpu.memory_space<semaphore_mem>>
        tpu.enqueue_dma source(%arg14 : memref<64x128xi32, #tpu.memory_space<vmem>>) target(%arg8 : memref<64x128xi32, #tpu.memory_space<hbm>>) target_semaphore(%run_scoped3A : memref<!tpu.dma_semaphore, #tpu.memory_space<semaphore_mem>>)
        tpu.wait_dma2 semaphore(%run_scoped3A : memref<!tpu.dma_semaphore, #tpu.memory_space<semaphore_mem>>) src(%arg14 : memref<64x128xi32, #tpu.memory_space<vmem>>) dst(%arg8 : memref<64x128xi32, #tpu.memory_space<hbm>>)
        tpu.yield
      }) : () -> ()
    } else {
    }
    %lt3A_12 = arith.constant 16 : i32
    %lt3A_13 = arith.cmpi slt, %add3A, %lt3A_12 : i32
    %convert_element_type3A_14 = arith.extui %lt3A_13 : i1 to i32
    %cond3A_15 = arith.constant 0 : i32
    %cond3A_16 = arith.cmpi ne, %convert_element_type3A_14, %cond3A_15 : i32
    scf.if %cond3A_16 {
      "tpu.region"() ({
        %run_scoped3A = tpu.sem_alloc : memref<!tpu.dma_semaphore, #tpu.memory_space<semaphore_mem>>
        %dma_start3A = arith.constant 0 : i32
        %dma_start3A_119 = tpu.memref_slice %arg3[%add3A, %dma_start3A] : memref<16x512xf32, #tpu.memory_space<hbm>> -> memref<1x512xf32, #tpu.memory_space<hbm>>
        %dma_start3A_120 = tpu.memref_squeeze %dma_start3A_119 : memref<1x512xf32, #tpu.memory_space<hbm>> -> memref<512xf32, #tpu.memory_space<hbm>>
        %dma_start3A_121 = arith.constant 0 : i32
        %dma_start3A_122 = tpu.memref_slice %arg3[%add3A, %dma_start3A_121] : memref<16x512xf32, #tpu.memory_space<hbm>> -> memref<1x512xf32, #tpu.memory_space<hbm>>
        %dma_start3A_123 = tpu.memref_squeeze %dma_start3A_122 : memref<1x512xf32, #tpu.memory_space<hbm>> -> memref<512xf32, #tpu.memory_space<hbm>>
        tpu.enqueue_dma source(%dma_start3A_123 : memref<512xf32, #tpu.memory_space<hbm>>) target(%arg13 : memref<512xf32, #tpu.memory_space<vmem>>) target_semaphore(%run_scoped3A : memref<!tpu.dma_semaphore, #tpu.memory_space<semaphore_mem>>)
        %dma_wait3A = arith.constant 0 : i32
        %dma_wait3A_124 = tpu.memref_slice %arg3[%add3A, %dma_wait3A] : memref<16x512xf32, #tpu.memory_space<hbm>> -> memref<1x512xf32, #tpu.memory_space<hbm>>
        %dma_wait3A_125 = tpu.memref_squeeze %dma_wait3A_124 : memref<1x512xf32, #tpu.memory_space<hbm>> -> memref<512xf32, #tpu.memory_space<hbm>>
        %dma_wait3A_126 = arith.constant 0 : i32
        %dma_wait3A_127 = tpu.memref_slice %arg3[%add3A, %dma_wait3A_126] : memref<16x512xf32, #tpu.memory_space<hbm>> -> memref<1x512xf32, #tpu.memory_space<hbm>>
        %dma_wait3A_128 = tpu.memref_squeeze %dma_wait3A_127 : memref<1x512xf32, #tpu.memory_space<hbm>> -> memref<512xf32, #tpu.memory_space<hbm>>
        tpu.wait_dma2 semaphore(%run_scoped3A : memref<!tpu.dma_semaphore, #tpu.memory_space<semaphore_mem>>) src(%dma_wait3A_128 : memref<512xf32, #tpu.memory_space<hbm>>) dst(%arg13 : memref<512xf32, #tpu.memory_space<vmem>>)
        tpu.yield
      }) : () -> ()
      %get3A = arith.constant 0 : index
      %get3A_17 = tpu.vector_load %arg13[%get3A] {strides = array<i32>} : memref<512xf32, #tpu.memory_space<vmem>>, vector<16xf32>,
      %get3A_18 = vector.shape_cast %get3A_17 : vector<16xf32> to vector<16xf32>
      %get3A_19 = arith.constant 16 : index
      %get3A_20 = tpu.vector_load %arg13[%get3A_19] {strides = array<i32>} : memref<512xf32, #tpu.memory_space<vmem>>, vector<16xf32>,
      %get3A_21 = vector.shape_cast %get3A_20 : vector<16xf32> to vector<16xf32>
      %get3A_22 = arith.constant 32 : index
      %get3A_23 = tpu.vector_load %arg13[%get3A_22] {strides = array<i32>} : memref<512xf32, #tpu.memory_space<vmem>>, vector<16xf32>,
      %get3A_24 = vector.shape_cast %get3A_23 : vector<16xf32> to vector<16xf32>
      %get3A_25 = arith.constant 48 : index
      %get3A_26 = tpu.vector_load %arg13[%get3A_25] {strides = array<i32>} : memref<512xf32, #tpu.memory_space<vmem>>, vector<16xf32>,
      %get3A_27 = vector.shape_cast %get3A_26 : vector<16xf32> to vector<16xf32>
      %get3A_28 = arith.constant 64 : index
      %get3A_29 = tpu.vector_load %arg13[%get3A_28] {strides = array<i32>} : memref<512xf32, #tpu.memory_space<vmem>>, vector<16xf32>,
      %get3A_30 = vector.shape_cast %get3A_29 : vector<16xf32> to vector<16xf32>
      %get3A_31 = arith.constant 80 : index
      %get3A_32 = tpu.vector_load %arg13[%get3A_31] {strides = array<i32>} : memref<512xf32, #tpu.memory_space<vmem>>, vector<16xf32>,
      %get3A_33 = vector.shape_cast %get3A_32 : vector<16xf32> to vector<16xf32>
      %get3A_34 = arith.constant 96 : index
      %get3A_35 = tpu.vector_load %arg13[%get3A_34] {strides = array<i32>} : memref<512xf32, #tpu.memory_space<vmem>>, vector<16xf32>,
      %get3A_36 = vector.shape_cast %get3A_35 : vector<16xf32> to vector<16xf32>
      %get3A_37 = arith.constant 112 : index
      %get3A_38 = tpu.vector_load %arg13[%get3A_37] {strides = array<i32>} : memref<512xf32, #tpu.memory_space<vmem>>, vector<16xf32>,
      %get3A_39 = vector.shape_cast %get3A_38 : vector<16xf32> to vector<16xf32>
      %get3A_40 = arith.constant 128 : index
      %get3A_41 = tpu.vector_load %arg13[%get3A_40] {strides = array<i32>} : memref<512xf32, #tpu.memory_space<vmem>>, vector<16xf32>,
      %get3A_42 = vector.shape_cast %get3A_41 : vector<16xf32> to vector<16xf32>
      %get3A_43 = arith.constant 144 : index
      %get3A_44 = tpu.vector_load %arg13[%get3A_43] {strides = array<i32>} : memref<512xf32, #tpu.memory_space<vmem>>, vector<16xf32>,
      %get3A_45 = vector.shape_cast %get3A_44 : vector<16xf32> to vector<16xf32>
      %get3A_46 = arith.constant 160 : index
      %get3A_47 = tpu.vector_load %arg13[%get3A_46] {strides = array<i32>} : memref<512xf32, #tpu.memory_space<vmem>>, vector<16xf32>,
      %get3A_48 = vector.shape_cast %get3A_47 : vector<16xf32> to vector<16xf32>
      %get3A_49 = arith.constant 176 : index
      %get3A_50 = tpu.vector_load %arg13[%get3A_49] {strides = array<i32>} : memref<512xf32, #tpu.memory_space<vmem>>, vector<16xf32>,
      %get3A_51 = vector.shape_cast %get3A_50 : vector<16xf32> to vector<16xf32>
      %get3A_52 = arith.constant 192 : index
      %get3A_53 = tpu.vector_load %arg13[%get3A_52] {strides = array<i32>} : memref<512xf32, #tpu.memory_space<vmem>>, vector<16xf32>,
      %get3A_54 = vector.shape_cast %get3A_53 : vector<16xf32> to vector<16xf32>
      %get3A_55 = arith.constant 208 : index
      %get3A_56 = tpu.vector_load %arg13[%get3A_55] {strides = array<i32>} : memref<512xf32, #tpu.memory_space<vmem>>, vector<16xf32>,
      %get3A_57 = vector.shape_cast %get3A_56 : vector<16xf32> to vector<16xf32>
      %get3A_58 = arith.constant 224 : index
      %get3A_59 = tpu.vector_load %arg13[%get3A_58] {strides = array<i32>} : memref<512xf32, #tpu.memory_space<vmem>>, vector<16xf32>,
      %get3A_60 = vector.shape_cast %get3A_59 : vector<16xf32> to vector<16xf32>
      %get3A_61 = arith.constant 240 : index
      %get3A_62 = tpu.vector_load %arg13[%get3A_61] {strides = array<i32>} : memref<512xf32, #tpu.memory_space<vmem>>, vector<16xf32>,
      %get3A_63 = vector.shape_cast %get3A_62 : vector<16xf32> to vector<16xf32>
      %get3A_64 = arith.constant 256 : index
      %get3A_65 = tpu.vector_load %arg13[%get3A_64] {strides = array<i32>} : memref<512xf32, #tpu.memory_space<vmem>>, vector<16xf32>,
      %get3A_66 = vector.shape_cast %get3A_65 : vector<16xf32> to vector<16xf32>
      %get3A_67 = arith.constant 272 : index
      %get3A_68 = tpu.vector_load %arg13[%get3A_67] {strides = array<i32>} : memref<512xf32, #tpu.memory_space<vmem>>, vector<16xf32>,
      %get3A_69 = vector.shape_cast %get3A_68 : vector<16xf32> to vector<16xf32>
      %get3A_70 = arith.constant 288 : index
      %get3A_71 = tpu.vector_load %arg13[%get3A_70] {strides = array<i32>} : memref<512xf32, #tpu.memory_space<vmem>>, vector<16xf32>,
      %get3A_72 = vector.shape_cast %get3A_71 : vector<16xf32> to vector<16xf32>
      %get3A_73 = arith.constant 304 : index
      %get3A_74 = tpu.vector_load %arg13[%get3A_73] {strides = array<i32>} : memref<512xf32, #tpu.memory_space<vmem>>, vector<16xf32>,
      %get3A_75 = vector.shape_cast %get3A_74 : vector<16xf32> to vector<16xf32>
      %get3A_76 = arith.constant 320 : index
      %get3A_77 = tpu.vector_load %arg13[%get3A_76] {strides = array<i32>} : memref<512xf32, #tpu.memory_space<vmem>>, vector<16xf32>,
      %get3A_78 = vector.shape_cast %get3A_77 : vector<16xf32> to vector<16xf32>
      %get3A_79 = arith.constant 336 : index
      %get3A_80 = tpu.vector_load %arg13[%get3A_79] {strides = array<i32>} : memref<512xf32, #tpu.memory_space<vmem>>, vector<16xf32>,
      %get3A_81 = vector.shape_cast %get3A_80 : vector<16xf32> to vector<16xf32>
      %get3A_82 = arith.constant 352 : index
      %get3A_83 = tpu.vector_load %arg13[%get3A_82] {strides = array<i32>} : memref<512xf32, #tpu.memory_space<vmem>>, vector<16xf32>,
      %get3A_84 = vector.shape_cast %get3A_83 : vector<16xf32> to vector<16xf32>
      %get3A_85 = arith.constant 368 : index
      %get3A_86 = tpu.vector_load %arg13[%get3A_85] {strides = array<i32>} : memref<512xf32, #tpu.memory_space<vmem>>, vector<16xf32>,
      %get3A_87 = vector.shape_cast %get3A_86 : vector<16xf32> to vector<16xf32>
      %get3A_88 = arith.constant 384 : index
      %get3A_89 = tpu.vector_load %arg13[%get3A_88] {strides = array<i32>} : memref<512xf32, #tpu.memory_space<vmem>>, vector<16xf32>,
      %get3A_90 = vector.shape_cast %get3A_89 : vector<16xf32> to vector<16xf32>
      %get3A_91 = arith.constant 400 : index
      %get3A_92 = tpu.vector_load %arg13[%get3A_91] {strides = array<i32>} : memref<512xf32, #tpu.memory_space<vmem>>, vector<16xf32>,
      %get3A_93 = vector.shape_cast %get3A_92 : vector<16xf32> to vector<16xf32>
      %get3A_94 = arith.constant 416 : index
      %get3A_95 = tpu.vector_load %arg13[%get3A_94] {strides = array<i32>} : memref<512xf32, #tpu.memory_space<vmem>>, vector<16xf32>,
      %get3A_96 = vector.shape_cast %get3A_95 : vector<16xf32> to vector<16xf32>
      %get3A_97 = arith.constant 432 : index
      %get3A_98 = tpu.vector_load %arg13[%get3A_97] {strides = array<i32>} : memref<512xf32, #tpu.memory_space<vmem>>, vector<16xf32>,
      %get3A_99 = vector.shape_cast %get3A_98 : vector<16xf32> to vector<16xf32>
      %get3A_100 = arith.constant 448 : index
      %get3A_101 = tpu.vector_load %arg13[%get3A_100] {strides = array<i32>} : memref<512xf32, #tpu.memory_space<vmem>>, vector<16xf32>,
      %get3A_102 = vector.shape_cast %get3A_101 : vector<16xf32> to vector<16xf32>
      %get3A_103 = arith.constant 464 : index
      %get3A_104 = tpu.vector_load %arg13[%get3A_103] {strides = array<i32>} : memref<512xf32, #tpu.memory_space<vmem>>, vector<16xf32>,
      %get3A_105 = vector.shape_cast %get3A_104 : vector<16xf32> to vector<16xf32>
      %get3A_106 = arith.constant 480 : index
      %get3A_107 = tpu.vector_load %arg13[%get3A_106] {strides = array<i32>} : memref<512xf32, #tpu.memory_space<vmem>>, vector<16xf32>,
      %get3A_108 = vector.shape_cast %get3A_107 : vector<16xf32> to vector<16xf32>
      %get3A_109 = arith.constant 496 : index
      %get3A_110 = tpu.vector_load %arg13[%get3A_109] {strides = array<i32>} : memref<512xf32, #tpu.memory_space<vmem>>, vector<16xf32>,
      %get3A_111 = vector.shape_cast %get3A_110 : vector<16xf32> to vector<16xf32>
      %scan3A = arith.constant 0 : i32
      %scan3A_112 = arith.constant 0 : i32
      %scan3A_113 = arith.constant 64 : i32
      %scan3A_114 = arith.addi %scan3A_112, %scan3A_113 : i32
      %scan3A_115 = arith.constant 1 : i32
      scf.for %scan3A_119 = %scan3A_112 to %scan3A_114 step %scan3A_115  : i32 {
        %swap3A = arith.index_cast %scan3A_119 : i32 to index
        %swap3A_120 = arith.constant 0 : index
        %swap3A_121 = tpu.vector_load %arg12[%swap3A, %swap3A_120] {strides = array<i32>} : memref<64x512xf32, #tpu.memory_space<vmem>>, vector<1x16xf32>,
        %swap3A_122 = vector.shape_cast %swap3A_121 : vector<1x16xf32> to vector<16xf32>
        %swap3A_123 = vector.shape_cast %get3A_18 : vector<16xf32> to vector<1x16xf32>
        tpu.vector_store %arg12[%swap3A, %swap3A_120], %swap3A_123 {strides = array<i32>} : memref<64x512xf32, #tpu.memory_space<vmem>>, vector<1x16xf32>,
        %swap3A_124 = arith.index_cast %scan3A_119 : i32 to index
        %swap3A_125 = arith.constant 16 : index
        %swap3A_126 = tpu.vector_load %arg12[%swap3A_124, %swap3A_125] {strides = array<i32>} : memref<64x512xf32, #tpu.memory_space<vmem>>, vector<1x16xf32>,
        %swap3A_127 = vector.shape_cast %swap3A_126 : vector<1x16xf32> to vector<16xf32>
        %swap3A_128 = vector.shape_cast %get3A_21 : vector<16xf32> to vector<1x16xf32>
        tpu.vector_store %arg12[%swap3A_124, %swap3A_125], %swap3A_128 {strides = array<i32>} : memref<64x512xf32, #tpu.memory_space<vmem>>, vector<1x16xf32>,
        %swap3A_129 = arith.index_cast %scan3A_119 : i32 to index
        %swap3A_130 = arith.constant 32 : index
        %swap3A_131 = tpu.vector_load %arg12[%swap3A_129, %swap3A_130] {strides = array<i32>} : memref<64x512xf32, #tpu.memory_space<vmem>>, vector<1x16xf32>,
        %swap3A_132 = vector.shape_cast %swap3A_131 : vector<1x16xf32> to vector<16xf32>
        %swap3A_133 = vector.shape_cast %get3A_24 : vector<16xf32> to vector<1x16xf32>
        tpu.vector_store %arg12[%swap3A_129, %swap3A_130], %swap3A_133 {strides = array<i32>} : memref<64x512xf32, #tpu.memory_space<vmem>>, vector<1x16xf32>,
        %swap3A_134 = arith.index_cast %scan3A_119 : i32 to index
        %swap3A_135 = arith.constant 48 : index
        %swap3A_136 = tpu.vector_load %arg12[%swap3A_134, %swap3A_135] {strides = array<i32>} : memref<64x512xf32, #tpu.memory_space<vmem>>, vector<1x16xf32>,
        %swap3A_137 = vector.shape_cast %swap3A_136 : vector<1x16xf32> to vector<16xf32>
        %swap3A_138 = vector.shape_cast %get3A_27 : vector<16xf32> to vector<1x16xf32>
        tpu.vector_store %arg12[%swap3A_134, %swap3A_135], %swap3A_138 {strides = array<i32>} : memref<64x512xf32, #tpu.memory_space<vmem>>, vector<1x16xf32>,
        %swap3A_139 = arith.index_cast %scan3A_119 : i32 to index
        %swap3A_140 = arith.constant 64 : index
        %swap3A_141 = tpu.vector_load %arg12[%swap3A_139, %swap3A_140] {strides = array<i32>} : memref<64x512xf32, #tpu.memory_space<vmem>>, vector<1x16xf32>,
        %swap3A_142 = vector.shape_cast %swap3A_141 : vector<1x16xf32> to vector<16xf32>
        %swap3A_143 = vector.shape_cast %get3A_30 : vector<16xf32> to vector<1x16xf32>
        tpu.vector_store %arg12[%swap3A_139, %swap3A_140], %swap3A_143 {strides = array<i32>} : memref<64x512xf32, #tpu.memory_space<vmem>>, vector<1x16xf32>,
        %swap3A_144 = arith.index_cast %scan3A_119 : i32 to index
        %swap3A_145 = arith.constant 80 : index
        %swap3A_146 = tpu.vector_load %arg12[%swap3A_144, %swap3A_145] {strides = array<i32>} : memref<64x512xf32, #tpu.memory_space<vmem>>, vector<1x16xf32>,
        %swap3A_147 = vector.shape_cast %swap3A_146 : vector<1x16xf32> to vector<16xf32>
        %swap3A_148 = vector.shape_cast %get3A_33 : vector<16xf32> to vector<1x16xf32>
        tpu.vector_store %arg12[%swap3A_144, %swap3A_145], %swap3A_148 {strides = array<i32>} : memref<64x512xf32, #tpu.memory_space<vmem>>, vector<1x16xf32>,
        %swap3A_149 = arith.index_cast %scan3A_119 : i32 to index
        %swap3A_150 = arith.constant 96 : index
        %swap3A_151 = tpu.vector_load %arg12[%swap3A_149, %swap3A_150] {strides = array<i32>} : memref<64x512xf32, #tpu.memory_space<vmem>>, vector<1x16xf32>,
        %swap3A_152 = vector.shape_cast %swap3A_151 : vector<1x16xf32> to vector<16xf32>
        %swap3A_153 = vector.shape_cast %get3A_36 : vector<16xf32> to vector<1x16xf32>
        tpu.vector_store %arg12[%swap3A_149, %swap3A_150], %swap3A_153 {strides = array<i32>} : memref<64x512xf32, #tpu.memory_space<vmem>>, vector<1x16xf32>,
        %swap3A_154 = arith.index_cast %scan3A_119 : i32 to index
        %swap3A_155 = arith.constant 112 : index
        %swap3A_156 = tpu.vector_load %arg12[%swap3A_154, %swap3A_155] {strides = array<i32>} : memref<64x512xf32, #tpu.memory_space<vmem>>, vector<1x16xf32>,
        %swap3A_157 = vector.shape_cast %swap3A_156 : vector<1x16xf32> to vector<16xf32>
        %swap3A_158 = vector.shape_cast %get3A_39 : vector<16xf32> to vector<1x16xf32>
        tpu.vector_store %arg12[%swap3A_154, %swap3A_155], %swap3A_158 {strides = array<i32>} : memref<64x512xf32, #tpu.memory_space<vmem>>, vector<1x16xf32>,
        %swap3A_159 = arith.index_cast %scan3A_119 : i32 to index
        %swap3A_160 = arith.constant 128 : index
        %swap3A_161 = tpu.vector_load %arg12[%swap3A_159, %swap3A_160] {strides = array<i32>} : memref<64x512xf32, #tpu.memory_space<vmem>>, vector<1x16xf32>,
        %swap3A_162 = vector.shape_cast %swap3A_161 : vector<1x16xf32> to vector<16xf32>
        %swap3A_163 = vector.shape_cast %get3A_42 : vector<16xf32> to vector<1x16xf32>
        tpu.vector_store %arg12[%swap3A_159, %swap3A_160], %swap3A_163 {strides = array<i32>} : memref<64x512xf32, #tpu.memory_space<vmem>>, vector<1x16xf32>,
        %swap3A_164 = arith.index_cast %scan3A_119 : i32 to index
        %swap3A_165 = arith.constant 144 : index
        %swap3A_166 = tpu.vector_load %arg12[%swap3A_164, %swap3A_165] {strides = array<i32>} : memref<64x512xf32, #tpu.memory_space<vmem>>, vector<1x16xf32>,
        %swap3A_167 = vector.shape_cast %swap3A_166 : vector<1x16xf32> to vector<16xf32>
        %swap3A_168 = vector.shape_cast %get3A_45 : vector<16xf32> to vector<1x16xf32>
        tpu.vector_store %arg12[%swap3A_164, %swap3A_165], %swap3A_168 {strides = array<i32>} : memref<64x512xf32, #tpu.memory_space<vmem>>, vector<1x16xf32>,
        %swap3A_169 = arith.index_cast %scan3A_119 : i32 to index
        %swap3A_170 = arith.constant 160 : index
        %swap3A_171 = tpu.vector_load %arg12[%swap3A_169, %swap3A_170] {strides = array<i32>} : memref<64x512xf32, #tpu.memory_space<vmem>>, vector<1x16xf32>,
        %swap3A_172 = vector.shape_cast %swap3A_171 : vector<1x16xf32> to vector<16xf32>
        %swap3A_173 = vector.shape_cast %get3A_48 : vector<16xf32> to vector<1x16xf32>
        tpu.vector_store %arg12[%swap3A_169, %swap3A_170], %swap3A_173 {strides = array<i32>} : memref<64x512xf32, #tpu.memory_space<vmem>>, vector<1x16xf32>,
        %swap3A_174 = arith.index_cast %scan3A_119 : i32 to index
        %swap3A_175 = arith.constant 176 : index
        %swap3A_176 = tpu.vector_load %arg12[%swap3A_174, %swap3A_175] {strides = array<i32>} : memref<64x512xf32, #tpu.memory_space<vmem>>, vector<1x16xf32>,
        %swap3A_177 = vector.shape_cast %swap3A_176 : vector<1x16xf32> to vector<16xf32>
        %swap3A_178 = vector.shape_cast %get3A_51 : vector<16xf32> to vector<1x16xf32>
        tpu.vector_store %arg12[%swap3A_174, %swap3A_175], %swap3A_178 {strides = array<i32>} : memref<64x512xf32, #tpu.memory_space<vmem>>, vector<1x16xf32>,
        %swap3A_179 = arith.index_cast %scan3A_119 : i32 to index
        %swap3A_180 = arith.constant 192 : index
        %swap3A_181 = tpu.vector_load %arg12[%swap3A_179, %swap3A_180] {strides = array<i32>} : memref<64x512xf32, #tpu.memory_space<vmem>>, vector<1x16xf32>,
        %swap3A_182 = vector.shape_cast %swap3A_181 : vector<1x16xf32> to vector<16xf32>
        %swap3A_183 = vector.shape_cast %get3A_54 : vector<16xf32> to vector<1x16xf32>
        tpu.vector_store %arg12[%swap3A_179, %swap3A_180], %swap3A_183 {strides = array<i32>} : memref<64x512xf32, #tpu.memory_space<vmem>>, vector<1x16xf32>,
        %swap3A_184 = arith.index_cast %scan3A_119 : i32 to index
        %swap3A_185 = arith.constant 208 : index
        %swap3A_186 = tpu.vector_load %arg12[%swap3A_184, %swap3A_185] {strides = array<i32>} : memref<64x512xf32, #tpu.memory_space<vmem>>, vector<1x16xf32>,
        %swap3A_187 = vector.shape_cast %swap3A_186 : vector<1x16xf32> to vector<16xf32>
        %swap3A_188 = vector.shape_cast %get3A_57 : vector<16xf32> to vector<1x16xf32>
        tpu.vector_store %arg12[%swap3A_184, %swap3A_185], %swap3A_188 {strides = array<i32>} : memref<64x512xf32, #tpu.memory_space<vmem>>, vector<1x16xf32>,
        %swap3A_189 = arith.index_cast %scan3A_119 : i32 to index
        %swap3A_190 = arith.constant 224 : index
        %swap3A_191 = tpu.vector_load %arg12[%swap3A_189, %swap3A_190] {strides = array<i32>} : memref<64x512xf32, #tpu.memory_space<vmem>>, vector<1x16xf32>,
        %swap3A_192 = vector.shape_cast %swap3A_191 : vector<1x16xf32> to vector<16xf32>
        %swap3A_193 = vector.shape_cast %get3A_60 : vector<16xf32> to vector<1x16xf32>
        tpu.vector_store %arg12[%swap3A_189, %swap3A_190], %swap3A_193 {strides = array<i32>} : memref<64x512xf32, #tpu.memory_space<vmem>>, vector<1x16xf32>,
        %swap3A_194 = arith.index_cast %scan3A_119 : i32 to index
        %swap3A_195 = arith.constant 240 : index
        %swap3A_196 = tpu.vector_load %arg12[%swap3A_194, %swap3A_195] {strides = array<i32>} : memref<64x512xf32, #tpu.memory_space<vmem>>, vector<1x16xf32>,
        %swap3A_197 = vector.shape_cast %swap3A_196 : vector<1x16xf32> to vector<16xf32>
        %swap3A_198 = vector.shape_cast %get3A_63 : vector<16xf32> to vector<1x16xf32>
        tpu.vector_store %arg12[%swap3A_194, %swap3A_195], %swap3A_198 {strides = array<i32>} : memref<64x512xf32, #tpu.memory_space<vmem>>, vector<1x16xf32>,
        %swap3A_199 = arith.index_cast %scan3A_119 : i32 to index
        %swap3A_200 = arith.constant 256 : index
        %swap3A_201 = tpu.vector_load %arg12[%swap3A_199, %swap3A_200] {strides = array<i32>} : memref<64x512xf32, #tpu.memory_space<vmem>>, vector<1x16xf32>,
        %swap3A_202 = vector.shape_cast %swap3A_201 : vector<1x16xf32> to vector<16xf32>
        %swap3A_203 = vector.shape_cast %get3A_66 : vector<16xf32> to vector<1x16xf32>
        tpu.vector_store %arg12[%swap3A_199, %swap3A_200], %swap3A_203 {strides = array<i32>} : memref<64x512xf32, #tpu.memory_space<vmem>>, vector<1x16xf32>,
        %swap3A_204 = arith.index_cast %scan3A_119 : i32 to index
        %swap3A_205 = arith.constant 272 : index
        %swap3A_206 = tpu.vector_load %arg12[%swap3A_204, %swap3A_205] {strides = array<i32>} : memref<64x512xf32, #tpu.memory_space<vmem>>, vector<1x16xf32>,
        %swap3A_207 = vector.shape_cast %swap3A_206 : vector<1x16xf32> to vector<16xf32>
        %swap3A_208 = vector.shape_cast %get3A_69 : vector<16xf32> to vector<1x16xf32>
        tpu.vector_store %arg12[%swap3A_204, %swap3A_205], %swap3A_208 {strides = array<i32>} : memref<64x512xf32, #tpu.memory_space<vmem>>, vector<1x16xf32>,
        %swap3A_209 = arith.index_cast %scan3A_119 : i32 to index
        %swap3A_210 = arith.constant 288 : index
        %swap3A_211 = tpu.vector_load %arg12[%swap3A_209, %swap3A_210] {strides = array<i32>} : memref<64x512xf32, #tpu.memory_space<vmem>>, vector<1x16xf32>,
        %swap3A_212 = vector.shape_cast %swap3A_211 : vector<1x16xf32> to vector<16xf32>
        %swap3A_213 = vector.shape_cast %get3A_72 : vector<16xf32> to vector<1x16xf32>
        tpu.vector_store %arg12[%swap3A_209, %swap3A_210], %swap3A_213 {strides = array<i32>} : memref<64x512xf32, #tpu.memory_space<vmem>>, vector<1x16xf32>,
        %swap3A_214 = arith.index_cast %scan3A_119 : i32 to index
        %swap3A_215 = arith.constant 304 : index
        %swap3A_216 = tpu.vector_load %arg12[%swap3A_214, %swap3A_215] {strides = array<i32>} : memref<64x512xf32, #tpu.memory_space<vmem>>, vector<1x16xf32>,
        %swap3A_217 = vector.shape_cast %swap3A_216 : vector<1x16xf32> to vector<16xf32>
        %swap3A_218 = vector.shape_cast %get3A_75 : vector<16xf32> to vector<1x16xf32>
        tpu.vector_store %arg12[%swap3A_214, %swap3A_215], %swap3A_218 {strides = array<i32>} : memref<64x512xf32, #tpu.memory_space<vmem>>, vector<1x16xf32>,
        %swap3A_219 = arith.index_cast %scan3A_119 : i32 to index
        %swap3A_220 = arith.constant 320 : index
        %swap3A_221 = tpu.vector_load %arg12[%swap3A_219, %swap3A_220] {strides = array<i32>} : memref<64x512xf32, #tpu.memory_space<vmem>>, vector<1x16xf32>,
        %swap3A_222 = vector.shape_cast %swap3A_221 : vector<1x16xf32> to vector<16xf32>
        %swap3A_223 = vector.shape_cast %get3A_78 : vector<16xf32> to vector<1x16xf32>
        tpu.vector_store %arg12[%swap3A_219, %swap3A_220], %swap3A_223 {strides = array<i32>} : memref<64x512xf32, #tpu.memory_space<vmem>>, vector<1x16xf32>,
        %swap3A_224 = arith.index_cast %scan3A_119 : i32 to index
        %swap3A_225 = arith.constant 336 : index
        %swap3A_226 = tpu.vector_load %arg12[%swap3A_224, %swap3A_225] {strides = array<i32>} : memref<64x512xf32, #tpu.memory_space<vmem>>, vector<1x16xf32>,
        %swap3A_227 = vector.shape_cast %swap3A_226 : vector<1x16xf32> to vector<16xf32>
        %swap3A_228 = vector.shape_cast %get3A_81 : vector<16xf32> to vector<1x16xf32>
        tpu.vector_store %arg12[%swap3A_224, %swap3A_225], %swap3A_228 {strides = array<i32>} : memref<64x512xf32, #tpu.memory_space<vmem>>, vector<1x16xf32>,
        %swap3A_229 = arith.index_cast %scan3A_119 : i32 to index
        %swap3A_230 = arith.constant 352 : index
        %swap3A_231 = tpu.vector_load %arg12[%swap3A_229, %swap3A_230] {strides = array<i32>} : memref<64x512xf32, #tpu.memory_space<vmem>>, vector<1x16xf32>,
        %swap3A_232 = vector.shape_cast %swap3A_231 : vector<1x16xf32> to vector<16xf32>
        %swap3A_233 = vector.shape_cast %get3A_84 : vector<16xf32> to vector<1x16xf32>
        tpu.vector_store %arg12[%swap3A_229, %swap3A_230], %swap3A_233 {strides = array<i32>} : memref<64x512xf32, #tpu.memory_space<vmem>>, vector<1x16xf32>,
        %swap3A_234 = arith.index_cast %scan3A_119 : i32 to index
        %swap3A_235 = arith.constant 368 : index
        %swap3A_236 = tpu.vector_load %arg12[%swap3A_234, %swap3A_235] {strides = array<i32>} : memref<64x512xf32, #tpu.memory_space<vmem>>, vector<1x16xf32>,
        %swap3A_237 = vector.shape_cast %swap3A_236 : vector<1x16xf32> to vector<16xf32>
        %swap3A_238 = vector.shape_cast %get3A_87 : vector<16xf32> to vector<1x16xf32>
        tpu.vector_store %arg12[%swap3A_234, %swap3A_235], %swap3A_238 {strides = array<i32>} : memref<64x512xf32, #tpu.memory_space<vmem>>, vector<1x16xf32>,
        %swap3A_239 = arith.index_cast %scan3A_119 : i32 to index
        %swap3A_240 = arith.constant 384 : index
        %swap3A_241 = tpu.vector_load %arg12[%swap3A_239, %swap3A_240] {strides = array<i32>} : memref<64x512xf32, #tpu.memory_space<vmem>>, vector<1x16xf32>,
        %swap3A_242 = vector.shape_cast %swap3A_241 : vector<1x16xf32> to vector<16xf32>
        %swap3A_243 = vector.shape_cast %get3A_90 : vector<16xf32> to vector<1x16xf32>
        tpu.vector_store %arg12[%swap3A_239, %swap3A_240], %swap3A_243 {strides = array<i32>} : memref<64x512xf32, #tpu.memory_space<vmem>>, vector<1x16xf32>,
        %swap3A_244 = arith.index_cast %scan3A_119 : i32 to index
        %swap3A_245 = arith.constant 400 : index
        %swap3A_246 = tpu.vector_load %arg12[%swap3A_244, %swap3A_245] {strides = array<i32>} : memref<64x512xf32, #tpu.memory_space<vmem>>, vector<1x16xf32>,
        %swap3A_247 = vector.shape_cast %swap3A_246 : vector<1x16xf32> to vector<16xf32>
        %swap3A_248 = vector.shape_cast %get3A_93 : vector<16xf32> to vector<1x16xf32>
        tpu.vector_store %arg12[%swap3A_244, %swap3A_245], %swap3A_248 {strides = array<i32>} : memref<64x512xf32, #tpu.memory_space<vmem>>, vector<1x16xf32>,
        %swap3A_249 = arith.index_cast %scan3A_119 : i32 to index
        %swap3A_250 = arith.constant 416 : index
        %swap3A_251 = tpu.vector_load %arg12[%swap3A_249, %swap3A_250] {strides = array<i32>} : memref<64x512xf32, #tpu.memory_space<vmem>>, vector<1x16xf32>,
        %swap3A_252 = vector.shape_cast %swap3A_251 : vector<1x16xf32> to vector<16xf32>
        %swap3A_253 = vector.shape_cast %get3A_96 : vector<16xf32> to vector<1x16xf32>
        tpu.vector_store %arg12[%swap3A_249, %swap3A_250], %swap3A_253 {strides = array<i32>} : memref<64x512xf32, #tpu.memory_space<vmem>>, vector<1x16xf32>,
        %swap3A_254 = arith.index_cast %scan3A_119 : i32 to index
        %swap3A_255 = arith.constant 432 : index
        %swap3A_256 = tpu.vector_load %arg12[%swap3A_254, %swap3A_255] {strides = array<i32>} : memref<64x512xf32, #tpu.memory_space<vmem>>, vector<1x16xf32>,
        %swap3A_257 = vector.shape_cast %swap3A_256 : vector<1x16xf32> to vector<16xf32>
        %swap3A_258 = vector.shape_cast %get3A_99 : vector<16xf32> to vector<1x16xf32>
        tpu.vector_store %arg12[%swap3A_254, %swap3A_255], %swap3A_258 {strides = array<i32>} : memref<64x512xf32, #tpu.memory_space<vmem>>, vector<1x16xf32>,
        %swap3A_259 = arith.index_cast %scan3A_119 : i32 to index
        %swap3A_260 = arith.constant 448 : index
        %swap3A_261 = tpu.vector_load %arg12[%swap3A_259, %swap3A_260] {strides = array<i32>} : memref<64x512xf32, #tpu.memory_space<vmem>>, vector<1x16xf32>,
        %swap3A_262 = vector.shape_cast %swap3A_261 : vector<1x16xf32> to vector<16xf32>
        %swap3A_263 = vector.shape_cast %get3A_102 : vector<16xf32> to vector<1x16xf32>
        tpu.vector_store %arg12[%swap3A_259, %swap3A_260], %swap3A_263 {strides = array<i32>} : memref<64x512xf32, #tpu.memory_space<vmem>>, vector<1x16xf32>,
        %swap3A_264 = arith.index_cast %scan3A_119 : i32 to index
        %swap3A_265 = arith.constant 464 : index
        %swap3A_266 = tpu.vector_load %arg12[%swap3A_264, %swap3A_265] {strides = array<i32>} : memref<64x512xf32, #tpu.memory_space<vmem>>, vector<1x16xf32>,
        %swap3A_267 = vector.shape_cast %swap3A_266 : vector<1x16xf32> to vector<16xf32>
        %swap3A_268 = vector.shape_cast %get3A_105 : vector<16xf32> to vector<1x16xf32>
        tpu.vector_store %arg12[%swap3A_264, %swap3A_265], %swap3A_268 {strides = array<i32>} : memref<64x512xf32, #tpu.memory_space<vmem>>, vector<1x16xf32>,
        %swap3A_269 = arith.index_cast %scan3A_119 : i32 to index
        %swap3A_270 = arith.constant 480 : index
        %swap3A_271 = tpu.vector_load %arg12[%swap3A_269, %swap3A_270] {strides = array<i32>} : memref<64x512xf32, #tpu.memory_space<vmem>>, vector<1x16xf32>,
        %swap3A_272 = vector.shape_cast %swap3A_271 : vector<1x16xf32> to vector<16xf32>
        %swap3A_273 = vector.shape_cast %get3A_108 : vector<16xf32> to vector<1x16xf32>
        tpu.vector_store %arg12[%swap3A_269, %swap3A_270], %swap3A_273 {strides = array<i32>} : memref<64x512xf32, #tpu.memory_space<vmem>>, vector<1x16xf32>,
        %swap3A_274 = arith.index_cast %scan3A_119 : i32 to index
        %swap3A_275 = arith.constant 496 : index
        %swap3A_276 = tpu.vector_load %arg12[%swap3A_274, %swap3A_275] {strides = array<i32>} : memref<64x512xf32, #tpu.memory_space<vmem>>, vector<1x16xf32>,
        %swap3A_277 = vector.shape_cast %swap3A_276 : vector<1x16xf32> to vector<16xf32>
        %swap3A_278 = vector.shape_cast %get3A_111 : vector<16xf32> to vector<1x16xf32>
        tpu.vector_store %arg12[%swap3A_274, %swap3A_275], %swap3A_278 {strides = array<i32>} : memref<64x512xf32, #tpu.memory_space<vmem>>, vector<1x16xf32>,
      }
      %scan3A_116 = arith.constant 64 : i32
      %add3A_117 = arith.constant 1 : i32
      %add3A_118 = arith.addi %add3A_117, %add3A : i32
      "tpu.region"() ({
        %run_scoped3A = tpu.sem_alloc : memref<!tpu.dma_semaphore, #tpu.memory_space<semaphore_mem>>
        %dma_start3A = arith.constant 0 : i32
        %dma_start3A_119 = arith.constant 0 : i32
        %dma_start3A_120 = tpu.memref_slice %arg7[%add3A_118, %dma_start3A, %dma_start3A_119] : memref<77x64x512xf32, #tpu.memory_space<hbm>> -> memref<1x64x512xf32, #tpu.memory_space<hbm>>
        %dma_start3A_121 = tpu.memref_squeeze %dma_start3A_120 : memref<1x64x512xf32, #tpu.memory_space<hbm>> -> memref<64x512xf32, #tpu.memory_space<hbm>>
        %dma_start3A_122 = arith.constant 0 : i32
        %dma_start3A_123 = arith.constant 0 : i32
        %dma_start3A_124 = tpu.memref_slice %arg7[%add3A_118, %dma_start3A_122, %dma_start3A_123] : memref<77x64x512xf32, #tpu.memory_space<hbm>> -> memref<1x64x512xf32, #tpu.memory_space<hbm>>
        %dma_start3A_125 = tpu.memref_squeeze %dma_start3A_124 : memref<1x64x512xf32, #tpu.memory_space<hbm>> -> memref<64x512xf32, #tpu.memory_space<hbm>>
        tpu.enqueue_dma source(%arg12 : memref<64x512xf32, #tpu.memory_space<vmem>>) target(%dma_start3A_125 : memref<64x512xf32, #tpu.memory_space<hbm>>) target_semaphore(%run_scoped3A : memref<!tpu.dma_semaphore, #tpu.memory_space<semaphore_mem>>)
        %dma_wait3A = arith.constant 0 : i32
        %dma_wait3A_126 = arith.constant 0 : i32
        %dma_wait3A_127 = tpu.memref_slice %arg7[%add3A_118, %dma_wait3A, %dma_wait3A_126] : memref<77x64x512xf32, #tpu.memory_space<hbm>> -> memref<1x64x512xf32, #tpu.memory_space<hbm>>
        %dma_wait3A_128 = tpu.memref_squeeze %dma_wait3A_127 : memref<1x64x512xf32, #tpu.memory_space<hbm>> -> memref<64x512xf32, #tpu.memory_space<hbm>>
        %dma_wait3A_129 = arith.constant 0 : i32
        %dma_wait3A_130 = arith.constant 0 : i32
        %dma_wait3A_131 = tpu.memref_slice %arg7[%add3A_118, %dma_wait3A_129, %dma_wait3A_130] : memref<77x64x512xf32, #tpu.memory_space<hbm>> -> memref<1x64x512xf32, #tpu.memory_space<hbm>>
        %dma_wait3A_132 = tpu.memref_squeeze %dma_wait3A_131 : memref<1x64x512xf32, #tpu.memory_space<hbm>> -> memref<64x512xf32, #tpu.memory_space<hbm>>
        tpu.wait_dma2 semaphore(%run_scoped3A : memref<!tpu.dma_semaphore, #tpu.memory_space<semaphore_mem>>) src(%arg12 : memref<64x512xf32, #tpu.memory_space<vmem>>) dst(%dma_wait3A_132 : memref<64x512xf32, #tpu.memory_space<hbm>>)
        tpu.yield
      }) : () -> ()
    } else {
    }
    return
  }
}

module attributes {stable_mosaic.version = 14 : i64} {
  func.func @_whole_body(%arg0: i32, %arg1: memref<16x512xf32, #tpu.memory_space<vmem>>, %arg2: memref<40x1x512xf32, #tpu.memory_space<vmem>>, %arg3: memref<60x40x512xf32, #tpu.memory_space<vmem>>, %arg4: memref<77x40x512xf32, #tpu.memory_space<vmem>>) attributes {dimension_semantics = [#tpu.dimension_semantics<arbitrary>], iteration_bounds = array<i64: 25>, scalar_prefetch = 0 : i64, scratch_operands = 0 : i64, tpu.core_type = #tpu.core_type<tc>, window_params = [{pipeline_mode = #tpu.pipeline_mode<synchronous>, transform_indices = @transform_0, window_bounds = array<i64: 16, 512>}, {transform_indices = @transform_1, window_bounds = array<i64: 40, 1, 512>}, {transform_indices = @transform_2, window_bounds = array<i64: 60, 40, 512>}, {transform_indices = @transform_3, window_bounds = array<i64: 77, 40, 512>}]} {
    %get3A = arith.constant 0 : index
    %get3A_0 = arith.constant 0 : index
    %get3A_1 = arith.constant 0 : index
    %get3A_2 = vector.load %arg2[%get3A, %get3A_0, %get3A_1] : memref<40x1x512xf32, #tpu.memory_space<vmem>>, vector<40x1x512xf32>
    %transpose3A = tpu.transpose %get3A_2, [1, 0, 2] : vector<40x1x512xf32> -> vector<1x40x512xf32>
    %swap3A = arith.constant 0 : index
    %swap3A_3 = arith.constant 0 : index
    %swap3A_4 = arith.constant 0 : index
    %swap3A_5 = vector.load %arg4[%swap3A, %swap3A_3, %swap3A_4] : memref<77x40x512xf32, #tpu.memory_space<vmem>>, vector<1x40x512xf32>
    tpu.vector_store %arg4[%swap3A, %swap3A_3, %swap3A_4], %transpose3A {strides = array<i32>} : memref<77x40x512xf32, #tpu.memory_space<vmem>>, vector<1x40x512xf32>,
    %get3A_6 = arith.constant 0 : index
    %get3A_7 = arith.constant 0 : index
    %get3A_8 = vector.load %arg1[%get3A_6, %get3A_7] : memref<16x512xf32, #tpu.memory_space<vmem>>, vector<16x512xf32>
    %broadcast_in_dim3A = vector.shape_cast %get3A_8 : vector<16x512xf32> to vector<16x1x512xf32>
    %broadcast_in_dim3A_9 = vector.shape_cast %broadcast_in_dim3A : vector<16x1x512xf32> to vector<16x1x512xf32>
    %broadcast_in_dim3A_10 = vector.broadcast %broadcast_in_dim3A_9 : vector<16x1x512xf32> to vector<16x40x512xf32>
    %swap3A_11 = arith.constant 1 : index
    %swap3A_12 = arith.constant 0 : index
    %swap3A_13 = arith.constant 0 : index
    %swap3A_14 = vector.load %arg4[%swap3A_11, %swap3A_12, %swap3A_13] : memref<77x40x512xf32, #tpu.memory_space<vmem>>, vector<16x40x512xf32>
    tpu.vector_store %arg4[%swap3A_11, %swap3A_12, %swap3A_13], %broadcast_in_dim3A_10 {strides = array<i32>} : memref<77x40x512xf32, #tpu.memory_space<vmem>>, vector<16x40x512xf32>,
    %get3A_15 = arith.constant 0 : index
    %get3A_16 = arith.constant 0 : index
    %get3A_17 = arith.constant 0 : index
    %get3A_18 = vector.load %arg3[%get3A_15, %get3A_16, %get3A_17] : memref<60x40x512xf32, #tpu.memory_space<vmem>>, vector<60x40x512xf32>
    %swap3A_19 = arith.constant 17 : index
    %swap3A_20 = arith.constant 0 : index
    %swap3A_21 = arith.constant 0 : index
    %swap3A_22 = vector.load %arg4[%swap3A_19, %swap3A_20, %swap3A_21] : memref<77x40x512xf32, #tpu.memory_space<vmem>>, vector<60x40x512xf32>
    tpu.vector_store %arg4[%swap3A_19, %swap3A_20, %swap3A_21], %get3A_18 {strides = array<i32>} : memref<77x40x512xf32, #tpu.memory_space<vmem>>, vector<60x40x512xf32>,
    return
  }
  func.func @transform_0(%arg0: i32) -> (i32, i32) {
    %c0_i32 = arith.constant 0 : i32
    %c0_i32_0 = arith.constant 0 : i32
    %c0_i32_1 = arith.constant 0 : i32
    return %c0_i32, %c0_i32_0 : i32, i32
  }
  func.func @transform_1(%arg0: i32) -> (i32, i32, i32) {
    %c0_i32 = arith.constant 0 : i32
    %c0_i32_0 = arith.constant 0 : i32
    %c0_i32_1 = arith.constant 0 : i32
    return %arg0, %c0_i32, %c0_i32_0 : i32, i32, i32
  }
  func.func @transform_2(%arg0: i32) -> (i32, i32, i32) {
    %c0_i32 = arith.constant 0 : i32
    %c0_i32_0 = arith.constant 0 : i32
    %c0_i32_1 = arith.constant 0 : i32
    return %c0_i32, %arg0, %c0_i32_0 : i32, i32, i32
  }
  func.func @transform_3(%arg0: i32) -> (i32, i32, i32) {
    %c0_i32 = arith.constant 0 : i32
    %c0_i32_0 = arith.constant 0 : i32
    %c0_i32_1 = arith.constant 0 : i32
    return %c0_i32, %arg0, %c0_i32_0 : i32, i32, i32
  }
}

</mosaic_0001>

<sc_bundles>
// kernel: kernel.4.cloned.1.call-start
scs
__scs_entry_jumppad:
0x0: {  	(pc) =	sbr.rel $0x88, $3  }
0x1: {  	(tag) =	ssettag $0x0;
	lr =	simm.s32 $0x1  }
0x2: {  	[smem:$0x3F9C] =	sst lr;
	_ =	strace $0xD0000000  }
0x3: {  	_ = 	snop  }
0x4: {  	_ = 	snop  }
0x5: {  	_ = 	snop  }
0x6: {  	_ = 	snop  }
0x7: {  	_ = 	snop  }
__scs_overlays_trampoline_lowered:
0x8: {  	[smem:$0x3FAB] =	sst s0  }
0x9: {  	[smem:$0x3FAC] =	sst s1  }
0xa: {  	[smem:$0x3FAD] =	sst s2  }
0xb: {  	[smem:$0x3FAE] =	sst s3  }
0xc: {  	[smem:$0x3FAF] =	sst s4  }
0xd: {  	[smem:$0x3FB0] =	sst s5  }
0xe: {  	[smem:$0x3FB1] =	sst s6  }
0xf: {  	[smem:$0x3FB2] =	sst s7  }
0x10: {  	[smem:$0x3FB3] =	sst s8  }
0x11: {  	[smem:$0x3FB4] =	sst s9;
	s0 =	simm.s32 @!p0 $0x0  }
0x12: {  	s1 =	sld [smem:$0x3F9A];
	s0 =	simm.s32 @p0 $0x1  }
0x13: {  	[smem:$0x3FB5] =	sst s0;
	s0 =	simm.s32 @!p1 $0x0  }
0x14: {  	s2 =	sld [smem:$0x3F99];
	s0 =	simm.s32 @p1 $0x1  }
0x15: {  	[smem:$0x3FB6] =	sst s0;
	s0 =	simm.s32 @!p2 $0x0  }
0x16: {  	s3 =	sld [smem:$0x3FDB];
	s0 =	simm.s32 @p2 $0x1  }
0x17: {  	s4 =	simm.s32 $0x1BF5;
	[smem:$0x3FB8] =	sst s0  }
0x18: {  	s0 =	sld [smem:$0x3F9B];
	_ =	swait.ge [sflag:s4], $0x0  }
0x19: {  	s7 =	sld [smem:$0x3F9C]  }
0x1a: {  	s8 =	sadd.s32 $0xFFFFE003, lr  }
0x1b: {  	s9 =	sadd.s32 $0xFFFFFEF7, lr;
	s5 =	simm.s32 $0xFFFFFFFF;
	p2 =	slt.u32 s8, $0xFFFFF086  }
0x1c: {  	p1 =	slt.u32 s9, $0xF7A;
	s5 =	simm.s32 @!p2 $0x0  }
0x1d: {  	s5 =	simm.s32 @p1 $0x1;
	p0 =	seq.s32 s7, s2  }
0x1e: {  	s7 =	smul.u32 @!p0 $0xF7A, s2;
	p2 =	seq.s32 @!p0 s5, $0x0  }
0x1f: {  	s9 =	smul.u32 $0xF7A, s1;
	s8 =	simm.s32 @!p0 $0x1BF5;
	p2 =	por !p2, p0  }
0x20: {  	[sflag:s8] =	ssyncset.s32 @!p0 $0xFFFFF086;
	s6 =	sadd.s32 @!p0 s3, s7;
	s7 =	simm.s32 @!p0 $0x108  }
0x21: {  	s3 =	sadd.s32 s3, s9;
	s6 =	sadd.s32 @!p0 $0x88, s6;
	s7 =	simm.s32 @p2 $0x1082  }
0x22: {  	[simem:s7], [sflag:s8] =	dma.local @!p0 [hbm:s6], $0xF7A  }
0x23: {  	s9 =	sor.u32 $0xD0000000, s2;
	s6 =	simm.s32 $0x108;
	_ =	swait.ge @!p0 [sflag:s8], $0x0  }
0x24: {  	s3 =	sadd.s32 $0x88, s3;
	s6 =	simm.s32 @!p1 $0x1082;
	[sflag:s4] =	ssyncset.s32 $0xFFFFF086  }
0x25: {  	[simem:s6], [sflag:s4] =	dma.local [hbm:s3], $0xF7A  }
0x26: {  	[smem:$0x3F9C] =	sst s1;
	(tag) =	ssettag s2;
	_ =	strace s9  }
0x27: {  	s1 =	sld [smem:$0x3FAC]  }
0x28: {  	s2 =	sld [smem:$0x3FAD]  }
0x29: {  	s4 =	sld [smem:$0x3FAF]  }
0x2a: {  	p0 =	seq.s32 s5, $0x0;
	s5 =	sld [smem:$0x3FB0]  }
0x2b: {  	s6 =	sld [smem:$0x3FB1]  }
0x2c: {  	s7 =	sld [smem:$0x3FB2]  }
0x2d: {  	s3 =	simm.s32 $0x108;
	s8 =	sld [smem:$0x3FB3]  }
0x2e: {  	s3 =	simm.s32 @!p0 $0x1082;
	s9 =	sld [smem:$0x3FB4]  }
0x2f: {  	lr =	sadd.s32 s0, s3;
	s0 =	sld [smem:$0x3FAB]  }
0x30: {  	s3 =	sld [smem:$0x3FAE]  }
0x31: {  	[smem:$0x3FB7] =	sst s10  }
0x32: {  	s10 =	sld [smem:$0x3FB5];
	_ =	sdelay $0x3  }
0x33: {  	p0 =	seq.s32 s10, $0x1;
	s10 =	sld [smem:$0x3FB7];
	_ =	sdelay $0x3  }
0x34: {  	[smem:$0x3FB7] =	sst s10  }
0x35: {  	s10 =	sld [smem:$0x3FB6];
	_ =	sdelay $0x3  }
0x36: {  	p1 =	seq.s32 s10, $0x1;
	s10 =	sld [smem:$0x3FB7];
	_ =	sdelay $0x3  }
0x37: {  	[smem:$0x3FB7] =	sst s10  }
0x38: {  	s10 =	sld [smem:$0x3FB8]  }
0x39: {  	_ = 	snop;
	(pc) =	sbr.ind lr, $3  }
0x3a: {  	_ = 	snop  }
0x3b: {  	_ = 	snop  }
0x3c: {  	p2 =	seq.s32 s10, $0x1;
	s10 =	sld [smem:$0x3FB7]  }
0x3d: {  	_ =	shalt  }
0x3e: {  	_ =	shalt  }
0x3f: {  	_ =	shalt  }
0x40: {  	_ =	shalt  }
0x41: {  	_ =	shalt  }
0x42: {  	_ =	shalt  }
0x43: {  	_ =	shalt  }
0x44: {  	_ =	shalt  }
0x45: {  	_ =	shalt  }
0x46: {  	_ =	shalt  }
0x47: {  	_ =	shalt  }
0x48: {  	_ =	shalt  }
0x49: {  	_ =	shalt  }
0x4a: {  	_ =	shalt  }
0x4b: {  	_ =	shalt  }
0x4c: {  	_ =	shalt  }
0x4d: {  	_ =	shalt  }
0x4e: {  	_ =	shalt  }
0x4f: {  	_ =	shalt  }
0x50: {  	_ =	shalt  }
0x51: {  	_ =	shalt  }
0x52: {  	_ =	shalt  }
0x53: {  	_ =	shalt  }
0x54: {  	_ =	shalt  }
0x55: {  	_ =	shalt  }
0x56: {  	_ =	shalt  }
0x57: {  	_ =	shalt  }
0x58: {  	_ =	shalt  }
0x59: {  	_ =	shalt  }
0x5a: {  	_ =	shalt  }
0x5b: {  	_ =	shalt  }
0x5c: {  	_ =	shalt  }
0x5d: {  	_ =	shalt  }
0x5e: {  	_ =	shalt  }
0x5f: {  	_ =	shalt  }
0x60: {  	_ =	shalt  }
0x61: {  	_ =	shalt  }
0x62: {  	_ =	shalt  }
0x63: {  	_ =	shalt  }
0x64: {  	_ =	shalt  }
0x65: {  	_ =	shalt  }
0x66: {  	_ =	shalt  }
0x67: {  	_ =	shalt  }
0x68: {  	_ =	shalt  }
0x69: {  	_ =	shalt  }
0x6a: {  	_ =	shalt  }
0x6b: {  	_ =	shalt  }
0x6c: {  	_ =	shalt  }
0x6d: {  	_ =	shalt  }
0x6e: {  	_ =	shalt  }
0x6f: {  	_ =	shalt  }
0x70: {  	_ =	shalt  }
0x71: {  	_ =	shalt  }
0x72: {  	_ =	shalt  }
0x73: {  	_ =	shalt  }
0x74: {  	_ =	shalt  }
0x75: {  	_ =	shalt  }
0x76: {  	_ =	shalt  }
0x77: {  	_ =	shalt  }
0x78: {  	_ =	shalt  }
0x79: {  	_ =	shalt  }
0x7a: {  	_ =	shalt  }
0x7b: {  	_ =	shalt  }
0x7c: {  	_ =	shalt  }
0x7d: {  	_ =	shalt  }
0x7e: {  	_ =	shalt  }
0x7f: {  	_ =	shalt  }
0x80: {  	_ =	shalt  }
0x81: {  	_ =	shalt  }
0x82: {  	_ =	shalt  }
0x83: {  	_ =	shalt  }
0x84: {  	_ =	shalt  }
0x85: {  	_ =	shalt  }
0x86: {  	_ =	shalt  }
0x87: {  	_ =	shalt  }
.Lfunc_end0:
.L_simem_size_0:
called_computation_lowered:
.L_overlay_start_0:
0x88: {  	s2 =	sld [smem:$0x3FD9]  }
0x89: {  	s3 =	sld [smem:$0x3FFE];
	_ =	sdelay $0x1  }
0x8a: {  	s1 =	srdreg.scid  }
0x8b: {  	s0 =	sand.u32 $0x1, s1  }
0x8c: {  	s14 =	sshll.u32 s0, $0xA;
	s2 =	sadd.s32 s3, s2  }
0x8d: {  	s2 =	sadd.s32 s2, s14  }
0x8e: {  	[smem:$0x3FC3] =	sst s2  }
0x8f: {  	_ = 	snop  }
0x90: {  	s2 =	sld [smem:$0x3FC9]  }
0x91: {  	s15 =	sld [smem:$0x3FD0]  }
0x92: {  	s4 =	sld [smem:$0x3FC8]  }
0x93: {  	s5 =	sld [smem:$0x3FC7]  }
0x94: {  	s7 =	simm.s32 $0xA;
	s8 =	simm.s32 $0x10;
	s6 =	sld [smem:$0x3FC5]  }
0x95: {  	[smem:s8], [sflag:s7] =	dma.local [hbm:s15], $0x1  }
0x96: {  	_ =	swait.eq [sflag:s7], $0x1  }
0x97: {  	[sflag:s7] =	ssyncset.done $0x0  }
0x98: {  	s16 =	sld [smem:$0x10];
	[sflag:s7] =	ssyncadd.s32 $0xFFFFFFFF  }
0x99: {  	s17 =	sld [smem:$0x11];
	(tm) =	ssettm $0x1  }
0x9a: {  	s18 =	sld [smem:$0x3FFB];
	_ =	sdelay $0x3  }
0x9b: {  	_ =	strace s18  }
0x9c: {  	s8 =	sld [smem:$0x3FFC];
	_ =	sdelay $0x3  }
0x9d: {  	_ =	strace s8  }
0x9e: {  	s8 =	sld [smem:$0x3FFD];
	_ =	sdelay $0x3  }
0x9f: {  	_ =	strace s8  }
0xa0: {  	_ =	strace $0x8FFFFFFF  }
0xa1: {  	s19 =	sld [smem:$0x3FDB];
	_ =	sdelay $0x1  }
0xa2: {  	s9 =	simm.s32 $_scs_section_size  }
0xa3: {  	s10 =	simm.s32 $_size__tile_overlayer_lowered;
	s11 =	simm.s32 $_tile_overlayer_lowered  }
0xa4: {  	s22 =	simm.s32 $0x1BFF;
	s21 =	sshll.u32 s11, $0x1;
	s8 =	sadd.s32 s9, s19  }
0xa5: {  	s12 =	simm.s32 $0x0;
	s20 =	sshll.u32 s10, $0x1;
	s10 =	sadd.s32 s21, s8  }
0xa6: {  	[timem:s12], [sflag:s22] =	dma.local [hbm:s10], s20  }
0xa7: {  	_ =	swait.ge [sflag:s22], s20  }
0xa8: {  	s9 =	ssub.s32 $0x0, s20;
	[sflag:s22] =	ssyncset.done $0x0  }
0xa9: {  	[sflag:s22] =	ssyncadd.s32 s9;
	_ =	sdelay $0x1  }
0xaa: {  	s23 =	simm.s32 $0x1B8B  }
0xab: {  	_ =	swait.ge [sflag:s23], $0x1  }
0xac: {  	[sflag:s23] =	ssyncset.done $0x0  }
0xad: {  	s25 =	simm.s32 $0x1B8E;
	s24 =	sld [smem:$0x3FFE];
	[sflag:s23] =	ssyncadd.s32 $0xFFFFFFFF  }
0xae: {  	s26 =	simm.s32 $execute0_lowered;
	[smem:$0x3FD2] =	sst s25  }
0xaf: {  	s10 =	sshll.u32 s26, $0x1;
	_ =	strace $0x80000046;
	[dreg:$0x1] =	wrdreg $0xFFFFFFFF  }
0xb0: {  	s28 =	simm.s32 $_size_execute0_lowered;
	s8 =	sadd.s32 s8, s10;
	[dreg:$0x0] =	wrdreg $0x0  }
0xb1: {  	s10 =	sshll.u32 s28, $0x1;
	[dreg:$0x2] =	wrdreg s8  }
0xb2: {  	[dreg:$0x3] =	wrdreg s10  }
0xb3: {  	[dreg:$0x4] =	wrdreg $0xC0  }
0xb4: {  	_ =	task [dreg:s12], $0x5FFFF  }
0xb5: {  	[dreg:$0x1] =	wrdreg $0xFFFFFFFF  }
0xb6: {  	[dreg:$0x0] =	wrdreg $0x60  }
0xb7: {  	[dreg:$0x2] =	wrdreg s6  }
0xb8: {  	[dreg:$0x3] =	wrdreg s2  }
0xb9: {  	[dreg:$0x4] =	wrdreg s4  }
0xba: {  	[dreg:$0x5] =	wrdreg s5  }
0xbb: {  	[dreg:$0x6] =	wrdreg s24  }
0xbc: {  	[dreg:$0x7] =	wrdreg s16  }
0xbd: {  	[dreg:$0x8] =	wrdreg s17  }
0xbe: {  	[dreg:$0x9] =	wrdreg $0x9  }
0xbf: {  	_ =	task.clear_ibuf [dreg:s12], $0xAFFFF;
	_ =	strace $0x90000046  }
0xc0: {  	s29 =	simm.s32 $0x9;
	_ =	strace $0x80000048  }
0xc1: {  	_ =	swait.ge [sflag:s29], $0x1  }
0xc2: {  	[sflag:s29] =	ssyncadd.s32 $0xFFFFFFFF  }
0xc3: {  	_ =	strace $0x90000048  }
0xc4: {  	_ =	sfence  }
0xc5: {  	s30 =	sld [smem:$0x0];
	_ =	sdelay $0x2  }
0xc6: {  	s31 =	sshll.u32 s1, $0xD;
	s1 =	sshrl.u32 s1, $0x2  }
0xc7: {  	s3 =	sand.u32 $0x4000, s31;
	s1 =	sadd.s32 s1, s30  }
0xc8: {  	s0 =	sor.u32 s3, s0;
	s1 =	sshll.u32 s1, $0x11  }
0xc9: {  	s0 =	sor.u32 s1, s0  }
0xca: {  	s0 =	sadd.s32 $0x8F2B, s0  }
0xcb: {  	[sflag:s0] =	ssyncadd.remote.s32 $0x1  }
0xcc: {  	_ =	sfence.sel $0xFFFF  }
0xcd: {  	[dreg:$0x0] =	wrdreg $0xFFFFFFFF;
	(pc) =	sbr.abs _section_cstart, $3  }
0xce: {  	[dreg:$0x1] =	wrdreg $0xFFFFFFFF  }
0xcf: {  	_ =	task.clear_ibuf [dreg:s12], $0x2FFFF;
	_ =	strace $0x9FFFFFFF  }
0xd0: {  	(tm) =	ssettm $0x7FFFFFFF  }
0xd1: {  	_ =	shalt  }
tec
execute0_lowered:
.L_overlay_start_1:
0x0: {  	(tag) =	ssettag $0x1  }
0x1: {  	s0 =	rddreg [dreg:$0x0]  }
0x2: {  	s1 =	rddreg [dreg:$0x1]  }
0x3: {  	s2 =	rddreg [dreg:$0x2]  }
0x4: {  	s3 =	rddreg [dreg:$0x3]  }
0x5: {  	s4 =	rddreg [dreg:$0x4]  }
0x6: {  	s14 =	rddreg [dreg:$0x5]  }
0x7: {  	s5 =	srdreg.scid;
	s16 =	stileid.u32;
	s6 =	simm.s32 $0x0  }
0x8: {  	s15 =	simm.s32 $0x3;
	s18 =	simm.s32 $0x1;
	s19 =	simm.s32 $0x80  }
0x9: {  	s30 =	simm.s32 $0x3080;
	s31 =	simm.s32 $0x4080;
	s29 =	simm.s32 $0x5880  }
0xa: {  	s21 =	simm.s32 $0x7080;
	s22 =	simm.s32 $0x7880;
	s17 =	simm.s32 $0x8080  }
0xb: {  	s20 =	simm.s32 $0x0;
	s5 =	sand.u32 $0x1, s5;
	s7 =	sshll.u32 s16, $0x1  }
0xc: {  	[smem:$0x7FF] =	sst s6;
	s4 =	sadd.s32 $0xE00, s4;
	s26 =	sshll.u32 s16, $0x7  }
0xd: {  	p0 =	seq.s32 s16, $0xF;
	p2 =	sgt.u32 s16, $0x7;
	s16 =	simm.s32 $0x5080  }
0xe: {  	s7 =	sor.u32 s5, s7;
	_ =	strace $0x80000047;
	s5 =	ssub.s32 $0x2, s5  }
0xf: {  	[dreg:$0x8] =	wrdreg s4;
	s8 =	smul.u32 $0xFA000, s7;
	s23 =	sshrl.u32 s5, $0x1  }
0x10: {  	s9 =	smul.u32 $0x1F400, s7;
	s10 =	sshll.u32 s7, $0xD;
	s11 =	sshll.u32 s7, $0x4  }
0x11: {  	s12 =	sshll.u32 s7, $0xC;
	p1 =	seq.s32 s7, $0x1F;
	p3 =	sne.s32 s7, $0x1E  }
0x12: {  	s7 =	simm.s32 $0x2;
	s4 =	ssub.s32 s5, s23;
	s25 =	sadd.s32 s14, s10  }
0x13: {  	s13 =	sand.u32 $0x70, s11;
	s28 =	sadd.s32 s12, s14;
	s23 =	simm.s32 $0x4880  }
.Ltmp0:
0x14: {  	s24 =	sshrl.u32 s8, $0x3;
	s8 =	sadd.s32 s3, s9;
	(pc) =	sbr.rel .LBB2_1-.Ltmp0, $4  }
0x15: {  	s10 =	sadd.s32 $0x11000, s25;
	s11 =	sadd.s32 $0x12000, s25;
	s3 =	sadd.s32 s3, s24  }
0x16: {  	v2 =	vlaneseq.u32;
	s14 =	smax.u32 s4, $0x1;
	s9 =	sadd.s32 $0xFA00, s3;
	s3 =	sand.u32 $0x200, s26  }
0x17: {  	vm0 =	vmmov $0xffff;
	v1 =	vshrl.u32 v2, $0x3;
	s4 =	simm.s32 $0x6880;
	s26 =	simm.s32 $0x6080;
	s1 =	sadd.s32 s1, s3  }
0x18: {  	v0 =	vand.u32 $0x7, v2;
	v2 =	vor.u32 $0x8, v2;
	v1 =	vmul.u32 $0x8, v1;
	s3 =	simm.s32 $0x3880;
	s12 =	sadd.s32 s13, s1;
	s13 =	sadd.s32 $0x1000, s28  }
.LBB2_10:
0x19: {  	s1 =	sor.u32 s28, s25;
	[tilespmem:s24+$0xC70] =	vst v34  }
0x1a: {  	s5 =	sadd.s32 $0x10080, s1;
	[tilespmem:s1+$0x10080] =	vst v3  }
0x1b: {  	[tilespmem:s5+$0x10] =	vst v4  }
0x1c: {  	[tilespmem:s5+$0x20] =	vst v5  }
0x1d: {  	[tilespmem:s5+$0x30] =	vst v6  }
0x1e: {  	[tilespmem:s5+$0x40] =	vst v7  }
0x1f: {  	[tilespmem:s5+$0x50] =	vst v8  }
0x20: {  	[tilespmem:s5+$0x60] =	vst v9  }
0x21: {  	[tilespmem:s5+$0x70] =	vst v10  }
0x22: {  	[tilespmem:s5+$0x400] =	vst v11  }
0x23: {  	[tilespmem:s5+$0x410] =	vst v12  }
0x24: {  	[tilespmem:s5+$0x420] =	vst v13  }
0x25: {  	[tilespmem:s5+$0x430] =	vst v14  }
0x26: {  	[tilespmem:s5+$0x440] =	vst v15  }
0x27: {  	[tilespmem:s5+$0x450] =	vst v16  }
0x28: {  	[tilespmem:s5+$0x460] =	vst v17  }
0x29: {  	[tilespmem:s5+$0x470] =	vst v18  }
0x2a: {  	[tilespmem:s5+$0x800] =	vst v19  }
0x2b: {  	[tilespmem:s5+$0x810] =	vst v20  }
0x2c: {  	[tilespmem:s5+$0x820] =	vst v21  }
0x2d: {  	[tilespmem:s5+$0x830] =	vst v22  }
0x2e: {  	[tilespmem:s5+$0x840] =	vst v23  }
0x2f: {  	[tilespmem:s5+$0x850] =	vst v24  }
0x30: {  	[tilespmem:s5+$0x860] =	vst v25  }
0x31: {  	[tilespmem:s5+$0x870] =	vst v26  }
0x32: {  	[tilespmem:s5+$0xC00] =	vst v27  }
0x33: {  	[tilespmem:s5+$0xC10] =	vst v28  }
0x34: {  	[tilespmem:s5+$0xC20] =	vst v29  }
0x35: {  	[tilespmem:s5+$0xC30] =	vst v30  }
0x36: {  	[tilespmem:s5+$0xC40] =	vst v31  }
0x37: {  	[tilespmem:s5+$0xC50] =	vst v32  }
0x38: {  	[tilespmem:s5+$0xC60] =	vst v33  }
0x39: {  	s28 =	simm.s32 $0x10080;
	[tilespmem:s5+$0xC70] =	vst v34  }
0x3a: {  	[hbm4b:s13+s6] =	stream.linear.scatter [tilespmem:s28], [sflag:$0x3], $0x8000, $0x38;
	[tilespmem:$0x1A280] =	vst v63  }
0x3b: {  	_ =	swait.ge [sflag:s15], $0x8000  }
0x3c: {  	[sflag:s15] =	ssyncset.done $0x0  }
0x3d: {  	[sflag:s15] =	ssyncadd.s32 $0xFFFF8000  }
.LBB2_11:
0x3e: {  	s20 =	sadd.s32 $0x1, s20  }
0x3f: {  	p4 =	sne.s32 s20, s14  }
.Ltmp1:
0x40: {  	_ = 	snop;
	(pc) =	sbr.rel @!p4 .LBB2_12-.Ltmp1, $1  }
0x41: {  	_ =	sdelay $0x3  }
.LBB2_1:
.Ltmp2:
0x42: {  	(pc) =	sbr.rel @p0 .LBB2_3-.Ltmp2, $4  }
0x43: {  	[tilespmem:s6], [sflag:$0x3] =	stream.linear.gather [hbm4b:s0+s6], $0x80, $0x38;
	[tilespmem:$0x1A280] =	vst v63  }
0x44: {  	_ =	swait.ge [sflag:s15], $0x80  }
0x45: {  	[sflag:s15] =	ssyncset.done $0x0  }
0x46: {  	[sflag:s15] =	ssyncadd.s32 $0xFFFFFF80  }
0x47: {  	v3 =	vld [tilespmem:$0x0];
	_ =	sdelay $0x4  }
0x48: {  	v4 =	vshll.u32 v3, $0x2  }
0x49: {  	v3 =	vand.u32 $0x7, v3;
	v4 =	vand.u32 $0xFFFFFFE0, v4  }
0x4a: {  	v3 =	vor.u32 v3, v4  }
0x4b: {  	v4 =	vperm.xlane v3, v0;
	_ =	sdelay $0x1  }
0x4c: {  	v4 =	vadd.s32 v1, v4;
	_ =	sdelay $0x1  }
0x4d: {  	v3 =	vperm.xlane v3, v2;
	_ =	sdelay $0x1  }
0x4e: {  	v3 =	vadd.s32 v1, v3  }
0x4f: {  	[tilespmem:s19], [sflag:$0x1] =	stream.indirect_vreg.gather [hbm4b:s8+s6], $0x80, v4, vm0, $0xb8;
	[tilespmem:$0x1A280] =	vst v63  }
0x50: {  	s1 =	sadd.s32 $0x100, s8;
	s5 =	simm.s32 $0x880  }
0x51: {  	[tilespmem:s5], [sflag:$0x1] =	stream.indirect_vreg.gather [hbm4b:s1+s6], $0x80, v4, vm0, $0xb8;
	[tilespmem:$0x1A280] =	vst v63  }
0x52: {  	s28 =	simm.s32 $0x1080  }
0x53: {  	[tilespmem:s28], [sflag:$0x1] =	stream.indirect_vreg.gather [hbm4b:s8+s6], $0x80, v3, vm0, $0xb8;
	[tilespmem:$0x1A280] =	vst v63  }
0x54: {  	s24 =	simm.s32 $0x1880  }
0x55: {  	[tilespmem:s24], [sflag:$0x1] =	stream.indirect_vreg.gather [hbm4b:s1+s6], $0x80, v3, vm0, $0xb8;
	[tilespmem:$0x1A280] =	vst v63  }
0x56: {  	v3 =	vld [tilespmem:$0x10];
	_ =	sdelay $0x4  }
0x57: {  	v57 =	vshll.u32 v3, $0x2  }
0x58: {  	v3 =	vand.u32 $0x7, v3;
	v4 =	vand.u32 $0xFFFFFFE0, v57  }
0x59: {  	v3 =	vor.u32 v3, v4  }
0x5a: {  	v4 =	vperm.xlane v3, v0;
	_ =	sdelay $0x1  }
0x5b: {  	v4 =	vadd.s32 v1, v4;
	_ =	sdelay $0x1  }
0x5c: {  	v3 =	vperm.xlane v3, v2;
	_ =	sdelay $0x1  }
0x5d: {  	s25 =	simm.s32 $0x2080;
	v3 =	vadd.s32 v1, v3  }
0x5e: {  	[tilespmem:s25], [sflag:$0x1] =	stream.indirect_vreg.gather [hbm4b:s8+s6], $0x80, v4, vm0, $0xb8;
	[tilespmem:$0x1A280] =	vst v63  }
0x5f: {  	s28 =	simm.s32 $0x2880  }
0x60: {  	[tilespmem:s28], [sflag:$0x1] =	stream.indirect_vreg.gather [hbm4b:s1+s6], $0x80, v4, vm0, $0xb8;
	[tilespmem:$0x1A280] =	vst v63  }
0x61: {  	_ = 	snop  }
0x62: {  	[tilespmem:s30], [sflag:$0x1] =	stream.indirect_vreg.gather [hbm4b:s8+s6], $0x80, v3, vm0, $0xb8;
	[tilespmem:$0x1A280] =	vst v63  }
0x63: {  	_ = 	snop  }
0x64: {  	[tilespmem:s3], [sflag:$0x1] =	stream.indirect_vreg.gather [hbm4b:s1+s6], $0x80, v3, vm0, $0xb8;
	[tilespmem:$0x1A280] =	vst v63  }
0x65: {  	v3 =	vld [tilespmem:$0x20];
	_ =	sdelay $0x4  }
0x66: {  	v58 =	vshll.u32 v3, $0x2  }
0x67: {  	v3 =	vand.u32 $0x7, v3;
	v4 =	vand.u32 $0xFFFFFFE0, v58  }
0x68: {  	v3 =	vor.u32 v3, v4  }
0x69: {  	v4 =	vperm.xlane v3, v0;
	_ =	sdelay $0x1  }
0x6a: {  	v4 =	vadd.s32 v1, v4;
	_ =	sdelay $0x1  }
0x6b: {  	v3 =	vperm.xlane v3, v2;
	_ =	sdelay $0x1  }
0x6c: {  	v3 =	vadd.s32 v1, v3  }
0x6d: {  	[tilespmem:s31], [sflag:$0x1] =	stream.indirect_vreg.gather [hbm4b:s8+s6], $0x80, v4, vm0, $0xb8;
	[tilespmem:$0x1A280] =	vst v63  }
0x6e: {  	_ = 	snop  }
0x6f: {  	[tilespmem:s23], [sflag:$0x1] =	stream.indirect_vreg.gather [hbm4b:s1+s6], $0x80, v4, vm0, $0xb8;
	[tilespmem:$0x1A280] =	vst v63  }
0x70: {  	_ = 	snop  }
0x71: {  	[tilespmem:s16], [sflag:$0x1] =	stream.indirect_vreg.gather [hbm4b:s8+s6], $0x80, v3, vm0, $0xb8;
	[tilespmem:$0x1A280] =	vst v63  }
0x72: {  	_ = 	snop  }
0x73: {  	[tilespmem:s29], [sflag:$0x1] =	stream.indirect_vreg.gather [hbm4b:s1+s6], $0x80, v3, vm0, $0xb8;
	[tilespmem:$0x1A280] =	vst v63  }
0x74: {  	v3 =	vld [tilespmem:$0x30];
	_ =	sdelay $0x4  }
0x75: {  	v59 =	vshll.u32 v3, $0x2  }
0x76: {  	v3 =	vand.u32 $0x7, v3;
	v4 =	vand.u32 $0xFFFFFFE0, v59  }
0x77: {  	v3 =	vor.u32 v3, v4  }
0x78: {  	v4 =	vperm.xlane v3, v0;
	_ =	sdelay $0x1  }
0x79: {  	v4 =	vadd.s32 v1, v4;
	_ =	sdelay $0x1  }
0x7a: {  	v3 =	vperm.xlane v3, v2;
	_ =	sdelay $0x1  }
0x7b: {  	v3 =	vadd.s32 v1, v3  }
0x7c: {  	[tilespmem:s26], [sflag:$0x1] =	stream.indirect_vreg.gather [hbm4b:s8+s6], $0x80, v4, vm0, $0xb8;
	[tilespmem:$0x1A280] =	vst v63  }
0x7d: {  	_ = 	snop  }
0x7e: {  	[tilespmem:s4], [sflag:$0x1] =	stream.indirect_vreg.gather [hbm4b:s1+s6], $0x80, v4, vm0, $0xb8;
	[tilespmem:$0x1A280] =	vst v63  }
0x7f: {  	_ = 	snop  }
0x80: {  	[tilespmem:s21], [sflag:$0x1] =	stream.indirect_vreg.gather [hbm4b:s8+s6], $0x80, v3, vm0, $0xb8;
	[tilespmem:$0x1A280] =	vst v63  }
0x81: {  	_ = 	snop  }
0x82: {  	[tilespmem:s22], [sflag:$0x1] =	stream.indirect_vreg.gather [hbm4b:s1+s6], $0x80, v3, vm0, $0xb8;
	[tilespmem:$0x1A280] =	vst v63  }
0x83: {  	v3 =	vld [tilespmem:$0x0];
	_ =	sdelay $0x4  }
0x84: {  	v60 =	vshll.u32 v3, $0x2  }
0x85: {  	v3 =	vand.u32 $0x7, v3;
	v4 =	vand.u32 $0xFFFFFFE0, v60  }
0x86: {  	v3 =	vor.u32 v3, v4  }
0x87: {  	v4 =	vperm.xlane v3, v0;
	_ =	sdelay $0x1  }
0x88: {  	v4 =	vadd.s32 v1, v4;
	_ =	sdelay $0x1  }
0x89: {  	v3 =	vperm.xlane v3, v2;
	_ =	sdelay $0x1  }
0x8a: {  	v3 =	vadd.s32 v1, v3  }
0x8b: {  	[tilespmem:s17], [sflag:$0x2] =	stream.indirect_vreg.gather [hbm4b:s9+s6], $0x80, v4, vm0, $0xb8;
	[tilespmem:$0x1A280] =	vst v63  }
0x8c: {  	s24 =	simm.s32 $0x8880;
	s1 =	sadd.s32 $0x100, s9  }
0x8d: {  	[tilespmem:s24], [sflag:$0x2] =	stream.indirect_vreg.gather [hbm4b:s1+s6], $0x80, v4, vm0, $0xb8;
	[tilespmem:$0x1A280] =	vst v63  }
0x8e: {  	s25 =	simm.s32 $0x9080  }
0x8f: {  	[tilespmem:s25], [sflag:$0x2] =	stream.indirect_vreg.gather [hbm4b:s9+s6], $0x80, v3, vm0, $0xb8;
	[tilespmem:$0x1A280] =	vst v63  }
0x90: {  	s28 =	simm.s32 $0x9880  }
0x91: {  	[tilespmem:s28], [sflag:$0x2] =	stream.indirect_vreg.gather [hbm4b:s1+s6], $0x80, v3, vm0, $0xb8;
	[tilespmem:$0x1A280] =	vst v63  }
0x92: {  	v3 =	vld [tilespmem:$0x10];
	_ =	sdelay $0x4  }
0x93: {  	v61 =	vshll.u32 v3, $0x2  }
0x94: {  	v3 =	vand.u32 $0x7, v3;
	v4 =	vand.u32 $0xFFFFFFE0, v61  }
0x95: {  	v3 =	vor.u32 v3, v4  }
0x96: {  	v4 =	vperm.xlane v3, v0;
	_ =	sdelay $0x1  }
0x97: {  	v4 =	vadd.s32 v1, v4;
	_ =	sdelay $0x1  }
0x98: {  	v3 =	vperm.xlane v3, v2;
	_ =	sdelay $0x1  }
0x99: {  	s24 =	simm.s32 $0xA080;
	v3 =	vadd.s32 v1, v3  }
0x9a: {  	[tilespmem:s24], [sflag:$0x2] =	stream.indirect_vreg.gather [hbm4b:s9+s6], $0x80, v4, vm0, $0xb8;
	[tilespmem:$0x1A280] =	vst v63  }
0x9b: {  	s25 =	simm.s32 $0xA880  }
0x9c: {  	[tilespmem:s25], [sflag:$0x2] =	stream.indirect_vreg.gather [hbm4b:s1+s6], $0x80, v4, vm0, $0xb8;
	[tilespmem:$0x1A280] =	vst v63  }
0x9d: {  	s28 =	simm.s32 $0xB080  }
0x9e: {  	[tilespmem:s28], [sflag:$0x2] =	stream.indirect_vreg.gather [hbm4b:s9+s6], $0x80, v3, vm0, $0xb8;
	[tilespmem:$0x1A280] =	vst v63  }
0x9f: {  	s24 =	simm.s32 $0xB880  }
0xa0: {  	[tilespmem:s24], [sflag:$0x2] =	stream.indirect_vreg.gather [hbm4b:s1+s6], $0x80, v3, vm0, $0xb8;
	[tilespmem:$0x1A280] =	vst v63  }
0xa1: {  	v3 =	vld [tilespmem:$0x20];
	_ =	sdelay $0x4  }
0xa2: {  	v62 =	vshll.u32 v3, $0x2  }
0xa3: {  	v3 =	vand.u32 $0x7, v3;
	v4 =	vand.u32 $0xFFFFFFE0, v62  }
0xa4: {  	v3 =	vor.u32 v3, v4  }
0xa5: {  	v4 =	vperm.xlane v3, v0;
	_ =	sdelay $0x1  }
0xa6: {  	v4 =	vadd.s32 v1, v4;
	_ =	sdelay $0x1  }
0xa7: {  	v3 =	vperm.xlane v3, v2;
	_ =	sdelay $0x1  }
0xa8: {  	s25 =	simm.s32 $0xC080;
	v3 =	vadd.s32 v1, v3  }
0xa9: {  	[tilespmem:s25], [sflag:$0x2] =	stream.indirect_vreg.gather [hbm4b:s9+s6], $0x80, v4, vm0, $0xb8;
	[tilespmem:$0x1A280] =	vst v63  }
0xaa: {  	s28 =	simm.s32 $0xC880  }
0xab: {  	[tilespmem:s28], [sflag:$0x2] =	stream.indirect_vreg.gather [hbm4b:s1+s6], $0x80, v4, vm0, $0xb8;
	[tilespmem:$0x1A280] =	vst v63  }
0xac: {  	s24 =	simm.s32 $0xD080  }
0xad: {  	[tilespmem:s24], [sflag:$0x2] =	stream.indirect_vreg.gather [hbm4b:s9+s6], $0x80, v3, vm0, $0xb8;
	[tilespmem:$0x1A280] =	vst v63  }
0xae: {  	s25 =	simm.s32 $0xD880  }
0xaf: {  	[tilespmem:s25], [sflag:$0x2] =	stream.indirect_vreg.gather [hbm4b:s1+s6], $0x80, v3, vm0, $0xb8;
	[tilespmem:$0x1A280] =	vst v63  }
0xb0: {  	v3 =	vld [tilespmem:$0x30];
	_ =	sdelay $0x4  }
0xb1: {  	v63 =	vshll.u32 v3, $0x2  }
0xb2: {  	v3 =	vand.u32 $0x7, v3;
	v4 =	vand.u32 $0xFFFFFFE0, v63  }
0xb3: {  	v3 =	vor.u32 v3, v4  }
0xb4: {  	v4 =	vperm.xlane v3, v0;
	_ =	sdelay $0x1  }
0xb5: {  	v4 =	vadd.s32 v1, v4;
	_ =	sdelay $0x1  }
0xb6: {  	v3 =	vperm.xlane v3, v2;
	_ =	sdelay $0x1  }
0xb7: {  	s28 =	simm.s32 $0xE080;
	v3 =	vadd.s32 v1, v3  }
0xb8: {  	[tilespmem:s28], [sflag:$0x2] =	stream.indirect_vreg.gather [hbm4b:s9+s6], $0x80, v4, vm0, $0xb8;
	[tilespmem:$0x1A280] =	vst v63  }
0xb9: {  	s24 =	simm.s32 $0xE880  }
0xba: {  	[tilespmem:s24], [sflag:$0x2] =	stream.indirect_vreg.gather [hbm4b:s1+s6], $0x80, v4, vm0, $0xb8;
	[tilespmem:$0x1A280] =	vst v63  }
0xbb: {  	s25 =	simm.s32 $0xF080  }
0xbc: {  	[tilespmem:s25], [sflag:$0x2] =	stream.indirect_vreg.gather [hbm4b:s9+s6], $0x80, v3, vm0, $0xb8;
	[tilespmem:$0x1A280] =	vst v63  }
0xbd: {  	s28 =	simm.s32 $0xF880  }
0xbe: {  	[tilespmem:s28], [sflag:$0x2] =	stream.indirect_vreg.gather [hbm4b:s1+s6], $0x80, v3, vm0, $0xb8;
	[tilespmem:$0x1A280] =	vst v63  }
0xbf: {  	_ =	swait.ge [sflag:s18], $0x8000  }
0xc0: {  	[sflag:s18] =	ssyncset.done $0x0  }
0xc1: {  	[sflag:s18] =	ssyncadd.s32 $0xFFFF8000  }
0xc2: {  	[hbm4b:s10+s6] =	stream.linear.scatter [tilespmem:s19], [sflag:$0x3], $0x8000, $0x38;
	[tilespmem:$0x1A280] =	vst v63  }
0xc3: {  	_ =	swait.ge [sflag:s15], $0x8000  }
0xc4: {  	[sflag:s15] =	ssyncset.done $0x0  }
0xc5: {  	[sflag:s15] =	ssyncadd.s32 $0xFFFF8000  }
0xc6: {  	_ =	swait.ge [sflag:s7], $0x8000  }
0xc7: {  	[sflag:s7] =	ssyncset.done $0x0  }
0xc8: {  	[sflag:s7] =	ssyncadd.s32 $0xFFFF8000  }
0xc9: {  	[hbm4b:s11+s6] =	stream.linear.scatter [tilespmem:s17], [sflag:$0x3], $0x8000, $0x38;
	[tilespmem:$0x1A280] =	vst v63  }
0xca: {  	_ =	swait.ge [sflag:s15], $0x8000  }
0xcb: {  	[sflag:s15] =	ssyncset.done $0x0  }
0xcc: {  	[sflag:s15] =	ssyncadd.s32 $0xFFFF8000  }
.LBB2_3:
.Ltmp3:
0xcd: {  	(pc) =	sbr.rel @p1 .LBB2_6-.Ltmp3, $1  }
0xce: {  	_ =	sdelay $0x3  }
.Ltmp4:
0xcf: {  	(pc) =	sbr.rel @p3 .LBB2_7-.Ltmp4, $1  }
0xd0: {  	_ =	sdelay $0x3  }
0xd1: {  	v3 =	vld [tilespmem:$0x0];
	_ =	sdelay $0x4  }
0xd2: {  	v3 =	vshll.u32 v3, $0x6  }
0xd3: {  	(v2sf) =	vpush v3, $0x0;
	_ =	sdelay $0x7  }
0xd4: {  	(v2sf) =	vpush v3, $0x1;
	_ =	sdelay $0x6  }
0xd5: {  	s1 =	spop (v2sf)  }
0xd6: {  	s1 =	sand.u32 $0x1FFFFFC0, s1  }
0xd7: {  	(v2sf) =	vpush v3, $0x2;
	s1 =	sadd.s32 s2, s1  }
0xd8: {  	[tilespmem:s19], [sflag:$0x1] =	stream.linear.gather [hbm4b:s1+s6], $0x80, $0x38;
	[tilespmem:$0x1A280] =	vst v63  }
0xd9: {  	s24 =	simm.s32 $0x480;
	s5 =	sadd.s32 $0x10, s1  }
0xda: {  	[tilespmem:s24], [sflag:$0x1] =	stream.linear.gather [hbm4b:s5+s6], $0x80, $0x38;
	[tilespmem:$0x1A280] =	vst v63  }
0xdb: {  	s25 =	simm.s32 $0x880;
	s24 =	sadd.s32 $0x20, s1  }
0xdc: {  	[tilespmem:s25], [sflag:$0x1] =	stream.linear.gather [hbm4b:s24+s6], $0x80, $0x38;
	[tilespmem:$0x1A280] =	vst v63  }
0xdd: {  	s28 =	simm.s32 $0xC80;
	s1 =	sadd.s32 $0x30, s1;
	s5 =	spop (v2sf)  }
0xde: {  	[tilespmem:s28], [sflag:$0x1] =	stream.linear.gather [hbm4b:s1+s6], $0x80, $0x38;
	[tilespmem:$0x1A280] =	vst v63  }
0xdf: {  	s1 =	sand.u32 $0x1FFFFFC0, s5  }
0xe0: {  	s24 =	simm.s32 $0x100;
	s1 =	sadd.s32 s2, s1  }
0xe1: {  	[tilespmem:s24], [sflag:$0x1] =	stream.linear.gather [hbm4b:s1+s6], $0x80, $0x38;
	[tilespmem:$0x1A280] =	vst v63  }
0xe2: {  	s28 =	simm.s32 $0x500;
	s25 =	sadd.s32 $0x10, s1  }
0xe3: {  	[tilespmem:s28], [sflag:$0x1] =	stream.linear.gather [hbm4b:s25+s6], $0x80, $0x38;
	[tilespmem:$0x1A280] =	vst v63  }
0xe4: {  	s24 =	sadd.s32 $0x20, s1;
	s25 =	simm.s32 $0x900  }
0xe5: {  	[tilespmem:s25], [sflag:$0x1] =	stream.linear.gather [hbm4b:s24+s6], $0x80, $0x38;
	[tilespmem:$0x1A280] =	vst v63  }
0xe6: {  	s1 =	sadd.s32 $0x30, s1;
	s28 =	simm.s32 $0xD00;
	s5 =	spop (v2sf)  }
0xe7: {  	(v2sf) =	vpush v3, $0x3;
	[tilespmem:s28], [sflag:$0x1] =	stream.linear.gather [hbm4b:s1+s6], $0x80, $0x38;
	[tilespmem:$0x1A280] =	vst v63  }
0xe8: {  	s1 =	sand.u32 $0x1FFFFFC0, s5  }
0xe9: {  	s24 =	simm.s32 $0x180;
	s1 =	sadd.s32 s2, s1  }
0xea: {  	[tilespmem:s24], [sflag:$0x1] =	stream.linear.gather [hbm4b:s1+s6], $0x80, $0x38;
	[tilespmem:$0x1A280] =	vst v63  }
0xeb: {  	s28 =	simm.s32 $0x580;
	s25 =	sadd.s32 $0x10, s1  }
0xec: {  	[tilespmem:s28], [sflag:$0x1] =	stream.linear.gather [hbm4b:s25+s6], $0x80, $0x38;
	[tilespmem:$0x1A280] =	vst v63  }
0xed: {  	s24 =	sadd.s32 $0x20, s1;
	s25 =	simm.s32 $0x980  }
0xee: {  	[tilespmem:s25], [sflag:$0x1] =	stream.linear.gather [hbm4b:s24+s6], $0x80, $0x38;
	[tilespmem:$0x1A280] =	vst v63  }
0xef: {  	s1 =	sadd.s32 $0x30, s1;
	s28 =	simm.s32 $0xD80  }
0xf0: {  	[tilespmem:s28], [sflag:$0x1] =	stream.linear.gather [hbm4b:s1+s6], $0x80, $0x38;
	[tilespmem:$0x1A280] =	vst v63  }
0xf1: {  	(v2sf) =	vpush v3, $0x4;
	_ =	sdelay $0x4  }
0xf2: {  	s5 =	spop (v2sf)  }
0xf3: {  	s1 =	sand.u32 $0x1FFFFFC0, s5  }
0xf4: {  	s24 =	simm.s32 $0x200;
	s1 =	sadd.s32 s2, s1  }
0xf5: {  	(v2sf) =	vpush v3, $0x5;
	[tilespmem:s24], [sflag:$0x1] =	stream.linear.gather [hbm4b:s1+s6], $0x80, $0x38;
	[tilespmem:$0x1A280] =	vst v63  }
0xf6: {  	s28 =	simm.s32 $0x600;
	s25 =	sadd.s32 $0x10, s1  }
0xf7: {  	[tilespmem:s28], [sflag:$0x1] =	stream.linear.gather [hbm4b:s25+s6], $0x80, $0x38;
	[tilespmem:$0x1A280] =	vst v63  }
0xf8: {  	s24 =	sadd.s32 $0x20, s1;
	s25 =	simm.s32 $0xA00  }
0xf9: {  	[tilespmem:s25], [sflag:$0x1] =	stream.linear.gather [hbm4b:s24+s6], $0x80, $0x38;
	[tilespmem:$0x1A280] =	vst v63  }
0xfa: {  	s1 =	sadd.s32 $0x30, s1;
	s28 =	simm.s32 $0xE00  }
0xfb: {  	[tilespmem:s28], [sflag:$0x1] =	stream.linear.gather [hbm4b:s1+s6], $0x80, $0x38;
	[tilespmem:$0x1A280] =	vst v63  }
0xfc: {  	s5 =	spop (v2sf)  }
0xfd: {  	s1 =	sand.u32 $0x1FFFFFC0, s5  }
0xfe: {  	s24 =	simm.s32 $0x280;
	(v2sf) =	vpush v3, $0x6;
	s1 =	sadd.s32 s2, s1  }
0xff: {  	[tilespmem:s24], [sflag:$0x1] =	stream.linear.gather [hbm4b:s1+s6], $0x80, $0x38;
	[tilespmem:$0x1A280] =	vst v63  }
0x100: {  	s28 =	simm.s32 $0x680;
	s25 =	sadd.s32 $0x10, s1  }
0x101: {  	[tilespmem:s28], [sflag:$0x1] =	stream.linear.gather [hbm4b:s25+s6], $0x80, $0x38;
	[tilespmem:$0x1A280] =	vst v63  }
0x102: {  	s24 =	sadd.s32 $0x20, s1;
	s25 =	simm.s32 $0xA80  }
0x103: {  	[tilespmem:s25], [sflag:$0x1] =	stream.linear.gather [hbm4b:s24+s6], $0x80, $0x38;
	[tilespmem:$0x1A280] =	vst v63  }
0x104: {  	s1 =	sadd.s32 $0x30, s1;
	s5 =	spop (v2sf);
	s28 =	simm.s32 $0xE80  }
0x105: {  	[tilespmem:s28], [sflag:$0x1] =	stream.linear.gather [hbm4b:s1+s6], $0x80, $0x38;
	[tilespmem:$0x1A280] =	vst v63  }
0x106: {  	s1 =	sand.u32 $0x1FFFFFC0, s5  }
0x107: {  	(v2sf) =	vpush v3, $0x7;
	s24 =	simm.s32 $0x300;
	s1 =	sadd.s32 s2, s1  }
0x108: {  	[tilespmem:s24], [sflag:$0x1] =	stream.linear.gather [hbm4b:s1+s6], $0x80, $0x38;
	[tilespmem:$0x1A280] =	vst v63  }
0x109: {  	s28 =	simm.s32 $0x700;
	s25 =	sadd.s32 $0x10, s1  }
0x10a: {  	[tilespmem:s28], [sflag:$0x1] =	stream.linear.gather [hbm4b:s25+s6], $0x80, $0x38;
	[tilespmem:$0x1A280] =	vst v63  }
0x10b: {  	s24 =	sadd.s32 $0x20, s1;
	s25 =	simm.s32 $0xB00  }
0x10c: {  	[tilespmem:s25], [sflag:$0x1] =	stream.linear.gather [hbm4b:s24+s6], $0x80, $0x38;
	[tilespmem:$0x1A280] =	vst v63  }
0x10d: {  	s1 =	sadd.s32 $0x30, s1;
	s28 =	simm.s32 $0xF00;
	s5 =	spop (v2sf)  }
0x10e: {  	[tilespmem:s28], [sflag:$0x1] =	stream.linear.gather [hbm4b:s1+s6], $0x80, $0x38;
	[tilespmem:$0x1A280] =	vst v63  }
0x10f: {  	s1 =	sand.u32 $0x1FFFFFC0, s5  }
0x110: {  	s24 =	simm.s32 $0x380;
	(v2sf) =	vpush v3, $0x8;
	s1 =	sadd.s32 s2, s1  }
0x111: {  	[tilespmem:s24], [sflag:$0x1] =	stream.linear.gather [hbm4b:s1+s6], $0x80, $0x38;
	[tilespmem:$0x1A280] =	vst v63  }
0x112: {  	s28 =	simm.s32 $0x780;
	s25 =	sadd.s32 $0x10, s1  }
0x113: {  	[tilespmem:s28], [sflag:$0x1] =	stream.linear.gather [hbm4b:s25+s6], $0x80, $0x38;
	[tilespmem:$0x1A280] =	vst v63  }
0x114: {  	s24 =	sadd.s32 $0x20, s1;
	s25 =	simm.s32 $0xB80  }
0x115: {  	[tilespmem:s25], [sflag:$0x1] =	stream.linear.gather [hbm4b:s24+s6], $0x80, $0x38;
	[tilespmem:$0x1A280] =	vst v63  }
0x116: {  	s1 =	sadd.s32 $0x30, s1;
	s5 =	spop (v2sf);
	s28 =	simm.s32 $0xF80  }
0x117: {  	[tilespmem:s28], [sflag:$0x1] =	stream.linear.gather [hbm4b:s1+s6], $0x80, $0x38;
	[tilespmem:$0x1A280] =	vst v63  }
0x118: {  	s1 =	sand.u32 $0x1FFFFFC0, s5  }
0x119: {  	(v2sf) =	vpush v3, $0x9;
	s24 =	simm.s32 $0x400;
	s1 =	sadd.s32 s2, s1  }
0x11a: {  	[tilespmem:s24], [sflag:$0x1] =	stream.linear.gather [hbm4b:s1+s6], $0x80, $0x38;
	[tilespmem:$0x1A280] =	vst v63  }
0x11b: {  	s28 =	simm.s32 $0x800;
	s25 =	sadd.s32 $0x10, s1  }
0x11c: {  	[tilespmem:s28], [sflag:$0x1] =	stream.linear.gather [hbm4b:s25+s6], $0x80, $0x38;
	[tilespmem:$0x1A280] =	vst v63  }
0x11d: {  	s24 =	sadd.s32 $0x20, s1;
	s25 =	simm.s32 $0xC00  }
0x11e: {  	[tilespmem:s25], [sflag:$0x1] =	stream.linear.gather [hbm4b:s24+s6], $0x80, $0x38;
	[tilespmem:$0x1A280] =	vst v63  }
0x11f: {  	s1 =	sadd.s32 $0x30, s1;
	s28 =	simm.s32 $0x1000;
	s5 =	spop (v2sf)  }
0x120: {  	[tilespmem:s28], [sflag:$0x1] =	stream.linear.gather [hbm4b:s1+s6], $0x80, $0x38;
	[tilespmem:$0x1A280] =	vst v63  }
0x121: {  	s1 =	sand.u32 $0x1FFFFFC0, s5  }
0x122: {  	(v2sf) =	vpush v3, $0xA;
	s24 =	simm.s32 $0x1080;
	s1 =	sadd.s32 s2, s1  }
0x123: {  	[tilespmem:s24], [sflag:$0x1] =	stream.linear.gather [hbm4b:s1+s6], $0x80, $0x38;
	[tilespmem:$0x1A280] =	vst v63  }
0x124: {  	s28 =	simm.s32 $0x1480;
	s25 =	sadd.s32 $0x10, s1  }
0x125: {  	[tilespmem:s28], [sflag:$0x1] =	stream.linear.gather [hbm4b:s25+s6], $0x80, $0x38;
	[tilespmem:$0x1A280] =	vst v63  }
0x126: {  	s24 =	sadd.s32 $0x20, s1;
	s25 =	simm.s32 $0x1880  }
0x127: {  	[tilespmem:s25], [sflag:$0x1] =	stream.linear.gather [hbm4b:s24+s6], $0x80, $0x38;
	[tilespmem:$0x1A280] =	vst v63  }
0x128: {  	s5 =	spop (v2sf);
	s1 =	sadd.s32 $0x30, s1;
	s28 =	simm.s32 $0x1C80  }
0x129: {  	[tilespmem:s28], [sflag:$0x1] =	stream.linear.gather [hbm4b:s1+s6], $0x80, $0x38;
	[tilespmem:$0x1A280] =	vst v63  }
0x12a: {  	s1 =	sand.u32 $0x1FFFFFC0, s5  }
0x12b: {  	(v2sf) =	vpush v3, $0xB;
	s24 =	simm.s32 $0x1100;
	s1 =	sadd.s32 s2, s1  }
0x12c: {  	[tilespmem:s24], [sflag:$0x1] =	stream.linear.gather [hbm4b:s1+s6], $0x80, $0x38;
	[tilespmem:$0x1A280] =	vst v63  }
0x12d: {  	s28 =	simm.s32 $0x1500;
	s25 =	sadd.s32 $0x10, s1  }
0x12e: {  	[tilespmem:s28], [sflag:$0x1] =	stream.linear.gather [hbm4b:s25+s6], $0x80, $0x38;
	[tilespmem:$0x1A280] =	vst v63  }
0x12f: {  	s24 =	sadd.s32 $0x20, s1;
	s25 =	simm.s32 $0x1900  }
0x130: {  	[tilespmem:s25], [sflag:$0x1] =	stream.linear.gather [hbm4b:s24+s6], $0x80, $0x38;
	[tilespmem:$0x1A280] =	vst v63  }
0x131: {  	s1 =	sadd.s32 $0x30, s1;
	s28 =	simm.s32 $0x1D00;
	s5 =	spop (v2sf)  }
0x132: {  	[tilespmem:s28], [sflag:$0x1] =	stream.linear.gather [hbm4b:s1+s6], $0x80, $0x38;
	[tilespmem:$0x1A280] =	vst v63  }
0x133: {  	s1 =	sand.u32 $0x1FFFFFC0, s5  }
0x134: {  	(v2sf) =	vpush v3, $0xC;
	s24 =	simm.s32 $0x1180;
	s1 =	sadd.s32 s2, s1  }
0x135: {  	[tilespmem:s24], [sflag:$0x1] =	stream.linear.gather [hbm4b:s1+s6], $0x80, $0x38;
	[tilespmem:$0x1A280] =	vst v63  }
0x136: {  	s28 =	simm.s32 $0x1580;
	s25 =	sadd.s32 $0x10, s1  }
0x137: {  	[tilespmem:s28], [sflag:$0x1] =	stream.linear.gather [hbm4b:s25+s6], $0x80, $0x38;
	[tilespmem:$0x1A280] =	vst v63  }
0x138: {  	s24 =	sadd.s32 $0x20, s1;
	s25 =	simm.s32 $0x1980  }
0x139: {  	[tilespmem:s25], [sflag:$0x1] =	stream.linear.gather [hbm4b:s24+s6], $0x80, $0x38;
	[tilespmem:$0x1A280] =	vst v63  }
0x13a: {  	s5 =	spop (v2sf);
	s1 =	sadd.s32 $0x30, s1;
	s28 =	simm.s32 $0x1D80  }
0x13b: {  	[tilespmem:s28], [sflag:$0x1] =	stream.linear.gather [hbm4b:s1+s6], $0x80, $0x38;
	[tilespmem:$0x1A280] =	vst v63  }
0x13c: {  	s1 =	sand.u32 $0x1FFFFFC0, s5  }
0x13d: {  	(v2sf) =	vpush v3, $0xD;
	s24 =	simm.s32 $0x1200;
	s1 =	sadd.s32 s2, s1  }
0x13e: {  	[tilespmem:s24], [sflag:$0x1] =	stream.linear.gather [hbm4b:s1+s6], $0x80, $0x38;
	[tilespmem:$0x1A280] =	vst v63  }
0x13f: {  	s28 =	simm.s32 $0x1600;
	s25 =	sadd.s32 $0x10, s1  }
0x140: {  	[tilespmem:s28], [sflag:$0x1] =	stream.linear.gather [hbm4b:s25+s6], $0x80, $0x38;
	[tilespmem:$0x1A280] =	vst v63  }
0x141: {  	s24 =	sadd.s32 $0x20, s1;
	s25 =	simm.s32 $0x1A00  }
0x142: {  	[tilespmem:s25], [sflag:$0x1] =	stream.linear.gather [hbm4b:s24+s6], $0x80, $0x38;
	[tilespmem:$0x1A280] =	vst v63  }
0x143: {  	s1 =	sadd.s32 $0x30, s1;
	s5 =	spop (v2sf);
	s28 =	simm.s32 $0x1E00  }
0x144: {  	[tilespmem:s28], [sflag:$0x1] =	stream.linear.gather [hbm4b:s1+s6], $0x80, $0x38;
	[tilespmem:$0x1A280] =	vst v63  }
0x145: {  	s1 =	sand.u32 $0x1FFFFFC0, s5  }
0x146: {  	(v2sf) =	vpush v3, $0xE;
	s24 =	simm.s32 $0x1280;
	s1 =	sadd.s32 s2, s1  }
0x147: {  	[tilespmem:s24], [sflag:$0x1] =	stream.linear.gather [hbm4b:s1+s6], $0x80, $0x38;
	[tilespmem:$0x1A280] =	vst v63  }
0x148: {  	s28 =	simm.s32 $0x1680;
	s25 =	sadd.s32 $0x10, s1  }
0x149: {  	[tilespmem:s28], [sflag:$0x1] =	stream.linear.gather [hbm4b:s25+s6], $0x80, $0x38;
	[tilespmem:$0x1A280] =	vst v63  }
0x14a: {  	s24 =	sadd.s32 $0x20, s1;
	s25 =	simm.s32 $0x1A80  }
0x14b: {  	[tilespmem:s25], [sflag:$0x1] =	stream.linear.gather [hbm4b:s24+s6], $0x80, $0x38;
	[tilespmem:$0x1A280] =	vst v63  }
0x14c: {  	s5 =	spop (v2sf);
	s1 =	sadd.s32 $0x30, s1;
	s28 =	simm.s32 $0x1E80  }
0x14d: {  	[tilespmem:s28], [sflag:$0x1] =	stream.linear.gather [hbm4b:s1+s6], $0x80, $0x38;
	[tilespmem:$0x1A280] =	vst v63  }
0x14e: {  	s1 =	sand.u32 $0x1FFFFFC0, s5  }
0x14f: {  	(v2sf) =	vpush v3, $0xF;
	s24 =	simm.s32 $0x1300;
	s1 =	sadd.s32 s2, s1  }
0x150: {  	[tilespmem:s24], [sflag:$0x1] =	stream.linear.gather [hbm4b:s1+s6], $0x80, $0x38;
	[tilespmem:$0x1A280] =	vst v63  }
0x151: {  	s28 =	simm.s32 $0x1700;
	s25 =	sadd.s32 $0x10, s1  }
0x152: {  	[tilespmem:s28], [sflag:$0x1] =	stream.linear.gather [hbm4b:s25+s6], $0x80, $0x38;
	[tilespmem:$0x1A280] =	vst v63  }
0x153: {  	s24 =	sadd.s32 $0x20, s1;
	s25 =	simm.s32 $0x1B00  }
0x154: {  	[tilespmem:s25], [sflag:$0x1] =	stream.linear.gather [hbm4b:s24+s6], $0x80, $0x38;
	[tilespmem:$0x1A280] =	vst v63  }
0x155: {  	s1 =	sadd.s32 $0x30, s1;
	s5 =	spop (v2sf);
	s28 =	simm.s32 $0x1F00  }
0x156: {  	[tilespmem:s28], [sflag:$0x1] =	stream.linear.gather [hbm4b:s1+s6], $0x80, $0x38;
	[tilespmem:$0x1A280] =	vst v63  }
0x157: {  	s1 =	sand.u32 $0x1FFFFFC0, s5  }
0x158: {  	s24 =	simm.s32 $0x1380;
	s1 =	sadd.s32 s2, s1  }
0x159: {  	[tilespmem:s24], [sflag:$0x1] =	stream.linear.gather [hbm4b:s1+s6], $0x80, $0x38;
	[tilespmem:$0x1A280] =	vst v63  }
0x15a: {  	s28 =	simm.s32 $0x1780;
	s25 =	sadd.s32 $0x10, s1  }
0x15b: {  	[tilespmem:s28], [sflag:$0x1] =	stream.linear.gather [hbm4b:s25+s6], $0x80, $0x38;
	[tilespmem:$0x1A280] =	vst v63  }
0x15c: {  	s24 =	sadd.s32 $0x20, s1;
	s25 =	simm.s32 $0x1B80  }
0x15d: {  	[tilespmem:s25], [sflag:$0x1] =	stream.linear.gather [hbm4b:s24+s6], $0x80, $0x38;
	[tilespmem:$0x1A280] =	vst v63  }
0x15e: {  	s5 =	spop (v2sf);
	s1 =	sadd.s32 $0x30, s1;
	s28 =	simm.s32 $0x1F80  }
0x15f: {  	[tilespmem:s28], [sflag:$0x1] =	stream.linear.gather [hbm4b:s1+s6], $0x80, $0x38;
	[tilespmem:$0x1A280] =	vst v63  }
0x160: {  	s1 =	sand.u32 $0x1FFFFFC0, s5  }
0x161: {  	s24 =	simm.s32 $0x1400;
	s1 =	sadd.s32 s2, s1  }
0x162: {  	[tilespmem:s24], [sflag:$0x1] =	stream.linear.gather [hbm4b:s1+s6], $0x80, $0x38;
	[tilespmem:$0x1A280] =	vst v63  }
0x163: {  	s28 =	simm.s32 $0x1800;
	s25 =	sadd.s32 $0x10, s1  }
0x164: {  	[tilespmem:s28], [sflag:$0x1] =	stream.linear.gather [hbm4b:s25+s6], $0x80, $0x38;
	[tilespmem:$0x1A280] =	vst v63  }
0x165: {  	s24 =	sadd.s32 $0x20, s1;
	s25 =	simm.s32 $0x1C00  }
0x166: {  	[tilespmem:s25], [sflag:$0x1] =	stream.linear.gather [hbm4b:s24+s6], $0x80, $0x38;
	[tilespmem:$0x1A280] =	vst v63  }
0x167: {  	s1 =	sadd.s32 $0x30, s1;
	s28 =	simm.s32 $0x2000  }
0x168: {  	[tilespmem:s28], [sflag:$0x1] =	stream.linear.gather [hbm4b:s1+s6], $0x80, $0x38;
	[tilespmem:$0x1A280] =	vst v63  }
0x169: {  	v3 =	vld [tilespmem:$0x10];
	_ =	sdelay $0x4  }
0x16a: {  	v3 =	vshll.u32 v3, $0x6  }
0x16b: {  	(v2sf) =	vpush v3, $0x0;
	_ =	sdelay $0x7  }
0x16c: {  	(v2sf) =	vpush v3, $0x1;
	_ =	sdelay $0x6  }
0x16d: {  	s5 =	spop (v2sf)  }
0x16e: {  	s1 =	sand.u32 $0x1FFFFFC0, s5  }
0x16f: {  	s24 =	simm.s32 $0x2080;
	(v2sf) =	vpush v3, $0x2;
	s1 =	sadd.s32 s2, s1  }
0x170: {  	[tilespmem:s24], [sflag:$0x1] =	stream.linear.gather [hbm4b:s1+s6], $0x80, $0x38;
	[tilespmem:$0x1A280] =	vst v63  }
0x171: {  	s28 =	simm.s32 $0x2480;
	s25 =	sadd.s32 $0x10, s1  }
0x172: {  	[tilespmem:s28], [sflag:$0x1] =	stream.linear.gather [hbm4b:s25+s6], $0x80, $0x38;
	[tilespmem:$0x1A280] =	vst v63  }
0x173: {  	s24 =	sadd.s32 $0x20, s1;
	s25 =	simm.s32 $0x2880  }
0x174: {  	[tilespmem:s25], [sflag:$0x1] =	stream.linear.gather [hbm4b:s24+s6], $0x80, $0x38;
	[tilespmem:$0x1A280] =	vst v63  }
0x175: {  	s5 =	spop (v2sf);
	s1 =	sadd.s32 $0x30, s1;
	s28 =	simm.s32 $0x2C80  }
0x176: {  	[tilespmem:s28], [sflag:$0x1] =	stream.linear.gather [hbm4b:s1+s6], $0x80, $0x38;
	[tilespmem:$0x1A280] =	vst v63  }
0x177: {  	s1 =	sand.u32 $0x1FFFFFC0, s5  }
0x178: {  	(v2sf) =	vpush v3, $0x3;
	s24 =	simm.s32 $0x2100;
	s1 =	sadd.s32 s2, s1  }
0x179: {  	[tilespmem:s24], [sflag:$0x1] =	stream.linear.gather [hbm4b:s1+s6], $0x80, $0x38;
	[tilespmem:$0x1A280] =	vst v63  }
0x17a: {  	s28 =	simm.s32 $0x2500;
	s25 =	sadd.s32 $0x10, s1  }
0x17b: {  	[tilespmem:s28], [sflag:$0x1] =	stream.linear.gather [hbm4b:s25+s6], $0x80, $0x38;
	[tilespmem:$0x1A280] =	vst v63  }
0x17c: {  	s24 =	sadd.s32 $0x20, s1;
	s25 =	simm.s32 $0x2900  }
0x17d: {  	[tilespmem:s25], [sflag:$0x1] =	stream.linear.gather [hbm4b:s24+s6], $0x80, $0x38;
	[tilespmem:$0x1A280] =	vst v63  }
0x17e: {  	s1 =	sadd.s32 $0x30, s1;
	s28 =	simm.s32 $0x2D00;
	s5 =	spop (v2sf)  }
0x17f: {  	[tilespmem:s28], [sflag:$0x1] =	stream.linear.gather [hbm4b:s1+s6], $0x80, $0x38;
	[tilespmem:$0x1A280] =	vst v63  }
0x180: {  	s1 =	sand.u32 $0x1FFFFFC0, s5  }
0x181: {  	s24 =	simm.s32 $0x2180;
	(v2sf) =	vpush v3, $0x4;
	s1 =	sadd.s32 s2, s1  }
0x182: {  	[tilespmem:s24], [sflag:$0x1] =	stream.linear.gather [hbm4b:s1+s6], $0x80, $0x38;
	[tilespmem:$0x1A280] =	vst v63  }
0x183: {  	s28 =	simm.s32 $0x2580;
	s25 =	sadd.s32 $0x10, s1  }
0x184: {  	[tilespmem:s28], [sflag:$0x1] =	stream.linear.gather [hbm4b:s25+s6], $0x80, $0x38;
	[tilespmem:$0x1A280] =	vst v63  }
0x185: {  	s24 =	sadd.s32 $0x20, s1;
	s25 =	simm.s32 $0x2980  }
0x186: {  	[tilespmem:s25], [sflag:$0x1] =	stream.linear.gather [hbm4b:s24+s6], $0x80, $0x38;
	[tilespmem:$0x1A280] =	vst v63  }
0x187: {  	s5 =	spop (v2sf);
	s1 =	sadd.s32 $0x30, s1;
	s28 =	simm.s32 $0x2D80  }
0x188: {  	[tilespmem:s28], [sflag:$0x1] =	stream.linear.gather [hbm4b:s1+s6], $0x80, $0x38;
	[tilespmem:$0x1A280] =	vst v63  }
0x189: {  	s1 =	sand.u32 $0x1FFFFFC0, s5  }
0x18a: {  	(v2sf) =	vpush v3, $0x5;
	s24 =	simm.s32 $0x2200;
	s1 =	sadd.s32 s2, s1  }
0x18b: {  	[tilespmem:s24], [sflag:$0x1] =	stream.linear.gather [hbm4b:s1+s6], $0x80, $0x38;
	[tilespmem:$0x1A280] =	vst v63  }
0x18c: {  	s28 =	simm.s32 $0x2600;
	s25 =	sadd.s32 $0x10, s1  }
0x18d: {  	[tilespmem:s28], [sflag:$0x1] =	stream.linear.gather [hbm4b:s25+s6], $0x80, $0x38;
	[tilespmem:$0x1A280] =	vst v63  }
0x18e: {  	s24 =	sadd.s32 $0x20, s1;
	s25 =	simm.s32 $0x2A00  }
0x18f: {  	[tilespmem:s25], [sflag:$0x1] =	stream.linear.gather [hbm4b:s24+s6], $0x80, $0x38;
	[tilespmem:$0x1A280] =	vst v63  }
0x190: {  	s1 =	sadd.s32 $0x30, s1;
	s28 =	simm.s32 $0x2E00;
	s5 =	spop (v2sf)  }
0x191: {  	[tilespmem:s28], [sflag:$0x1] =	stream.linear.gather [hbm4b:s1+s6], $0x80, $0x38;
	[tilespmem:$0x1A280] =	vst v63  }
0x192: {  	s1 =	sand.u32 $0x1FFFFFC0, s5  }
0x193: {  	(v2sf) =	vpush v3, $0x6;
	s24 =	simm.s32 $0x2280;
	s1 =	sadd.s32 s2, s1  }
0x194: {  	[tilespmem:s24], [sflag:$0x1] =	stream.linear.gather [hbm4b:s1+s6], $0x80, $0x38;
	[tilespmem:$0x1A280] =	vst v63  }
0x195: {  	s28 =	simm.s32 $0x2680;
	s25 =	sadd.s32 $0x10, s1  }
0x196: {  	[tilespmem:s28], [sflag:$0x1] =	stream.linear.gather [hbm4b:s25+s6], $0x80, $0x38;
	[tilespmem:$0x1A280] =	vst v63  }
0x197: {  	s24 =	sadd.s32 $0x20, s1;
	s25 =	simm.s32 $0x2A80  }
0x198: {  	[tilespmem:s25], [sflag:$0x1] =	stream.linear.gather [hbm4b:s24+s6], $0x80, $0x38;
	[tilespmem:$0x1A280] =	vst v63  }
0x199: {  	s5 =	spop (v2sf);
	s1 =	sadd.s32 $0x30, s1;
	s28 =	simm.s32 $0x2E80  }
0x19a: {  	[tilespmem:s28], [sflag:$0x1] =	stream.linear.gather [hbm4b:s1+s6], $0x80, $0x38;
	[tilespmem:$0x1A280] =	vst v63  }
0x19b: {  	s1 =	sand.u32 $0x1FFFFFC0, s5  }
0x19c: {  	(v2sf) =	vpush v3, $0x7;
	s24 =	simm.s32 $0x2300;
	s1 =	sadd.s32 s2, s1  }
0x19d: {  	[tilespmem:s24], [sflag:$0x1] =	stream.linear.gather [hbm4b:s1+s6], $0x80, $0x38;
	[tilespmem:$0x1A280] =	vst v63  }
0x19e: {  	s28 =	simm.s32 $0x2700;
	s25 =	sadd.s32 $0x10, s1  }
0x19f: {  	[tilespmem:s28], [sflag:$0x1] =	stream.linear.gather [hbm4b:s25+s6], $0x80, $0x38;
	[tilespmem:$0x1A280] =	vst v63  }
0x1a0: {  	s24 =	sadd.s32 $0x20, s1;
	s25 =	simm.s32 $0x2B00  }
0x1a1: {  	[tilespmem:s25], [sflag:$0x1] =	stream.linear.gather [hbm4b:s24+s6], $0x80, $0x38;
	[tilespmem:$0x1A280] =	vst v63  }
0x1a2: {  	s1 =	sadd.s32 $0x30, s1;
	s28 =	simm.s32 $0x2F00;
	s5 =	spop (v2sf)  }
0x1a3: {  	[tilespmem:s28], [sflag:$0x1] =	stream.linear.gather [hbm4b:s1+s6], $0x80, $0x38;
	[tilespmem:$0x1A280] =	vst v63  }
0x1a4: {  	s1 =	sand.u32 $0x1FFFFFC0, s5  }
0x1a5: {  	(v2sf) =	vpush v3, $0x8;
	s24 =	simm.s32 $0x2380;
	s1 =	sadd.s32 s2, s1  }
0x1a6: {  	[tilespmem:s24], [sflag:$0x1] =	stream.linear.gather [hbm4b:s1+s6], $0x80, $0x38;
	[tilespmem:$0x1A280] =	vst v63  }
0x1a7: {  	s28 =	simm.s32 $0x2780;
	s25 =	sadd.s32 $0x10, s1  }
0x1a8: {  	[tilespmem:s28], [sflag:$0x1] =	stream.linear.gather [hbm4b:s25+s6], $0x80, $0x38;
	[tilespmem:$0x1A280] =	vst v63  }
0x1a9: {  	s24 =	sadd.s32 $0x20, s1;
	s25 =	simm.s32 $0x2B80  }
0x1aa: {  	[tilespmem:s25], [sflag:$0x1] =	stream.linear.gather [hbm4b:s24+s6], $0x80, $0x38;
	[tilespmem:$0x1A280] =	vst v63  }
0x1ab: {  	s5 =	spop (v2sf);
	s1 =	sadd.s32 $0x30, s1;
	s28 =	simm.s32 $0x2F80  }
0x1ac: {  	[tilespmem:s28], [sflag:$0x1] =	stream.linear.gather [hbm4b:s1+s6], $0x80, $0x38;
	[tilespmem:$0x1A280] =	vst v63  }
0x1ad: {  	s1 =	sand.u32 $0x1FFFFFC0, s5  }
0x1ae: {  	(v2sf) =	vpush v3, $0x9;
	s24 =	simm.s32 $0x2400;
	s1 =	sadd.s32 s2, s1  }
0x1af: {  	[tilespmem:s24], [sflag:$0x1] =	stream.linear.gather [hbm4b:s1+s6], $0x80, $0x38;
	[tilespmem:$0x1A280] =	vst v63  }
0x1b0: {  	s28 =	simm.s32 $0x2800;
	s25 =	sadd.s32 $0x10, s1  }
0x1b1: {  	[tilespmem:s28], [sflag:$0x1] =	stream.linear.gather [hbm4b:s25+s6], $0x80, $0x38;
	[tilespmem:$0x1A280] =	vst v63  }
0x1b2: {  	s24 =	sadd.s32 $0x20, s1;
	s25 =	simm.s32 $0x2C00  }
0x1b3: {  	[tilespmem:s25], [sflag:$0x1] =	stream.linear.gather [hbm4b:s24+s6], $0x80, $0x38;
	[tilespmem:$0x1A280] =	vst v63  }
0x1b4: {  	s1 =	sadd.s32 $0x30, s1;
	s28 =	simm.s32 $0x3000;
	s24 =	spop (v2sf)  }
0x1b5: {  	[tilespmem:s28], [sflag:$0x1] =	stream.linear.gather [hbm4b:s1+s6], $0x80, $0x38;
	[tilespmem:$0x1A280] =	vst v63  }
0x1b6: {  	s1 =	sand.u32 $0x1FFFFFC0, s24  }
0x1b7: {  	(v2sf) =	vpush v3, $0xA;
	s1 =	sadd.s32 s2, s1  }
0x1b8: {  	[tilespmem:s30], [sflag:$0x1] =	stream.linear.gather [hbm4b:s1+s6], $0x80, $0x38;
	[tilespmem:$0x1A280] =	vst v63  }
0x1b9: {  	s28 =	simm.s32 $0x3480;
	s25 =	sadd.s32 $0x10, s1  }
0x1ba: {  	[tilespmem:s28], [sflag:$0x1] =	stream.linear.gather [hbm4b:s25+s6], $0x80, $0x38;
	[tilespmem:$0x1A280] =	vst v63  }
0x1bb: {  	s25 =	sadd.s32 $0x20, s1  }
0x1bc: {  	[tilespmem:s3], [sflag:$0x1] =	stream.linear.gather [hbm4b:s25+s6], $0x80, $0x38;
	[tilespmem:$0x1A280] =	vst v63  }
0x1bd: {  	s5 =	spop (v2sf);
	s1 =	sadd.s32 $0x30, s1;
	s28 =	simm.s32 $0x3C80  }
0x1be: {  	[tilespmem:s28], [sflag:$0x1] =	stream.linear.gather [hbm4b:s1+s6], $0x80, $0x38;
	[tilespmem:$0x1A280] =	vst v63  }
0x1bf: {  	s1 =	sand.u32 $0x1FFFFFC0, s5  }
0x1c0: {  	(v2sf) =	vpush v3, $0xB;
	s24 =	simm.s32 $0x3100;
	s1 =	sadd.s32 s2, s1  }
0x1c1: {  	[tilespmem:s24], [sflag:$0x1] =	stream.linear.gather [hbm4b:s1+s6], $0x80, $0x38;
	[tilespmem:$0x1A280] =	vst v63  }
0x1c2: {  	s28 =	simm.s32 $0x3500;
	s25 =	sadd.s32 $0x10, s1  }
0x1c3: {  	[tilespmem:s28], [sflag:$0x1] =	stream.linear.gather [hbm4b:s25+s6], $0x80, $0x38;
	[tilespmem:$0x1A280] =	vst v63  }
0x1c4: {  	s24 =	sadd.s32 $0x20, s1;
	s25 =	simm.s32 $0x3900  }
0x1c5: {  	[tilespmem:s25], [sflag:$0x1] =	stream.linear.gather [hbm4b:s24+s6], $0x80, $0x38;
	[tilespmem:$0x1A280] =	vst v63  }
0x1c6: {  	s1 =	sadd.s32 $0x30, s1;
	s28 =	simm.s32 $0x3D00;
	s5 =	spop (v2sf)  }
0x1c7: {  	[tilespmem:s28], [sflag:$0x1] =	stream.linear.gather [hbm4b:s1+s6], $0x80, $0x38;
	[tilespmem:$0x1A280] =	vst v63  }
0x1c8: {  	s1 =	sand.u32 $0x1FFFFFC0, s5  }
0x1c9: {  	(v2sf) =	vpush v3, $0xC;
	s24 =	simm.s32 $0x3180;
	s1 =	sadd.s32 s2, s1  }
0x1ca: {  	[tilespmem:s24], [sflag:$0x1] =	stream.linear.gather [hbm4b:s1+s6], $0x80, $0x38;
	[tilespmem:$0x1A280] =	vst v63  }
0x1cb: {  	s28 =	simm.s32 $0x3580;
	s25 =	sadd.s32 $0x10, s1  }
0x1cc: {  	[tilespmem:s28], [sflag:$0x1] =	stream.linear.gather [hbm4b:s25+s6], $0x80, $0x38;
	[tilespmem:$0x1A280] =	vst v63  }
0x1cd: {  	s24 =	sadd.s32 $0x20, s1;
	s25 =	simm.s32 $0x3980  }
0x1ce: {  	[tilespmem:s25], [sflag:$0x1] =	stream.linear.gather [hbm4b:s24+s6], $0x80, $0x38;
	[tilespmem:$0x1A280] =	vst v63  }
0x1cf: {  	s5 =	spop (v2sf);
	s1 =	sadd.s32 $0x30, s1;
	s28 =	simm.s32 $0x3D80  }
0x1d0: {  	[tilespmem:s28], [sflag:$0x1] =	stream.linear.gather [hbm4b:s1+s6], $0x80, $0x38;
	[tilespmem:$0x1A280] =	vst v63  }
0x1d1: {  	s1 =	sand.u32 $0x1FFFFFC0, s5  }
0x1d2: {  	(v2sf) =	vpush v3, $0xD;
	s24 =	simm.s32 $0x3200;
	s1 =	sadd.s32 s2, s1  }
0x1d3: {  	[tilespmem:s24], [sflag:$0x1] =	stream.linear.gather [hbm4b:s1+s6], $0x80, $0x38;
	[tilespmem:$0x1A280] =	vst v63  }
0x1d4: {  	s28 =	simm.s32 $0x3600;
	s25 =	sadd.s32 $0x10, s1  }
0x1d5: {  	[tilespmem:s28], [sflag:$0x1] =	stream.linear.gather [hbm4b:s25+s6], $0x80, $0x38;
	[tilespmem:$0x1A280] =	vst v63  }
0x1d6: {  	s24 =	sadd.s32 $0x20, s1;
	s25 =	simm.s32 $0x3A00  }
0x1d7: {  	[tilespmem:s25], [sflag:$0x1] =	stream.linear.gather [hbm4b:s24+s6], $0x80, $0x38;
	[tilespmem:$0x1A280] =	vst v63  }
0x1d8: {  	s1 =	sadd.s32 $0x30, s1;
	s28 =	simm.s32 $0x3E00;
	s5 =	spop (v2sf)  }
0x1d9: {  	[tilespmem:s28], [sflag:$0x1] =	stream.linear.gather [hbm4b:s1+s6], $0x80, $0x38;
	[tilespmem:$0x1A280] =	vst v63  }
0x1da: {  	s1 =	sand.u32 $0x1FFFFFC0, s5  }
0x1db: {  	(v2sf) =	vpush v3, $0xE;
	s24 =	simm.s32 $0x3280;
	s1 =	sadd.s32 s2, s1  }
0x1dc: {  	[tilespmem:s24], [sflag:$0x1] =	stream.linear.gather [hbm4b:s1+s6], $0x80, $0x38;
	[tilespmem:$0x1A280] =	vst v63  }
0x1dd: {  	s28 =	simm.s32 $0x3680;
	s25 =	sadd.s32 $0x10, s1  }
0x1de: {  	[tilespmem:s28], [sflag:$0x1] =	stream.linear.gather [hbm4b:s25+s6], $0x80, $0x38;
	[tilespmem:$0x1A280] =	vst v63  }
0x1df: {  	s24 =	sadd.s32 $0x20, s1;
	s25 =	simm.s32 $0x3A80  }
0x1e0: {  	[tilespmem:s25], [sflag:$0x1] =	stream.linear.gather [hbm4b:s24+s6], $0x80, $0x38;
	[tilespmem:$0x1A280] =	vst v63  }
0x1e1: {  	s5 =	spop (v2sf);
	s1 =	sadd.s32 $0x30, s1;
	s28 =	simm.s32 $0x3E80  }
0x1e2: {  	[tilespmem:s28], [sflag:$0x1] =	stream.linear.gather [hbm4b:s1+s6], $0x80, $0x38;
	[tilespmem:$0x1A280] =	vst v63  }
0x1e3: {  	s1 =	sand.u32 $0x1FFFFFC0, s5  }
0x1e4: {  	(v2sf) =	vpush v3, $0xF;
	s24 =	simm.s32 $0x3300;
	s1 =	sadd.s32 s2, s1  }
0x1e5: {  	[tilespmem:s24], [sflag:$0x1] =	stream.linear.gather [hbm4b:s1+s6], $0x80, $0x38;
	[tilespmem:$0x1A280] =	vst v63  }
0x1e6: {  	s28 =	simm.s32 $0x3700;
	s25 =	sadd.s32 $0x10, s1  }
0x1e7: {  	[tilespmem:s28], [sflag:$0x1] =	stream.linear.gather [hbm4b:s25+s6], $0x80, $0x38;
	[tilespmem:$0x1A280] =	vst v63  }
0x1e8: {  	s24 =	sadd.s32 $0x20, s1;
	s25 =	simm.s32 $0x3B00  }
0x1e9: {  	[tilespmem:s25], [sflag:$0x1] =	stream.linear.gather [hbm4b:s24+s6], $0x80, $0x38;
	[tilespmem:$0x1A280] =	vst v63  }
0x1ea: {  	s1 =	sadd.s32 $0x30, s1;
	s5 =	spop (v2sf);
	s28 =	simm.s32 $0x3F00  }
0x1eb: {  	[tilespmem:s28], [sflag:$0x1] =	stream.linear.gather [hbm4b:s1+s6], $0x80, $0x38;
	[tilespmem:$0x1A280] =	vst v63  }
0x1ec: {  	s1 =	sand.u32 $0x1FFFFFC0, s5  }
0x1ed: {  	s24 =	simm.s32 $0x3380;
	s1 =	sadd.s32 s2, s1  }
0x1ee: {  	[tilespmem:s24], [sflag:$0x1] =	stream.linear.gather [hbm4b:s1+s6], $0x80, $0x38;
	[tilespmem:$0x1A280] =	vst v63  }
0x1ef: {  	s28 =	simm.s32 $0x3780;
	s25 =	sadd.s32 $0x10, s1  }
0x1f0: {  	[tilespmem:s28], [sflag:$0x1] =	stream.linear.gather [hbm4b:s25+s6], $0x80, $0x38;
	[tilespmem:$0x1A280] =	vst v63  }
0x1f1: {  	s24 =	sadd.s32 $0x20, s1;
	s25 =	simm.s32 $0x3B80  }
0x1f2: {  	[tilespmem:s25], [sflag:$0x1] =	stream.linear.gather [hbm4b:s24+s6], $0x80, $0x38;
	[tilespmem:$0x1A280] =	vst v63  }
0x1f3: {  	s5 =	spop (v2sf);
	s1 =	sadd.s32 $0x30, s1;
	s28 =	simm.s32 $0x3F80  }
0x1f4: {  	[tilespmem:s28], [sflag:$0x1] =	stream.linear.gather [hbm4b:s1+s6], $0x80, $0x38;
	[tilespmem:$0x1A280] =	vst v63  }
0x1f5: {  	s1 =	sand.u32 $0x1FFFFFC0, s5  }
0x1f6: {  	s24 =	simm.s32 $0x3400;
	s1 =	sadd.s32 s2, s1  }
0x1f7: {  	[tilespmem:s24], [sflag:$0x1] =	stream.linear.gather [hbm4b:s1+s6], $0x80, $0x38;
	[tilespmem:$0x1A280] =	vst v63  }
0x1f8: {  	s28 =	simm.s32 $0x3800;
	s25 =	sadd.s32 $0x10, s1  }
0x1f9: {  	[tilespmem:s28], [sflag:$0x1] =	stream.linear.gather [hbm4b:s25+s6], $0x80, $0x38;
	[tilespmem:$0x1A280] =	vst v63  }
0x1fa: {  	s24 =	sadd.s32 $0x20, s1;
	s25 =	simm.s32 $0x3C00  }
0x1fb: {  	[tilespmem:s25], [sflag:$0x1] =	stream.linear.gather [hbm4b:s24+s6], $0x80, $0x38;
	[tilespmem:$0x1A280] =	vst v63  }
0x1fc: {  	s1 =	sadd.s32 $0x30, s1;
	s28 =	simm.s32 $0x4000  }
0x1fd: {  	[tilespmem:s28], [sflag:$0x1] =	stream.linear.gather [hbm4b:s1+s6], $0x80, $0x38;
	[tilespmem:$0x1A280] =	vst v63  }
0x1fe: {  	v3 =	vld [tilespmem:$0x20];
	_ =	sdelay $0x4  }
0x1ff: {  	v3 =	vshll.u32 v3, $0x6  }
0x200: {  	(v2sf) =	vpush v3, $0x0;
	_ =	sdelay $0x7  }
0x201: {  	(v2sf) =	vpush v3, $0x1;
	_ =	sdelay $0x6  }
0x202: {  	s24 =	spop (v2sf)  }
0x203: {  	s1 =	sand.u32 $0x1FFFFFC0, s24  }
0x204: {  	(v2sf) =	vpush v3, $0x2;
	s1 =	sadd.s32 s2, s1  }
0x205: {  	[tilespmem:s31], [sflag:$0x1] =	stream.linear.gather [hbm4b:s1+s6], $0x80, $0x38;
	[tilespmem:$0x1A280] =	vst v63  }
0x206: {  	s28 =	simm.s32 $0x4480;
	s25 =	sadd.s32 $0x10, s1  }
0x207: {  	[tilespmem:s28], [sflag:$0x1] =	stream.linear.gather [hbm4b:s25+s6], $0x80, $0x38;
	[tilespmem:$0x1A280] =	vst v63  }
0x208: {  	s25 =	sadd.s32 $0x20, s1  }
0x209: {  	[tilespmem:s23], [sflag:$0x1] =	stream.linear.gather [hbm4b:s25+s6], $0x80, $0x38;
	[tilespmem:$0x1A280] =	vst v63  }
0x20a: {  	s5 =	spop (v2sf);
	s1 =	sadd.s32 $0x30, s1;
	s28 =	simm.s32 $0x4C80  }
0x20b: {  	[tilespmem:s28], [sflag:$0x1] =	stream.linear.gather [hbm4b:s1+s6], $0x80, $0x38;
	[tilespmem:$0x1A280] =	vst v63  }
0x20c: {  	s1 =	sand.u32 $0x1FFFFFC0, s5  }
0x20d: {  	s24 =	simm.s32 $0x4100;
	(v2sf) =	vpush v3, $0x3;
	s1 =	sadd.s32 s2, s1  }
0x20e: {  	[tilespmem:s24], [sflag:$0x1] =	stream.linear.gather [hbm4b:s1+s6], $0x80, $0x38;
	[tilespmem:$0x1A280] =	vst v63  }
0x20f: {  	s28 =	simm.s32 $0x4500;
	s25 =	sadd.s32 $0x10, s1  }
0x210: {  	[tilespmem:s28], [sflag:$0x1] =	stream.linear.gather [hbm4b:s25+s6], $0x80, $0x38;
	[tilespmem:$0x1A280] =	vst v63  }
0x211: {  	s24 =	sadd.s32 $0x20, s1;
	s25 =	simm.s32 $0x4900  }
0x212: {  	[tilespmem:s25], [sflag:$0x1] =	stream.linear.gather [hbm4b:s24+s6], $0x80, $0x38;
	[tilespmem:$0x1A280] =	vst v63  }
0x213: {  	s1 =	sadd.s32 $0x30, s1;
	s28 =	simm.s32 $0x4D00;
	s5 =	spop (v2sf)  }
0x214: {  	[tilespmem:s28], [sflag:$0x1] =	stream.linear.gather [hbm4b:s1+s6], $0x80, $0x38;
	[tilespmem:$0x1A280] =	vst v63  }
0x215: {  	s1 =	sand.u32 $0x1FFFFFC0, s5  }
0x216: {  	s24 =	simm.s32 $0x4180;
	(v2sf) =	vpush v3, $0x4;
	s1 =	sadd.s32 s2, s1  }
0x217: {  	[tilespmem:s24], [sflag:$0x1] =	stream.linear.gather [hbm4b:s1+s6], $0x80, $0x38;
	[tilespmem:$0x1A280] =	vst v63  }
0x218: {  	s28 =	simm.s32 $0x4580;
	s25 =	sadd.s32 $0x10, s1  }
0x219: {  	[tilespmem:s28], [sflag:$0x1] =	stream.linear.gather [hbm4b:s25+s6], $0x80, $0x38;
	[tilespmem:$0x1A280] =	vst v63  }
0x21a: {  	s24 =	sadd.s32 $0x20, s1;
	s25 =	simm.s32 $0x4980  }
0x21b: {  	[tilespmem:s25], [sflag:$0x1] =	stream.linear.gather [hbm4b:s24+s6], $0x80, $0x38;
	[tilespmem:$0x1A280] =	vst v63  }
0x21c: {  	s5 =	spop (v2sf);
	s1 =	sadd.s32 $0x30, s1;
	s28 =	simm.s32 $0x4D80  }
0x21d: {  	[tilespmem:s28], [sflag:$0x1] =	stream.linear.gather [hbm4b:s1+s6], $0x80, $0x38;
	[tilespmem:$0x1A280] =	vst v63  }
0x21e: {  	s1 =	sand.u32 $0x1FFFFFC0, s5  }
0x21f: {  	(v2sf) =	vpush v3, $0x5;
	s24 =	simm.s32 $0x4200;
	s1 =	sadd.s32 s2, s1  }
0x220: {  	[tilespmem:s24], [sflag:$0x1] =	stream.linear.gather [hbm4b:s1+s6], $0x80, $0x38;
	[tilespmem:$0x1A280] =	vst v63  }
0x221: {  	s28 =	simm.s32 $0x4600;
	s25 =	sadd.s32 $0x10, s1  }
0x222: {  	[tilespmem:s28], [sflag:$0x1] =	stream.linear.gather [hbm4b:s25+s6], $0x80, $0x38;
	[tilespmem:$0x1A280] =	vst v63  }
0x223: {  	s24 =	sadd.s32 $0x20, s1;
	s25 =	simm.s32 $0x4A00  }
0x224: {  	[tilespmem:s25], [sflag:$0x1] =	stream.linear.gather [hbm4b:s24+s6], $0x80, $0x38;
	[tilespmem:$0x1A280] =	vst v63  }
0x225: {  	s1 =	sadd.s32 $0x30, s1;
	s28 =	simm.s32 $0x4E00;
	s5 =	spop (v2sf)  }
0x226: {  	[tilespmem:s28], [sflag:$0x1] =	stream.linear.gather [hbm4b:s1+s6], $0x80, $0x38;
	[tilespmem:$0x1A280] =	vst v63  }
0x227: {  	s1 =	sand.u32 $0x1FFFFFC0, s5  }
0x228: {  	(v2sf) =	vpush v3, $0x6;
	s24 =	simm.s32 $0x4280;
	s1 =	sadd.s32 s2, s1  }
0x229: {  	[tilespmem:s24], [sflag:$0x1] =	stream.linear.gather [hbm4b:s1+s6], $0x80, $0x38;
	[tilespmem:$0x1A280] =	vst v63  }
0x22a: {  	s28 =	simm.s32 $0x4680;
	s25 =	sadd.s32 $0x10, s1  }
0x22b: {  	[tilespmem:s28], [sflag:$0x1] =	stream.linear.gather [hbm4b:s25+s6], $0x80, $0x38;
	[tilespmem:$0x1A280] =	vst v63  }
0x22c: {  	s24 =	sadd.s32 $0x20, s1;
	s25 =	simm.s32 $0x4A80  }
0x22d: {  	[tilespmem:s25], [sflag:$0x1] =	stream.linear.gather [hbm4b:s24+s6], $0x80, $0x38;
	[tilespmem:$0x1A280] =	vst v63  }
0x22e: {  	s5 =	spop (v2sf);
	s1 =	sadd.s32 $0x30, s1;
	s28 =	simm.s32 $0x4E80  }
0x22f: {  	[tilespmem:s28], [sflag:$0x1] =	stream.linear.gather [hbm4b:s1+s6], $0x80, $0x38;
	[tilespmem:$0x1A280] =	vst v63  }
0x230: {  	s1 =	sand.u32 $0x1FFFFFC0, s5  }
0x231: {  	(v2sf) =	vpush v3, $0x7;
	s24 =	simm.s32 $0x4300;
	s1 =	sadd.s32 s2, s1  }
0x232: {  	[tilespmem:s24], [sflag:$0x1] =	stream.linear.gather [hbm4b:s1+s6], $0x80, $0x38;
	[tilespmem:$0x1A280] =	vst v63  }
0x233: {  	s28 =	simm.s32 $0x4700;
	s25 =	sadd.s32 $0x10, s1  }
0x234: {  	[tilespmem:s28], [sflag:$0x1] =	stream.linear.gather [hbm4b:s25+s6], $0x80, $0x38;
	[tilespmem:$0x1A280] =	vst v63  }
0x235: {  	s24 =	sadd.s32 $0x20, s1;
	s25 =	simm.s32 $0x4B00  }
0x236: {  	[tilespmem:s25], [sflag:$0x1] =	stream.linear.gather [hbm4b:s24+s6], $0x80, $0x38;
	[tilespmem:$0x1A280] =	vst v63  }
0x237: {  	s1 =	sadd.s32 $0x30, s1;
	s28 =	simm.s32 $0x4F00;
	s5 =	spop (v2sf)  }
0x238: {  	[tilespmem:s28], [sflag:$0x1] =	stream.linear.gather [hbm4b:s1+s6], $0x80, $0x38;
	[tilespmem:$0x1A280] =	vst v63  }
0x239: {  	s1 =	sand.u32 $0x1FFFFFC0, s5  }
0x23a: {  	(v2sf) =	vpush v3, $0x8;
	s24 =	simm.s32 $0x4380;
	s1 =	sadd.s32 s2, s1  }
0x23b: {  	[tilespmem:s24], [sflag:$0x1] =	stream.linear.gather [hbm4b:s1+s6], $0x80, $0x38;
	[tilespmem:$0x1A280] =	vst v63  }
0x23c: {  	s28 =	simm.s32 $0x4780;
	s25 =	sadd.s32 $0x10, s1  }
0x23d: {  	[tilespmem:s28], [sflag:$0x1] =	stream.linear.gather [hbm4b:s25+s6], $0x80, $0x38;
	[tilespmem:$0x1A280] =	vst v63  }
0x23e: {  	s24 =	sadd.s32 $0x20, s1;
	s25 =	simm.s32 $0x4B80  }
0x23f: {  	[tilespmem:s25], [sflag:$0x1] =	stream.linear.gather [hbm4b:s24+s6], $0x80, $0x38;
	[tilespmem:$0x1A280] =	vst v63  }
0x240: {  	s5 =	spop (v2sf);
	s1 =	sadd.s32 $0x30, s1;
	s28 =	simm.s32 $0x4F80  }
0x241: {  	[tilespmem:s28], [sflag:$0x1] =	stream.linear.gather [hbm4b:s1+s6], $0x80, $0x38;
	[tilespmem:$0x1A280] =	vst v63  }
0x242: {  	s1 =	sand.u32 $0x1FFFFFC0, s5  }
0x243: {  	(v2sf) =	vpush v3, $0x9;
	s24 =	simm.s32 $0x4400;
	s1 =	sadd.s32 s2, s1  }
0x244: {  	[tilespmem:s24], [sflag:$0x1] =	stream.linear.gather [hbm4b:s1+s6], $0x80, $0x38;
	[tilespmem:$0x1A280] =	vst v63  }
0x245: {  	s28 =	simm.s32 $0x4800;
	s25 =	sadd.s32 $0x10, s1  }
0x246: {  	[tilespmem:s28], [sflag:$0x1] =	stream.linear.gather [hbm4b:s25+s6], $0x80, $0x38;
	[tilespmem:$0x1A280] =	vst v63  }
0x247: {  	s24 =	sadd.s32 $0x20, s1;
	s25 =	simm.s32 $0x4C00  }
0x248: {  	[tilespmem:s25], [sflag:$0x1] =	stream.linear.gather [hbm4b:s24+s6], $0x80, $0x38;
	[tilespmem:$0x1A280] =	vst v63  }
0x249: {  	s1 =	sadd.s32 $0x30, s1;
	s28 =	simm.s32 $0x5000;
	s24 =	spop (v2sf)  }
0x24a: {  	[tilespmem:s28], [sflag:$0x1] =	stream.linear.gather [hbm4b:s1+s6], $0x80, $0x38;
	[tilespmem:$0x1A280] =	vst v63  }
0x24b: {  	s1 =	sand.u32 $0x1FFFFFC0, s24  }
0x24c: {  	(v2sf) =	vpush v3, $0xA;
	s1 =	sadd.s32 s2, s1  }
0x24d: {  	[tilespmem:s16], [sflag:$0x1] =	stream.linear.gather [hbm4b:s1+s6], $0x80, $0x38;
	[tilespmem:$0x1A280] =	vst v63  }
0x24e: {  	s28 =	simm.s32 $0x5480;
	s25 =	sadd.s32 $0x10, s1  }
0x24f: {  	[tilespmem:s28], [sflag:$0x1] =	stream.linear.gather [hbm4b:s25+s6], $0x80, $0x38;
	[tilespmem:$0x1A280] =	vst v63  }
0x250: {  	s25 =	sadd.s32 $0x20, s1  }
0x251: {  	[tilespmem:s29], [sflag:$0x1] =	stream.linear.gather [hbm4b:s25+s6], $0x80, $0x38;
	[tilespmem:$0x1A280] =	vst v63  }
0x252: {  	s5 =	spop (v2sf);
	s1 =	sadd.s32 $0x30, s1;
	s28 =	simm.s32 $0x5C80  }
0x253: {  	[tilespmem:s28], [sflag:$0x1] =	stream.linear.gather [hbm4b:s1+s6], $0x80, $0x38;
	[tilespmem:$0x1A280] =	vst v63  }
0x254: {  	s1 =	sand.u32 $0x1FFFFFC0, s5  }
0x255: {  	(v2sf) =	vpush v3, $0xB;
	s24 =	simm.s32 $0x5100;
	s1 =	sadd.s32 s2, s1  }
0x256: {  	[tilespmem:s24], [sflag:$0x1] =	stream.linear.gather [hbm4b:s1+s6], $0x80, $0x38;
	[tilespmem:$0x1A280] =	vst v63  }
0x257: {  	s28 =	simm.s32 $0x5500;
	s25 =	sadd.s32 $0x10, s1  }
0x258: {  	[tilespmem:s28], [sflag:$0x1] =	stream.linear.gather [hbm4b:s25+s6], $0x80, $0x38;
	[tilespmem:$0x1A280] =	vst v63  }
0x259: {  	s24 =	sadd.s32 $0x20, s1;
	s25 =	simm.s32 $0x5900  }
0x25a: {  	[tilespmem:s25], [sflag:$0x1] =	stream.linear.gather [hbm4b:s24+s6], $0x80, $0x38;
	[tilespmem:$0x1A280] =	vst v63  }
0x25b: {  	s1 =	sadd.s32 $0x30, s1;
	s28 =	simm.s32 $0x5D00;
	s5 =	spop (v2sf)  }
0x25c: {  	[tilespmem:s28], [sflag:$0x1] =	stream.linear.gather [hbm4b:s1+s6], $0x80, $0x38;
	[tilespmem:$0x1A280] =	vst v63  }
0x25d: {  	s1 =	sand.u32 $0x1FFFFFC0, s5  }
0x25e: {  	(v2sf) =	vpush v3, $0xC;
	s24 =	simm.s32 $0x5180;
	s1 =	sadd.s32 s2, s1  }
0x25f: {  	[tilespmem:s24], [sflag:$0x1] =	stream.linear.gather [hbm4b:s1+s6], $0x80, $0x38;
	[tilespmem:$0x1A280] =	vst v63  }
0x260: {  	s28 =	simm.s32 $0x5580;
	s25 =	sadd.s32 $0x10, s1  }
0x261: {  	[tilespmem:s28], [sflag:$0x1] =	stream.linear.gather [hbm4b:s25+s6], $0x80, $0x38;
	[tilespmem:$0x1A280] =	vst v63  }
0x262: {  	s24 =	sadd.s32 $0x20, s1;
	s25 =	simm.s32 $0x5980  }
0x263: {  	[tilespmem:s25], [sflag:$0x1] =	stream.linear.gather [hbm4b:s24+s6], $0x80, $0x38;
	[tilespmem:$0x1A280] =	vst v63  }
0x264: {  	s5 =	spop (v2sf);
	s1 =	sadd.s32 $0x30, s1;
	s28 =	simm.s32 $0x5D80  }
0x265: {  	[tilespmem:s28], [sflag:$0x1] =	stream.linear.gather [hbm4b:s1+s6], $0x80, $0x38;
	[tilespmem:$0x1A280] =	vst v63  }
0x266: {  	s1 =	sand.u32 $0x1FFFFFC0, s5  }
0x267: {  	(v2sf) =	vpush v3, $0xD;
	s24 =	simm.s32 $0x5200;
	s1 =	sadd.s32 s2, s1  }
0x268: {  	[tilespmem:s24], [sflag:$0x1] =	stream.linear.gather [hbm4b:s1+s6], $0x80, $0x38;
	[tilespmem:$0x1A280] =	vst v63  }
0x269: {  	s28 =	simm.s32 $0x5600;
	s25 =	sadd.s32 $0x10, s1  }
0x26a: {  	[tilespmem:s28], [sflag:$0x1] =	stream.linear.gather [hbm4b:s25+s6], $0x80, $0x38;
	[tilespmem:$0x1A280] =	vst v63  }
0x26b: {  	s24 =	sadd.s32 $0x20, s1;
	s25 =	simm.s32 $0x5A00  }
0x26c: {  	[tilespmem:s25], [sflag:$0x1] =	stream.linear.gather [hbm4b:s24+s6], $0x80, $0x38;
	[tilespmem:$0x1A280] =	vst v63  }
0x26d: {  	s1 =	sadd.s32 $0x30, s1;
	s28 =	simm.s32 $0x5E00;
	s5 =	spop (v2sf)  }
0x26e: {  	[tilespmem:s28], [sflag:$0x1] =	stream.linear.gather [hbm4b:s1+s6], $0x80, $0x38;
	[tilespmem:$0x1A280] =	vst v63  }
0x26f: {  	s1 =	sand.u32 $0x1FFFFFC0, s5  }
0x270: {  	(v2sf) =	vpush v3, $0xE;
	s24 =	simm.s32 $0x5280;
	s1 =	sadd.s32 s2, s1  }
0x271: {  	[tilespmem:s24], [sflag:$0x1] =	stream.linear.gather [hbm4b:s1+s6], $0x80, $0x38;
	[tilespmem:$0x1A280] =	vst v63  }
0x272: {  	s28 =	simm.s32 $0x5680;
	s25 =	sadd.s32 $0x10, s1  }
0x273: {  	[tilespmem:s28], [sflag:$0x1] =	stream.linear.gather [hbm4b:s25+s6], $0x80, $0x38;
	[tilespmem:$0x1A280] =	vst v63  }
0x274: {  	s24 =	sadd.s32 $0x20, s1;
	s25 =	simm.s32 $0x5A80  }
0x275: {  	[tilespmem:s25], [sflag:$0x1] =	stream.linear.gather [hbm4b:s24+s6], $0x80, $0x38;
	[tilespmem:$0x1A280] =	vst v63  }
0x276: {  	s5 =	spop (v2sf);
	s1 =	sadd.s32 $0x30, s1;
	s28 =	simm.s32 $0x5E80  }
0x277: {  	[tilespmem:s28], [sflag:$0x1] =	stream.linear.gather [hbm4b:s1+s6], $0x80, $0x38;
	[tilespmem:$0x1A280] =	vst v63  }
0x278: {  	s1 =	sand.u32 $0x1FFFFFC0, s5  }
0x279: {  	(v2sf) =	vpush v3, $0xF;
	s24 =	simm.s32 $0x5300;
	s1 =	sadd.s32 s2, s1  }
0x27a: {  	[tilespmem:s24], [sflag:$0x1] =	stream.linear.gather [hbm4b:s1+s6], $0x80, $0x38;
	[tilespmem:$0x1A280] =	vst v63  }
0x27b: {  	s28 =	simm.s32 $0x5700;
	s25 =	sadd.s32 $0x10, s1  }
0x27c: {  	[tilespmem:s28], [sflag:$0x1] =	stream.linear.gather [hbm4b:s25+s6], $0x80, $0x38;
	[tilespmem:$0x1A280] =	vst v63  }
0x27d: {  	s24 =	sadd.s32 $0x20, s1;
	s25 =	simm.s32 $0x5B00  }
0x27e: {  	[tilespmem:s25], [sflag:$0x1] =	stream.linear.gather [hbm4b:s24+s6], $0x80, $0x38;
	[tilespmem:$0x1A280] =	vst v63  }
0x27f: {  	s1 =	sadd.s32 $0x30, s1;
	s5 =	spop (v2sf);
	s28 =	simm.s32 $0x5F00  }
0x280: {  	[tilespmem:s28], [sflag:$0x1] =	stream.linear.gather [hbm4b:s1+s6], $0x80, $0x38;
	[tilespmem:$0x1A280] =	vst v63  }
0x281: {  	s1 =	sand.u32 $0x1FFFFFC0, s5  }
0x282: {  	s24 =	simm.s32 $0x5380;
	s1 =	sadd.s32 s2, s1  }
0x283: {  	[tilespmem:s24], [sflag:$0x1] =	stream.linear.gather [hbm4b:s1+s6], $0x80, $0x38;
	[tilespmem:$0x1A280] =	vst v63  }
0x284: {  	s28 =	simm.s32 $0x5780;
	s25 =	sadd.s32 $0x10, s1  }
0x285: {  	[tilespmem:s28], [sflag:$0x1] =	stream.linear.gather [hbm4b:s25+s6], $0x80, $0x38;
	[tilespmem:$0x1A280] =	vst v63  }
0x286: {  	s24 =	sadd.s32 $0x20, s1;
	s25 =	simm.s32 $0x5B80  }
0x287: {  	[tilespmem:s25], [sflag:$0x1] =	stream.linear.gather [hbm4b:s24+s6], $0x80, $0x38;
	[tilespmem:$0x1A280] =	vst v63  }
0x288: {  	s5 =	spop (v2sf);
	s1 =	sadd.s32 $0x30, s1;
	s28 =	simm.s32 $0x5F80  }
0x289: {  	[tilespmem:s28], [sflag:$0x1] =	stream.linear.gather [hbm4b:s1+s6], $0x80, $0x38;
	[tilespmem:$0x1A280] =	vst v63  }
0x28a: {  	s1 =	sand.u32 $0x1FFFFFC0, s5  }
0x28b: {  	s24 =	simm.s32 $0x5400;
	s1 =	sadd.s32 s2, s1  }
0x28c: {  	[tilespmem:s24], [sflag:$0x1] =	stream.linear.gather [hbm4b:s1+s6], $0x80, $0x38;
	[tilespmem:$0x1A280] =	vst v63  }
0x28d: {  	s28 =	simm.s32 $0x5800;
	s25 =	sadd.s32 $0x10, s1  }
0x28e: {  	[tilespmem:s28], [sflag:$0x1] =	stream.linear.gather [hbm4b:s25+s6], $0x80, $0x38;
	[tilespmem:$0x1A280] =	vst v63  }
0x28f: {  	s24 =	sadd.s32 $0x20, s1;
	s25 =	simm.s32 $0x5C00  }
0x290: {  	[tilespmem:s25], [sflag:$0x1] =	stream.linear.gather [hbm4b:s24+s6], $0x80, $0x38;
	[tilespmem:$0x1A280] =	vst v63  }
0x291: {  	s1 =	sadd.s32 $0x30, s1;
	s28 =	simm.s32 $0x6000  }
0x292: {  	[tilespmem:s28], [sflag:$0x1] =	stream.linear.gather [hbm4b:s1+s6], $0x80, $0x38;
	[tilespmem:$0x1A280] =	vst v63  }
0x293: {  	v3 =	vld [tilespmem:$0x30];
	_ =	sdelay $0x4  }
0x294: {  	v3 =	vshll.u32 v3, $0x6  }
0x295: {  	(v2sf) =	vpush v3, $0x0;
	_ =	sdelay $0x7  }
0x296: {  	(v2sf) =	vpush v3, $0x1;
	_ =	sdelay $0x6  }
0x297: {  	s24 =	spop (v2sf)  }
0x298: {  	s1 =	sand.u32 $0x1FFFFFC0, s24  }
0x299: {  	(v2sf) =	vpush v3, $0x2;
	s1 =	sadd.s32 s2, s1  }
0x29a: {  	[tilespmem:s26], [sflag:$0x1] =	stream.linear.gather [hbm4b:s1+s6], $0x80, $0x38;
	[tilespmem:$0x1A280] =	vst v63  }
0x29b: {  	s28 =	simm.s32 $0x6480;
	s25 =	sadd.s32 $0x10, s1  }
0x29c: {  	[tilespmem:s28], [sflag:$0x1] =	stream.linear.gather [hbm4b:s25+s6], $0x80, $0x38;
	[tilespmem:$0x1A280] =	vst v63  }
0x29d: {  	s25 =	sadd.s32 $0x20, s1  }
0x29e: {  	[tilespmem:s4], [sflag:$0x1] =	stream.linear.gather [hbm4b:s25+s6], $0x80, $0x38;
	[tilespmem:$0x1A280] =	vst v63  }
0x29f: {  	s5 =	spop (v2sf);
	s1 =	sadd.s32 $0x30, s1;
	s28 =	simm.s32 $0x6C80  }
0x2a0: {  	[tilespmem:s28], [sflag:$0x1] =	stream.linear.gather [hbm4b:s1+s6], $0x80, $0x38;
	[tilespmem:$0x1A280] =	vst v63  }
0x2a1: {  	s1 =	sand.u32 $0x1FFFFFC0, s5  }
0x2a2: {  	s24 =	simm.s32 $0x6100;
	(v2sf) =	vpush v3, $0x3;
	s1 =	sadd.s32 s2, s1  }
0x2a3: {  	[tilespmem:s24], [sflag:$0x1] =	stream.linear.gather [hbm4b:s1+s6], $0x80, $0x38;
	[tilespmem:$0x1A280] =	vst v63  }
0x2a4: {  	s28 =	simm.s32 $0x6500;
	s25 =	sadd.s32 $0x10, s1  }
0x2a5: {  	[tilespmem:s28], [sflag:$0x1] =	stream.linear.gather [hbm4b:s25+s6], $0x80, $0x38;
	[tilespmem:$0x1A280] =	vst v63  }
0x2a6: {  	s24 =	sadd.s32 $0x20, s1;
	s25 =	simm.s32 $0x6900  }
0x2a7: {  	[tilespmem:s25], [sflag:$0x1] =	stream.linear.gather [hbm4b:s24+s6], $0x80, $0x38;
	[tilespmem:$0x1A280] =	vst v63  }
0x2a8: {  	s1 =	sadd.s32 $0x30, s1;
	s28 =	simm.s32 $0x6D00;
	s5 =	spop (v2sf)  }
0x2a9: {  	[tilespmem:s28], [sflag:$0x1] =	stream.linear.gather [hbm4b:s1+s6], $0x80, $0x38;
	[tilespmem:$0x1A280] =	vst v63  }
0x2aa: {  	s1 =	sand.u32 $0x1FFFFFC0, s5  }
0x2ab: {  	s24 =	simm.s32 $0x6180;
	(v2sf) =	vpush v3, $0x4;
	s1 =	sadd.s32 s2, s1  }
0x2ac: {  	[tilespmem:s24], [sflag:$0x1] =	stream.linear.gather [hbm4b:s1+s6], $0x80, $0x38;
	[tilespmem:$0x1A280] =	vst v63  }
0x2ad: {  	s28 =	simm.s32 $0x6580;
	s25 =	sadd.s32 $0x10, s1  }
0x2ae: {  	[tilespmem:s28], [sflag:$0x1] =	stream.linear.gather [hbm4b:s25+s6], $0x80, $0x38;
	[tilespmem:$0x1A280] =	vst v63  }
0x2af: {  	s24 =	sadd.s32 $0x20, s1;
	s25 =	simm.s32 $0x6980  }
0x2b0: {  	[tilespmem:s25], [sflag:$0x1] =	stream.linear.gather [hbm4b:s24+s6], $0x80, $0x38;
	[tilespmem:$0x1A280] =	vst v63  }
0x2b1: {  	s5 =	spop (v2sf);
	s1 =	sadd.s32 $0x30, s1;
	s28 =	simm.s32 $0x6D80  }
0x2b2: {  	[tilespmem:s28], [sflag:$0x1] =	stream.linear.gather [hbm4b:s1+s6], $0x80, $0x38;
	[tilespmem:$0x1A280] =	vst v63  }
0x2b3: {  	s1 =	sand.u32 $0x1FFFFFC0, s5  }
0x2b4: {  	(v2sf) =	vpush v3, $0x5;
	s24 =	simm.s32 $0x6200;
	s1 =	sadd.s32 s2, s1  }
0x2b5: {  	[tilespmem:s24], [sflag:$0x1] =	stream.linear.gather [hbm4b:s1+s6], $0x80, $0x38;
	[tilespmem:$0x1A280] =	vst v63  }
0x2b6: {  	s28 =	simm.s32 $0x6600;
	s25 =	sadd.s32 $0x10, s1  }
0x2b7: {  	[tilespmem:s28], [sflag:$0x1] =	stream.linear.gather [hbm4b:s25+s6], $0x80, $0x38;
	[tilespmem:$0x1A280] =	vst v63  }
0x2b8: {  	s24 =	sadd.s32 $0x20, s1;
	s25 =	simm.s32 $0x6A00  }
0x2b9: {  	[tilespmem:s25], [sflag:$0x1] =	stream.linear.gather [hbm4b:s24+s6], $0x80, $0x38;
	[tilespmem:$0x1A280] =	vst v63  }
0x2ba: {  	s1 =	sadd.s32 $0x30, s1;
	s28 =	simm.s32 $0x6E00;
	s5 =	spop (v2sf)  }
0x2bb: {  	[tilespmem:s28], [sflag:$0x1] =	stream.linear.gather [hbm4b:s1+s6], $0x80, $0x38;
	[tilespmem:$0x1A280] =	vst v63  }
0x2bc: {  	s1 =	sand.u32 $0x1FFFFFC0, s5  }
0x2bd: {  	(v2sf) =	vpush v3, $0x6;
	s24 =	simm.s32 $0x6280;
	s1 =	sadd.s32 s2, s1  }
0x2be: {  	[tilespmem:s24], [sflag:$0x1] =	stream.linear.gather [hbm4b:s1+s6], $0x80, $0x38;
	[tilespmem:$0x1A280] =	vst v63  }
0x2bf: {  	s28 =	simm.s32 $0x6680;
	s25 =	sadd.s32 $0x10, s1  }
0x2c0: {  	[tilespmem:s28], [sflag:$0x1] =	stream.linear.gather [hbm4b:s25+s6], $0x80, $0x38;
	[tilespmem:$0x1A280] =	vst v63  }
0x2c1: {  	s24 =	sadd.s32 $0x20, s1;
	s25 =	simm.s32 $0x6A80  }
0x2c2: {  	[tilespmem:s25], [sflag:$0x1] =	stream.linear.gather [hbm4b:s24+s6], $0x80, $0x38;
	[tilespmem:$0x1A280] =	vst v63  }
0x2c3: {  	s5 =	spop (v2sf);
	s1 =	sadd.s32 $0x30, s1;
	s28 =	simm.s32 $0x6E80  }
0x2c4: {  	[tilespmem:s28], [sflag:$0x1] =	stream.linear.gather [hbm4b:s1+s6], $0x80, $0x38;
	[tilespmem:$0x1A280] =	vst v63  }
0x2c5: {  	s1 =	sand.u32 $0x1FFFFFC0, s5  }
0x2c6: {  	(v2sf) =	vpush v3, $0x7;
	s24 =	simm.s32 $0x6300;
	s1 =	sadd.s32 s2, s1  }
0x2c7: {  	[tilespmem:s24], [sflag:$0x1] =	stream.linear.gather [hbm4b:s1+s6], $0x80, $0x38;
	[tilespmem:$0x1A280] =	vst v63  }
0x2c8: {  	s28 =	simm.s32 $0x6700;
	s25 =	sadd.s32 $0x10, s1  }
0x2c9: {  	[tilespmem:s28], [sflag:$0x1] =	stream.linear.gather [hbm4b:s25+s6], $0x80, $0x38;
	[tilespmem:$0x1A280] =	vst v63  }
0x2ca: {  	s24 =	sadd.s32 $0x20, s1;
	s25 =	simm.s32 $0x6B00  }
0x2cb: {  	[tilespmem:s25], [sflag:$0x1] =	stream.linear.gather [hbm4b:s24+s6], $0x80, $0x38;
	[tilespmem:$0x1A280] =	vst v63  }
0x2cc: {  	s1 =	sadd.s32 $0x30, s1;
	s28 =	simm.s32 $0x6F00;
	s5 =	spop (v2sf)  }
0x2cd: {  	[tilespmem:s28], [sflag:$0x1] =	stream.linear.gather [hbm4b:s1+s6], $0x80, $0x38;
	[tilespmem:$0x1A280] =	vst v63  }
0x2ce: {  	s1 =	sand.u32 $0x1FFFFFC0, s5  }
0x2cf: {  	(v2sf) =	vpush v3, $0x8;
	s24 =	simm.s32 $0x6380;
	s1 =	sadd.s32 s2, s1  }
0x2d0: {  	[tilespmem:s24], [sflag:$0x1] =	stream.linear.gather [hbm4b:s1+s6], $0x80, $0x38;
	[tilespmem:$0x1A280] =	vst v63  }
0x2d1: {  	s28 =	simm.s32 $0x6780;
	s25 =	sadd.s32 $0x10, s1  }
0x2d2: {  	[tilespmem:s28], [sflag:$0x1] =	stream.linear.gather [hbm4b:s25+s6], $0x80, $0x38;
	[tilespmem:$0x1A280] =	vst v63  }
0x2d3: {  	s24 =	sadd.s32 $0x20, s1;
	s25 =	simm.s32 $0x6B80  }
0x2d4: {  	[tilespmem:s25], [sflag:$0x1] =	stream.linear.gather [hbm4b:s24+s6], $0x80, $0x38;
	[tilespmem:$0x1A280] =	vst v63  }
0x2d5: {  	s5 =	spop (v2sf);
	s1 =	sadd.s32 $0x30, s1;
	s28 =	simm.s32 $0x6F80  }
0x2d6: {  	[tilespmem:s28], [sflag:$0x1] =	stream.linear.gather [hbm4b:s1+s6], $0x80, $0x38;
	[tilespmem:$0x1A280] =	vst v63  }
0x2d7: {  	s1 =	sand.u32 $0x1FFFFFC0, s5  }
0x2d8: {  	(v2sf) =	vpush v3, $0x9;
	s24 =	simm.s32 $0x6400;
	s1 =	sadd.s32 s2, s1  }
0x2d9: {  	[tilespmem:s24], [sflag:$0x1] =	stream.linear.gather [hbm4b:s1+s6], $0x80, $0x38;
	[tilespmem:$0x1A280] =	vst v63  }
0x2da: {  	s28 =	simm.s32 $0x6800;
	s25 =	sadd.s32 $0x10, s1  }
0x2db: {  	[tilespmem:s28], [sflag:$0x1] =	stream.linear.gather [hbm4b:s25+s6], $0x80, $0x38;
	[tilespmem:$0x1A280] =	vst v63  }
0x2dc: {  	s24 =	sadd.s32 $0x20, s1;
	s25 =	simm.s32 $0x6C00  }
0x2dd: {  	[tilespmem:s25], [sflag:$0x1] =	stream.linear.gather [hbm4b:s24+s6], $0x80, $0x38;
	[tilespmem:$0x1A280] =	vst v63  }
0x2de: {  	s1 =	sadd.s32 $0x30, s1;
	s28 =	simm.s32 $0x7000;
	s24 =	spop (v2sf)  }
0x2df: {  	[tilespmem:s28], [sflag:$0x1] =	stream.linear.gather [hbm4b:s1+s6], $0x80, $0x38;
	[tilespmem:$0x1A280] =	vst v63  }
0x2e0: {  	s1 =	sand.u32 $0x1FFFFFC0, s24  }
0x2e1: {  	(v2sf) =	vpush v3, $0xA;
	s1 =	sadd.s32 s2, s1  }
0x2e2: {  	[tilespmem:s21], [sflag:$0x1] =	stream.linear.gather [hbm4b:s1+s6], $0x80, $0x38;
	[tilespmem:$0x1A280] =	vst v63  }
0x2e3: {  	s28 =	simm.s32 $0x7480;
	s25 =	sadd.s32 $0x10, s1  }
0x2e4: {  	[tilespmem:s28], [sflag:$0x1] =	stream.linear.gather [hbm4b:s25+s6], $0x80, $0x38;
	[tilespmem:$0x1A280] =	vst v63  }
0x2e5: {  	s25 =	sadd.s32 $0x20, s1  }
0x2e6: {  	[tilespmem:s22], [sflag:$0x1] =	stream.linear.gather [hbm4b:s25+s6], $0x80, $0x38;
	[tilespmem:$0x1A280] =	vst v63  }
0x2e7: {  	s5 =	spop (v2sf);
	s1 =	sadd.s32 $0x30, s1;
	s28 =	simm.s32 $0x7C80  }
0x2e8: {  	[tilespmem:s28], [sflag:$0x1] =	stream.linear.gather [hbm4b:s1+s6], $0x80, $0x38;
	[tilespmem:$0x1A280] =	vst v63  }
0x2e9: {  	s1 =	sand.u32 $0x1FFFFFC0, s5  }
0x2ea: {  	(v2sf) =	vpush v3, $0xB;
	s24 =	simm.s32 $0x7100;
	s1 =	sadd.s32 s2, s1  }
0x2eb: {  	[tilespmem:s24], [sflag:$0x1] =	stream.linear.gather [hbm4b:s1+s6], $0x80, $0x38;
	[tilespmem:$0x1A280] =	vst v63  }
0x2ec: {  	s28 =	simm.s32 $0x7500;
	s25 =	sadd.s32 $0x10, s1  }
0x2ed: {  	[tilespmem:s28], [sflag:$0x1] =	stream.linear.gather [hbm4b:s25+s6], $0x80, $0x38;
	[tilespmem:$0x1A280] =	vst v63  }
0x2ee: {  	s24 =	sadd.s32 $0x20, s1;
	s25 =	simm.s32 $0x7900  }
0x2ef: {  	[tilespmem:s25], [sflag:$0x1] =	stream.linear.gather [hbm4b:s24+s6], $0x80, $0x38;
	[tilespmem:$0x1A280] =	vst v63  }
0x2f0: {  	s1 =	sadd.s32 $0x30, s1;
	s28 =	simm.s32 $0x7D00;
	s5 =	spop (v2sf)  }
0x2f1: {  	[tilespmem:s28], [sflag:$0x1] =	stream.linear.gather [hbm4b:s1+s6], $0x80, $0x38;
	[tilespmem:$0x1A280] =	vst v63  }
0x2f2: {  	s1 =	sand.u32 $0x1FFFFFC0, s5  }
0x2f3: {  	(v2sf) =	vpush v3, $0xC;
	s24 =	simm.s32 $0x7180;
	s1 =	sadd.s32 s2, s1  }
0x2f4: {  	[tilespmem:s24], [sflag:$0x1] =	stream.linear.gather [hbm4b:s1+s6], $0x80, $0x38;
	[tilespmem:$0x1A280] =	vst v63  }
0x2f5: {  	s28 =	simm.s32 $0x7580;
	s25 =	sadd.s32 $0x10, s1  }
0x2f6: {  	[tilespmem:s28], [sflag:$0x1] =	stream.linear.gather [hbm4b:s25+s6], $0x80, $0x38;
	[tilespmem:$0x1A280] =	vst v63  }
0x2f7: {  	s24 =	sadd.s32 $0x20, s1;
	s25 =	simm.s32 $0x7980  }
0x2f8: {  	[tilespmem:s25], [sflag:$0x1] =	stream.linear.gather [hbm4b:s24+s6], $0x80, $0x38;
	[tilespmem:$0x1A280] =	vst v63  }
0x2f9: {  	s5 =	spop (v2sf);
	s1 =	sadd.s32 $0x30, s1;
	s28 =	simm.s32 $0x7D80  }
0x2fa: {  	[tilespmem:s28], [sflag:$0x1] =	stream.linear.gather [hbm4b:s1+s6], $0x80, $0x38;
	[tilespmem:$0x1A280] =	vst v63  }
0x2fb: {  	s1 =	sand.u32 $0x1FFFFFC0, s5  }
0x2fc: {  	(v2sf) =	vpush v3, $0xD;
	s24 =	simm.s32 $0x7200;
	s1 =	sadd.s32 s2, s1  }
0x2fd: {  	[tilespmem:s24], [sflag:$0x1] =	stream.linear.gather [hbm4b:s1+s6], $0x80, $0x38;
	[tilespmem:$0x1A280] =	vst v63  }
0x2fe: {  	s28 =	simm.s32 $0x7600;
	s25 =	sadd.s32 $0x10, s1  }
0x2ff: {  	[tilespmem:s28], [sflag:$0x1] =	stream.linear.gather [hbm4b:s25+s6], $0x80, $0x38;
	[tilespmem:$0x1A280] =	vst v63  }
0x300: {  	s24 =	sadd.s32 $0x20, s1;
	s25 =	simm.s32 $0x7A00  }
0x301: {  	[tilespmem:s25], [sflag:$0x1] =	stream.linear.gather [hbm4b:s24+s6], $0x80, $0x38;
	[tilespmem:$0x1A280] =	vst v63  }
0x302: {  	s1 =	sadd.s32 $0x30, s1;
	s28 =	simm.s32 $0x7E00;
	s5 =	spop (v2sf)  }
0x303: {  	[tilespmem:s28], [sflag:$0x1] =	stream.linear.gather [hbm4b:s1+s6], $0x80, $0x38;
	[tilespmem:$0x1A280] =	vst v63  }
0x304: {  	s1 =	sand.u32 $0x1FFFFFC0, s5  }
0x305: {  	(v2sf) =	vpush v3, $0xE;
	s24 =	simm.s32 $0x7280;
	s1 =	sadd.s32 s2, s1  }
0x306: {  	[tilespmem:s24], [sflag:$0x1] =	stream.linear.gather [hbm4b:s1+s6], $0x80, $0x38;
	[tilespmem:$0x1A280] =	vst v63  }
0x307: {  	s28 =	simm.s32 $0x7680;
	s25 =	sadd.s32 $0x10, s1  }
0x308: {  	[tilespmem:s28], [sflag:$0x1] =	stream.linear.gather [hbm4b:s25+s6], $0x80, $0x38;
	[tilespmem:$0x1A280] =	vst v63  }
0x309: {  	s24 =	sadd.s32 $0x20, s1;
	s25 =	simm.s32 $0x7A80  }
0x30a: {  	[tilespmem:s25], [sflag:$0x1] =	stream.linear.gather [hbm4b:s24+s6], $0x80, $0x38;
	[tilespmem:$0x1A280] =	vst v63  }
0x30b: {  	s5 =	spop (v2sf);
	s1 =	sadd.s32 $0x30, s1;
	s28 =	simm.s32 $0x7E80  }
0x30c: {  	[tilespmem:s28], [sflag:$0x1] =	stream.linear.gather [hbm4b:s1+s6], $0x80, $0x38;
	[tilespmem:$0x1A280] =	vst v63  }
0x30d: {  	s1 =	sand.u32 $0x1FFFFFC0, s5  }
0x30e: {  	(v2sf) =	vpush v3, $0xF;
	s24 =	simm.s32 $0x7300;
	s1 =	sadd.s32 s2, s1  }
0x30f: {  	[tilespmem:s24], [sflag:$0x1] =	stream.linear.gather [hbm4b:s1+s6], $0x80, $0x38;
	[tilespmem:$0x1A280] =	vst v63  }
0x310: {  	s28 =	simm.s32 $0x7700;
	s25 =	sadd.s32 $0x10, s1  }
0x311: {  	[tilespmem:s28], [sflag:$0x1] =	stream.linear.gather [hbm4b:s25+s6], $0x80, $0x38;
	[tilespmem:$0x1A280] =	vst v63  }
0x312: {  	s25 =	sadd.s32 $0x20, s1;
	s28 =	simm.s32 $0x7B00  }
0x313: {  	[tilespmem:s28], [sflag:$0x1] =	stream.linear.gather [hbm4b:s25+s6], $0x80, $0x38;
	[tilespmem:$0x1A280] =	vst v63  }
0x314: {  	s25 =	spop (v2sf)  }
0x315: {  	s1 =	sadd.s32 $0x30, s1;
	s28 =	simm.s32 $0x7F00;
	s5 =	sand.u32 $0x1FFFFFC0, s25  }
0x316: {  	[tilespmem:s28], [sflag:$0x1] =	stream.linear.gather [hbm4b:s1+s6], $0x80, $0x38;
	[tilespmem:$0x1A280] =	vst v63  }
0x317: {  	s24 =	simm.s32 $0x7380;
	s1 =	sadd.s32 s2, s5  }
0x318: {  	[tilespmem:s24], [sflag:$0x1] =	stream.linear.gather [hbm4b:s1+s6], $0x80, $0x38;
	[tilespmem:$0x1A280] =	vst v63  }
0x319: {  	s28 =	simm.s32 $0x7780;
	s25 =	sadd.s32 $0x10, s1  }
0x31a: {  	[tilespmem:s28], [sflag:$0x1] =	stream.linear.gather [hbm4b:s25+s6], $0x80, $0x38;
	[tilespmem:$0x1A280] =	vst v63  }
0x31b: {  	s24 =	sadd.s32 $0x20, s1;
	s25 =	simm.s32 $0x7B80  }
0x31c: {  	[tilespmem:s25], [sflag:$0x1] =	stream.linear.gather [hbm4b:s24+s6], $0x80, $0x38;
	[tilespmem:$0x1A280] =	vst v63  }
0x31d: {  	s5 =	spop (v2sf);
	s1 =	sadd.s32 $0x30, s1;
	s28 =	simm.s32 $0x7F80  }
0x31e: {  	[tilespmem:s28], [sflag:$0x1] =	stream.linear.gather [hbm4b:s1+s6], $0x80, $0x38;
	[tilespmem:$0x1A280] =	vst v63  }
0x31f: {  	s1 =	sand.u32 $0x1FFFFFC0, s5  }
0x320: {  	s24 =	simm.s32 $0x7400;
	s1 =	sadd.s32 s2, s1  }
0x321: {  	[tilespmem:s24], [sflag:$0x1] =	stream.linear.gather [hbm4b:s1+s6], $0x80, $0x38;
	[tilespmem:$0x1A280] =	vst v63  }
0x322: {  	s28 =	simm.s32 $0x7800;
	s25 =	sadd.s32 $0x10, s1  }
0x323: {  	[tilespmem:s28], [sflag:$0x1] =	stream.linear.gather [hbm4b:s25+s6], $0x80, $0x38;
	[tilespmem:$0x1A280] =	vst v63  }
0x324: {  	s25 =	sadd.s32 $0x20, s1;
	s28 =	simm.s32 $0x7C00  }
0x325: {  	[tilespmem:s28], [sflag:$0x1] =	stream.linear.gather [hbm4b:s25+s6], $0x80, $0x38;
	[tilespmem:$0x1A280] =	vst v63  }
0x326: {  	s1 =	sadd.s32 $0x30, s1;
	s25 =	simm.s32 $0x8000  }
0x327: {  	[tilespmem:s25], [sflag:$0x1] =	stream.linear.gather [hbm4b:s1+s6], $0x80, $0x38;
	[tilespmem:$0x1A280] =	vst v63  }
0x328: {  	_ =	swait.ge [sflag:s18], $0x200  }
0x329: {  	[sflag:s18] =	ssyncset.done $0x0  }
0x32a: {  	[sflag:s18] =	ssyncadd.s32 $0xFFFFFE00  }
0x32b: {  	_ =	swait.ge [sflag:s18], $0x200  }
0x32c: {  	[sflag:s18] =	ssyncset.done $0x0  }
0x32d: {  	[sflag:s18] =	ssyncadd.s32 $0xFFFFFE00  }
0x32e: {  	_ =	swait.ge [sflag:s18], $0x200  }
0x32f: {  	[sflag:s18] =	ssyncset.done $0x0  }
0x330: {  	[sflag:s18] =	ssyncadd.s32 $0xFFFFFE00  }
0x331: {  	_ =	swait.ge [sflag:s18], $0x200  }
0x332: {  	[sflag:s18] =	ssyncset.done $0x0  }
0x333: {  	[sflag:s18] =	ssyncadd.s32 $0xFFFFFE00  }
0x334: {  	_ =	swait.ge [sflag:s18], $0x200  }
0x335: {  	[sflag:s18] =	ssyncset.done $0x0  }
0x336: {  	[sflag:s18] =	ssyncadd.s32 $0xFFFFFE00  }
0x337: {  	_ =	swait.ge [sflag:s18], $0x200  }
0x338: {  	[sflag:s18] =	ssyncset.done $0x0  }
0x339: {  	[sflag:s18] =	ssyncadd.s32 $0xFFFFFE00  }
0x33a: {  	_ =	swait.ge [sflag:s18], $0x200  }
0x33b: {  	[sflag:s18] =	ssyncset.done $0x0  }
0x33c: {  	[sflag:s18] =	ssyncadd.s32 $0xFFFFFE00  }
0x33d: {  	_ =	swait.ge [sflag:s18], $0x200  }
0x33e: {  	[sflag:s18] =	ssyncset.done $0x0  }
0x33f: {  	[sflag:s18] =	ssyncadd.s32 $0xFFFFFE00  }
0x340: {  	_ =	swait.ge [sflag:s18], $0x200  }
0x341: {  	[sflag:s18] =	ssyncset.done $0x0  }
0x342: {  	[sflag:s18] =	ssyncadd.s32 $0xFFFFFE00  }
0x343: {  	_ =	swait.ge [sflag:s18], $0x200  }
0x344: {  	[sflag:s18] =	ssyncset.done $0x0  }
0x345: {  	[sflag:s18] =	ssyncadd.s32 $0xFFFFFE00  }
0x346: {  	_ =	swait.ge [sflag:s18], $0x200  }
0x347: {  	[sflag:s18] =	ssyncset.done $0x0  }
0x348: {  	[sflag:s18] =	ssyncadd.s32 $0xFFFFFE00  }
0x349: {  	_ =	swait.ge [sflag:s18], $0x200  }
0x34a: {  	[sflag:s18] =	ssyncset.done $0x0  }
0x34b: {  	[sflag:s18] =	ssyncadd.s32 $0xFFFFFE00  }
0x34c: {  	_ =	swait.ge [sflag:s18], $0x200  }
0x34d: {  	[sflag:s18] =	ssyncset.done $0x0  }
0x34e: {  	[sflag:s18] =	ssyncadd.s32 $0xFFFFFE00  }
0x34f: {  	_ =	swait.ge [sflag:s18], $0x200  }
0x350: {  	[sflag:s18] =	ssyncset.done $0x0  }
0x351: {  	[sflag:s18] =	ssyncadd.s32 $0xFFFFFE00  }
0x352: {  	_ =	swait.ge [sflag:s18], $0x200  }
0x353: {  	[sflag:s18] =	ssyncset.done $0x0  }
0x354: {  	[sflag:s18] =	ssyncadd.s32 $0xFFFFFE00  }
0x355: {  	_ =	swait.ge [sflag:s18], $0x200  }
0x356: {  	[sflag:s18] =	ssyncset.done $0x0  }
0x357: {  	[sflag:s18] =	ssyncadd.s32 $0xFFFFFE00  }
0x358: {  	_ =	swait.ge [sflag:s18], $0x200  }
0x359: {  	[sflag:s18] =	ssyncset.done $0x0  }
0x35a: {  	[sflag:s18] =	ssyncadd.s32 $0xFFFFFE00  }
0x35b: {  	_ =	swait.ge [sflag:s18], $0x200  }
0x35c: {  	[sflag:s18] =	ssyncset.done $0x0  }
0x35d: {  	[sflag:s18] =	ssyncadd.s32 $0xFFFFFE00  }
0x35e: {  	_ =	swait.ge [sflag:s18], $0x200  }
0x35f: {  	[sflag:s18] =	ssyncset.done $0x0  }
0x360: {  	[sflag:s18] =	ssyncadd.s32 $0xFFFFFE00  }
0x361: {  	_ =	swait.ge [sflag:s18], $0x200  }
0x362: {  	[sflag:s18] =	ssyncset.done $0x0  }
0x363: {  	[sflag:s18] =	ssyncadd.s32 $0xFFFFFE00  }
0x364: {  	_ =	swait.ge [sflag:s18], $0x200  }
0x365: {  	[sflag:s18] =	ssyncset.done $0x0  }
0x366: {  	[sflag:s18] =	ssyncadd.s32 $0xFFFFFE00  }
0x367: {  	_ =	swait.ge [sflag:s18], $0x200  }
0x368: {  	[sflag:s18] =	ssyncset.done $0x0  }
0x369: {  	[sflag:s18] =	ssyncadd.s32 $0xFFFFFE00  }
0x36a: {  	_ =	swait.ge [sflag:s18], $0x200  }
0x36b: {  	[sflag:s18] =	ssyncset.done $0x0  }
0x36c: {  	[sflag:s18] =	ssyncadd.s32 $0xFFFFFE00  }
0x36d: {  	_ =	swait.ge [sflag:s18], $0x200  }
0x36e: {  	[sflag:s18] =	ssyncset.done $0x0  }
0x36f: {  	[sflag:s18] =	ssyncadd.s32 $0xFFFFFE00  }
0x370: {  	_ =	swait.ge [sflag:s18], $0x200  }
0x371: {  	[sflag:s18] =	ssyncset.done $0x0  }
0x372: {  	[sflag:s18] =	ssyncadd.s32 $0xFFFFFE00  }
0x373: {  	_ =	swait.ge [sflag:s18], $0x200  }
0x374: {  	[sflag:s18] =	ssyncset.done $0x0  }
0x375: {  	[sflag:s18] =	ssyncadd.s32 $0xFFFFFE00  }
0x376: {  	_ =	swait.ge [sflag:s18], $0x200  }
0x377: {  	[sflag:s18] =	ssyncset.done $0x0  }
0x378: {  	[sflag:s18] =	ssyncadd.s32 $0xFFFFFE00  }
0x379: {  	_ =	swait.ge [sflag:s18], $0x200  }
0x37a: {  	[sflag:s18] =	ssyncset.done $0x0  }
0x37b: {  	[sflag:s18] =	ssyncadd.s32 $0xFFFFFE00  }
0x37c: {  	_ =	swait.ge [sflag:s18], $0x200  }
0x37d: {  	[sflag:s18] =	ssyncset.done $0x0  }
0x37e: {  	[sflag:s18] =	ssyncadd.s32 $0xFFFFFE00  }
0x37f: {  	_ =	swait.ge [sflag:s18], $0x200  }
0x380: {  	[sflag:s18] =	ssyncset.done $0x0  }
0x381: {  	[sflag:s18] =	ssyncadd.s32 $0xFFFFFE00  }
0x382: {  	_ =	swait.ge [sflag:s18], $0x200  }
0x383: {  	[sflag:s18] =	ssyncset.done $0x0  }
0x384: {  	[sflag:s18] =	ssyncadd.s32 $0xFFFFFE00  }
0x385: {  	_ =	swait.ge [sflag:s18], $0x200  }
0x386: {  	[sflag:s18] =	ssyncset.done $0x0  }
0x387: {  	[sflag:s18] =	ssyncadd.s32 $0xFFFFFE00  }
0x388: {  	_ =	swait.ge [sflag:s18], $0x200  }
0x389: {  	[sflag:s18] =	ssyncset.done $0x0  }
0x38a: {  	[sflag:s18] =	ssyncadd.s32 $0xFFFFFE00  }
0x38b: {  	_ =	swait.ge [sflag:s18], $0x200  }
0x38c: {  	[sflag:s18] =	ssyncset.done $0x0  }
0x38d: {  	[sflag:s18] =	ssyncadd.s32 $0xFFFFFE00  }
0x38e: {  	_ =	swait.ge [sflag:s18], $0x200  }
0x38f: {  	[sflag:s18] =	ssyncset.done $0x0  }
0x390: {  	[sflag:s18] =	ssyncadd.s32 $0xFFFFFE00  }
0x391: {  	_ =	swait.ge [sflag:s18], $0x200  }
0x392: {  	[sflag:s18] =	ssyncset.done $0x0  }
0x393: {  	[sflag:s18] =	ssyncadd.s32 $0xFFFFFE00  }
0x394: {  	_ =	swait.ge [sflag:s18], $0x200  }
0x395: {  	[sflag:s18] =	ssyncset.done $0x0  }
0x396: {  	[sflag:s18] =	ssyncadd.s32 $0xFFFFFE00  }
0x397: {  	_ =	swait.ge [sflag:s18], $0x200  }
0x398: {  	[sflag:s18] =	ssyncset.done $0x0  }
0x399: {  	[sflag:s18] =	ssyncadd.s32 $0xFFFFFE00  }
0x39a: {  	_ =	swait.ge [sflag:s18], $0x200  }
0x39b: {  	[sflag:s18] =	ssyncset.done $0x0  }
0x39c: {  	[sflag:s18] =	ssyncadd.s32 $0xFFFFFE00  }
0x39d: {  	_ =	swait.ge [sflag:s18], $0x200  }
0x39e: {  	[sflag:s18] =	ssyncset.done $0x0  }
0x39f: {  	[sflag:s18] =	ssyncadd.s32 $0xFFFFFE00  }
0x3a0: {  	_ =	swait.ge [sflag:s18], $0x200  }
0x3a1: {  	[sflag:s18] =	ssyncset.done $0x0  }
0x3a2: {  	[sflag:s18] =	ssyncadd.s32 $0xFFFFFE00  }
0x3a3: {  	_ =	swait.ge [sflag:s18], $0x200  }
0x3a4: {  	[sflag:s18] =	ssyncset.done $0x0  }
0x3a5: {  	[sflag:s18] =	ssyncadd.s32 $0xFFFFFE00  }
0x3a6: {  	_ =	swait.ge [sflag:s18], $0x200  }
0x3a7: {  	[sflag:s18] =	ssyncset.done $0x0  }
0x3a8: {  	[sflag:s18] =	ssyncadd.s32 $0xFFFFFE00  }
0x3a9: {  	_ =	swait.ge [sflag:s18], $0x200  }
0x3aa: {  	[sflag:s18] =	ssyncset.done $0x0  }
0x3ab: {  	[sflag:s18] =	ssyncadd.s32 $0xFFFFFE00  }
0x3ac: {  	_ =	swait.ge [sflag:s18], $0x200  }
0x3ad: {  	[sflag:s18] =	ssyncset.done $0x0  }
0x3ae: {  	[sflag:s18] =	ssyncadd.s32 $0xFFFFFE00  }
0x3af: {  	_ =	swait.ge [sflag:s18], $0x200  }
0x3b0: {  	[sflag:s18] =	ssyncset.done $0x0  }
0x3b1: {  	[sflag:s18] =	ssyncadd.s32 $0xFFFFFE00  }
0x3b2: {  	_ =	swait.ge [sflag:s18], $0x200  }
0x3b3: {  	[sflag:s18] =	ssyncset.done $0x0  }
0x3b4: {  	[sflag:s18] =	ssyncadd.s32 $0xFFFFFE00  }
0x3b5: {  	_ =	swait.ge [sflag:s18], $0x200  }
0x3b6: {  	[sflag:s18] =	ssyncset.done $0x0  }
0x3b7: {  	[sflag:s18] =	ssyncadd.s32 $0xFFFFFE00  }
0x3b8: {  	_ =	swait.ge [sflag:s18], $0x200  }
0x3b9: {  	[sflag:s18] =	ssyncset.done $0x0  }
0x3ba: {  	[sflag:s18] =	ssyncadd.s32 $0xFFFFFE00  }
0x3bb: {  	_ =	swait.ge [sflag:s18], $0x200  }
0x3bc: {  	[sflag:s18] =	ssyncset.done $0x0  }
0x3bd: {  	[sflag:s18] =	ssyncadd.s32 $0xFFFFFE00  }
0x3be: {  	_ =	swait.ge [sflag:s18], $0x200  }
0x3bf: {  	[sflag:s18] =	ssyncset.done $0x0  }
0x3c0: {  	[sflag:s18] =	ssyncadd.s32 $0xFFFFFE00  }
0x3c1: {  	_ =	swait.ge [sflag:s18], $0x200  }
0x3c2: {  	[sflag:s18] =	ssyncset.done $0x0  }
0x3c3: {  	[sflag:s18] =	ssyncadd.s32 $0xFFFFFE00  }
0x3c4: {  	_ =	swait.ge [sflag:s18], $0x200  }
0x3c5: {  	[sflag:s18] =	ssyncset.done $0x0  }
0x3c6: {  	[sflag:s18] =	ssyncadd.s32 $0xFFFFFE00  }
0x3c7: {  	_ =	swait.ge [sflag:s18], $0x200  }
0x3c8: {  	[sflag:s18] =	ssyncset.done $0x0  }
0x3c9: {  	[sflag:s18] =	ssyncadd.s32 $0xFFFFFE00  }
0x3ca: {  	_ =	swait.ge [sflag:s18], $0x200  }
0x3cb: {  	[sflag:s18] =	ssyncset.done $0x0  }
0x3cc: {  	[sflag:s18] =	ssyncadd.s32 $0xFFFFFE00  }
0x3cd: {  	_ =	swait.ge [sflag:s18], $0x200  }
0x3ce: {  	[sflag:s18] =	ssyncset.done $0x0  }
0x3cf: {  	[sflag:s18] =	ssyncadd.s32 $0xFFFFFE00  }
0x3d0: {  	_ =	swait.ge [sflag:s18], $0x200  }
0x3d1: {  	[sflag:s18] =	ssyncset.done $0x0  }
0x3d2: {  	[sflag:s18] =	ssyncadd.s32 $0xFFFFFE00  }
0x3d3: {  	_ =	swait.ge [sflag:s18], $0x200  }
0x3d4: {  	[sflag:s18] =	ssyncset.done $0x0  }
0x3d5: {  	[sflag:s18] =	ssyncadd.s32 $0xFFFFFE00  }
0x3d6: {  	_ =	swait.ge [sflag:s18], $0x200  }
0x3d7: {  	[sflag:s18] =	ssyncset.done $0x0  }
0x3d8: {  	[sflag:s18] =	ssyncadd.s32 $0xFFFFFE00  }
0x3d9: {  	_ =	swait.ge [sflag:s18], $0x200  }
0x3da: {  	[sflag:s18] =	ssyncset.done $0x0  }
0x3db: {  	[sflag:s18] =	ssyncadd.s32 $0xFFFFFE00  }
0x3dc: {  	_ =	swait.ge [sflag:s18], $0x200  }
0x3dd: {  	[sflag:s18] =	ssyncset.done $0x0  }
0x3de: {  	[sflag:s18] =	ssyncadd.s32 $0xFFFFFE00  }
0x3df: {  	_ =	swait.ge [sflag:s18], $0x200  }
0x3e0: {  	[sflag:s18] =	ssyncset.done $0x0  }
0x3e1: {  	[sflag:s18] =	ssyncadd.s32 $0xFFFFFE00  }
0x3e2: {  	_ =	swait.ge [sflag:s18], $0x200  }
0x3e3: {  	[sflag:s18] =	ssyncset.done $0x0  }
0x3e4: {  	[sflag:s18] =	ssyncadd.s32 $0xFFFFFE00  }
0x3e5: {  	_ =	swait.ge [sflag:s18], $0x200  }
0x3e6: {  	[sflag:s18] =	ssyncset.done $0x0  }
0x3e7: {  	[sflag:s18] =	ssyncadd.s32 $0xFFFFFE00  }
.Ltmp5:
0x3e8: {  	s28 =	rddreg [dreg:$0x5];
	(pc) =	sbr.rel .LBB2_7-.Ltmp5, $4  }
0x3e9: {  	[hbm4b:s28+s6] =	stream.linear.scatter [tilespmem:s19], [sflag:$0x3], $0x8000, $0x38;
	[tilespmem:$0x1A280] =	vst v63  }
0x3ea: {  	_ =	swait.ge [sflag:s15], $0x8000  }
0x3eb: {  	[sflag:s15] =	ssyncset.done $0x0  }
0x3ec: {  	[sflag:s15] =	ssyncadd.s32 $0xFFFF8000  }
.LBB2_6:
0x3ed: {  	s1 =	rddreg [dreg:$0x8];
	s5 =	simm.s32 $0x40;
	s24 =	simm.s32 $0x18280  }
0x3ee: {  	[tilespmem:s24], [sflag:$0x1] =	stream.indirect.gather [hbm4b:s1+s5], $0x80, s6, s5, $0xb8;
	[tilespmem:$0x1A280] =	vst v63  }
0x3ef: {  	_ =	swait.ge [sflag:s18], $0x2000  }
0x3f0: {  	[sflag:s18] =	ssyncset.done $0x0  }
0x3f1: {  	[sflag:s18] =	ssyncadd.s32 $0xFFFFE000  }
0x3f2: {  	s28 =	rddreg [dreg:$0x6]  }
0x3f3: {  	[hbm4b:s28+s6] =	stream.linear.scatter [tilespmem:s24], [sflag:$0x3], $0x2000, $0x38;
	[tilespmem:$0x1A280] =	vst v63  }
0x3f4: {  	_ =	swait.ge [sflag:s15], $0x2000  }
0x3f5: {  	[sflag:s15] =	ssyncset.done $0x0  }
0x3f6: {  	[sflag:s15] =	ssyncadd.s32 $0xFFFFE000  }
.LBB2_7:
.Ltmp6:
0x3f7: {  	(pc) =	sbr.rel @p2 .LBB2_11-.Ltmp6, $1  }
0x3f8: {  	_ =	sdelay $0x3  }
0x3f9: {  	s1 =	simm.s32 $0x400;
	s5 =	simm.s32 $0x18080  }
0x3fa: {  	[tilespmem:s5], [sflag:$0x3] =	stream.strided.gather [hbm4b:s12+s19], $0x200, s1, s19, $0x38;
	[tilespmem:$0x1A280] =	vst v63  }
0x3fb: {  	_ =	swait.ge [sflag:s15], $0x200  }
0x3fc: {  	[sflag:s15] =	ssyncset.done $0x0  }
0x3fd: {  	[sflag:s15] =	ssyncadd.s32 $0xFFFFFE00  }
0x3fe: {  	v3 =	vld [tilespmem:$0x18080]  }
0x3ff: {  	v4 =	vld [tilespmem:$0x18090]  }
0x400: {  	v5 =	vld [tilespmem:$0x180A0]  }
0x401: {  	v6 =	vld [tilespmem:$0x180B0]  }
0x402: {  	v7 =	vld [tilespmem:$0x180C0]  }
0x403: {  	v8 =	vld [tilespmem:$0x180D0]  }
0x404: {  	v9 =	vld [tilespmem:$0x180E0]  }
0x405: {  	v10 =	vld [tilespmem:$0x180F0]  }
0x406: {  	v11 =	vld [tilespmem:$0x18100]  }
0x407: {  	v12 =	vld [tilespmem:$0x18110]  }
0x408: {  	v13 =	vld [tilespmem:$0x18120]  }
0x409: {  	v14 =	vld [tilespmem:$0x18130]  }
0x40a: {  	v15 =	vld [tilespmem:$0x18140]  }
0x40b: {  	v16 =	vld [tilespmem:$0x18150]  }
0x40c: {  	v17 =	vld [tilespmem:$0x18160]  }
0x40d: {  	v18 =	vld [tilespmem:$0x18170]  }
0x40e: {  	v19 =	vld [tilespmem:$0x18180]  }
0x40f: {  	v20 =	vld [tilespmem:$0x18190]  }
0x410: {  	v21 =	vld [tilespmem:$0x181A0]  }
0x411: {  	v22 =	vld [tilespmem:$0x181B0]  }
0x412: {  	v23 =	vld [tilespmem:$0x181C0]  }
0x413: {  	v24 =	vld [tilespmem:$0x181D0]  }
0x414: {  	v25 =	vld [tilespmem:$0x181E0]  }
0x415: {  	v26 =	vld [tilespmem:$0x181F0]  }
0x416: {  	v27 =	vld [tilespmem:$0x18200]  }
0x417: {  	v28 =	vld [tilespmem:$0x18210]  }
0x418: {  	v29 =	vld [tilespmem:$0x18220]  }
0x419: {  	v30 =	vld [tilespmem:$0x18230]  }
0x41a: {  	s5 =	simm.s32 $0x0;
	v31 =	vld [tilespmem:$0x18240]  }
0x41b: {  	s24 =	sand.u32 $0x7000, s5;
	s1 =	sand.u32 $0x380, s5;
	v32 =	vld [tilespmem:$0x18250]  }
0x41c: {  	s1 =	sor.u32 s1, s24;
	v33 =	vld [tilespmem:$0x18260]  }
0x41d: {  	s24 =	sadd.s32 $0x10080, s1;
	v34 =	vld [tilespmem:$0x18270];
	[tilespmem:s1+$0x10080] =	vst v3  }
0x41e: {  	[tilespmem:s24+$0x40] =	vst v7  }
0x41f: {  	[tilespmem:s24+$0x50] =	vst v8  }
0x420: {  	[tilespmem:s24+$0x60] =	vst v9  }
0x421: {  	[tilespmem:s24+$0x70] =	vst v10  }
0x422: {  	[tilespmem:s24+$0x400] =	vst v11  }
0x423: {  	[tilespmem:s24+$0x410] =	vst v12  }
0x424: {  	[tilespmem:s24+$0x420] =	vst v13  }
0x425: {  	[tilespmem:s24+$0x430] =	vst v14  }
0x426: {  	[tilespmem:s24+$0x440] =	vst v15  }
0x427: {  	[tilespmem:s24+$0x450] =	vst v16  }
0x428: {  	[tilespmem:s24+$0x460] =	vst v17  }
0x429: {  	[tilespmem:s24+$0x470] =	vst v18  }
0x42a: {  	[tilespmem:s24+$0x800] =	vst v19  }
0x42b: {  	[tilespmem:s24+$0x810] =	vst v20  }
0x42c: {  	[tilespmem:s24+$0x820] =	vst v21  }
0x42d: {  	[tilespmem:s24+$0x830] =	vst v22  }
0x42e: {  	[tilespmem:s24+$0x840] =	vst v23  }
0x42f: {  	[tilespmem:s24+$0x850] =	vst v24  }
0x430: {  	[tilespmem:s24+$0x860] =	vst v25  }
0x431: {  	[tilespmem:s24+$0x870] =	vst v26  }
0x432: {  	[tilespmem:s24+$0xC00] =	vst v27  }
0x433: {  	[tilespmem:s24+$0xC10] =	vst v28  }
0x434: {  	[tilespmem:s24+$0xC20] =	vst v29  }
0x435: {  	[tilespmem:s24+$0xC30] =	vst v30  }
0x436: {  	[tilespmem:s24+$0xC40] =	vst v31  }
0x437: {  	[tilespmem:s24+$0xC50] =	vst v32  }
0x438: {  	[tilespmem:s24+$0xC60] =	vst v33  }
0x439: {  	[tilespmem:s24+$0x10] =	vst v4  }
0x43a: {  	s25 =	simm.s32 $0x200;
	s1 =	simm.s32 $0x80;
	[tilespmem:s24+$0x20] =	vst v5  }
0x43b: {  	s25 =	sand.u32 $0x7000, s25;
	s5 =	simm.s32 $0x400;
	[tilespmem:s24+$0x30] =	vst v6;
	s28 =	sand.u32 $0x380, s1  }
.LBB2_9:
0x43c: {  	p4 =	sne.s32 s5, $0x7E00;
	s25 =	sor.u32 s28, s25;
	[tilespmem:s24+$0xC70] =	vst v34  }
0x43d: {  	s24 =	sadd.s32 $0x10080, s25;
	[tilespmem:s25+$0x10080] =	vst v3  }
0x43e: {  	[tilespmem:s24+$0x10] =	vst v4  }
0x43f: {  	[tilespmem:s24+$0x20] =	vst v5  }
0x440: {  	[tilespmem:s24+$0x30] =	vst v6  }
0x441: {  	[tilespmem:s24+$0x40] =	vst v7  }
0x442: {  	[tilespmem:s24+$0x50] =	vst v8  }
0x443: {  	[tilespmem:s24+$0x60] =	vst v9  }
0x444: {  	[tilespmem:s24+$0x70] =	vst v10  }
0x445: {  	[tilespmem:s24+$0x400] =	vst v11  }
0x446: {  	[tilespmem:s24+$0x410] =	vst v12  }
0x447: {  	[tilespmem:s24+$0x420] =	vst v13  }
0x448: {  	[tilespmem:s24+$0x430] =	vst v14  }
0x449: {  	[tilespmem:s24+$0x440] =	vst v15  }
0x44a: {  	[tilespmem:s24+$0x450] =	vst v16  }
0x44b: {  	[tilespmem:s24+$0x460] =	vst v17  }
0x44c: {  	[tilespmem:s24+$0x470] =	vst v18  }
0x44d: {  	[tilespmem:s24+$0x800] =	vst v19  }
0x44e: {  	[tilespmem:s24+$0x810] =	vst v20  }
0x44f: {  	[tilespmem:s24+$0x820] =	vst v21  }
0x450: {  	[tilespmem:s24+$0x830] =	vst v22  }
0x451: {  	[tilespmem:s24+$0x840] =	vst v23  }
0x452: {  	[tilespmem:s24+$0x850] =	vst v24  }
0x453: {  	[tilespmem:s24+$0x860] =	vst v25  }
0x454: {  	[tilespmem:s24+$0x870] =	vst v26  }
0x455: {  	[tilespmem:s24+$0xC00] =	vst v27  }
0x456: {  	[tilespmem:s24+$0xC10] =	vst v28  }
.Ltmp7:
0x457: {  	[tilespmem:s24+$0xC20] =	vst v29;
	(pc) =	sbr.rel @p4 .LBB2_9-.Ltmp7, $4  }
0x458: {  	[tilespmem:s24+$0xC30] =	vst v30  }
0x459: {  	[tilespmem:s24+$0xC40] =	vst v31  }
0x45a: {  	s1 =	sadd.s32 $0x80, s1;
	[tilespmem:s24+$0xC50] =	vst v32  }
0x45b: {  	s25 =	sand.u32 $0x7000, s5;
	s28 =	sand.u32 $0x380, s1;
	s5 =	sadd.s32 $0x200, s5;
	[tilespmem:s24+$0xC60] =	vst v33  }
.Ltmp8:
0x45c: {  	_ = 	snop;
	(pc) =	sbr.rel .LBB2_10-.Ltmp8, $1  }
0x45d: {  	_ =	sdelay $0x3  }
.LBB2_12:
0x45e: {  	_ =	sfence.sel $0x180000  }
0x45f: {  	[bflag:$0x0] =	sbarrier.arrive $0xFFFF  }
0x460: {  	_ =	strace $0x90000047  }
0x461: {  	s0 =	stileid.u32;
	[bflag:$0x2] =	sbarrier.arrive $0xFFFF  }
0x462: {  	p0 =	sne.s32 s0, $0x0;
	s0 =	rddreg [dreg:$0x7]  }
0x463: {  	s0 =	sadd.s32 @!p0 $0x100000, s0  }
0x464: {  	[sflag:s0] =	ssyncadd.tile.s32 @!p0 $0x1;
	_ =	shalt  }
.Lfunc_end2:
_tile_overlayer_lowered:
.L_overlay_start_2:
0x465: {  	(tag) =	ssettag $0x2  }
0x466: {  	s0 =	rddreg [dreg:$0x0];
	s2 =	stileid.u32  }
0x467: {  	s1 =	rddreg [dreg:$0x1];
	p0 =	sne.s32 s2, $0x0  }
0x468: {  	s3 =	rddreg [dreg:$0x2];
	[bflag:$0x3] =	sbarrier.arrive $0xFFFF;
	s2 =	simm.s32 @!p0 $0x1C03  }
0x469: {  	[timem:s3], [sflag:s2] =	dma.local @!p0 [hbm:s0], s1  }
0x46a: {  	s0 =	simm.s32 @!p0 $0x3  }
0x46b: {  	_ =	swait.ge @!p0 [sflag:s0], s1  }
0x46c: {  	s1 =	ssub.s32 @!p0 $0x0, s1;
	[sflag:s0] =	ssyncset.done @!p0 $0x0  }
0x46d: {  	[sflag:s0] =	ssyncadd.s32 @!p0 s1  }
0x46e: {  	[bflag:$0x3] =	sbarrier.arrive $0xFFFF  }
0x46f: {  	_ =	shalt  }

</sc_bundles>
